<compile_context>
chip_gen: v7x
topology: tpu7x:2x2x1
jax: 0.10.2.dev20260603
libtpu: 0.0.44.dev20260713+nightly
codegen_flags: <defaults>
</compile_context>

<pallas_src>
import jax
import jax.numpy as jnp
from jax import lax
from jax.experimental import pallas as pl
from jax.experimental.pallas import tpu as pltpu
from jax.experimental.pallas import tpu_sc as plsc

N = 320000
H = 128
G = 512
GW = 32
GPAD = G + GW

ROWS_PER_TILE = 2560
NUM_TILES = N // ROWS_PER_TILE


def _pool_body(x_ref, b_ref, w1_ref, b1_ref, w2r_ref, b2_ref, wp_ref, bp_ref,
               ctx_ref, acc_ex, acc_e):
  i = pl.program_id(0)
  T = ROWS_PER_TILE

  @pl.when(i == 0)
  def _init():
    acc_ex[...] = jnp.zeros_like(acc_ex)
    acc_e[...] = jnp.zeros_like(acc_e)

  xb = x_ref[...]
  btf = b_ref[...]
  w2r = w2r_ref[...]

  h = jnp.tanh(
      lax.dot_general(xb, w1_ref[...], (((1,), (1,)), ((), ())),
                      preferred_element_type=jnp.float32)
      + b1_ref[...])
  s_b = lax.dot_general(h, w2r, (((1,), (0,)), ((), ())),
                        preferred_element_type=jnp.float32)
  b2s = b2_ref[0, 0]
  shift = jnp.sum(jnp.abs(w2r[:, 0:1])) + jnp.abs(b2s)
  e_b = jnp.exp(s_b + (b2s - shift))

  bt32 = jnp.broadcast_to(btf, (T, GW))

  g_first = btf[0, 0].astype(jnp.int32)
  g_last = btf[T - 1, 0].astype(jnp.int32)
  n_win = (g_last - g_first) // GW + 1
  colf = lax.broadcasted_iota(jnp.int32, (1, GW), 1).astype(jnp.float32)
  ones = jnp.ones((T, GW), jnp.float32)

  def win_body(p, _):
    base = g_first + p * GW
    basef = base.astype(jnp.float32)
    oh_e = jnp.where(bt32 == basef + colf, e_b, 0.0)
    pex = lax.dot_general(oh_e, xb, (((0,), (0,)), ((), ())),
                          preferred_element_type=jnp.float32)
    pe = lax.dot_general(oh_e, ones, (((0,), (0,)), ((), ())),
                         preferred_element_type=jnp.float32)
    acc_ex[pl.ds(base, GW), :] += pex
    acc_e[pl.ds(base, GW), :] += pe
    return 0

  lax.fori_loop(0, n_win, win_body, 0)

  @pl.when(i == NUM_TILES - 1)
  def _finish():
    se = acc_e[0:G, 0:1]
    ge = acc_ex[0:G, :] / jnp.where(se > 0.0, se, 1.0)
    ctx = lax.dot_general(ge, wp_ref[...], (((1,), (1,)), ((), ())),
                          preferred_element_type=jnp.float32) + bp_ref[...]
    ctx_ref[...] = ctx


def _segment_context(x, batchf, W1, b1, W2r, b2, Wp, bp, interpret=False):
  T = ROWS_PER_TILE
  return pl.pallas_call(
      _pool_body,
      grid=(NUM_TILES,),
      in_specs=[
          pl.BlockSpec((T, H), lambda i: (i, 0)),
          pl.BlockSpec((T, 1), lambda i: (i, 0)),
          pl.BlockSpec((H // 2, H), lambda i: (0, 0)),
          pl.BlockSpec((1, H // 2), lambda i: (0, 0)),
          pl.BlockSpec((H // 2, GW), lambda i: (0, 0)),
          pl.BlockSpec((1, 1), lambda i: (0, 0)),
          pl.BlockSpec((H, H), lambda i: (0, 0)),
          pl.BlockSpec((1, H), lambda i: (0, 0)),
      ],
      out_specs=pl.BlockSpec((G, H), lambda i: (0, 0)),
      out_shape=jax.ShapeDtypeStruct((G, H), jnp.float32),
      scratch_shapes=[
          pltpu.VMEM((GPAD, H), jnp.float32),
          pltpu.VMEM((GPAD, GW), jnp.float32),
      ],
      compiler_params=pltpu.CompilerParams(
          dimension_semantics=("arbitrary",)),
      interpret=interpret,
  )(x, batchf, W1, b1, W2r, b2, Wp, bp)


CHUNK = 128
NUM_CHUNKS = N // CHUNK
NUM_WORKERS = 32
BASE_CHUNKS = NUM_CHUNKS // NUM_WORKERS
EXTRA = NUM_CHUNKS - BASE_CHUNKS * NUM_WORKERS
SLOTS = BASE_CHUNKS + 18
IDX_PAD_ROWS = NUM_WORKERS * BASE_CHUNKS + EXTRA + SLOTS
LANE = 16
COLG = H // LANE


def _gather_body(ctx_hbm, b2d_hbm, out_hbm,
                 idx_all, table, buf0, buf1, ssem0, ssem1):
  wid = lax.axis_index("s") * 2 + lax.axis_index("c")
  start = wid * BASE_CHUNKS + jnp.minimum(wid, EXTRA)
  count = BASE_CHUNKS + jnp.where(wid < EXTRA, 1, 0)

  pltpu.sync_copy(ctx_hbm, table)
  astart = (start // 8) * 8
  off = start - astart
  pltpu.sync_copy(b2d_hbm.at[pl.ds(astart, SLOTS)], idx_all)

  bufs = (buf0, buf1)
  ssems = (ssem0, ssem1)

  def scatter_desc(c, b):
    base = (start + c) * CHUNK
    return pltpu.make_async_copy(
        bufs[b], out_hbm.at[pl.ds(base, CHUNK)], ssems[b])

  def replicate(buf, g):
    rows = [table[g, pl.ds(LANE * k, LANE)] for k in range(COLG)]

    def row_body(r, _):
      for k in range(COLG):
        buf[r, pl.ds(LANE * k, LANE)] = rows[k]
      return 0
    lax.fori_loop(0, CHUNK, row_body, 0)

  def perrow_fill(buf, c):
    def row_body(r, _):
      g = idx_all[off + c, pl.ds(r, LANE)][0]
      for k in range(COLG):
        buf[r, pl.ds(LANE * k, LANE)] = table[g, pl.ds(LANE * k, LANE)]
      return 0
    lax.fori_loop(0, CHUNK - LANE + 1, row_body, 0)

    tail = idx_all[off + c, pl.ds(CHUNK - LANE, LANE)]
    for l in range(1, LANE):
      g = tail[l]
      r = CHUNK - LANE + l
      for k in range(COLG):
        buf[r, pl.ds(LANE * k, LANE)] = table[g, pl.ds(LANE * k, LANE)]

  def chunk_body(c, carry):
    cur_g, pend0, pend1 = carry

    mns = idx_all[off + c, pl.ds(0, LANE)][0]
    mxs = idx_all[off + c, pl.ds(CHUNK - LANE, LANE)][LANE - 1]
    uniform = mns == mxs

    @pl.when(uniform & (mns != cur_g))
    def _rb_uni():
      lax.fori_loop(0, pend1,
                    lambda j, _: (scatter_desc(c, 1).wait(), 0)[1], 0)
      replicate(buf1, mns)

    @pl.when(jnp.logical_not(uniform))
    def _rb_mix():
      lax.fori_loop(0, pend0,
                    lambda j, _: (scatter_desc(c, 0).wait(), 0)[1], 0)
      perrow_fill(buf0, c)

    @pl.when(uniform)
    def _sc1():
      scatter_desc(c, 1).start()

    @pl.when(jnp.logical_not(uniform))
    def _sc0():
      scatter_desc(c, 0).start()

    pend0 = jnp.where(uniform, pend0, 1)
    pend1 = jnp.where(uniform,
                      jnp.where(mns != cur_g, 1, pend1 + 1), pend1)
    new_g = jnp.where(uniform, mns, cur_g)
    return new_g, pend0, pend1

  init = (jnp.int32(-1), jnp.int32(0), jnp.int32(0))
  _, pend0, pend1 = lax.fori_loop(0, count, chunk_body, init)

  lax.fori_loop(0, pend0, lambda j, _: (scatter_desc(0, 0).wait(), 0)[1], 0)
  lax.fori_loop(0, pend1, lambda j, _: (scatter_desc(0, 1).wait(), 0)[1], 0)


def _gather_kernel(context, batch2d):
  return pl.kernel(
      _gather_body,
      out_type=jax.ShapeDtypeStruct((N, H), jnp.float32),
      mesh=plsc.VectorSubcoreMesh(core_axis_name="c", subcore_axis_name="s"),
      scratch_types=[
          pltpu.VMEM((SLOTS, CHUNK), jnp.int32),
          pltpu.VMEM((G, H), jnp.float32),
          pltpu.VMEM((CHUNK, H), jnp.float32),
          pltpu.VMEM((CHUNK, H), jnp.float32),
          pltpu.SemaphoreType.DMA,
          pltpu.SemaphoreType.DMA,
      ],
  )(context, batch2d)


def kernel(x, batch, W1, b1, W2, b2, Wp, bp):
  batch = batch.astype(jnp.int32)
  context = _segment_context(
      x,
      batch.astype(jnp.float32).reshape(N, 1),
      W1,
      b1.reshape(1, H // 2),
      jnp.tile(W2.reshape(H // 2, 1), (1, GW)),
      b2.reshape(1, 1),
      Wp,
      bp.reshape(1, H),
  )
  batch2d = jnp.pad(batch.reshape(NUM_CHUNKS, CHUNK),
                    ((0, IDX_PAD_ROWS - NUM_CHUNKS), (0, 0)))
  return _gather_kernel(context, batch2d)

# --- scband reference (transcript-rebuilt; emitter-appended) ---
"""Pipeline reference for scband-global-context-injection-35656818491963 (READ-ONLY COPY).

The authoritative reference and input builder live on the scoring server;
editing this copy changes nothing except your own understanding.
"""

import jax, jax.numpy as jnp
import numpy as np

N = 320000
H = 128
NUM_SEGMENTS = 512

def setup_inputs(seed: int = 0) -> dict:
    key = jax.random.key(seed)
    k = jax.random.split(key, 8)
    x = jax.random.normal(k[0], (N, H), dtype=jnp.float32)
    batch = jnp.sort(jax.random.randint(k[1], (N,), 0, NUM_SEGMENTS, dtype=jnp.int64))
    # attn_gate: Linear(H, H//2) -> Tanh -> Linear(H//2, 1)
    W1 = jax.random.normal(k[2], (H // 2, H), dtype=jnp.float32) * (1.0 / np.sqrt(H))
    b1 = jnp.zeros((H // 2,), dtype=jnp.float32)
    W2 = jax.random.normal(k[3], (1, H // 2), dtype=jnp.float32) * (1.0 / np.sqrt(H // 2))
    b2 = jnp.zeros((1,), dtype=jnp.float32)
    # context_proj: Linear(H, H)
    Wp = jax.random.normal(k[4], (H, H), dtype=jnp.float32) * (1.0 / np.sqrt(H))
    bp = jnp.zeros((H,), dtype=jnp.float32)
    return {"x": x, "batch": batch, "W1": W1, "b1": b1, "W2": W2, "b2": b2, "Wp": Wp, "bp": bp}

def reference(x, batch, W1, b1, W2, b2, Wp, bp):
    # attn_gate
    h = jnp.tanh(x @ W1.T + b1)
    scores = h @ W2.T + b2  # [N, 1]
    # scatter_softmax over segments (dim=0)
    seg_max = jax.ops.segment_max(scores, batch, num_segments=NUM_SEGMENTS)  # [G, 1]
    shifted = scores - seg_max[batch]
    ex = jnp.exp(shifted)
    denom = jax.ops.segment_sum(ex, batch, num_segments=NUM_SEGMENTS)  # [G, 1]
    attn_weights = ex / denom[batch]  # [N, 1]
    # weighted global add pool
    weighted = x * attn_weights  # [N, H]
    graph_emb = jax.ops.segment_sum(weighted, batch, num_segments=NUM_SEGMENTS)  # [G, H]
    # context projection and broadcast back to nodes
    context = graph_emb @ Wp.T + bp  # [G, H]
    node_context = context[batch]  # [N, H]
    return node_context

if __name__ == "__main__":
    import jax
    _d = setup_inputs()
    print(jax.jit(kernel)(*tuple(_d.values())))

</pallas_src>

<mosaic_0001>
#map = affine_map<(d0, d1) -> (0, 0)>
module attributes {stable_mosaic.version = 14 : i64} {
  func.func @_gather_body(%arg0: i32, %arg1: i32, %arg2: memref<512x128xf32, #tpu.memory_space<hbm>>, %arg3: memref<2596x128xi32, #tpu.memory_space<hbm>>, %arg4: memref<320000x128xf32, #tpu.memory_space<hbm>>, %arg5: memref<96x128xi32, #tpu.memory_space<vmem>>, %arg6: memref<512x128xf32, #tpu.memory_space<vmem>>, %arg7: memref<128x128xf32, #tpu.memory_space<vmem>>, %arg8: memref<128x128xf32, #tpu.memory_space<vmem>>, %arg9: memref<!tpu.dma_semaphore, #tpu.memory_space<semaphore_mem>>, %arg10: memref<!tpu.dma_semaphore, #tpu.memory_space<semaphore_mem>>) attributes {dimension_semantics = [#tpu.dimension_semantics<core_parallel>, #tpu.dimension_semantics<subcore_parallel>], iteration_bounds = array<i64: 2, 16>, scalar_prefetch = 0 : i64, scratch_operands = 6 : i64, tpu.core_type = #tpu.core_type<sc_vector_subcore>, window_params = [{transform_indices = #map}, {transform_indices = #map}, {transform_indices = #map}]} {
    %mul3A = arith.constant 2 : i32
    %mul3A_0 = arith.muli %arg1, %mul3A : i32
    %add3A = arith.addi %mul3A_0, %arg0 : i32
    %mul3A_1 = arith.constant 78 : i32
    %mul3A_2 = arith.muli %add3A, %mul3A_1 : i32
    %min3A = arith.constant 4 : i32
    %min3A_3 = arith.minsi %add3A, %min3A : i32
    %add3A_4 = arith.addi %mul3A_2, %min3A_3 : i32
    %lt3A = arith.constant 4 : i32
    %lt3A_5 = arith.cmpi slt, %add3A, %lt3A : i32
    %jit3A = arith.constant 1 : i32
    %jit3A_6 = arith.constant 0 : i32
    %select_n3A = arith.select %lt3A_5, %jit3A, %jit3A_6 : i32
    %add3A_7 = arith.constant 78 : i32
    %add3A_8 = arith.addi %add3A_7, %select_n3A : i32
    "tpu.region"() ({
      %run_scoped3A = tpu.sem_alloc : memref<!tpu.dma_semaphore, #tpu.memory_space<semaphore_mem>>
      tpu.enqueue_dma source(%arg2 : memref<512x128xf32, #tpu.memory_space<hbm>>) target(%arg6 : memref<512x128xf32, #tpu.memory_space<vmem>>) target_semaphore(%run_scoped3A : memref<!tpu.dma_semaphore, #tpu.memory_space<semaphore_mem>>)
      tpu.wait_dma2 semaphore(%run_scoped3A : memref<!tpu.dma_semaphore, #tpu.memory_space<semaphore_mem>>) src(%arg2 : memref<512x128xf32, #tpu.memory_space<hbm>>) dst(%arg6 : memref<512x128xf32, #tpu.memory_space<vmem>>)
      tpu.yield
    }) : () -> ()
    %jit3A_9 = arith.constant 8 : i32
    %div3A = arith.divsi %add3A_4, %jit3A_9 : i32
    %sign3A = arith.constant 0 : i32
    %sign3A_10 = arith.cmpi sgt, %add3A_4, %sign3A : i32
    %sign3A_11 = arith.extui %sign3A_10 : i1 to i32
    %sign3A_12 = arith.constant 0 : i32
    %sign3A_13 = arith.cmpi slt, %add3A_4, %sign3A_12 : i32
    %sign3A_14 = arith.extui %sign3A_13 : i1 to i32
    %sign3A_15 = arith.subi %sign3A_11, %sign3A_14 : i32
    %sign3A_16 = arith.constant 0 : i32
    %sign3A_17 = arith.cmpi sgt, %jit3A_9, %sign3A_16 : i32
    %sign3A_18 = arith.extui %sign3A_17 : i1 to i32
    %sign3A_19 = arith.constant 0 : i32
    %sign3A_20 = arith.cmpi slt, %jit3A_9, %sign3A_19 : i32
    %sign3A_21 = arith.extui %sign3A_20 : i1 to i32
    %sign3A_22 = arith.subi %sign3A_18, %sign3A_21 : i32
    %ne3A = arith.cmpi ne, %sign3A_15, %sign3A_22 : i32
    %rem3A = arith.remsi %add3A_4, %jit3A_9 : i32
    %ne3A_23 = arith.constant 0 : i32
    %ne3A_24 = arith.cmpi ne, %rem3A, %ne3A_23 : i32
    %and3A = arith.andi %ne3A, %ne3A_24 : i1
    %sub3A = arith.constant 1 : i32
    %sub3A_25 = arith.subi %div3A, %sub3A : i32
    %select_n3A_26 = arith.select %and3A, %sub3A_25, %div3A : i32
    %mul3A_27 = arith.constant 8 : i32
    %mul3A_28 = arith.muli %select_n3A_26, %mul3A_27 : i32
    %sub3A_29 = arith.subi %add3A_4, %mul3A_28 : i32
    "tpu.region"() ({
      %run_scoped3A = tpu.sem_alloc : memref<!tpu.dma_semaphore, #tpu.memory_space<semaphore_mem>>
      %dma_start3A = arith.constant 0 : i32
      %dma_start3A_67 = tpu.memref_slice %arg3[%mul3A_28, %dma_start3A] : memref<2596x128xi32, #tpu.memory_space<hbm>> -> memref<96x128xi32, #tpu.memory_space<hbm>>
      %dma_start3A_68 = arith.constant 0 : i32
      %dma_start3A_69 = tpu.memref_slice %arg3[%mul3A_28, %dma_start3A_68] : memref<2596x128xi32, #tpu.memory_space<hbm>> -> memref<96x128xi32, #tpu.memory_space<hbm>>
      tpu.enqueue_dma source(%dma_start3A_69 : memref<96x128xi32, #tpu.memory_space<hbm>>) target(%arg5 : memref<96x128xi32, #tpu.memory_space<vmem>>) target_semaphore(%run_scoped3A : memref<!tpu.dma_semaphore, #tpu.memory_space<semaphore_mem>>)
      %dma_wait3A = arith.constant 0 : i32
      %dma_wait3A_70 = tpu.memref_slice %arg3[%mul3A_28, %dma_wait3A] : memref<2596x128xi32, #tpu.memory_space<hbm>> -> memref<96x128xi32, #tpu.memory_space<hbm>>
      %dma_wait3A_71 = arith.constant 0 : i32
      %dma_wait3A_72 = tpu.memref_slice %arg3[%mul3A_28, %dma_wait3A_71] : memref<2596x128xi32, #tpu.memory_space<hbm>> -> memref<96x128xi32, #tpu.memory_space<hbm>>
      tpu.wait_dma2 semaphore(%run_scoped3A : memref<!tpu.dma_semaphore, #tpu.memory_space<semaphore_mem>>) src(%dma_wait3A_72 : memref<96x128xi32, #tpu.memory_space<hbm>>) dst(%arg5 : memref<96x128xi32, #tpu.memory_space<vmem>>)
      tpu.yield
    }) : () -> ()
    %while3A = arith.constant 0 : i32
    %while3A_30 = arith.constant -1 : i32
    %while3A_31 = arith.constant 0 : i32
    %while3A_32 = arith.constant 0 : i32
    %while3A_33 = arith.subi %add3A_8, %while3A : i32
    %while3A_34 = arith.addi %while3A, %while3A_33 : i32
    %while3A_35 = arith.constant 1 : i32
    %while3A_36 = arith.divsi %while3A_33, %while3A_35 : i32
    %while3A_37 = arith.muli %while3A_36, %while3A_35 : i32
    %while3A_38 = arith.addi %while3A, %while3A_37 : i32
    %while3A_39 = arith.constant 1 : i32
    %while3A_40:3 = scf.for %while3A_67 = %while3A to %while3A_38 step %while3A_39 iter_args(%while3A_68 = %while3A_30, %while3A_69 = %while3A_31, %while3A_70 = %while3A_32) -> (i32, i32, i32)  : i32 {
      %add3A_71 = arith.addi %sub3A_29, %while3A_67 : i32
      %get3A = arith.index_cast %add3A_71 : i32 to index
      %get3A_72 = arith.constant 0 : index
      %get3A_73 = tpu.vector_load %arg5[%get3A, %get3A_72] {strides = array<i32>} : memref<96x128xi32, #tpu.memory_space<vmem>>, vector<1x16xi32>,
      %get3A_74 = vector.shape_cast %get3A_73 : vector<1x16xi32> to vector<16xi32>
      %slice3A = vector.extract_strided_slice %get3A_74 {offsets = [0], sizes = [1], strides = [1]} : vector<16xi32> to vector<1xi32>
      %squeeze3A = vector.extract %slice3A[0] : i32 from vector<1xi32>
      %add3A_75 = arith.addi %sub3A_29, %while3A_67 : i32
      %get3A_76 = arith.index_cast %add3A_75 : i32 to index
      %get3A_77 = arith.constant 112 : index
      %get3A_78 = tpu.vector_load %arg5[%get3A_76, %get3A_77] {strides = array<i32>} : memref<96x128xi32, #tpu.memory_space<vmem>>, vector<1x16xi32>,
      %get3A_79 = vector.shape_cast %get3A_78 : vector<1x16xi32> to vector<16xi32>
      %slice3A_80 = vector.extract_strided_slice %get3A_79 {offsets = [15], sizes = [1], strides = [1]} : vector<16xi32> to vector<1xi32>
      %squeeze3A_81 = vector.extract %slice3A_80[0] : i32 from vector<1xi32>
      %eq3A = arith.cmpi eq, %squeeze3A, %squeeze3A_81 : i32
      %ne3A_82 = arith.cmpi ne, %squeeze3A, %while3A_68 : i32
      %and3A_83 = arith.andi %eq3A, %ne3A_82 : i1
      %convert_element_type3A = arith.extui %and3A_83 : i1 to i32
      %cond3A = arith.constant 0 : i32
      %cond3A_84 = arith.cmpi ne, %convert_element_type3A, %cond3A : i32
      scf.if %cond3A_84 {
        %while3A_106 = arith.constant 0 : i32
        %while3A_107 = arith.constant 0 : i32
        %while3A_108 = arith.subi %while3A_70, %while3A_106 : i32
        %while3A_109 = arith.addi %while3A_106, %while3A_108 : i32
        %while3A_110 = arith.constant 1 : i32
        %while3A_111 = arith.divsi %while3A_108, %while3A_110 : i32
        %while3A_112 = arith.muli %while3A_111, %while3A_110 : i32
        %while3A_113 = arith.addi %while3A_106, %while3A_112 : i32
        %while3A_114 = arith.constant 1 : i32
        %while3A_115 = scf.for %while3A_156 = %while3A_106 to %while3A_113 step %while3A_114 iter_args(%while3A_157 = %while3A_107) -> (i32)  : i32 {
          %add3A_158 = arith.addi %add3A_4, %while3A_67 : i32
          %mul3A_159 = arith.constant 128 : i32
          %mul3A_160 = arith.muli %add3A_158, %mul3A_159 : i32
          %dma_wait3A = arith.constant 0 : i32
          %dma_wait3A_161 = tpu.memref_slice %arg4[%mul3A_160, %dma_wait3A] : memref<320000x128xf32, #tpu.memory_space<hbm>> -> memref<128x128xf32, #tpu.memory_space<hbm>>
          %dma_wait3A_162 = arith.constant 0 : i32
          %dma_wait3A_163 = tpu.memref_slice %arg4[%mul3A_160, %dma_wait3A_162] : memref<320000x128xf32, #tpu.memory_space<hbm>> -> memref<128x128xf32, #tpu.memory_space<hbm>>
          tpu.wait_dma2 semaphore(%arg10 : memref<!tpu.dma_semaphore, #tpu.memory_space<semaphore_mem>>) src(%arg8 : memref<128x128xf32, #tpu.memory_space<vmem>>) dst(%dma_wait3A_163 : memref<128x128xf32, #tpu.memory_space<hbm>>)
          %while3A_164 = arith.constant 0 : i32
          scf.yield %while3A_164 : i32
        }
        %while3A_116 = arith.constant 1 : i32
        %while3A_117 = scf.for %while3A_156 = %while3A_113 to %while3A_109 step %while3A_116 iter_args(%while3A_157 = %while3A_115) -> (i32)  : i32 {
          %add3A_158 = arith.addi %add3A_4, %while3A_67 : i32
          %mul3A_159 = arith.constant 128 : i32
          %mul3A_160 = arith.muli %add3A_158, %mul3A_159 : i32
          %dma_wait3A = arith.constant 0 : i32
          %dma_wait3A_161 = tpu.memref_slice %arg4[%mul3A_160, %dma_wait3A] : memref<320000x128xf32, #tpu.memory_space<hbm>> -> memref<128x128xf32, #tpu.memory_space<hbm>>
          %dma_wait3A_162 = arith.constant 0 : i32
          %dma_wait3A_163 = tpu.memref_slice %arg4[%mul3A_160, %dma_wait3A_162] : memref<320000x128xf32, #tpu.memory_space<hbm>> -> memref<128x128xf32, #tpu.memory_space<hbm>>
          tpu.wait_dma2 semaphore(%arg10 : memref<!tpu.dma_semaphore, #tpu.memory_space<semaphore_mem>>) src(%arg8 : memref<128x128xf32, #tpu.memory_space<vmem>>) dst(%dma_wait3A_163 : memref<128x128xf32, #tpu.memory_space<hbm>>)
          %while3A_164 = arith.constant 0 : i32
          scf.yield %while3A_164 : i32
        }
        %get3A_118 = arith.index_cast %squeeze3A : i32 to index
        %get3A_119 = arith.constant 0 : index
        %get3A_120 = tpu.vector_load %arg6[%get3A_118, %get3A_119] {strides = array<i32>} : memref<512x128xf32, #tpu.memory_space<vmem>>, vector<1x16xf32>,
        %get3A_121 = vector.shape_cast %get3A_120 : vector<1x16xf32> to vector<16xf32>
        %get3A_122 = arith.index_cast %squeeze3A : i32 to index
        %get3A_123 = arith.constant 16 : index
        %get3A_124 = tpu.vector_load %arg6[%get3A_122, %get3A_123] {strides = array<i32>} : memref<512x128xf32, #tpu.memory_space<vmem>>, vector<1x16xf32>,
        %get3A_125 = vector.shape_cast %get3A_124 : vector<1x16xf32> to vector<16xf32>
        %get3A_126 = arith.index_cast %squeeze3A : i32 to index
        %get3A_127 = arith.constant 32 : index
        %get3A_128 = tpu.vector_load %arg6[%get3A_126, %get3A_127] {strides = array<i32>} : memref<512x128xf32, #tpu.memory_space<vmem>>, vector<1x16xf32>,
        %get3A_129 = vector.shape_cast %get3A_128 : vector<1x16xf32> to vector<16xf32>
        %get3A_130 = arith.index_cast %squeeze3A : i32 to index
        %get3A_131 = arith.constant 48 : index
        %get3A_132 = tpu.vector_load %arg6[%get3A_130, %get3A_131] {strides = array<i32>} : memref<512x128xf32, #tpu.memory_space<vmem>>, vector<1x16xf32>,
        %get3A_133 = vector.shape_cast %get3A_132 : vector<1x16xf32> to vector<16xf32>
        %get3A_134 = arith.index_cast %squeeze3A : i32 to index
        %get3A_135 = arith.constant 64 : index
        %get3A_136 = tpu.vector_load %arg6[%get3A_134, %get3A_135] {strides = array<i32>} : memref<512x128xf32, #tpu.memory_space<vmem>>, vector<1x16xf32>,
        %get3A_137 = vector.shape_cast %get3A_136 : vector<1x16xf32> to vector<16xf32>
        %get3A_138 = arith.index_cast %squeeze3A : i32 to index
        %get3A_139 = arith.constant 80 : index
        %get3A_140 = tpu.vector_load %arg6[%get3A_138, %get3A_139] {strides = array<i32>} : memref<512x128xf32, #tpu.memory_space<vmem>>, vector<1x16xf32>,
        %get3A_141 = vector.shape_cast %get3A_140 : vector<1x16xf32> to vector<16xf32>
        %get3A_142 = arith.index_cast %squeeze3A : i32 to index
        %get3A_143 = arith.constant 96 : index
        %get3A_144 = tpu.vector_load %arg6[%get3A_142, %get3A_143] {strides = array<i32>} : memref<512x128xf32, #tpu.memory_space<vmem>>, vector<1x16xf32>,
        %get3A_145 = vector.shape_cast %get3A_144 : vector<1x16xf32> to vector<16xf32>
        %get3A_146 = arith.index_cast %squeeze3A : i32 to index
        %get3A_147 = arith.constant 112 : index
        %get3A_148 = tpu.vector_load %arg6[%get3A_146, %get3A_147] {strides = array<i32>} : memref<512x128xf32, #tpu.memory_space<vmem>>, vector<1x16xf32>,
        %get3A_149 = vector.shape_cast %get3A_148 : vector<1x16xf32> to vector<16xf32>
        %scan3A = arith.constant 0 : i32
        %scan3A_150 = arith.constant 0 : i32
        %scan3A_151 = arith.constant 128 : i32
        %scan3A_152 = arith.addi %scan3A_150, %scan3A_151 : i32
        %scan3A_153 = arith.constant 1 : i32
        %scan3A_154 = scf.for %scan3A_156 = %scan3A_150 to %scan3A_152 step %scan3A_153 iter_args(%scan3A_157 = %scan3A) -> (i32)  : i32 {
          %swap3A = arith.index_cast %scan3A_156 : i32 to index
          %swap3A_158 = arith.constant 0 : index
          %swap3A_159 = tpu.vector_load %arg8[%swap3A, %swap3A_158] {strides = array<i32>} : memref<128x128xf32, #tpu.memory_space<vmem>>, vector<1x16xf32>,
          %swap3A_160 = vector.shape_cast %swap3A_159 : vector<1x16xf32> to vector<16xf32>
          %swap3A_161 = vector.shape_cast %get3A_121 : vector<16xf32> to vector<1x16xf32>
          tpu.vector_store %arg8[%swap3A, %swap3A_158], %swap3A_161 {strides = array<i32>} : memref<128x128xf32, #tpu.memory_space<vmem>>, vector<1x16xf32>,
          %swap3A_162 = arith.index_cast %scan3A_156 : i32 to index
          %swap3A_163 = arith.constant 16 : index
          %swap3A_164 = tpu.vector_load %arg8[%swap3A_162, %swap3A_163] {strides = array<i32>} : memref<128x128xf32, #tpu.memory_space<vmem>>, vector<1x16xf32>,
          %swap3A_165 = vector.shape_cast %swap3A_164 : vector<1x16xf32> to vector<16xf32>
          %swap3A_166 = vector.shape_cast %get3A_125 : vector<16xf32> to vector<1x16xf32>
          tpu.vector_store %arg8[%swap3A_162, %swap3A_163], %swap3A_166 {strides = array<i32>} : memref<128x128xf32, #tpu.memory_space<vmem>>, vector<1x16xf32>,
          %swap3A_167 = arith.index_cast %scan3A_156 : i32 to index
          %swap3A_168 = arith.constant 32 : index
          %swap3A_169 = tpu.vector_load %arg8[%swap3A_167, %swap3A_168] {strides = array<i32>} : memref<128x128xf32, #tpu.memory_space<vmem>>, vector<1x16xf32>,
          %swap3A_170 = vector.shape_cast %swap3A_169 : vector<1x16xf32> to vector<16xf32>
          %swap3A_171 = vector.shape_cast %get3A_129 : vector<16xf32> to vector<1x16xf32>
          tpu.vector_store %arg8[%swap3A_167, %swap3A_168], %swap3A_171 {strides = array<i32>} : memref<128x128xf32, #tpu.memory_space<vmem>>, vector<1x16xf32>,
          %swap3A_172 = arith.index_cast %scan3A_156 : i32 to index
          %swap3A_173 = arith.constant 48 : index
          %swap3A_174 = tpu.vector_load %arg8[%swap3A_172, %swap3A_173] {strides = array<i32>} : memref<128x128xf32, #tpu.memory_space<vmem>>, vector<1x16xf32>,
          %swap3A_175 = vector.shape_cast %swap3A_174 : vector<1x16xf32> to vector<16xf32>
          %swap3A_176 = vector.shape_cast %get3A_133 : vector<16xf32> to vector<1x16xf32>
          tpu.vector_store %arg8[%swap3A_172, %swap3A_173], %swap3A_176 {strides = array<i32>} : memref<128x128xf32, #tpu.memory_space<vmem>>, vector<1x16xf32>,
          %swap3A_177 = arith.index_cast %scan3A_156 : i32 to index
          %swap3A_178 = arith.constant 64 : index
          %swap3A_179 = tpu.vector_load %arg8[%swap3A_177, %swap3A_178] {strides = array<i32>} : memref<128x128xf32, #tpu.memory_space<vmem>>, vector<1x16xf32>,
          %swap3A_180 = vector.shape_cast %swap3A_179 : vector<1x16xf32> to vector<16xf32>
          %swap3A_181 = vector.shape_cast %get3A_137 : vector<16xf32> to vector<1x16xf32>
          tpu.vector_store %arg8[%swap3A_177, %swap3A_178], %swap3A_181 {strides = array<i32>} : memref<128x128xf32, #tpu.memory_space<vmem>>, vector<1x16xf32>,
          %swap3A_182 = arith.index_cast %scan3A_156 : i32 to index
          %swap3A_183 = arith.constant 80 : index
          %swap3A_184 = tpu.vector_load %arg8[%swap3A_182, %swap3A_183] {strides = array<i32>} : memref<128x128xf32, #tpu.memory_space<vmem>>, vector<1x16xf32>,
          %swap3A_185 = vector.shape_cast %swap3A_184 : vector<1x16xf32> to vector<16xf32>
          %swap3A_186 = vector.shape_cast %get3A_141 : vector<16xf32> to vector<1x16xf32>
          tpu.vector_store %arg8[%swap3A_182, %swap3A_183], %swap3A_186 {strides = array<i32>} : memref<128x128xf32, #tpu.memory_space<vmem>>, vector<1x16xf32>,
          %swap3A_187 = arith.index_cast %scan3A_156 : i32 to index
          %swap3A_188 = arith.constant 96 : index
          %swap3A_189 = tpu.vector_load %arg8[%swap3A_187, %swap3A_188] {strides = array<i32>} : memref<128x128xf32, #tpu.memory_space<vmem>>, vector<1x16xf32>,
          %swap3A_190 = vector.shape_cast %swap3A_189 : vector<1x16xf32> to vector<16xf32>
          %swap3A_191 = vector.shape_cast %get3A_145 : vector<16xf32> to vector<1x16xf32>
          tpu.vector_store %arg8[%swap3A_187, %swap3A_188], %swap3A_191 {strides = array<i32>} : memref<128x128xf32, #tpu.memory_space<vmem>>, vector<1x16xf32>,
          %swap3A_192 = arith.index_cast %scan3A_156 : i32 to index
          %swap3A_193 = arith.constant 112 : index
          %swap3A_194 = tpu.vector_load %arg8[%swap3A_192, %swap3A_193] {strides = array<i32>} : memref<128x128xf32, #tpu.memory_space<vmem>>, vector<1x16xf32>,
          %swap3A_195 = vector.shape_cast %swap3A_194 : vector<1x16xf32> to vector<16xf32>
          %swap3A_196 = vector.shape_cast %get3A_149 : vector<16xf32> to vector<1x16xf32>
          tpu.vector_store %arg8[%swap3A_192, %swap3A_193], %swap3A_196 {strides = array<i32>} : memref<128x128xf32, #tpu.memory_space<vmem>>, vector<1x16xf32>,
          %scan3A_197 = arith.constant 0 : i32
          scf.yield %scan3A_197 : i32
        }
        %scan3A_155 = arith.constant 128 : i32
      } else {
      }
      %not3A = arith.constant true
      %not3A_85 = arith.xori %eq3A, %not3A : i1
      %convert_element_type3A_86 = arith.extui %not3A_85 : i1 to i32
      %cond3A_87 = arith.constant 0 : i32
      %cond3A_88 = arith.cmpi ne, %convert_element_type3A_86, %cond3A_87 : i32
      scf.if %cond3A_88 {
        %while3A_106 = arith.constant 0 : i32
        %while3A_107 = arith.constant 0 : i32
        %while3A_108 = arith.subi %while3A_69, %while3A_106 : i32
        %while3A_109 = arith.addi %while3A_106, %while3A_108 : i32
        %while3A_110 = arith.constant 1 : i32
        %while3A_111 = arith.divsi %while3A_108, %while3A_110 : i32
        %while3A_112 = arith.muli %while3A_111, %while3A_110 : i32
        %while3A_113 = arith.addi %while3A_106, %while3A_112 : i32
        %while3A_114 = arith.constant 1 : i32
        %while3A_115 = scf.for %while3A_1358 = %while3A_106 to %while3A_113 step %while3A_114 iter_args(%while3A_1359 = %while3A_107) -> (i32)  : i32 {
          %add3A_1360 = arith.addi %add3A_4, %while3A_67 : i32
          %mul3A_1361 = arith.constant 128 : i32
          %mul3A_1362 = arith.muli %add3A_1360, %mul3A_1361 : i32
          %dma_wait3A = arith.constant 0 : i32
          %dma_wait3A_1363 = tpu.memref_slice %arg4[%mul3A_1362, %dma_wait3A] : memref<320000x128xf32, #tpu.memory_space<hbm>> -> memref<128x128xf32, #tpu.memory_space<hbm>>
          %dma_wait3A_1364 = arith.constant 0 : i32
          %dma_wait3A_1365 = tpu.memref_slice %arg4[%mul3A_1362, %dma_wait3A_1364] : memref<320000x128xf32, #tpu.memory_space<hbm>> -> memref<128x128xf32, #tpu.memory_space<hbm>>
          tpu.wait_dma2 semaphore(%arg9 : memref<!tpu.dma_semaphore, #tpu.memory_space<semaphore_mem>>) src(%arg7 : memref<128x128xf32, #tpu.memory_space<vmem>>) dst(%dma_wait3A_1365 : memref<128x128xf32, #tpu.memory_space<hbm>>)
          %while3A_1366 = arith.constant 0 : i32
          scf.yield %while3A_1366 : i32
        }
        %while3A_116 = arith.constant 1 : i32
        %while3A_117 = scf.for %while3A_1358 = %while3A_113 to %while3A_109 step %while3A_116 iter_args(%while3A_1359 = %while3A_115) -> (i32)  : i32 {
          %add3A_1360 = arith.addi %add3A_4, %while3A_67 : i32
          %mul3A_1361 = arith.constant 128 : i32
          %mul3A_1362 = arith.muli %add3A_1360, %mul3A_1361 : i32
          %dma_wait3A = arith.constant 0 : i32
          %dma_wait3A_1363 = tpu.memref_slice %arg4[%mul3A_1362, %dma_wait3A] : memref<320000x128xf32, #tpu.memory_space<hbm>> -> memref<128x128xf32, #tpu.memory_space<hbm>>
          %dma_wait3A_1364 = arith.constant 0 : i32
          %dma_wait3A_1365 = tpu.memref_slice %arg4[%mul3A_1362, %dma_wait3A_1364] : memref<320000x128xf32, #tpu.memory_space<hbm>> -> memref<128x128xf32, #tpu.memory_space<hbm>>
          tpu.wait_dma2 semaphore(%arg9 : memref<!tpu.dma_semaphore, #tpu.memory_space<semaphore_mem>>) src(%arg7 : memref<128x128xf32, #tpu.memory_space<vmem>>) dst(%dma_wait3A_1365 : memref<128x128xf32, #tpu.memory_space<hbm>>)
          %while3A_1366 = arith.constant 0 : i32
          scf.yield %while3A_1366 : i32
        }
        %scan3A = arith.constant 0 : i32
        %scan3A_118 = arith.constant 0 : i32
        %scan3A_119 = arith.constant 113 : i32
        %scan3A_120 = arith.addi %scan3A_118, %scan3A_119 : i32
        %scan3A_121 = arith.constant 1 : i32
        %scan3A_122 = scf.for %scan3A_1358 = %scan3A_118 to %scan3A_120 step %scan3A_121 iter_args(%scan3A_1359 = %scan3A) -> (i32)  : i32 {
          %add3A_1360 = arith.addi %sub3A_29, %while3A_67 : i32
          %get3A_1361 = arith.index_cast %add3A_1360 : i32 to index
          %get3A_1362 = arith.index_cast %scan3A_1358 : i32 to index
          %get3A_1363 = tpu.vector_load %arg5[%get3A_1361, %get3A_1362] {strides = array<i32>} : memref<96x128xi32, #tpu.memory_space<vmem>>, vector<1x16xi32>,
          %get3A_1364 = vector.shape_cast %get3A_1363 : vector<1x16xi32> to vector<16xi32>
          %slice3A_1365 = vector.extract_strided_slice %get3A_1364 {offsets = [0], sizes = [1], strides = [1]} : vector<16xi32> to vector<1xi32>
          %squeeze3A_1366 = vector.extract %slice3A_1365[0] : i32 from vector<1xi32>
          %get3A_1367 = arith.index_cast %squeeze3A_1366 : i32 to index
          %get3A_1368 = arith.constant 0 : index
          %get3A_1369 = tpu.vector_load %arg6[%get3A_1367, %get3A_1368] {strides = array<i32>} : memref<512x128xf32, #tpu.memory_space<vmem>>, vector<1x16xf32>,
          %get3A_1370 = vector.shape_cast %get3A_1369 : vector<1x16xf32> to vector<16xf32>
          %swap3A_1371 = arith.index_cast %scan3A_1358 : i32 to index
          %swap3A_1372 = arith.constant 0 : index
          %swap3A_1373 = tpu.vector_load %arg7[%swap3A_1371, %swap3A_1372] {strides = array<i32>} : memref<128x128xf32, #tpu.memory_space<vmem>>, vector<1x16xf32>,
          %swap3A_1374 = vector.shape_cast %swap3A_1373 : vector<1x16xf32> to vector<16xf32>
          %swap3A_1375 = vector.shape_cast %get3A_1370 : vector<16xf32> to vector<1x16xf32>
          tpu.vector_store %arg7[%swap3A_1371, %swap3A_1372], %swap3A_1375 {strides = array<i32>} : memref<128x128xf32, #tpu.memory_space<vmem>>, vector<1x16xf32>,
          %get3A_1376 = arith.index_cast %squeeze3A_1366 : i32 to index
          %get3A_1377 = arith.constant 16 : index
          %get3A_1378 = tpu.vector_load %arg6[%get3A_1376, %get3A_1377] {strides = array<i32>} : memref<512x128xf32, #tpu.memory_space<vmem>>, vector<1x16xf32>,
          %get3A_1379 = vector.shape_cast %get3A_1378 : vector<1x16xf32> to vector<16xf32>
          %swap3A_1380 = arith.index_cast %scan3A_1358 : i32 to index
          %swap3A_1381 = arith.constant 16 : index
          %swap3A_1382 = tpu.vector_load %arg7[%swap3A_1380, %swap3A_1381] {strides = array<i32>} : memref<128x128xf32, #tpu.memory_space<vmem>>, vector<1x16xf32>,
          %swap3A_1383 = vector.shape_cast %swap3A_1382 : vector<1x16xf32> to vector<16xf32>
          %swap3A_1384 = vector.shape_cast %get3A_1379 : vector<16xf32> to vector<1x16xf32>
          tpu.vector_store %arg7[%swap3A_1380, %swap3A_1381], %swap3A_1384 {strides = array<i32>} : memref<128x128xf32, #tpu.memory_space<vmem>>, vector<1x16xf32>,
          %get3A_1385 = arith.index_cast %squeeze3A_1366 : i32 to index
          %get3A_1386 = arith.constant 32 : index
          %get3A_1387 = tpu.vector_load %arg6[%get3A_1385, %get3A_1386] {strides = array<i32>} : memref<512x128xf32, #tpu.memory_space<vmem>>, vector<1x16xf32>,
          %get3A_1388 = vector.shape_cast %get3A_1387 : vector<1x16xf32> to vector<16xf32>
          %swap3A_1389 = arith.index_cast %scan3A_1358 : i32 to index
          %swap3A_1390 = arith.constant 32 : index
          %swap3A_1391 = tpu.vector_load %arg7[%swap3A_1389, %swap3A_1390] {strides = array<i32>} : memref<128x128xf32, #tpu.memory_space<vmem>>, vector<1x16xf32>,
          %swap3A_1392 = vector.shape_cast %swap3A_1391 : vector<1x16xf32> to vector<16xf32>
          %swap3A_1393 = vector.shape_cast %get3A_1388 : vector<16xf32> to vector<1x16xf32>
          tpu.vector_store %arg7[%swap3A_1389, %swap3A_1390], %swap3A_1393 {strides = array<i32>} : memref<128x128xf32, #tpu.memory_space<vmem>>, vector<1x16xf32>,
          %get3A_1394 = arith.index_cast %squeeze3A_1366 : i32 to index
          %get3A_1395 = arith.constant 48 : index
          %get3A_1396 = tpu.vector_load %arg6[%get3A_1394, %get3A_1395] {strides = array<i32>} : memref<512x128xf32, #tpu.memory_space<vmem>>, vector<1x16xf32>,
          %get3A_1397 = vector.shape_cast %get3A_1396 : vector<1x16xf32> to vector<16xf32>
          %swap3A_1398 = arith.index_cast %scan3A_1358 : i32 to index
          %swap3A_1399 = arith.constant 48 : index
          %swap3A_1400 = tpu.vector_load %arg7[%swap3A_1398, %swap3A_1399] {strides = array<i32>} : memref<128x128xf32, #tpu.memory_space<vmem>>, vector<1x16xf32>,
          %swap3A_1401 = vector.shape_cast %swap3A_1400 : vector<1x16xf32> to vector<16xf32>
          %swap3A_1402 = vector.shape_cast %get3A_1397 : vector<16xf32> to vector<1x16xf32>
          tpu.vector_store %arg7[%swap3A_1398, %swap3A_1399], %swap3A_1402 {strides = array<i32>} : memref<128x128xf32, #tpu.memory_space<vmem>>, vector<1x16xf32>,
          %get3A_1403 = arith.index_cast %squeeze3A_1366 : i32 to index
          %get3A_1404 = arith.constant 64 : index
          %get3A_1405 = tpu.vector_load %arg6[%get3A_1403, %get3A_1404] {strides = array<i32>} : memref<512x128xf32, #tpu.memory_space<vmem>>, vector<1x16xf32>,
          %get3A_1406 = vector.shape_cast %get3A_1405 : vector<1x16xf32> to vector<16xf32>
          %swap3A_1407 = arith.index_cast %scan3A_1358 : i32 to index
          %swap3A_1408 = arith.constant 64 : index
          %swap3A_1409 = tpu.vector_load %arg7[%swap3A_1407, %swap3A_1408] {strides = array<i32>} : memref<128x128xf32, #tpu.memory_space<vmem>>, vector<1x16xf32>,
          %swap3A_1410 = vector.shape_cast %swap3A_1409 : vector<1x16xf32> to vector<16xf32>
          %swap3A_1411 = vector.shape_cast %get3A_1406 : vector<16xf32> to vector<1x16xf32>
          tpu.vector_store %arg7[%swap3A_1407, %swap3A_1408], %swap3A_1411 {strides = array<i32>} : memref<128x128xf32, #tpu.memory_space<vmem>>, vector<1x16xf32>,
          %get3A_1412 = arith.index_cast %squeeze3A_1366 : i32 to index
          %get3A_1413 = arith.constant 80 : index
          %get3A_1414 = tpu.vector_load %arg6[%get3A_1412, %get3A_1413] {strides = array<i32>} : memref<512x128xf32, #tpu.memory_space<vmem>>, vector<1x16xf32>,
          %get3A_1415 = vector.shape_cast %get3A_1414 : vector<1x16xf32> to vector<16xf32>
          %swap3A_1416 = arith.index_cast %scan3A_1358 : i32 to index
          %swap3A_1417 = arith.constant 80 : index
          %swap3A_1418 = tpu.vector_load %arg7[%swap3A_1416, %swap3A_1417] {strides = array<i32>} : memref<128x128xf32, #tpu.memory_space<vmem>>, vector<1x16xf32>,
          %swap3A_1419 = vector.shape_cast %swap3A_1418 : vector<1x16xf32> to vector<16xf32>
          %swap3A_1420 = vector.shape_cast %get3A_1415 : vector<16xf32> to vector<1x16xf32>
          tpu.vector_store %arg7[%swap3A_1416, %swap3A_1417], %swap3A_1420 {strides = array<i32>} : memref<128x128xf32, #tpu.memory_space<vmem>>, vector<1x16xf32>,
          %get3A_1421 = arith.index_cast %squeeze3A_1366 : i32 to index
          %get3A_1422 = arith.constant 96 : index
          %get3A_1423 = tpu.vector_load %arg6[%get3A_1421, %get3A_1422] {strides = array<i32>} : memref<512x128xf32, #tpu.memory_space<vmem>>, vector<1x16xf32>,
          %get3A_1424 = vector.shape_cast %get3A_1423 : vector<1x16xf32> to vector<16xf32>
          %swap3A_1425 = arith.index_cast %scan3A_1358 : i32 to index
          %swap3A_1426 = arith.constant 96 : index
          %swap3A_1427 = tpu.vector_load %arg7[%swap3A_1425, %swap3A_1426] {strides = array<i32>} : memref<128x128xf32, #tpu.memory_space<vmem>>, vector<1x16xf32>,
          %swap3A_1428 = vector.shape_cast %swap3A_1427 : vector<1x16xf32> to vector<16xf32>
          %swap3A_1429 = vector.shape_cast %get3A_1424 : vector<16xf32> to vector<1x16xf32>
          tpu.vector_store %arg7[%swap3A_1425, %swap3A_1426], %swap3A_1429 {strides = array<i32>} : memref<128x128xf32, #tpu.memory_space<vmem>>, vector<1x16xf32>,
          %get3A_1430 = arith.index_cast %squeeze3A_1366 : i32 to index
          %get3A_1431 = arith.constant 112 : index
          %get3A_1432 = tpu.vector_load %arg6[%get3A_1430, %get3A_1431] {strides = array<i32>} : memref<512x128xf32, #tpu.memory_space<vmem>>, vector<1x16xf32>,
          %get3A_1433 = vector.shape_cast %get3A_1432 : vector<1x16xf32> to vector<16xf32>
          %swap3A_1434 = arith.index_cast %scan3A_1358 : i32 to index
          %swap3A_1435 = arith.constant 112 : index
          %swap3A_1436 = tpu.vector_load %arg7[%swap3A_1434, %swap3A_1435] {strides = array<i32>} : memref<128x128xf32, #tpu.memory_space<vmem>>, vector<1x16xf32>,
          %swap3A_1437 = vector.shape_cast %swap3A_1436 : vector<1x16xf32> to vector<16xf32>
          %swap3A_1438 = vector.shape_cast %get3A_1433 : vector<16xf32> to vector<1x16xf32>
          tpu.vector_store %arg7[%swap3A_1434, %swap3A_1435], %swap3A_1438 {strides = array<i32>} : memref<128x128xf32, #tpu.memory_space<vmem>>, vector<1x16xf32>,
          %scan3A_1439 = arith.constant 0 : i32
          scf.yield %scan3A_1439 : i32
        }
        %scan3A_123 = arith.constant 113 : i32
        %add3A_124 = arith.addi %sub3A_29, %while3A_67 : i32
        %get3A_125 = arith.index_cast %add3A_124 : i32 to index
        %get3A_126 = arith.constant 112 : index
        %get3A_127 = tpu.vector_load %arg5[%get3A_125, %get3A_126] {strides = array<i32>} : memref<96x128xi32, #tpu.memory_space<vmem>>, vector<1x16xi32>,
        %get3A_128 = vector.shape_cast %get3A_127 : vector<1x16xi32> to vector<16xi32>
        %slice3A_129 = vector.extract_strided_slice %get3A_128 {offsets = [1], sizes = [1], strides = [1]} : vector<16xi32> to vector<1xi32>
        %squeeze3A_130 = vector.extract %slice3A_129[0] : i32 from vector<1xi32>
        %get3A_131 = arith.index_cast %squeeze3A_130 : i32 to index
        %get3A_132 = arith.constant 0 : index
        %get3A_133 = tpu.vector_load %arg6[%get3A_131, %get3A_132] {strides = array<i32>} : memref<512x128xf32, #tpu.memory_space<vmem>>, vector<1x16xf32>,
        %get3A_134 = vector.shape_cast %get3A_133 : vector<1x16xf32> to vector<16xf32>
        %swap3A = arith.constant 113 : i32
        %swap3A_135 = arith.index_cast %swap3A : i32 to index
        %swap3A_136 = arith.constant 0 : index
        %swap3A_137 = tpu.vector_load %arg7[%swap3A_135, %swap3A_136] {strides = array<i32>} : memref<128x128xf32, #tpu.memory_space<vmem>>, vector<1x16xf32>,
        %swap3A_138 = vector.shape_cast %swap3A_137 : vector<1x16xf32> to vector<16xf32>
        %swap3A_139 = vector.shape_cast %get3A_134 : vector<16xf32> to vector<1x16xf32>
        tpu.vector_store %arg7[%swap3A_135, %swap3A_136], %swap3A_139 {strides = array<i32>} : memref<128x128xf32, #tpu.memory_space<vmem>>, vector<1x16xf32>,
        %get3A_140 = arith.index_cast %squeeze3A_130 : i32 to index
        %get3A_141 = arith.constant 16 : index
        %get3A_142 = tpu.vector_load %arg6[%get3A_140, %get3A_141] {strides = array<i32>} : memref<512x128xf32, #tpu.memory_space<vmem>>, vector<1x16xf32>,
        %get3A_143 = vector.shape_cast %get3A_142 : vector<1x16xf32> to vector<16xf32>
        %swap3A_144 = arith.constant 113 : i32
        %swap3A_145 = arith.index_cast %swap3A_144 : i32 to index
        %swap3A_146 = arith.constant 16 : index
        %swap3A_147 = tpu.vector_load %arg7[%swap3A_145, %swap3A_146] {strides = array<i32>} : memref<128x128xf32, #tpu.memory_space<vmem>>, vector<1x16xf32>,
        %swap3A_148 = vector.shape_cast %swap3A_147 : vector<1x16xf32> to vector<16xf32>
        %swap3A_149 = vector.shape_cast %get3A_143 : vector<16xf32> to vector<1x16xf32>
        tpu.vector_store %arg7[%swap3A_145, %swap3A_146], %swap3A_149 {strides = array<i32>} : memref<128x128xf32, #tpu.memory_space<vmem>>, vector<1x16xf32>,
        %get3A_150 = arith.index_cast %squeeze3A_130 : i32 to index
        %get3A_151 = arith.constant 32 : index
        %get3A_152 = tpu.vector_load %arg6[%get3A_150, %get3A_151] {strides = array<i32>} : memref<512x128xf32, #tpu.memory_space<vmem>>, vector<1x16xf32>,
        %get3A_153 = vector.shape_cast %get3A_152 : vector<1x16xf32> to vector<16xf32>
        %swap3A_154 = arith.constant 113 : i32
        %swap3A_155 = arith.index_cast %swap3A_154 : i32 to index
        %swap3A_156 = arith.constant 32 : index
        %swap3A_157 = tpu.vector_load %arg7[%swap3A_155, %swap3A_156] {strides = array<i32>} : memref<128x128xf32, #tpu.memory_space<vmem>>, vector<1x16xf32>,
        %swap3A_158 = vector.shape_cast %swap3A_157 : vector<1x16xf32> to vector<16xf32>
        %swap3A_159 = vector.shape_cast %get3A_153 : vector<16xf32> to vector<1x16xf32>
        tpu.vector_store %arg7[%swap3A_155, %swap3A_156], %swap3A_159 {strides = array<i32>} : memref<128x128xf32, #tpu.memory_space<vmem>>, vector<1x16xf32>,
        %get3A_160 = arith.index_cast %squeeze3A_130 : i32 to index
        %get3A_161 = arith.constant 48 : index
        %get3A_162 = tpu.vector_load %arg6[%get3A_160, %get3A_161] {strides = array<i32>} : memref<512x128xf32, #tpu.memory_space<vmem>>, vector<1x16xf32>,
        %get3A_163 = vector.shape_cast %get3A_162 : vector<1x16xf32> to vector<16xf32>
        %swap3A_164 = arith.constant 113 : i32
        %swap3A_165 = arith.index_cast %swap3A_164 : i32 to index
        %swap3A_166 = arith.constant 48 : index
        %swap3A_167 = tpu.vector_load %arg7[%swap3A_165, %swap3A_166] {strides = array<i32>} : memref<128x128xf32, #tpu.memory_space<vmem>>, vector<1x16xf32>,
        %swap3A_168 = vector.shape_cast %swap3A_167 : vector<1x16xf32> to vector<16xf32>
        %swap3A_169 = vector.shape_cast %get3A_163 : vector<16xf32> to vector<1x16xf32>
        tpu.vector_store %arg7[%swap3A_165, %swap3A_166], %swap3A_169 {strides = array<i32>} : memref<128x128xf32, #tpu.memory_space<vmem>>, vector<1x16xf32>,
        %get3A_170 = arith.index_cast %squeeze3A_130 : i32 to index
        %get3A_171 = arith.constant 64 : index
        %get3A_172 = tpu.vector_load %arg6[%get3A_170, %get3A_171] {strides = array<i32>} : memref<512x128xf32, #tpu.memory_space<vmem>>, vector<1x16xf32>,
        %get3A_173 = vector.shape_cast %get3A_172 : vector<1x16xf32> to vector<16xf32>
        %swap3A_174 = arith.constant 113 : i32
        %swap3A_175 = arith.index_cast %swap3A_174 : i32 to index
        %swap3A_176 = arith.constant 64 : index
        %swap3A_177 = tpu.vector_load %arg7[%swap3A_175, %swap3A_176] {strides = array<i32>} : memref<128x128xf32, #tpu.memory_space<vmem>>, vector<1x16xf32>,
        %swap3A_178 = vector.shape_cast %swap3A_177 : vector<1x16xf32> to vector<16xf32>
        %swap3A_179 = vector.shape_cast %get3A_173 : vector<16xf32> to vector<1x16xf32>
        tpu.vector_store %arg7[%swap3A_175, %swap3A_176], %swap3A_179 {strides = array<i32>} : memref<128x128xf32, #tpu.memory_space<vmem>>, vector<1x16xf32>,
        %get3A_180 = arith.index_cast %squeeze3A_130 : i32 to index
        %get3A_181 = arith.constant 80 : index
        %get3A_182 = tpu.vector_load %arg6[%get3A_180, %get3A_181] {strides = array<i32>} : memref<512x128xf32, #tpu.memory_space<vmem>>, vector<1x16xf32>,
        %get3A_183 = vector.shape_cast %get3A_182 : vector<1x16xf32> to vector<16xf32>
        %swap3A_184 = arith.constant 113 : i32
        %swap3A_185 = arith.index_cast %swap3A_184 : i32 to index
        %swap3A_186 = arith.constant 80 : index
        %swap3A_187 = tpu.vector_load %arg7[%swap3A_185, %swap3A_186] {strides = array<i32>} : memref<128x128xf32, #tpu.memory_space<vmem>>, vector<1x16xf32>,
        %swap3A_188 = vector.shape_cast %swap3A_187 : vector<1x16xf32> to vector<16xf32>
        %swap3A_189 = vector.shape_cast %get3A_183 : vector<16xf32> to vector<1x16xf32>
        tpu.vector_store %arg7[%swap3A_185, %swap3A_186], %swap3A_189 {strides = array<i32>} : memref<128x128xf32, #tpu.memory_space<vmem>>, vector<1x16xf32>,
        %get3A_190 = arith.index_cast %squeeze3A_130 : i32 to index
        %get3A_191 = arith.constant 96 : index
        %get3A_192 = tpu.vector_load %arg6[%get3A_190, %get3A_191] {strides = array<i32>} : memref<512x128xf32, #tpu.memory_space<vmem>>, vector<1x16xf32>,
        %get3A_193 = vector.shape_cast %get3A_192 : vector<1x16xf32> to vector<16xf32>
        %swap3A_194 = arith.constant 113 : i32
        %swap3A_195 = arith.index_cast %swap3A_194 : i32 to index
        %swap3A_196 = arith.constant 96 : index
        %swap3A_197 = tpu.vector_load %arg7[%swap3A_195, %swap3A_196] {strides = array<i32>} : memref<128x128xf32, #tpu.memory_space<vmem>>, vector<1x16xf32>,
        %swap3A_198 = vector.shape_cast %swap3A_197 : vector<1x16xf32> to vector<16xf32>
        %swap3A_199 = vector.shape_cast %get3A_193 : vector<16xf32> to vector<1x16xf32>
        tpu.vector_store %arg7[%swap3A_195, %swap3A_196], %swap3A_199 {strides = array<i32>} : memref<128x128xf32, #tpu.memory_space<vmem>>, vector<1x16xf32>,
        %get3A_200 = arith.index_cast %squeeze3A_130 : i32 to index
        %get3A_201 = arith.constant 112 : index
        %get3A_202 = tpu.vector_load %arg6[%get3A_200, %get3A_201] {strides = array<i32>} : memref<512x128xf32, #tpu.memory_space<vmem>>, vector<1x16xf32>,
        %get3A_203 = vector.shape_cast %get3A_202 : vector<1x16xf32> to vector<16xf32>
        %swap3A_204 = arith.constant 113 : i32
        %swap3A_205 = arith.index_cast %swap3A_204 : i32 to index
        %swap3A_206 = arith.constant 112 : index
        %swap3A_207 = tpu.vector_load %arg7[%swap3A_205, %swap3A_206] {strides = array<i32>} : memref<128x128xf32, #tpu.memory_space<vmem>>, vector<1x16xf32>,
        %swap3A_208 = vector.shape_cast %swap3A_207 : vector<1x16xf32> to vector<16xf32>
        %swap3A_209 = vector.shape_cast %get3A_203 : vector<16xf32> to vector<1x16xf32>
        tpu.vector_store %arg7[%swap3A_205, %swap3A_206], %swap3A_209 {strides = array<i32>} : memref<128x128xf32, #tpu.memory_space<vmem>>, vector<1x16xf32>,
        %slice3A_210 = vector.extract_strided_slice %get3A_128 {offsets = [2], sizes = [1], strides = [1]} : vector<16xi32> to vector<1xi32>
        %squeeze3A_211 = vector.extract %slice3A_210[0] : i32 from vector<1xi32>
        %get3A_212 = arith.index_cast %squeeze3A_211 : i32 to index
        %get3A_213 = arith.constant 0 : index
        %get3A_214 = tpu.vector_load %arg6[%get3A_212, %get3A_213] {strides = array<i32>} : memref<512x128xf32, #tpu.memory_space<vmem>>, vector<1x16xf32>,
        %get3A_215 = vector.shape_cast %get3A_214 : vector<1x16xf32> to vector<16xf32>
        %swap3A_216 = arith.constant 114 : i32
        %swap3A_217 = arith.index_cast %swap3A_216 : i32 to index
        %swap3A_218 = arith.constant 0 : index
        %swap3A_219 = tpu.vector_load %arg7[%swap3A_217, %swap3A_218] {strides = array<i32>} : memref<128x128xf32, #tpu.memory_space<vmem>>, vector<1x16xf32>,
        %swap3A_220 = vector.shape_cast %swap3A_219 : vector<1x16xf32> to vector<16xf32>
        %swap3A_221 = vector.shape_cast %get3A_215 : vector<16xf32> to vector<1x16xf32>
        tpu.vector_store %arg7[%swap3A_217, %swap3A_218], %swap3A_221 {strides = array<i32>} : memref<128x128xf32, #tpu.memory_space<vmem>>, vector<1x16xf32>,
        %get3A_222 = arith.index_cast %squeeze3A_211 : i32 to index
        %get3A_223 = arith.constant 16 : index
        %get3A_224 = tpu.vector_load %arg6[%get3A_222, %get3A_223] {strides = array<i32>} : memref<512x128xf32, #tpu.memory_space<vmem>>, vector<1x16xf32>,
        %get3A_225 = vector.shape_cast %get3A_224 : vector<1x16xf32> to vector<16xf32>
        %swap3A_226 = arith.constant 114 : i32
        %swap3A_227 = arith.index_cast %swap3A_226 : i32 to index
        %swap3A_228 = arith.constant 16 : index
        %swap3A_229 = tpu.vector_load %arg7[%swap3A_227, %swap3A_228] {strides = array<i32>} : memref<128x128xf32, #tpu.memory_space<vmem>>, vector<1x16xf32>,
        %swap3A_230 = vector.shape_cast %swap3A_229 : vector<1x16xf32> to vector<16xf32>
        %swap3A_231 = vector.shape_cast %get3A_225 : vector<16xf32> to vector<1x16xf32>
        tpu.vector_store %arg7[%swap3A_227, %swap3A_228], %swap3A_231 {strides = array<i32>} : memref<128x128xf32, #tpu.memory_space<vmem>>, vector<1x16xf32>,
        %get3A_232 = arith.index_cast %squeeze3A_211 : i32 to index
        %get3A_233 = arith.constant 32 : index
        %get3A_234 = tpu.vector_load %arg6[%get3A_232, %get3A_233] {strides = array<i32>} : memref<512x128xf32, #tpu.memory_space<vmem>>, vector<1x16xf32>,
        %get3A_235 = vector.shape_cast %get3A_234 : vector<1x16xf32> to vector<16xf32>
        %swap3A_236 = arith.constant 114 : i32
        %swap3A_237 = arith.index_cast %swap3A_236 : i32 to index
        %swap3A_238 = arith.constant 32 : index
        %swap3A_239 = tpu.vector_load %arg7[%swap3A_237, %swap3A_238] {strides = array<i32>} : memref<128x128xf32, #tpu.memory_space<vmem>>, vector<1x16xf32>,
        %swap3A_240 = vector.shape_cast %swap3A_239 : vector<1x16xf32> to vector<16xf32>
        %swap3A_241 = vector.shape_cast %get3A_235 : vector<16xf32> to vector<1x16xf32>
        tpu.vector_store %arg7[%swap3A_237, %swap3A_238], %swap3A_241 {strides = array<i32>} : memref<128x128xf32, #tpu.memory_space<vmem>>, vector<1x16xf32>,
        %get3A_242 = arith.index_cast %squeeze3A_211 : i32 to index
        %get3A_243 = arith.constant 48 : index
        %get3A_244 = tpu.vector_load %arg6[%get3A_242, %get3A_243] {strides = array<i32>} : memref<512x128xf32, #tpu.memory_space<vmem>>, vector<1x16xf32>,
        %get3A_245 = vector.shape_cast %get3A_244 : vector<1x16xf32> to vector<16xf32>
        %swap3A_246 = arith.constant 114 : i32
        %swap3A_247 = arith.index_cast %swap3A_246 : i32 to index
        %swap3A_248 = arith.constant 48 : index
        %swap3A_249 = tpu.vector_load %arg7[%swap3A_247, %swap3A_248] {strides = array<i32>} : memref<128x128xf32, #tpu.memory_space<vmem>>, vector<1x16xf32>,
        %swap3A_250 = vector.shape_cast %swap3A_249 : vector<1x16xf32> to vector<16xf32>
        %swap3A_251 = vector.shape_cast %get3A_245 : vector<16xf32> to vector<1x16xf32>
        tpu.vector_store %arg7[%swap3A_247, %swap3A_248], %swap3A_251 {strides = array<i32>} : memref<128x128xf32, #tpu.memory_space<vmem>>, vector<1x16xf32>,
        %get3A_252 = arith.index_cast %squeeze3A_211 : i32 to index
        %get3A_253 = arith.constant 64 : index
        %get3A_254 = tpu.vector_load %arg6[%get3A_252, %get3A_253] {strides = array<i32>} : memref<512x128xf32, #tpu.memory_space<vmem>>, vector<1x16xf32>,
        %get3A_255 = vector.shape_cast %get3A_254 : vector<1x16xf32> to vector<16xf32>
        %swap3A_256 = arith.constant 114 : i32
        %swap3A_257 = arith.index_cast %swap3A_256 : i32 to index
        %swap3A_258 = arith.constant 64 : index
        %swap3A_259 = tpu.vector_load %arg7[%swap3A_257, %swap3A_258] {strides = array<i32>} : memref<128x128xf32, #tpu.memory_space<vmem>>, vector<1x16xf32>,
        %swap3A_260 = vector.shape_cast %swap3A_259 : vector<1x16xf32> to vector<16xf32>
        %swap3A_261 = vector.shape_cast %get3A_255 : vector<16xf32> to vector<1x16xf32>
        tpu.vector_store %arg7[%swap3A_257, %swap3A_258], %swap3A_261 {strides = array<i32>} : memref<128x128xf32, #tpu.memory_space<vmem>>, vector<1x16xf32>,
        %get3A_262 = arith.index_cast %squeeze3A_211 : i32 to index
        %get3A_263 = arith.constant 80 : index
        %get3A_264 = tpu.vector_load %arg6[%get3A_262, %get3A_263] {strides = array<i32>} : memref<512x128xf32, #tpu.memory_space<vmem>>, vector<1x16xf32>,
        %get3A_265 = vector.shape_cast %get3A_264 : vector<1x16xf32> to vector<16xf32>
        %swap3A_266 = arith.constant 114 : i32
        %swap3A_267 = arith.index_cast %swap3A_266 : i32 to index
        %swap3A_268 = arith.constant 80 : index
        %swap3A_269 = tpu.vector_load %arg7[%swap3A_267, %swap3A_268] {strides = array<i32>} : memref<128x128xf32, #tpu.memory_space<vmem>>, vector<1x16xf32>,
        %swap3A_270 = vector.shape_cast %swap3A_269 : vector<1x16xf32> to vector<16xf32>
        %swap3A_271 = vector.shape_cast %get3A_265 : vector<16xf32> to vector<1x16xf32>
        tpu.vector_store %arg7[%swap3A_267, %swap3A_268], %swap3A_271 {strides = array<i32>} : memref<128x128xf32, #tpu.memory_space<vmem>>, vector<1x16xf32>,
        %get3A_272 = arith.index_cast %squeeze3A_211 : i32 to index
        %get3A_273 = arith.constant 96 : index
        %get3A_274 = tpu.vector_load %arg6[%get3A_272, %get3A_273] {strides = array<i32>} : memref<512x128xf32, #tpu.memory_space<vmem>>, vector<1x16xf32>,
        %get3A_275 = vector.shape_cast %get3A_274 : vector<1x16xf32> to vector<16xf32>
        %swap3A_276 = arith.constant 114 : i32
        %swap3A_277 = arith.index_cast %swap3A_276 : i32 to index
        %swap3A_278 = arith.constant 96 : index
        %swap3A_279 = tpu.vector_load %arg7[%swap3A_277, %swap3A_278] {strides = array<i32>} : memref<128x128xf32, #tpu.memory_space<vmem>>, vector<1x16xf32>,
        %swap3A_280 = vector.shape_cast %swap3A_279 : vector<1x16xf32> to vector<16xf32>
        %swap3A_281 = vector.shape_cast %get3A_275 : vector<16xf32> to vector<1x16xf32>
        tpu.vector_store %arg7[%swap3A_277, %swap3A_278], %swap3A_281 {strides = array<i32>} : memref<128x128xf32, #tpu.memory_space<vmem>>, vector<1x16xf32>,
        %get3A_282 = arith.index_cast %squeeze3A_211 : i32 to index
        %get3A_283 = arith.constant 112 : index
        %get3A_284 = tpu.vector_load %arg6[%get3A_282, %get3A_283] {strides = array<i32>} : memref<512x128xf32, #tpu.memory_space<vmem>>, vector<1x16xf32>,
        %get3A_285 = vector.shape_cast %get3A_284 : vector<1x16xf32> to vector<16xf32>
        %swap3A_286 = arith.constant 114 : i32
        %swap3A_287 = arith.index_cast %swap3A_286 : i32 to index
        %swap3A_288 = arith.constant 112 : index
        %swap3A_289 = tpu.vector_load %arg7[%swap3A_287, %swap3A_288] {strides = array<i32>} : memref<128x128xf32, #tpu.memory_space<vmem>>, vector<1x16xf32>,
        %swap3A_290 = vector.shape_cast %swap3A_289 : vector<1x16xf32> to vector<16xf32>
        %swap3A_291 = vector.shape_cast %get3A_285 : vector<16xf32> to vector<1x16xf32>
        tpu.vector_store %arg7[%swap3A_287, %swap3A_288], %swap3A_291 {strides = array<i32>} : memref<128x128xf32, #tpu.memory_space<vmem>>, vector<1x16xf32>,
        %slice3A_292 = vector.extract_strided_slice %get3A_128 {offsets = [3], sizes = [1], strides = [1]} : vector<16xi32> to vector<1xi32>
        %squeeze3A_293 = vector.extract %slice3A_292[0] : i32 from vector<1xi32>
        %get3A_294 = arith.index_cast %squeeze3A_293 : i32 to index
        %get3A_295 = arith.constant 0 : index
        %get3A_296 = tpu.vector_load %arg6[%get3A_294, %get3A_295] {strides = array<i32>} : memref<512x128xf32, #tpu.memory_space<vmem>>, vector<1x16xf32>,
        %get3A_297 = vector.shape_cast %get3A_296 : vector<1x16xf32> to vector<16xf32>
        %swap3A_298 = arith.constant 115 : i32
        %swap3A_299 = arith.index_cast %swap3A_298 : i32 to index
        %swap3A_300 = arith.constant 0 : index
        %swap3A_301 = tpu.vector_load %arg7[%swap3A_299, %swap3A_300] {strides = array<i32>} : memref<128x128xf32, #tpu.memory_space<vmem>>, vector<1x16xf32>,
        %swap3A_302 = vector.shape_cast %swap3A_301 : vector<1x16xf32> to vector<16xf32>
        %swap3A_303 = vector.shape_cast %get3A_297 : vector<16xf32> to vector<1x16xf32>
        tpu.vector_store %arg7[%swap3A_299, %swap3A_300], %swap3A_303 {strides = array<i32>} : memref<128x128xf32, #tpu.memory_space<vmem>>, vector<1x16xf32>,
        %get3A_304 = arith.index_cast %squeeze3A_293 : i32 to index
        %get3A_305 = arith.constant 16 : index
        %get3A_306 = tpu.vector_load %arg6[%get3A_304, %get3A_305] {strides = array<i32>} : memref<512x128xf32, #tpu.memory_space<vmem>>, vector<1x16xf32>,
        %get3A_307 = vector.shape_cast %get3A_306 : vector<1x16xf32> to vector<16xf32>
        %swap3A_308 = arith.constant 115 : i32
        %swap3A_309 = arith.index_cast %swap3A_308 : i32 to index
        %swap3A_310 = arith.constant 16 : index
        %swap3A_311 = tpu.vector_load %arg7[%swap3A_309, %swap3A_310] {strides = array<i32>} : memref<128x128xf32, #tpu.memory_space<vmem>>, vector<1x16xf32>,
        %swap3A_312 = vector.shape_cast %swap3A_311 : vector<1x16xf32> to vector<16xf32>
        %swap3A_313 = vector.shape_cast %get3A_307 : vector<16xf32> to vector<1x16xf32>
        tpu.vector_store %arg7[%swap3A_309, %swap3A_310], %swap3A_313 {strides = array<i32>} : memref<128x128xf32, #tpu.memory_space<vmem>>, vector<1x16xf32>,
        %get3A_314 = arith.index_cast %squeeze3A_293 : i32 to index
        %get3A_315 = arith.constant 32 : index
        %get3A_316 = tpu.vector_load %arg6[%get3A_314, %get3A_315] {strides = array<i32>} : memref<512x128xf32, #tpu.memory_space<vmem>>, vector<1x16xf32>,
        %get3A_317 = vector.shape_cast %get3A_316 : vector<1x16xf32> to vector<16xf32>
        %swap3A_318 = arith.constant 115 : i32
        %swap3A_319 = arith.index_cast %swap3A_318 : i32 to index
        %swap3A_320 = arith.constant 32 : index
        %swap3A_321 = tpu.vector_load %arg7[%swap3A_319, %swap3A_320] {strides = array<i32>} : memref<128x128xf32, #tpu.memory_space<vmem>>, vector<1x16xf32>,
        %swap3A_322 = vector.shape_cast %swap3A_321 : vector<1x16xf32> to vector<16xf32>
        %swap3A_323 = vector.shape_cast %get3A_317 : vector<16xf32> to vector<1x16xf32>
        tpu.vector_store %arg7[%swap3A_319, %swap3A_320], %swap3A_323 {strides = array<i32>} : memref<128x128xf32, #tpu.memory_space<vmem>>, vector<1x16xf32>,
        %get3A_324 = arith.index_cast %squeeze3A_293 : i32 to index
        %get3A_325 = arith.constant 48 : index
        %get3A_326 = tpu.vector_load %arg6[%get3A_324, %get3A_325] {strides = array<i32>} : memref<512x128xf32, #tpu.memory_space<vmem>>, vector<1x16xf32>,
        %get3A_327 = vector.shape_cast %get3A_326 : vector<1x16xf32> to vector<16xf32>
        %swap3A_328 = arith.constant 115 : i32
        %swap3A_329 = arith.index_cast %swap3A_328 : i32 to index
        %swap3A_330 = arith.constant 48 : index
        %swap3A_331 = tpu.vector_load %arg7[%swap3A_329, %swap3A_330] {strides = array<i32>} : memref<128x128xf32, #tpu.memory_space<vmem>>, vector<1x16xf32>,
        %swap3A_332 = vector.shape_cast %swap3A_331 : vector<1x16xf32> to vector<16xf32>
        %swap3A_333 = vector.shape_cast %get3A_327 : vector<16xf32> to vector<1x16xf32>
        tpu.vector_store %arg7[%swap3A_329, %swap3A_330], %swap3A_333 {strides = array<i32>} : memref<128x128xf32, #tpu.memory_space<vmem>>, vector<1x16xf32>,
        %get3A_334 = arith.index_cast %squeeze3A_293 : i32 to index
        %get3A_335 = arith.constant 64 : index
        %get3A_336 = tpu.vector_load %arg6[%get3A_334, %get3A_335] {strides = array<i32>} : memref<512x128xf32, #tpu.memory_space<vmem>>, vector<1x16xf32>,
        %get3A_337 = vector.shape_cast %get3A_336 : vector<1x16xf32> to vector<16xf32>
        %swap3A_338 = arith.constant 115 : i32
        %swap3A_339 = arith.index_cast %swap3A_338 : i32 to index
        %swap3A_340 = arith.constant 64 : index
        %swap3A_341 = tpu.vector_load %arg7[%swap3A_339, %swap3A_340] {strides = array<i32>} : memref<128x128xf32, #tpu.memory_space<vmem>>, vector<1x16xf32>,
        %swap3A_342 = vector.shape_cast %swap3A_341 : vector<1x16xf32> to vector<16xf32>
        %swap3A_343 = vector.shape_cast %get3A_337 : vector<16xf32> to vector<1x16xf32>
        tpu.vector_store %arg7[%swap3A_339, %swap3A_340], %swap3A_343 {strides = array<i32>} : memref<128x128xf32, #tpu.memory_space<vmem>>, vector<1x16xf32>,
        %get3A_344 = arith.index_cast %squeeze3A_293 : i32 to index
        %get3A_345 = arith.constant 80 : index
        %get3A_346 = tpu.vector_load %arg6[%get3A_344, %get3A_345] {strides = array<i32>} : memref<512x128xf32, #tpu.memory_space<vmem>>, vector<1x16xf32>,
        %get3A_347 = vector.shape_cast %get3A_346 : vector<1x16xf32> to vector<16xf32>
        %swap3A_348 = arith.constant 115 : i32
        %swap3A_349 = arith.index_cast %swap3A_348 : i32 to index
        %swap3A_350 = arith.constant 80 : index
        %swap3A_351 = tpu.vector_load %arg7[%swap3A_349, %swap3A_350] {strides = array<i32>} : memref<128x128xf32, #tpu.memory_space<vmem>>, vector<1x16xf32>,
        %swap3A_352 = vector.shape_cast %swap3A_351 : vector<1x16xf32> to vector<16xf32>
        %swap3A_353 = vector.shape_cast %get3A_347 : vector<16xf32> to vector<1x16xf32>
        tpu.vector_store %arg7[%swap3A_349, %swap3A_350], %swap3A_353 {strides = array<i32>} : memref<128x128xf32, #tpu.memory_space<vmem>>, vector<1x16xf32>,
        %get3A_354 = arith.index_cast %squeeze3A_293 : i32 to index
        %get3A_355 = arith.constant 96 : index
        %get3A_356 = tpu.vector_load %arg6[%get3A_354, %get3A_355] {strides = array<i32>} : memref<512x128xf32, #tpu.memory_space<vmem>>, vector<1x16xf32>,
        %get3A_357 = vector.shape_cast %get3A_356 : vector<1x16xf32> to vector<16xf32>
        %swap3A_358 = arith.constant 115 : i32
        %swap3A_359 = arith.index_cast %swap3A_358 : i32 to index
        %swap3A_360 = arith.constant 96 : index
        %swap3A_361 = tpu.vector_load %arg7[%swap3A_359, %swap3A_360] {strides = array<i32>} : memref<128x128xf32, #tpu.memory_space<vmem>>, vector<1x16xf32>,
        %swap3A_362 = vector.shape_cast %swap3A_361 : vector<1x16xf32> to vector<16xf32>
        %swap3A_363 = vector.shape_cast %get3A_357 : vector<16xf32> to vector<1x16xf32>
        tpu.vector_store %arg7[%swap3A_359, %swap3A_360], %swap3A_363 {strides = array<i32>} : memref<128x128xf32, #tpu.memory_space<vmem>>, vector<1x16xf32>,
        %get3A_364 = arith.index_cast %squeeze3A_293 : i32 to index
        %get3A_365 = arith.constant 112 : index
        %get3A_366 = tpu.vector_load %arg6[%get3A_364, %get3A_365] {strides = array<i32>} : memref<512x128xf32, #tpu.memory_space<vmem>>, vector<1x16xf32>,
        %get3A_367 = vector.shape_cast %get3A_366 : vector<1x16xf32> to vector<16xf32>
        %swap3A_368 = arith.constant 115 : i32
        %swap3A_369 = arith.index_cast %swap3A_368 : i32 to index
        %swap3A_370 = arith.constant 112 : index
        %swap3A_371 = tpu.vector_load %arg7[%swap3A_369, %swap3A_370] {strides = array<i32>} : memref<128x128xf32, #tpu.memory_space<vmem>>, vector<1x16xf32>,
        %swap3A_372 = vector.shape_cast %swap3A_371 : vector<1x16xf32> to vector<16xf32>
        %swap3A_373 = vector.shape_cast %get3A_367 : vector<16xf32> to vector<1x16xf32>
        tpu.vector_store %arg7[%swap3A_369, %swap3A_370], %swap3A_373 {strides = array<i32>} : memref<128x128xf32, #tpu.memory_space<vmem>>, vector<1x16xf32>,
        %slice3A_374 = vector.extract_strided_slice %get3A_128 {offsets = [4], sizes = [1], strides = [1]} : vector<16xi32> to vector<1xi32>
        %squeeze3A_375 = vector.extract %slice3A_374[0] : i32 from vector<1xi32>
        %get3A_376 = arith.index_cast %squeeze3A_375 : i32 to index
        %get3A_377 = arith.constant 0 : index
        %get3A_378 = tpu.vector_load %arg6[%get3A_376, %get3A_377] {strides = array<i32>} : memref<512x128xf32, #tpu.memory_space<vmem>>, vector<1x16xf32>,
        %get3A_379 = vector.shape_cast %get3A_378 : vector<1x16xf32> to vector<16xf32>
        %swap3A_380 = arith.constant 116 : i32
        %swap3A_381 = arith.index_cast %swap3A_380 : i32 to index
        %swap3A_382 = arith.constant 0 : index
        %swap3A_383 = tpu.vector_load %arg7[%swap3A_381, %swap3A_382] {strides = array<i32>} : memref<128x128xf32, #tpu.memory_space<vmem>>, vector<1x16xf32>,
        %swap3A_384 = vector.shape_cast %swap3A_383 : vector<1x16xf32> to vector<16xf32>
        %swap3A_385 = vector.shape_cast %get3A_379 : vector<16xf32> to vector<1x16xf32>
        tpu.vector_store %arg7[%swap3A_381, %swap3A_382], %swap3A_385 {strides = array<i32>} : memref<128x128xf32, #tpu.memory_space<vmem>>, vector<1x16xf32>,
        %get3A_386 = arith.index_cast %squeeze3A_375 : i32 to index
        %get3A_387 = arith.constant 16 : index
        %get3A_388 = tpu.vector_load %arg6[%get3A_386, %get3A_387] {strides = array<i32>} : memref<512x128xf32, #tpu.memory_space<vmem>>, vector<1x16xf32>,
        %get3A_389 = vector.shape_cast %get3A_388 : vector<1x16xf32> to vector<16xf32>
        %swap3A_390 = arith.constant 116 : i32
        %swap3A_391 = arith.index_cast %swap3A_390 : i32 to index
        %swap3A_392 = arith.constant 16 : index
        %swap3A_393 = tpu.vector_load %arg7[%swap3A_391, %swap3A_392] {strides = array<i32>} : memref<128x128xf32, #tpu.memory_space<vmem>>, vector<1x16xf32>,
        %swap3A_394 = vector.shape_cast %swap3A_393 : vector<1x16xf32> to vector<16xf32>
        %swap3A_395 = vector.shape_cast %get3A_389 : vector<16xf32> to vector<1x16xf32>
        tpu.vector_store %arg7[%swap3A_391, %swap3A_392], %swap3A_395 {strides = array<i32>} : memref<128x128xf32, #tpu.memory_space<vmem>>, vector<1x16xf32>,
        %get3A_396 = arith.index_cast %squeeze3A_375 : i32 to index
        %get3A_397 = arith.constant 32 : index
        %get3A_398 = tpu.vector_load %arg6[%get3A_396, %get3A_397] {strides = array<i32>} : memref<512x128xf32, #tpu.memory_space<vmem>>, vector<1x16xf32>,
        %get3A_399 = vector.shape_cast %get3A_398 : vector<1x16xf32> to vector<16xf32>
        %swap3A_400 = arith.constant 116 : i32
        %swap3A_401 = arith.index_cast %swap3A_400 : i32 to index
        %swap3A_402 = arith.constant 32 : index
        %swap3A_403 = tpu.vector_load %arg7[%swap3A_401, %swap3A_402] {strides = array<i32>} : memref<128x128xf32, #tpu.memory_space<vmem>>, vector<1x16xf32>,
        %swap3A_404 = vector.shape_cast %swap3A_403 : vector<1x16xf32> to vector<16xf32>
        %swap3A_405 = vector.shape_cast %get3A_399 : vector<16xf32> to vector<1x16xf32>
        tpu.vector_store %arg7[%swap3A_401, %swap3A_402], %swap3A_405 {strides = array<i32>} : memref<128x128xf32, #tpu.memory_space<vmem>>, vector<1x16xf32>,
        %get3A_406 = arith.index_cast %squeeze3A_375 : i32 to index
        %get3A_407 = arith.constant 48 : index
        %get3A_408 = tpu.vector_load %arg6[%get3A_406, %get3A_407] {strides = array<i32>} : memref<512x128xf32, #tpu.memory_space<vmem>>, vector<1x16xf32>,
        %get3A_409 = vector.shape_cast %get3A_408 : vector<1x16xf32> to vector<16xf32>
        %swap3A_410 = arith.constant 116 : i32
        %swap3A_411 = arith.index_cast %swap3A_410 : i32 to index
        %swap3A_412 = arith.constant 48 : index
        %swap3A_413 = tpu.vector_load %arg7[%swap3A_411, %swap3A_412] {strides = array<i32>} : memref<128x128xf32, #tpu.memory_space<vmem>>, vector<1x16xf32>,
        %swap3A_414 = vector.shape_cast %swap3A_413 : vector<1x16xf32> to vector<16xf32>
        %swap3A_415 = vector.shape_cast %get3A_409 : vector<16xf32> to vector<1x16xf32>
        tpu.vector_store %arg7[%swap3A_411, %swap3A_412], %swap3A_415 {strides = array<i32>} : memref<128x128xf32, #tpu.memory_space<vmem>>, vector<1x16xf32>,
        %get3A_416 = arith.index_cast %squeeze3A_375 : i32 to index
        %get3A_417 = arith.constant 64 : index
        %get3A_418 = tpu.vector_load %arg6[%get3A_416, %get3A_417] {strides = array<i32>} : memref<512x128xf32, #tpu.memory_space<vmem>>, vector<1x16xf32>,
        %get3A_419 = vector.shape_cast %get3A_418 : vector<1x16xf32> to vector<16xf32>
        %swap3A_420 = arith.constant 116 : i32
        %swap3A_421 = arith.index_cast %swap3A_420 : i32 to index
        %swap3A_422 = arith.constant 64 : index
        %swap3A_423 = tpu.vector_load %arg7[%swap3A_421, %swap3A_422] {strides = array<i32>} : memref<128x128xf32, #tpu.memory_space<vmem>>, vector<1x16xf32>,
        %swap3A_424 = vector.shape_cast %swap3A_423 : vector<1x16xf32> to vector<16xf32>
        %swap3A_425 = vector.shape_cast %get3A_419 : vector<16xf32> to vector<1x16xf32>
        tpu.vector_store %arg7[%swap3A_421, %swap3A_422], %swap3A_425 {strides = array<i32>} : memref<128x128xf32, #tpu.memory_space<vmem>>, vector<1x16xf32>,
        %get3A_426 = arith.index_cast %squeeze3A_375 : i32 to index
        %get3A_427 = arith.constant 80 : index
        %get3A_428 = tpu.vector_load %arg6[%get3A_426, %get3A_427] {strides = array<i32>} : memref<512x128xf32, #tpu.memory_space<vmem>>, vector<1x16xf32>,
        %get3A_429 = vector.shape_cast %get3A_428 : vector<1x16xf32> to vector<16xf32>
        %swap3A_430 = arith.constant 116 : i32
        %swap3A_431 = arith.index_cast %swap3A_430 : i32 to index
        %swap3A_432 = arith.constant 80 : index
        %swap3A_433 = tpu.vector_load %arg7[%swap3A_431, %swap3A_432] {strides = array<i32>} : memref<128x128xf32, #tpu.memory_space<vmem>>, vector<1x16xf32>,
        %swap3A_434 = vector.shape_cast %swap3A_433 : vector<1x16xf32> to vector<16xf32>
        %swap3A_435 = vector.shape_cast %get3A_429 : vector<16xf32> to vector<1x16xf32>
        tpu.vector_store %arg7[%swap3A_431, %swap3A_432], %swap3A_435 {strides = array<i32>} : memref<128x128xf32, #tpu.memory_space<vmem>>, vector<1x16xf32>,
        %get3A_436 = arith.index_cast %squeeze3A_375 : i32 to index
        %get3A_437 = arith.constant 96 : index
        %get3A_438 = tpu.vector_load %arg6[%get3A_436, %get3A_437] {strides = array<i32>} : memref<512x128xf32, #tpu.memory_space<vmem>>, vector<1x16xf32>,
        %get3A_439 = vector.shape_cast %get3A_438 : vector<1x16xf32> to vector<16xf32>
        %swap3A_440 = arith.constant 116 : i32
        %swap3A_441 = arith.index_cast %swap3A_440 : i32 to index
        %swap3A_442 = arith.constant 96 : index
        %swap3A_443 = tpu.vector_load %arg7[%swap3A_441, %swap3A_442] {strides = array<i32>} : memref<128x128xf32, #tpu.memory_space<vmem>>, vector<1x16xf32>,
        %swap3A_444 = vector.shape_cast %swap3A_443 : vector<1x16xf32> to vector<16xf32>
        %swap3A_445 = vector.shape_cast %get3A_439 : vector<16xf32> to vector<1x16xf32>
        tpu.vector_store %arg7[%swap3A_441, %swap3A_442], %swap3A_445 {strides = array<i32>} : memref<128x128xf32, #tpu.memory_space<vmem>>, vector<1x16xf32>,
        %get3A_446 = arith.index_cast %squeeze3A_375 : i32 to index
        %get3A_447 = arith.constant 112 : index
        %get3A_448 = tpu.vector_load %arg6[%get3A_446, %get3A_447] {strides = array<i32>} : memref<512x128xf32, #tpu.memory_space<vmem>>, vector<1x16xf32>,
        %get3A_449 = vector.shape_cast %get3A_448 : vector<1x16xf32> to vector<16xf32>
        %swap3A_450 = arith.constant 116 : i32
        %swap3A_451 = arith.index_cast %swap3A_450 : i32 to index
        %swap3A_452 = arith.constant 112 : index
        %swap3A_453 = tpu.vector_load %arg7[%swap3A_451, %swap3A_452] {strides = array<i32>} : memref<128x128xf32, #tpu.memory_space<vmem>>, vector<1x16xf32>,
        %swap3A_454 = vector.shape_cast %swap3A_453 : vector<1x16xf32> to vector<16xf32>
        %swap3A_455 = vector.shape_cast %get3A_449 : vector<16xf32> to vector<1x16xf32>
        tpu.vector_store %arg7[%swap3A_451, %swap3A_452], %swap3A_455 {strides = array<i32>} : memref<128x128xf32, #tpu.memory_space<vmem>>, vector<1x16xf32>,
        %slice3A_456 = vector.extract_strided_slice %get3A_128 {offsets = [5], sizes = [1], strides = [1]} : vector<16xi32> to vector<1xi32>
        %squeeze3A_457 = vector.extract %slice3A_456[0] : i32 from vector<1xi32>
        %get3A_458 = arith.index_cast %squeeze3A_457 : i32 to index
        %get3A_459 = arith.constant 0 : index
        %get3A_460 = tpu.vector_load %arg6[%get3A_458, %get3A_459] {strides = array<i32>} : memref<512x128xf32, #tpu.memory_space<vmem>>, vector<1x16xf32>,
        %get3A_461 = vector.shape_cast %get3A_460 : vector<1x16xf32> to vector<16xf32>
        %swap3A_462 = arith.constant 117 : i32
        %swap3A_463 = arith.index_cast %swap3A_462 : i32 to index
        %swap3A_464 = arith.constant 0 : index
        %swap3A_465 = tpu.vector_load %arg7[%swap3A_463, %swap3A_464] {strides = array<i32>} : memref<128x128xf32, #tpu.memory_space<vmem>>, vector<1x16xf32>,
        %swap3A_466 = vector.shape_cast %swap3A_465 : vector<1x16xf32> to vector<16xf32>
        %swap3A_467 = vector.shape_cast %get3A_461 : vector<16xf32> to vector<1x16xf32>
        tpu.vector_store %arg7[%swap3A_463, %swap3A_464], %swap3A_467 {strides = array<i32>} : memref<128x128xf32, #tpu.memory_space<vmem>>, vector<1x16xf32>,
        %get3A_468 = arith.index_cast %squeeze3A_457 : i32 to index
        %get3A_469 = arith.constant 16 : index
        %get3A_470 = tpu.vector_load %arg6[%get3A_468, %get3A_469] {strides = array<i32>} : memref<512x128xf32, #tpu.memory_space<vmem>>, vector<1x16xf32>,
        %get3A_471 = vector.shape_cast %get3A_470 : vector<1x16xf32> to vector<16xf32>
        %swap3A_472 = arith.constant 117 : i32
        %swap3A_473 = arith.index_cast %swap3A_472 : i32 to index
        %swap3A_474 = arith.constant 16 : index
        %swap3A_475 = tpu.vector_load %arg7[%swap3A_473, %swap3A_474] {strides = array<i32>} : memref<128x128xf32, #tpu.memory_space<vmem>>, vector<1x16xf32>,
        %swap3A_476 = vector.shape_cast %swap3A_475 : vector<1x16xf32> to vector<16xf32>
        %swap3A_477 = vector.shape_cast %get3A_471 : vector<16xf32> to vector<1x16xf32>
        tpu.vector_store %arg7[%swap3A_473, %swap3A_474], %swap3A_477 {strides = array<i32>} : memref<128x128xf32, #tpu.memory_space<vmem>>, vector<1x16xf32>,
        %get3A_478 = arith.index_cast %squeeze3A_457 : i32 to index
        %get3A_479 = arith.constant 32 : index
        %get3A_480 = tpu.vector_load %arg6[%get3A_478, %get3A_479] {strides = array<i32>} : memref<512x128xf32, #tpu.memory_space<vmem>>, vector<1x16xf32>,
        %get3A_481 = vector.shape_cast %get3A_480 : vector<1x16xf32> to vector<16xf32>
        %swap3A_482 = arith.constant 117 : i32
        %swap3A_483 = arith.index_cast %swap3A_482 : i32 to index
        %swap3A_484 = arith.constant 32 : index
        %swap3A_485 = tpu.vector_load %arg7[%swap3A_483, %swap3A_484] {strides = array<i32>} : memref<128x128xf32, #tpu.memory_space<vmem>>, vector<1x16xf32>,
        %swap3A_486 = vector.shape_cast %swap3A_485 : vector<1x16xf32> to vector<16xf32>
        %swap3A_487 = vector.shape_cast %get3A_481 : vector<16xf32> to vector<1x16xf32>
        tpu.vector_store %arg7[%swap3A_483, %swap3A_484], %swap3A_487 {strides = array<i32>} : memref<128x128xf32, #tpu.memory_space<vmem>>, vector<1x16xf32>,
        %get3A_488 = arith.index_cast %squeeze3A_457 : i32 to index
        %get3A_489 = arith.constant 48 : index
        %get3A_490 = tpu.vector_load %arg6[%get3A_488, %get3A_489] {strides = array<i32>} : memref<512x128xf32, #tpu.memory_space<vmem>>, vector<1x16xf32>,
        %get3A_491 = vector.shape_cast %get3A_490 : vector<1x16xf32> to vector<16xf32>
        %swap3A_492 = arith.constant 117 : i32
        %swap3A_493 = arith.index_cast %swap3A_492 : i32 to index
        %swap3A_494 = arith.constant 48 : index
        %swap3A_495 = tpu.vector_load %arg7[%swap3A_493, %swap3A_494] {strides = array<i32>} : memref<128x128xf32, #tpu.memory_space<vmem>>, vector<1x16xf32>,
        %swap3A_496 = vector.shape_cast %swap3A_495 : vector<1x16xf32> to vector<16xf32>
        %swap3A_497 = vector.shape_cast %get3A_491 : vector<16xf32> to vector<1x16xf32>
        tpu.vector_store %arg7[%swap3A_493, %swap3A_494], %swap3A_497 {strides = array<i32>} : memref<128x128xf32, #tpu.memory_space<vmem>>, vector<1x16xf32>,
        %get3A_498 = arith.index_cast %squeeze3A_457 : i32 to index
        %get3A_499 = arith.constant 64 : index
        %get3A_500 = tpu.vector_load %arg6[%get3A_498, %get3A_499] {strides = array<i32>} : memref<512x128xf32, #tpu.memory_space<vmem>>, vector<1x16xf32>,
        %get3A_501 = vector.shape_cast %get3A_500 : vector<1x16xf32> to vector<16xf32>
        %swap3A_502 = arith.constant 117 : i32
        %swap3A_503 = arith.index_cast %swap3A_502 : i32 to index
        %swap3A_504 = arith.constant 64 : index
        %swap3A_505 = tpu.vector_load %arg7[%swap3A_503, %swap3A_504] {strides = array<i32>} : memref<128x128xf32, #tpu.memory_space<vmem>>, vector<1x16xf32>,
        %swap3A_506 = vector.shape_cast %swap3A_505 : vector<1x16xf32> to vector<16xf32>
        %swap3A_507 = vector.shape_cast %get3A_501 : vector<16xf32> to vector<1x16xf32>
        tpu.vector_store %arg7[%swap3A_503, %swap3A_504], %swap3A_507 {strides = array<i32>} : memref<128x128xf32, #tpu.memory_space<vmem>>, vector<1x16xf32>,
        %get3A_508 = arith.index_cast %squeeze3A_457 : i32 to index
        %get3A_509 = arith.constant 80 : index
        %get3A_510 = tpu.vector_load %arg6[%get3A_508, %get3A_509] {strides = array<i32>} : memref<512x128xf32, #tpu.memory_space<vmem>>, vector<1x16xf32>,
        %get3A_511 = vector.shape_cast %get3A_510 : vector<1x16xf32> to vector<16xf32>
        %swap3A_512 = arith.constant 117 : i32
        %swap3A_513 = arith.index_cast %swap3A_512 : i32 to index
        %swap3A_514 = arith.constant 80 : index
        %swap3A_515 = tpu.vector_load %arg7[%swap3A_513, %swap3A_514] {strides = array<i32>} : memref<128x128xf32, #tpu.memory_space<vmem>>, vector<1x16xf32>,
        %swap3A_516 = vector.shape_cast %swap3A_515 : vector<1x16xf32> to vector<16xf32>
        %swap3A_517 = vector.shape_cast %get3A_511 : vector<16xf32> to vector<1x16xf32>
        tpu.vector_store %arg7[%swap3A_513, %swap3A_514], %swap3A_517 {strides = array<i32>} : memref<128x128xf32, #tpu.memory_space<vmem>>, vector<1x16xf32>,
        %get3A_518 = arith.index_cast %squeeze3A_457 : i32 to index
        %get3A_519 = arith.constant 96 : index
        %get3A_520 = tpu.vector_load %arg6[%get3A_518, %get3A_519] {strides = array<i32>} : memref<512x128xf32, #tpu.memory_space<vmem>>, vector<1x16xf32>,
        %get3A_521 = vector.shape_cast %get3A_520 : vector<1x16xf32> to vector<16xf32>
        %swap3A_522 = arith.constant 117 : i32
        %swap3A_523 = arith.index_cast %swap3A_522 : i32 to index
        %swap3A_524 = arith.constant 96 : index
        %swap3A_525 = tpu.vector_load %arg7[%swap3A_523, %swap3A_524] {strides = array<i32>} : memref<128x128xf32, #tpu.memory_space<vmem>>, vector<1x16xf32>,
        %swap3A_526 = vector.shape_cast %swap3A_525 : vector<1x16xf32> to vector<16xf32>
        %swap3A_527 = vector.shape_cast %get3A_521 : vector<16xf32> to vector<1x16xf32>
        tpu.vector_store %arg7[%swap3A_523, %swap3A_524], %swap3A_527 {strides = array<i32>} : memref<128x128xf32, #tpu.memory_space<vmem>>, vector<1x16xf32>,
        %get3A_528 = arith.index_cast %squeeze3A_457 : i32 to index
        %get3A_529 = arith.constant 112 : index
        %get3A_530 = tpu.vector_load %arg6[%get3A_528, %get3A_529] {strides = array<i32>} : memref<512x128xf32, #tpu.memory_space<vmem>>, vector<1x16xf32>,
        %get3A_531 = vector.shape_cast %get3A_530 : vector<1x16xf32> to vector<16xf32>
        %swap3A_532 = arith.constant 117 : i32
        %swap3A_533 = arith.index_cast %swap3A_532 : i32 to index
        %swap3A_534 = arith.constant 112 : index
        %swap3A_535 = tpu.vector_load %arg7[%swap3A_533, %swap3A_534] {strides = array<i32>} : memref<128x128xf32, #tpu.memory_space<vmem>>, vector<1x16xf32>,
        %swap3A_536 = vector.shape_cast %swap3A_535 : vector<1x16xf32> to vector<16xf32>
        %swap3A_537 = vector.shape_cast %get3A_531 : vector<16xf32> to vector<1x16xf32>
        tpu.vector_store %arg7[%swap3A_533, %swap3A_534], %swap3A_537 {strides = array<i32>} : memref<128x128xf32, #tpu.memory_space<vmem>>, vector<1x16xf32>,
        %slice3A_538 = vector.extract_strided_slice %get3A_128 {offsets = [6], sizes = [1], strides = [1]} : vector<16xi32> to vector<1xi32>
        %squeeze3A_539 = vector.extract %slice3A_538[0] : i32 from vector<1xi32>
        %get3A_540 = arith.index_cast %squeeze3A_539 : i32 to index
        %get3A_541 = arith.constant 0 : index
        %get3A_542 = tpu.vector_load %arg6[%get3A_540, %get3A_541] {strides = array<i32>} : memref<512x128xf32, #tpu.memory_space<vmem>>, vector<1x16xf32>,
        %get3A_543 = vector.shape_cast %get3A_542 : vector<1x16xf32> to vector<16xf32>
        %swap3A_544 = arith.constant 118 : i32
        %swap3A_545 = arith.index_cast %swap3A_544 : i32 to index
        %swap3A_546 = arith.constant 0 : index
        %swap3A_547 = tpu.vector_load %arg7[%swap3A_545, %swap3A_546] {strides = array<i32>} : memref<128x128xf32, #tpu.memory_space<vmem>>, vector<1x16xf32>,
        %swap3A_548 = vector.shape_cast %swap3A_547 : vector<1x16xf32> to vector<16xf32>
        %swap3A_549 = vector.shape_cast %get3A_543 : vector<16xf32> to vector<1x16xf32>
        tpu.vector_store %arg7[%swap3A_545, %swap3A_546], %swap3A_549 {strides = array<i32>} : memref<128x128xf32, #tpu.memory_space<vmem>>, vector<1x16xf32>,
        %get3A_550 = arith.index_cast %squeeze3A_539 : i32 to index
        %get3A_551 = arith.constant 16 : index
        %get3A_552 = tpu.vector_load %arg6[%get3A_550, %get3A_551] {strides = array<i32>} : memref<512x128xf32, #tpu.memory_space<vmem>>, vector<1x16xf32>,
        %get3A_553 = vector.shape_cast %get3A_552 : vector<1x16xf32> to vector<16xf32>
        %swap3A_554 = arith.constant 118 : i32
        %swap3A_555 = arith.index_cast %swap3A_554 : i32 to index
        %swap3A_556 = arith.constant 16 : index
        %swap3A_557 = tpu.vector_load %arg7[%swap3A_555, %swap3A_556] {strides = array<i32>} : memref<128x128xf32, #tpu.memory_space<vmem>>, vector<1x16xf32>,
        %swap3A_558 = vector.shape_cast %swap3A_557 : vector<1x16xf32> to vector<16xf32>
        %swap3A_559 = vector.shape_cast %get3A_553 : vector<16xf32> to vector<1x16xf32>
        tpu.vector_store %arg7[%swap3A_555, %swap3A_556], %swap3A_559 {strides = array<i32>} : memref<128x128xf32, #tpu.memory_space<vmem>>, vector<1x16xf32>,
        %get3A_560 = arith.index_cast %squeeze3A_539 : i32 to index
        %get3A_561 = arith.constant 32 : index
        %get3A_562 = tpu.vector_load %arg6[%get3A_560, %get3A_561] {strides = array<i32>} : memref<512x128xf32, #tpu.memory_space<vmem>>, vector<1x16xf32>,
        %get3A_563 = vector.shape_cast %get3A_562 : vector<1x16xf32> to vector<16xf32>
        %swap3A_564 = arith.constant 118 : i32
        %swap3A_565 = arith.index_cast %swap3A_564 : i32 to index
        %swap3A_566 = arith.constant 32 : index
        %swap3A_567 = tpu.vector_load %arg7[%swap3A_565, %swap3A_566] {strides = array<i32>} : memref<128x128xf32, #tpu.memory_space<vmem>>, vector<1x16xf32>,
        %swap3A_568 = vector.shape_cast %swap3A_567 : vector<1x16xf32> to vector<16xf32>
        %swap3A_569 = vector.shape_cast %get3A_563 : vector<16xf32> to vector<1x16xf32>
        tpu.vector_store %arg7[%swap3A_565, %swap3A_566], %swap3A_569 {strides = array<i32>} : memref<128x128xf32, #tpu.memory_space<vmem>>, vector<1x16xf32>,
        %get3A_570 = arith.index_cast %squeeze3A_539 : i32 to index
        %get3A_571 = arith.constant 48 : index
        %get3A_572 = tpu.vector_load %arg6[%get3A_570, %get3A_571] {strides = array<i32>} : memref<512x128xf32, #tpu.memory_space<vmem>>, vector<1x16xf32>,
        %get3A_573 = vector.shape_cast %get3A_572 : vector<1x16xf32> to vector<16xf32>
        %swap3A_574 = arith.constant 118 : i32
        %swap3A_575 = arith.index_cast %swap3A_574 : i32 to index
        %swap3A_576 = arith.constant 48 : index
        %swap3A_577 = tpu.vector_load %arg7[%swap3A_575, %swap3A_576] {strides = array<i32>} : memref<128x128xf32, #tpu.memory_space<vmem>>, vector<1x16xf32>,
        %swap3A_578 = vector.shape_cast %swap3A_577 : vector<1x16xf32> to vector<16xf32>
        %swap3A_579 = vector.shape_cast %get3A_573 : vector<16xf32> to vector<1x16xf32>
        tpu.vector_store %arg7[%swap3A_575, %swap3A_576], %swap3A_579 {strides = array<i32>} : memref<128x128xf32, #tpu.memory_space<vmem>>, vector<1x16xf32>,
        %get3A_580 = arith.index_cast %squeeze3A_539 : i32 to index
        %get3A_581 = arith.constant 64 : index
        %get3A_582 = tpu.vector_load %arg6[%get3A_580, %get3A_581] {strides = array<i32>} : memref<512x128xf32, #tpu.memory_space<vmem>>, vector<1x16xf32>,
        %get3A_583 = vector.shape_cast %get3A_582 : vector<1x16xf32> to vector<16xf32>
        %swap3A_584 = arith.constant 118 : i32
        %swap3A_585 = arith.index_cast %swap3A_584 : i32 to index
        %swap3A_586 = arith.constant 64 : index
        %swap3A_587 = tpu.vector_load %arg7[%swap3A_585, %swap3A_586] {strides = array<i32>} : memref<128x128xf32, #tpu.memory_space<vmem>>, vector<1x16xf32>,
        %swap3A_588 = vector.shape_cast %swap3A_587 : vector<1x16xf32> to vector<16xf32>
        %swap3A_589 = vector.shape_cast %get3A_583 : vector<16xf32> to vector<1x16xf32>
        tpu.vector_store %arg7[%swap3A_585, %swap3A_586], %swap3A_589 {strides = array<i32>} : memref<128x128xf32, #tpu.memory_space<vmem>>, vector<1x16xf32>,
        %get3A_590 = arith.index_cast %squeeze3A_539 : i32 to index
        %get3A_591 = arith.constant 80 : index
        %get3A_592 = tpu.vector_load %arg6[%get3A_590, %get3A_591] {strides = array<i32>} : memref<512x128xf32, #tpu.memory_space<vmem>>, vector<1x16xf32>,
        %get3A_593 = vector.shape_cast %get3A_592 : vector<1x16xf32> to vector<16xf32>
        %swap3A_594 = arith.constant 118 : i32
        %swap3A_595 = arith.index_cast %swap3A_594 : i32 to index
        %swap3A_596 = arith.constant 80 : index
        %swap3A_597 = tpu.vector_load %arg7[%swap3A_595, %swap3A_596] {strides = array<i32>} : memref<128x128xf32, #tpu.memory_space<vmem>>, vector<1x16xf32>,
        %swap3A_598 = vector.shape_cast %swap3A_597 : vector<1x16xf32> to vector<16xf32>
        %swap3A_599 = vector.shape_cast %get3A_593 : vector<16xf32> to vector<1x16xf32>
        tpu.vector_store %arg7[%swap3A_595, %swap3A_596], %swap3A_599 {strides = array<i32>} : memref<128x128xf32, #tpu.memory_space<vmem>>, vector<1x16xf32>,
        %get3A_600 = arith.index_cast %squeeze3A_539 : i32 to index
        %get3A_601 = arith.constant 96 : index
        %get3A_602 = tpu.vector_load %arg6[%get3A_600, %get3A_601] {strides = array<i32>} : memref<512x128xf32, #tpu.memory_space<vmem>>, vector<1x16xf32>,
        %get3A_603 = vector.shape_cast %get3A_602 : vector<1x16xf32> to vector<16xf32>
        %swap3A_604 = arith.constant 118 : i32
        %swap3A_605 = arith.index_cast %swap3A_604 : i32 to index
        %swap3A_606 = arith.constant 96 : index
        %swap3A_607 = tpu.vector_load %arg7[%swap3A_605, %swap3A_606] {strides = array<i32>} : memref<128x128xf32, #tpu.memory_space<vmem>>, vector<1x16xf32>,
        %swap3A_608 = vector.shape_cast %swap3A_607 : vector<1x16xf32> to vector<16xf32>
        %swap3A_609 = vector.shape_cast %get3A_603 : vector<16xf32> to vector<1x16xf32>
        tpu.vector_store %arg7[%swap3A_605, %swap3A_606], %swap3A_609 {strides = array<i32>} : memref<128x128xf32, #tpu.memory_space<vmem>>, vector<1x16xf32>,
        %get3A_610 = arith.index_cast %squeeze3A_539 : i32 to index
        %get3A_611 = arith.constant 112 : index
        %get3A_612 = tpu.vector_load %arg6[%get3A_610, %get3A_611] {strides = array<i32>} : memref<512x128xf32, #tpu.memory_space<vmem>>, vector<1x16xf32>,
        %get3A_613 = vector.shape_cast %get3A_612 : vector<1x16xf32> to vector<16xf32>
        %swap3A_614 = arith.constant 118 : i32
        %swap3A_615 = arith.index_cast %swap3A_614 : i32 to index
        %swap3A_616 = arith.constant 112 : index
        %swap3A_617 = tpu.vector_load %arg7[%swap3A_615, %swap3A_616] {strides = array<i32>} : memref<128x128xf32, #tpu.memory_space<vmem>>, vector<1x16xf32>,
        %swap3A_618 = vector.shape_cast %swap3A_617 : vector<1x16xf32> to vector<16xf32>
        %swap3A_619 = vector.shape_cast %get3A_613 : vector<16xf32> to vector<1x16xf32>
        tpu.vector_store %arg7[%swap3A_615, %swap3A_616], %swap3A_619 {strides = array<i32>} : memref<128x128xf32, #tpu.memory_space<vmem>>, vector<1x16xf32>,
        %slice3A_620 = vector.extract_strided_slice %get3A_128 {offsets = [7], sizes = [1], strides = [1]} : vector<16xi32> to vector<1xi32>
        %squeeze3A_621 = vector.extract %slice3A_620[0] : i32 from vector<1xi32>
        %get3A_622 = arith.index_cast %squeeze3A_621 : i32 to index
        %get3A_623 = arith.constant 0 : index
        %get3A_624 = tpu.vector_load %arg6[%get3A_622, %get3A_623] {strides = array<i32>} : memref<512x128xf32, #tpu.memory_space<vmem>>, vector<1x16xf32>,
        %get3A_625 = vector.shape_cast %get3A_624 : vector<1x16xf32> to vector<16xf32>
        %swap3A_626 = arith.constant 119 : i32
        %swap3A_627 = arith.index_cast %swap3A_626 : i32 to index
        %swap3A_628 = arith.constant 0 : index
        %swap3A_629 = tpu.vector_load %arg7[%swap3A_627, %swap3A_628] {strides = array<i32>} : memref<128x128xf32, #tpu.memory_space<vmem>>, vector<1x16xf32>,
        %swap3A_630 = vector.shape_cast %swap3A_629 : vector<1x16xf32> to vector<16xf32>
        %swap3A_631 = vector.shape_cast %get3A_625 : vector<16xf32> to vector<1x16xf32>
        tpu.vector_store %arg7[%swap3A_627, %swap3A_628], %swap3A_631 {strides = array<i32>} : memref<128x128xf32, #tpu.memory_space<vmem>>, vector<1x16xf32>,
        %get3A_632 = arith.index_cast %squeeze3A_621 : i32 to index
        %get3A_633 = arith.constant 16 : index
        %get3A_634 = tpu.vector_load %arg6[%get3A_632, %get3A_633] {strides = array<i32>} : memref<512x128xf32, #tpu.memory_space<vmem>>, vector<1x16xf32>,
        %get3A_635 = vector.shape_cast %get3A_634 : vector<1x16xf32> to vector<16xf32>
        %swap3A_636 = arith.constant 119 : i32
        %swap3A_637 = arith.index_cast %swap3A_636 : i32 to index
        %swap3A_638 = arith.constant 16 : index
        %swap3A_639 = tpu.vector_load %arg7[%swap3A_637, %swap3A_638] {strides = array<i32>} : memref<128x128xf32, #tpu.memory_space<vmem>>, vector<1x16xf32>,
        %swap3A_640 = vector.shape_cast %swap3A_639 : vector<1x16xf32> to vector<16xf32>
        %swap3A_641 = vector.shape_cast %get3A_635 : vector<16xf32> to vector<1x16xf32>
        tpu.vector_store %arg7[%swap3A_637, %swap3A_638], %swap3A_641 {strides = array<i32>} : memref<128x128xf32, #tpu.memory_space<vmem>>, vector<1x16xf32>,
        %get3A_642 = arith.index_cast %squeeze3A_621 : i32 to index
        %get3A_643 = arith.constant 32 : index
        %get3A_644 = tpu.vector_load %arg6[%get3A_642, %get3A_643] {strides = array<i32>} : memref<512x128xf32, #tpu.memory_space<vmem>>, vector<1x16xf32>,
        %get3A_645 = vector.shape_cast %get3A_644 : vector<1x16xf32> to vector<16xf32>
        %swap3A_646 = arith.constant 119 : i32
        %swap3A_647 = arith.index_cast %swap3A_646 : i32 to index
        %swap3A_648 = arith.constant 32 : index
        %swap3A_649 = tpu.vector_load %arg7[%swap3A_647, %swap3A_648] {strides = array<i32>} : memref<128x128xf32, #tpu.memory_space<vmem>>, vector<1x16xf32>,
        %swap3A_650 = vector.shape_cast %swap3A_649 : vector<1x16xf32> to vector<16xf32>
        %swap3A_651 = vector.shape_cast %get3A_645 : vector<16xf32> to vector<1x16xf32>
        tpu.vector_store %arg7[%swap3A_647, %swap3A_648], %swap3A_651 {strides = array<i32>} : memref<128x128xf32, #tpu.memory_space<vmem>>, vector<1x16xf32>,
        %get3A_652 = arith.index_cast %squeeze3A_621 : i32 to index
        %get3A_653 = arith.constant 48 : index
        %get3A_654 = tpu.vector_load %arg6[%get3A_652, %get3A_653] {strides = array<i32>} : memref<512x128xf32, #tpu.memory_space<vmem>>, vector<1x16xf32>,
        %get3A_655 = vector.shape_cast %get3A_654 : vector<1x16xf32> to vector<16xf32>
        %swap3A_656 = arith.constant 119 : i32
        %swap3A_657 = arith.index_cast %swap3A_656 : i32 to index
        %swap3A_658 = arith.constant 48 : index
        %swap3A_659 = tpu.vector_load %arg7[%swap3A_657, %swap3A_658] {strides = array<i32>} : memref<128x128xf32, #tpu.memory_space<vmem>>, vector<1x16xf32>,
        %swap3A_660 = vector.shape_cast %swap3A_659 : vector<1x16xf32> to vector<16xf32>
        %swap3A_661 = vector.shape_cast %get3A_655 : vector<16xf32> to vector<1x16xf32>
        tpu.vector_store %arg7[%swap3A_657, %swap3A_658], %swap3A_661 {strides = array<i32>} : memref<128x128xf32, #tpu.memory_space<vmem>>, vector<1x16xf32>,
        %get3A_662 = arith.index_cast %squeeze3A_621 : i32 to index
        %get3A_663 = arith.constant 64 : index
        %get3A_664 = tpu.vector_load %arg6[%get3A_662, %get3A_663] {strides = array<i32>} : memref<512x128xf32, #tpu.memory_space<vmem>>, vector<1x16xf32>,
        %get3A_665 = vector.shape_cast %get3A_664 : vector<1x16xf32> to vector<16xf32>
        %swap3A_666 = arith.constant 119 : i32
        %swap3A_667 = arith.index_cast %swap3A_666 : i32 to index
        %swap3A_668 = arith.constant 64 : index
        %swap3A_669 = tpu.vector_load %arg7[%swap3A_667, %swap3A_668] {strides = array<i32>} : memref<128x128xf32, #tpu.memory_space<vmem>>, vector<1x16xf32>,
        %swap3A_670 = vector.shape_cast %swap3A_669 : vector<1x16xf32> to vector<16xf32>
        %swap3A_671 = vector.shape_cast %get3A_665 : vector<16xf32> to vector<1x16xf32>
        tpu.vector_store %arg7[%swap3A_667, %swap3A_668], %swap3A_671 {strides = array<i32>} : memref<128x128xf32, #tpu.memory_space<vmem>>, vector<1x16xf32>,
        %get3A_672 = arith.index_cast %squeeze3A_621 : i32 to index
        %get3A_673 = arith.constant 80 : index
        %get3A_674 = tpu.vector_load %arg6[%get3A_672, %get3A_673] {strides = array<i32>} : memref<512x128xf32, #tpu.memory_space<vmem>>, vector<1x16xf32>,
        %get3A_675 = vector.shape_cast %get3A_674 : vector<1x16xf32> to vector<16xf32>
        %swap3A_676 = arith.constant 119 : i32
        %swap3A_677 = arith.index_cast %swap3A_676 : i32 to index
        %swap3A_678 = arith.constant 80 : index
        %swap3A_679 = tpu.vector_load %arg7[%swap3A_677, %swap3A_678] {strides = array<i32>} : memref<128x128xf32, #tpu.memory_space<vmem>>, vector<1x16xf32>,
        %swap3A_680 = vector.shape_cast %swap3A_679 : vector<1x16xf32> to vector<16xf32>
        %swap3A_681 = vector.shape_cast %get3A_675 : vector<16xf32> to vector<1x16xf32>
        tpu.vector_store %arg7[%swap3A_677, %swap3A_678], %swap3A_681 {strides = array<i32>} : memref<128x128xf32, #tpu.memory_space<vmem>>, vector<1x16xf32>,
        %get3A_682 = arith.index_cast %squeeze3A_621 : i32 to index
        %get3A_683 = arith.constant 96 : index
        %get3A_684 = tpu.vector_load %arg6[%get3A_682, %get3A_683] {strides = array<i32>} : memref<512x128xf32, #tpu.memory_space<vmem>>, vector<1x16xf32>,
        %get3A_685 = vector.shape_cast %get3A_684 : vector<1x16xf32> to vector<16xf32>
        %swap3A_686 = arith.constant 119 : i32
        %swap3A_687 = arith.index_cast %swap3A_686 : i32 to index
        %swap3A_688 = arith.constant 96 : index
        %swap3A_689 = tpu.vector_load %arg7[%swap3A_687, %swap3A_688] {strides = array<i32>} : memref<128x128xf32, #tpu.memory_space<vmem>>, vector<1x16xf32>,
        %swap3A_690 = vector.shape_cast %swap3A_689 : vector<1x16xf32> to vector<16xf32>
        %swap3A_691 = vector.shape_cast %get3A_685 : vector<16xf32> to vector<1x16xf32>
        tpu.vector_store %arg7[%swap3A_687, %swap3A_688], %swap3A_691 {strides = array<i32>} : memref<128x128xf32, #tpu.memory_space<vmem>>, vector<1x16xf32>,
        %get3A_692 = arith.index_cast %squeeze3A_621 : i32 to index
        %get3A_693 = arith.constant 112 : index
        %get3A_694 = tpu.vector_load %arg6[%get3A_692, %get3A_693] {strides = array<i32>} : memref<512x128xf32, #tpu.memory_space<vmem>>, vector<1x16xf32>,
        %get3A_695 = vector.shape_cast %get3A_694 : vector<1x16xf32> to vector<16xf32>
        %swap3A_696 = arith.constant 119 : i32
        %swap3A_697 = arith.index_cast %swap3A_696 : i32 to index
        %swap3A_698 = arith.constant 112 : index
        %swap3A_699 = tpu.vector_load %arg7[%swap3A_697, %swap3A_698] {strides = array<i32>} : memref<128x128xf32, #tpu.memory_space<vmem>>, vector<1x16xf32>,
        %swap3A_700 = vector.shape_cast %swap3A_699 : vector<1x16xf32> to vector<16xf32>
        %swap3A_701 = vector.shape_cast %get3A_695 : vector<16xf32> to vector<1x16xf32>
        tpu.vector_store %arg7[%swap3A_697, %swap3A_698], %swap3A_701 {strides = array<i32>} : memref<128x128xf32, #tpu.memory_space<vmem>>, vector<1x16xf32>,
        %slice3A_702 = vector.extract_strided_slice %get3A_128 {offsets = [8], sizes = [1], strides = [1]} : vector<16xi32> to vector<1xi32>
        %squeeze3A_703 = vector.extract %slice3A_702[0] : i32 from vector<1xi32>
        %get3A_704 = arith.index_cast %squeeze3A_703 : i32 to index
        %get3A_705 = arith.constant 0 : index
        %get3A_706 = tpu.vector_load %arg6[%get3A_704, %get3A_705] {strides = array<i32>} : memref<512x128xf32, #tpu.memory_space<vmem>>, vector<1x16xf32>,
        %get3A_707 = vector.shape_cast %get3A_706 : vector<1x16xf32> to vector<16xf32>
        %swap3A_708 = arith.constant 120 : i32
        %swap3A_709 = arith.index_cast %swap3A_708 : i32 to index
        %swap3A_710 = arith.constant 0 : index
        %swap3A_711 = tpu.vector_load %arg7[%swap3A_709, %swap3A_710] {strides = array<i32>} : memref<128x128xf32, #tpu.memory_space<vmem>>, vector<1x16xf32>,
        %swap3A_712 = vector.shape_cast %swap3A_711 : vector<1x16xf32> to vector<16xf32>
        %swap3A_713 = vector.shape_cast %get3A_707 : vector<16xf32> to vector<1x16xf32>
        tpu.vector_store %arg7[%swap3A_709, %swap3A_710], %swap3A_713 {strides = array<i32>} : memref<128x128xf32, #tpu.memory_space<vmem>>, vector<1x16xf32>,
        %get3A_714 = arith.index_cast %squeeze3A_703 : i32 to index
        %get3A_715 = arith.constant 16 : index
        %get3A_716 = tpu.vector_load %arg6[%get3A_714, %get3A_715] {strides = array<i32>} : memref<512x128xf32, #tpu.memory_space<vmem>>, vector<1x16xf32>,
        %get3A_717 = vector.shape_cast %get3A_716 : vector<1x16xf32> to vector<16xf32>
        %swap3A_718 = arith.constant 120 : i32
        %swap3A_719 = arith.index_cast %swap3A_718 : i32 to index
        %swap3A_720 = arith.constant 16 : index
        %swap3A_721 = tpu.vector_load %arg7[%swap3A_719, %swap3A_720] {strides = array<i32>} : memref<128x128xf32, #tpu.memory_space<vmem>>, vector<1x16xf32>,
        %swap3A_722 = vector.shape_cast %swap3A_721 : vector<1x16xf32> to vector<16xf32>
        %swap3A_723 = vector.shape_cast %get3A_717 : vector<16xf32> to vector<1x16xf32>
        tpu.vector_store %arg7[%swap3A_719, %swap3A_720], %swap3A_723 {strides = array<i32>} : memref<128x128xf32, #tpu.memory_space<vmem>>, vector<1x16xf32>,
        %get3A_724 = arith.index_cast %squeeze3A_703 : i32 to index
        %get3A_725 = arith.constant 32 : index
        %get3A_726 = tpu.vector_load %arg6[%get3A_724, %get3A_725] {strides = array<i32>} : memref<512x128xf32, #tpu.memory_space<vmem>>, vector<1x16xf32>,
        %get3A_727 = vector.shape_cast %get3A_726 : vector<1x16xf32> to vector<16xf32>
        %swap3A_728 = arith.constant 120 : i32
        %swap3A_729 = arith.index_cast %swap3A_728 : i32 to index
        %swap3A_730 = arith.constant 32 : index
        %swap3A_731 = tpu.vector_load %arg7[%swap3A_729, %swap3A_730] {strides = array<i32>} : memref<128x128xf32, #tpu.memory_space<vmem>>, vector<1x16xf32>,
        %swap3A_732 = vector.shape_cast %swap3A_731 : vector<1x16xf32> to vector<16xf32>
        %swap3A_733 = vector.shape_cast %get3A_727 : vector<16xf32> to vector<1x16xf32>
        tpu.vector_store %arg7[%swap3A_729, %swap3A_730], %swap3A_733 {strides = array<i32>} : memref<128x128xf32, #tpu.memory_space<vmem>>, vector<1x16xf32>,
        %get3A_734 = arith.index_cast %squeeze3A_703 : i32 to index
        %get3A_735 = arith.constant 48 : index
        %get3A_736 = tpu.vector_load %arg6[%get3A_734, %get3A_735] {strides = array<i32>} : memref<512x128xf32, #tpu.memory_space<vmem>>, vector<1x16xf32>,
        %get3A_737 = vector.shape_cast %get3A_736 : vector<1x16xf32> to vector<16xf32>
        %swap3A_738 = arith.constant 120 : i32
        %swap3A_739 = arith.index_cast %swap3A_738 : i32 to index
        %swap3A_740 = arith.constant 48 : index
        %swap3A_741 = tpu.vector_load %arg7[%swap3A_739, %swap3A_740] {strides = array<i32>} : memref<128x128xf32, #tpu.memory_space<vmem>>, vector<1x16xf32>,
        %swap3A_742 = vector.shape_cast %swap3A_741 : vector<1x16xf32> to vector<16xf32>
        %swap3A_743 = vector.shape_cast %get3A_737 : vector<16xf32> to vector<1x16xf32>
        tpu.vector_store %arg7[%swap3A_739, %swap3A_740], %swap3A_743 {strides = array<i32>} : memref<128x128xf32, #tpu.memory_space<vmem>>, vector<1x16xf32>,
        %get3A_744 = arith.index_cast %squeeze3A_703 : i32 to index
        %get3A_745 = arith.constant 64 : index
        %get3A_746 = tpu.vector_load %arg6[%get3A_744, %get3A_745] {strides = array<i32>} : memref<512x128xf32, #tpu.memory_space<vmem>>, vector<1x16xf32>,
        %get3A_747 = vector.shape_cast %get3A_746 : vector<1x16xf32> to vector<16xf32>
        %swap3A_748 = arith.constant 120 : i32
        %swap3A_749 = arith.index_cast %swap3A_748 : i32 to index
        %swap3A_750 = arith.constant 64 : index
        %swap3A_751 = tpu.vector_load %arg7[%swap3A_749, %swap3A_750] {strides = array<i32>} : memref<128x128xf32, #tpu.memory_space<vmem>>, vector<1x16xf32>,
        %swap3A_752 = vector.shape_cast %swap3A_751 : vector<1x16xf32> to vector<16xf32>
        %swap3A_753 = vector.shape_cast %get3A_747 : vector<16xf32> to vector<1x16xf32>
        tpu.vector_store %arg7[%swap3A_749, %swap3A_750], %swap3A_753 {strides = array<i32>} : memref<128x128xf32, #tpu.memory_space<vmem>>, vector<1x16xf32>,
        %get3A_754 = arith.index_cast %squeeze3A_703 : i32 to index
        %get3A_755 = arith.constant 80 : index
        %get3A_756 = tpu.vector_load %arg6[%get3A_754, %get3A_755] {strides = array<i32>} : memref<512x128xf32, #tpu.memory_space<vmem>>, vector<1x16xf32>,
        %get3A_757 = vector.shape_cast %get3A_756 : vector<1x16xf32> to vector<16xf32>
        %swap3A_758 = arith.constant 120 : i32
        %swap3A_759 = arith.index_cast %swap3A_758 : i32 to index
        %swap3A_760 = arith.constant 80 : index
        %swap3A_761 = tpu.vector_load %arg7[%swap3A_759, %swap3A_760] {strides = array<i32>} : memref<128x128xf32, #tpu.memory_space<vmem>>, vector<1x16xf32>,
        %swap3A_762 = vector.shape_cast %swap3A_761 : vector<1x16xf32> to vector<16xf32>
        %swap3A_763 = vector.shape_cast %get3A_757 : vector<16xf32> to vector<1x16xf32>
        tpu.vector_store %arg7[%swap3A_759, %swap3A_760], %swap3A_763 {strides = array<i32>} : memref<128x128xf32, #tpu.memory_space<vmem>>, vector<1x16xf32>,
        %get3A_764 = arith.index_cast %squeeze3A_703 : i32 to index
        %get3A_765 = arith.constant 96 : index
        %get3A_766 = tpu.vector_load %arg6[%get3A_764, %get3A_765] {strides = array<i32>} : memref<512x128xf32, #tpu.memory_space<vmem>>, vector<1x16xf32>,
        %get3A_767 = vector.shape_cast %get3A_766 : vector<1x16xf32> to vector<16xf32>
        %swap3A_768 = arith.constant 120 : i32
        %swap3A_769 = arith.index_cast %swap3A_768 : i32 to index
        %swap3A_770 = arith.constant 96 : index
        %swap3A_771 = tpu.vector_load %arg7[%swap3A_769, %swap3A_770] {strides = array<i32>} : memref<128x128xf32, #tpu.memory_space<vmem>>, vector<1x16xf32>,
        %swap3A_772 = vector.shape_cast %swap3A_771 : vector<1x16xf32> to vector<16xf32>
        %swap3A_773 = vector.shape_cast %get3A_767 : vector<16xf32> to vector<1x16xf32>
        tpu.vector_store %arg7[%swap3A_769, %swap3A_770], %swap3A_773 {strides = array<i32>} : memref<128x128xf32, #tpu.memory_space<vmem>>, vector<1x16xf32>,
        %get3A_774 = arith.index_cast %squeeze3A_703 : i32 to index
        %get3A_775 = arith.constant 112 : index
        %get3A_776 = tpu.vector_load %arg6[%get3A_774, %get3A_775] {strides = array<i32>} : memref<512x128xf32, #tpu.memory_space<vmem>>, vector<1x16xf32>,
        %get3A_777 = vector.shape_cast %get3A_776 : vector<1x16xf32> to vector<16xf32>
        %swap3A_778 = arith.constant 120 : i32
        %swap3A_779 = arith.index_cast %swap3A_778 : i32 to index
        %swap3A_780 = arith.constant 112 : index
        %swap3A_781 = tpu.vector_load %arg7[%swap3A_779, %swap3A_780] {strides = array<i32>} : memref<128x128xf32, #tpu.memory_space<vmem>>, vector<1x16xf32>,
        %swap3A_782 = vector.shape_cast %swap3A_781 : vector<1x16xf32> to vector<16xf32>
        %swap3A_783 = vector.shape_cast %get3A_777 : vector<16xf32> to vector<1x16xf32>
        tpu.vector_store %arg7[%swap3A_779, %swap3A_780], %swap3A_783 {strides = array<i32>} : memref<128x128xf32, #tpu.memory_space<vmem>>, vector<1x16xf32>,
        %slice3A_784 = vector.extract_strided_slice %get3A_128 {offsets = [9], sizes = [1], strides = [1]} : vector<16xi32> to vector<1xi32>
        %squeeze3A_785 = vector.extract %slice3A_784[0] : i32 from vector<1xi32>
        %get3A_786 = arith.index_cast %squeeze3A_785 : i32 to index
        %get3A_787 = arith.constant 0 : index
        %get3A_788 = tpu.vector_load %arg6[%get3A_786, %get3A_787] {strides = array<i32>} : memref<512x128xf32, #tpu.memory_space<vmem>>, vector<1x16xf32>,
        %get3A_789 = vector.shape_cast %get3A_788 : vector<1x16xf32> to vector<16xf32>
        %swap3A_790 = arith.constant 121 : i32
        %swap3A_791 = arith.index_cast %swap3A_790 : i32 to index
        %swap3A_792 = arith.constant 0 : index
        %swap3A_793 = tpu.vector_load %arg7[%swap3A_791, %swap3A_792] {strides = array<i32>} : memref<128x128xf32, #tpu.memory_space<vmem>>, vector<1x16xf32>,
        %swap3A_794 = vector.shape_cast %swap3A_793 : vector<1x16xf32> to vector<16xf32>
        %swap3A_795 = vector.shape_cast %get3A_789 : vector<16xf32> to vector<1x16xf32>
        tpu.vector_store %arg7[%swap3A_791, %swap3A_792], %swap3A_795 {strides = array<i32>} : memref<128x128xf32, #tpu.memory_space<vmem>>, vector<1x16xf32>,
        %get3A_796 = arith.index_cast %squeeze3A_785 : i32 to index
        %get3A_797 = arith.constant 16 : index
        %get3A_798 = tpu.vector_load %arg6[%get3A_796, %get3A_797] {strides = array<i32>} : memref<512x128xf32, #tpu.memory_space<vmem>>, vector<1x16xf32>,
        %get3A_799 = vector.shape_cast %get3A_798 : vector<1x16xf32> to vector<16xf32>
        %swap3A_800 = arith.constant 121 : i32
        %swap3A_801 = arith.index_cast %swap3A_800 : i32 to index
        %swap3A_802 = arith.constant 16 : index
        %swap3A_803 = tpu.vector_load %arg7[%swap3A_801, %swap3A_802] {strides = array<i32>} : memref<128x128xf32, #tpu.memory_space<vmem>>, vector<1x16xf32>,
        %swap3A_804 = vector.shape_cast %swap3A_803 : vector<1x16xf32> to vector<16xf32>
        %swap3A_805 = vector.shape_cast %get3A_799 : vector<16xf32> to vector<1x16xf32>
        tpu.vector_store %arg7[%swap3A_801, %swap3A_802], %swap3A_805 {strides = array<i32>} : memref<128x128xf32, #tpu.memory_space<vmem>>, vector<1x16xf32>,
        %get3A_806 = arith.index_cast %squeeze3A_785 : i32 to index
        %get3A_807 = arith.constant 32 : index
        %get3A_808 = tpu.vector_load %arg6[%get3A_806, %get3A_807] {strides = array<i32>} : memref<512x128xf32, #tpu.memory_space<vmem>>, vector<1x16xf32>,
        %get3A_809 = vector.shape_cast %get3A_808 : vector<1x16xf32> to vector<16xf32>
        %swap3A_810 = arith.constant 121 : i32
        %swap3A_811 = arith.index_cast %swap3A_810 : i32 to index
        %swap3A_812 = arith.constant 32 : index
        %swap3A_813 = tpu.vector_load %arg7[%swap3A_811, %swap3A_812] {strides = array<i32>} : memref<128x128xf32, #tpu.memory_space<vmem>>, vector<1x16xf32>,
        %swap3A_814 = vector.shape_cast %swap3A_813 : vector<1x16xf32> to vector<16xf32>
        %swap3A_815 = vector.shape_cast %get3A_809 : vector<16xf32> to vector<1x16xf32>
        tpu.vector_store %arg7[%swap3A_811, %swap3A_812], %swap3A_815 {strides = array<i32>} : memref<128x128xf32, #tpu.memory_space<vmem>>, vector<1x16xf32>,
        %get3A_816 = arith.index_cast %squeeze3A_785 : i32 to index
        %get3A_817 = arith.constant 48 : index
        %get3A_818 = tpu.vector_load %arg6[%get3A_816, %get3A_817] {strides = array<i32>} : memref<512x128xf32, #tpu.memory_space<vmem>>, vector<1x16xf32>,
        %get3A_819 = vector.shape_cast %get3A_818 : vector<1x16xf32> to vector<16xf32>
        %swap3A_820 = arith.constant 121 : i32
        %swap3A_821 = arith.index_cast %swap3A_820 : i32 to index
        %swap3A_822 = arith.constant 48 : index
        %swap3A_823 = tpu.vector_load %arg7[%swap3A_821, %swap3A_822] {strides = array<i32>} : memref<128x128xf32, #tpu.memory_space<vmem>>, vector<1x16xf32>,
        %swap3A_824 = vector.shape_cast %swap3A_823 : vector<1x16xf32> to vector<16xf32>
        %swap3A_825 = vector.shape_cast %get3A_819 : vector<16xf32> to vector<1x16xf32>
        tpu.vector_store %arg7[%swap3A_821, %swap3A_822], %swap3A_825 {strides = array<i32>} : memref<128x128xf32, #tpu.memory_space<vmem>>, vector<1x16xf32>,
        %get3A_826 = arith.index_cast %squeeze3A_785 : i32 to index
        %get3A_827 = arith.constant 64 : index
        %get3A_828 = tpu.vector_load %arg6[%get3A_826, %get3A_827] {strides = array<i32>} : memref<512x128xf32, #tpu.memory_space<vmem>>, vector<1x16xf32>,
        %get3A_829 = vector.shape_cast %get3A_828 : vector<1x16xf32> to vector<16xf32>
        %swap3A_830 = arith.constant 121 : i32
        %swap3A_831 = arith.index_cast %swap3A_830 : i32 to index
        %swap3A_832 = arith.constant 64 : index
        %swap3A_833 = tpu.vector_load %arg7[%swap3A_831, %swap3A_832] {strides = array<i32>} : memref<128x128xf32, #tpu.memory_space<vmem>>, vector<1x16xf32>,
        %swap3A_834 = vector.shape_cast %swap3A_833 : vector<1x16xf32> to vector<16xf32>
        %swap3A_835 = vector.shape_cast %get3A_829 : vector<16xf32> to vector<1x16xf32>
        tpu.vector_store %arg7[%swap3A_831, %swap3A_832], %swap3A_835 {strides = array<i32>} : memref<128x128xf32, #tpu.memory_space<vmem>>, vector<1x16xf32>,
        %get3A_836 = arith.index_cast %squeeze3A_785 : i32 to index
        %get3A_837 = arith.constant 80 : index
        %get3A_838 = tpu.vector_load %arg6[%get3A_836, %get3A_837] {strides = array<i32>} : memref<512x128xf32, #tpu.memory_space<vmem>>, vector<1x16xf32>,
        %get3A_839 = vector.shape_cast %get3A_838 : vector<1x16xf32> to vector<16xf32>
        %swap3A_840 = arith.constant 121 : i32
        %swap3A_841 = arith.index_cast %swap3A_840 : i32 to index
        %swap3A_842 = arith.constant 80 : index
        %swap3A_843 = tpu.vector_load %arg7[%swap3A_841, %swap3A_842] {strides = array<i32>} : memref<128x128xf32, #tpu.memory_space<vmem>>, vector<1x16xf32>,
        %swap3A_844 = vector.shape_cast %swap3A_843 : vector<1x16xf32> to vector<16xf32>
        %swap3A_845 = vector.shape_cast %get3A_839 : vector<16xf32> to vector<1x16xf32>
        tpu.vector_store %arg7[%swap3A_841, %swap3A_842], %swap3A_845 {strides = array<i32>} : memref<128x128xf32, #tpu.memory_space<vmem>>, vector<1x16xf32>,
        %get3A_846 = arith.index_cast %squeeze3A_785 : i32 to index
        %get3A_847 = arith.constant 96 : index
        %get3A_848 = tpu.vector_load %arg6[%get3A_846, %get3A_847] {strides = array<i32>} : memref<512x128xf32, #tpu.memory_space<vmem>>, vector<1x16xf32>,
        %get3A_849 = vector.shape_cast %get3A_848 : vector<1x16xf32> to vector<16xf32>
        %swap3A_850 = arith.constant 121 : i32
        %swap3A_851 = arith.index_cast %swap3A_850 : i32 to index
        %swap3A_852 = arith.constant 96 : index
        %swap3A_853 = tpu.vector_load %arg7[%swap3A_851, %swap3A_852] {strides = array<i32>} : memref<128x128xf32, #tpu.memory_space<vmem>>, vector<1x16xf32>,
        %swap3A_854 = vector.shape_cast %swap3A_853 : vector<1x16xf32> to vector<16xf32>
        %swap3A_855 = vector.shape_cast %get3A_849 : vector<16xf32> to vector<1x16xf32>
        tpu.vector_store %arg7[%swap3A_851, %swap3A_852], %swap3A_855 {strides = array<i32>} : memref<128x128xf32, #tpu.memory_space<vmem>>, vector<1x16xf32>,
        %get3A_856 = arith.index_cast %squeeze3A_785 : i32 to index
        %get3A_857 = arith.constant 112 : index
        %get3A_858 = tpu.vector_load %arg6[%get3A_856, %get3A_857] {strides = array<i32>} : memref<512x128xf32, #tpu.memory_space<vmem>>, vector<1x16xf32>,
        %get3A_859 = vector.shape_cast %get3A_858 : vector<1x16xf32> to vector<16xf32>
        %swap3A_860 = arith.constant 121 : i32
        %swap3A_861 = arith.index_cast %swap3A_860 : i32 to index
        %swap3A_862 = arith.constant 112 : index
        %swap3A_863 = tpu.vector_load %arg7[%swap3A_861, %swap3A_862] {strides = array<i32>} : memref<128x128xf32, #tpu.memory_space<vmem>>, vector<1x16xf32>,
        %swap3A_864 = vector.shape_cast %swap3A_863 : vector<1x16xf32> to vector<16xf32>
        %swap3A_865 = vector.shape_cast %get3A_859 : vector<16xf32> to vector<1x16xf32>
        tpu.vector_store %arg7[%swap3A_861, %swap3A_862], %swap3A_865 {strides = array<i32>} : memref<128x128xf32, #tpu.memory_space<vmem>>, vector<1x16xf32>,
        %slice3A_866 = vector.extract_strided_slice %get3A_128 {offsets = [10], sizes = [1], strides = [1]} : vector<16xi32> to vector<1xi32>
        %squeeze3A_867 = vector.extract %slice3A_866[0] : i32 from vector<1xi32>
        %get3A_868 = arith.index_cast %squeeze3A_867 : i32 to index
        %get3A_869 = arith.constant 0 : index
        %get3A_870 = tpu.vector_load %arg6[%get3A_868, %get3A_869] {strides = array<i32>} : memref<512x128xf32, #tpu.memory_space<vmem>>, vector<1x16xf32>,
        %get3A_871 = vector.shape_cast %get3A_870 : vector<1x16xf32> to vector<16xf32>
        %swap3A_872 = arith.constant 122 : i32
        %swap3A_873 = arith.index_cast %swap3A_872 : i32 to index
        %swap3A_874 = arith.constant 0 : index
        %swap3A_875 = tpu.vector_load %arg7[%swap3A_873, %swap3A_874] {strides = array<i32>} : memref<128x128xf32, #tpu.memory_space<vmem>>, vector<1x16xf32>,
        %swap3A_876 = vector.shape_cast %swap3A_875 : vector<1x16xf32> to vector<16xf32>
        %swap3A_877 = vector.shape_cast %get3A_871 : vector<16xf32> to vector<1x16xf32>
        tpu.vector_store %arg7[%swap3A_873, %swap3A_874], %swap3A_877 {strides = array<i32>} : memref<128x128xf32, #tpu.memory_space<vmem>>, vector<1x16xf32>,
        %get3A_878 = arith.index_cast %squeeze3A_867 : i32 to index
        %get3A_879 = arith.constant 16 : index
        %get3A_880 = tpu.vector_load %arg6[%get3A_878, %get3A_879] {strides = array<i32>} : memref<512x128xf32, #tpu.memory_space<vmem>>, vector<1x16xf32>,
        %get3A_881 = vector.shape_cast %get3A_880 : vector<1x16xf32> to vector<16xf32>
        %swap3A_882 = arith.constant 122 : i32
        %swap3A_883 = arith.index_cast %swap3A_882 : i32 to index
        %swap3A_884 = arith.constant 16 : index
        %swap3A_885 = tpu.vector_load %arg7[%swap3A_883, %swap3A_884] {strides = array<i32>} : memref<128x128xf32, #tpu.memory_space<vmem>>, vector<1x16xf32>,
        %swap3A_886 = vector.shape_cast %swap3A_885 : vector<1x16xf32> to vector<16xf32>
        %swap3A_887 = vector.shape_cast %get3A_881 : vector<16xf32> to vector<1x16xf32>
        tpu.vector_store %arg7[%swap3A_883, %swap3A_884], %swap3A_887 {strides = array<i32>} : memref<128x128xf32, #tpu.memory_space<vmem>>, vector<1x16xf32>,
        %get3A_888 = arith.index_cast %squeeze3A_867 : i32 to index
        %get3A_889 = arith.constant 32 : index
        %get3A_890 = tpu.vector_load %arg6[%get3A_888, %get3A_889] {strides = array<i32>} : memref<512x128xf32, #tpu.memory_space<vmem>>, vector<1x16xf32>,
        %get3A_891 = vector.shape_cast %get3A_890 : vector<1x16xf32> to vector<16xf32>
        %swap3A_892 = arith.constant 122 : i32
        %swap3A_893 = arith.index_cast %swap3A_892 : i32 to index
        %swap3A_894 = arith.constant 32 : index
        %swap3A_895 = tpu.vector_load %arg7[%swap3A_893, %swap3A_894] {strides = array<i32>} : memref<128x128xf32, #tpu.memory_space<vmem>>, vector<1x16xf32>,
        %swap3A_896 = vector.shape_cast %swap3A_895 : vector<1x16xf32> to vector<16xf32>
        %swap3A_897 = vector.shape_cast %get3A_891 : vector<16xf32> to vector<1x16xf32>
        tpu.vector_store %arg7[%swap3A_893, %swap3A_894], %swap3A_897 {strides = array<i32>} : memref<128x128xf32, #tpu.memory_space<vmem>>, vector<1x16xf32>,
        %get3A_898 = arith.index_cast %squeeze3A_867 : i32 to index
        %get3A_899 = arith.constant 48 : index
        %get3A_900 = tpu.vector_load %arg6[%get3A_898, %get3A_899] {strides = array<i32>} : memref<512x128xf32, #tpu.memory_space<vmem>>, vector<1x16xf32>,
        %get3A_901 = vector.shape_cast %get3A_900 : vector<1x16xf32> to vector<16xf32>
        %swap3A_902 = arith.constant 122 : i32
        %swap3A_903 = arith.index_cast %swap3A_902 : i32 to index
        %swap3A_904 = arith.constant 48 : index
        %swap3A_905 = tpu.vector_load %arg7[%swap3A_903, %swap3A_904] {strides = array<i32>} : memref<128x128xf32, #tpu.memory_space<vmem>>, vector<1x16xf32>,
        %swap3A_906 = vector.shape_cast %swap3A_905 : vector<1x16xf32> to vector<16xf32>
        %swap3A_907 = vector.shape_cast %get3A_901 : vector<16xf32> to vector<1x16xf32>
        tpu.vector_store %arg7[%swap3A_903, %swap3A_904], %swap3A_907 {strides = array<i32>} : memref<128x128xf32, #tpu.memory_space<vmem>>, vector<1x16xf32>,
        %get3A_908 = arith.index_cast %squeeze3A_867 : i32 to index
        %get3A_909 = arith.constant 64 : index
        %get3A_910 = tpu.vector_load %arg6[%get3A_908, %get3A_909] {strides = array<i32>} : memref<512x128xf32, #tpu.memory_space<vmem>>, vector<1x16xf32>,
        %get3A_911 = vector.shape_cast %get3A_910 : vector<1x16xf32> to vector<16xf32>
        %swap3A_912 = arith.constant 122 : i32
        %swap3A_913 = arith.index_cast %swap3A_912 : i32 to index
        %swap3A_914 = arith.constant 64 : index
        %swap3A_915 = tpu.vector_load %arg7[%swap3A_913, %swap3A_914] {strides = array<i32>} : memref<128x128xf32, #tpu.memory_space<vmem>>, vector<1x16xf32>,
        %swap3A_916 = vector.shape_cast %swap3A_915 : vector<1x16xf32> to vector<16xf32>
        %swap3A_917 = vector.shape_cast %get3A_911 : vector<16xf32> to vector<1x16xf32>
        tpu.vector_store %arg7[%swap3A_913, %swap3A_914], %swap3A_917 {strides = array<i32>} : memref<128x128xf32, #tpu.memory_space<vmem>>, vector<1x16xf32>,
        %get3A_918 = arith.index_cast %squeeze3A_867 : i32 to index
        %get3A_919 = arith.constant 80 : index
        %get3A_920 = tpu.vector_load %arg6[%get3A_918, %get3A_919] {strides = array<i32>} : memref<512x128xf32, #tpu.memory_space<vmem>>, vector<1x16xf32>,
        %get3A_921 = vector.shape_cast %get3A_920 : vector<1x16xf32> to vector<16xf32>
        %swap3A_922 = arith.constant 122 : i32
        %swap3A_923 = arith.index_cast %swap3A_922 : i32 to index
        %swap3A_924 = arith.constant 80 : index
        %swap3A_925 = tpu.vector_load %arg7[%swap3A_923, %swap3A_924] {strides = array<i32>} : memref<128x128xf32, #tpu.memory_space<vmem>>, vector<1x16xf32>,
        %swap3A_926 = vector.shape_cast %swap3A_925 : vector<1x16xf32> to vector<16xf32>
        %swap3A_927 = vector.shape_cast %get3A_921 : vector<16xf32> to vector<1x16xf32>
        tpu.vector_store %arg7[%swap3A_923, %swap3A_924], %swap3A_927 {strides = array<i32>} : memref<128x128xf32, #tpu.memory_space<vmem>>, vector<1x16xf32>,
        %get3A_928 = arith.index_cast %squeeze3A_867 : i32 to index
        %get3A_929 = arith.constant 96 : index
        %get3A_930 = tpu.vector_load %arg6[%get3A_928, %get3A_929] {strides = array<i32>} : memref<512x128xf32, #tpu.memory_space<vmem>>, vector<1x16xf32>,
        %get3A_931 = vector.shape_cast %get3A_930 : vector<1x16xf32> to vector<16xf32>
        %swap3A_932 = arith.constant 122 : i32
        %swap3A_933 = arith.index_cast %swap3A_932 : i32 to index
        %swap3A_934 = arith.constant 96 : index
        %swap3A_935 = tpu.vector_load %arg7[%swap3A_933, %swap3A_934] {strides = array<i32>} : memref<128x128xf32, #tpu.memory_space<vmem>>, vector<1x16xf32>,
        %swap3A_936 = vector.shape_cast %swap3A_935 : vector<1x16xf32> to vector<16xf32>
        %swap3A_937 = vector.shape_cast %get3A_931 : vector<16xf32> to vector<1x16xf32>
        tpu.vector_store %arg7[%swap3A_933, %swap3A_934], %swap3A_937 {strides = array<i32>} : memref<128x128xf32, #tpu.memory_space<vmem>>, vector<1x16xf32>,
        %get3A_938 = arith.index_cast %squeeze3A_867 : i32 to index
        %get3A_939 = arith.constant 112 : index
        %get3A_940 = tpu.vector_load %arg6[%get3A_938, %get3A_939] {strides = array<i32>} : memref<512x128xf32, #tpu.memory_space<vmem>>, vector<1x16xf32>,
        %get3A_941 = vector.shape_cast %get3A_940 : vector<1x16xf32> to vector<16xf32>
        %swap3A_942 = arith.constant 122 : i32
        %swap3A_943 = arith.index_cast %swap3A_942 : i32 to index
        %swap3A_944 = arith.constant 112 : index
        %swap3A_945 = tpu.vector_load %arg7[%swap3A_943, %swap3A_944] {strides = array<i32>} : memref<128x128xf32, #tpu.memory_space<vmem>>, vector<1x16xf32>,
        %swap3A_946 = vector.shape_cast %swap3A_945 : vector<1x16xf32> to vector<16xf32>
        %swap3A_947 = vector.shape_cast %get3A_941 : vector<16xf32> to vector<1x16xf32>
        tpu.vector_store %arg7[%swap3A_943, %swap3A_944], %swap3A_947 {strides = array<i32>} : memref<128x128xf32, #tpu.memory_space<vmem>>, vector<1x16xf32>,
        %slice3A_948 = vector.extract_strided_slice %get3A_128 {offsets = [11], sizes = [1], strides = [1]} : vector<16xi32> to vector<1xi32>
        %squeeze3A_949 = vector.extract %slice3A_948[0] : i32 from vector<1xi32>
        %get3A_950 = arith.index_cast %squeeze3A_949 : i32 to index
        %get3A_951 = arith.constant 0 : index
        %get3A_952 = tpu.vector_load %arg6[%get3A_950, %get3A_951] {strides = array<i32>} : memref<512x128xf32, #tpu.memory_space<vmem>>, vector<1x16xf32>,
        %get3A_953 = vector.shape_cast %get3A_952 : vector<1x16xf32> to vector<16xf32>
        %swap3A_954 = arith.constant 123 : i32
        %swap3A_955 = arith.index_cast %swap3A_954 : i32 to index
        %swap3A_956 = arith.constant 0 : index
        %swap3A_957 = tpu.vector_load %arg7[%swap3A_955, %swap3A_956] {strides = array<i32>} : memref<128x128xf32, #tpu.memory_space<vmem>>, vector<1x16xf32>,
        %swap3A_958 = vector.shape_cast %swap3A_957 : vector<1x16xf32> to vector<16xf32>
        %swap3A_959 = vector.shape_cast %get3A_953 : vector<16xf32> to vector<1x16xf32>
        tpu.vector_store %arg7[%swap3A_955, %swap3A_956], %swap3A_959 {strides = array<i32>} : memref<128x128xf32, #tpu.memory_space<vmem>>, vector<1x16xf32>,
        %get3A_960 = arith.index_cast %squeeze3A_949 : i32 to index
        %get3A_961 = arith.constant 16 : index
        %get3A_962 = tpu.vector_load %arg6[%get3A_960, %get3A_961] {strides = array<i32>} : memref<512x128xf32, #tpu.memory_space<vmem>>, vector<1x16xf32>,
        %get3A_963 = vector.shape_cast %get3A_962 : vector<1x16xf32> to vector<16xf32>
        %swap3A_964 = arith.constant 123 : i32
        %swap3A_965 = arith.index_cast %swap3A_964 : i32 to index
        %swap3A_966 = arith.constant 16 : index
        %swap3A_967 = tpu.vector_load %arg7[%swap3A_965, %swap3A_966] {strides = array<i32>} : memref<128x128xf32, #tpu.memory_space<vmem>>, vector<1x16xf32>,
        %swap3A_968 = vector.shape_cast %swap3A_967 : vector<1x16xf32> to vector<16xf32>
        %swap3A_969 = vector.shape_cast %get3A_963 : vector<16xf32> to vector<1x16xf32>
        tpu.vector_store %arg7[%swap3A_965, %swap3A_966], %swap3A_969 {strides = array<i32>} : memref<128x128xf32, #tpu.memory_space<vmem>>, vector<1x16xf32>,
        %get3A_970 = arith.index_cast %squeeze3A_949 : i32 to index
        %get3A_971 = arith.constant 32 : index
        %get3A_972 = tpu.vector_load %arg6[%get3A_970, %get3A_971] {strides = array<i32>} : memref<512x128xf32, #tpu.memory_space<vmem>>, vector<1x16xf32>,
        %get3A_973 = vector.shape_cast %get3A_972 : vector<1x16xf32> to vector<16xf32>
        %swap3A_974 = arith.constant 123 : i32
        %swap3A_975 = arith.index_cast %swap3A_974 : i32 to index
        %swap3A_976 = arith.constant 32 : index
        %swap3A_977 = tpu.vector_load %arg7[%swap3A_975, %swap3A_976] {strides = array<i32>} : memref<128x128xf32, #tpu.memory_space<vmem>>, vector<1x16xf32>,
        %swap3A_978 = vector.shape_cast %swap3A_977 : vector<1x16xf32> to vector<16xf32>
        %swap3A_979 = vector.shape_cast %get3A_973 : vector<16xf32> to vector<1x16xf32>
        tpu.vector_store %arg7[%swap3A_975, %swap3A_976], %swap3A_979 {strides = array<i32>} : memref<128x128xf32, #tpu.memory_space<vmem>>, vector<1x16xf32>,
        %get3A_980 = arith.index_cast %squeeze3A_949 : i32 to index
        %get3A_981 = arith.constant 48 : index
        %get3A_982 = tpu.vector_load %arg6[%get3A_980, %get3A_981] {strides = array<i32>} : memref<512x128xf32, #tpu.memory_space<vmem>>, vector<1x16xf32>,
        %get3A_983 = vector.shape_cast %get3A_982 : vector<1x16xf32> to vector<16xf32>
        %swap3A_984 = arith.constant 123 : i32
        %swap3A_985 = arith.index_cast %swap3A_984 : i32 to index
        %swap3A_986 = arith.constant 48 : index
        %swap3A_987 = tpu.vector_load %arg7[%swap3A_985, %swap3A_986] {strides = array<i32>} : memref<128x128xf32, #tpu.memory_space<vmem>>, vector<1x16xf32>,
        %swap3A_988 = vector.shape_cast %swap3A_987 : vector<1x16xf32> to vector<16xf32>
        %swap3A_989 = vector.shape_cast %get3A_983 : vector<16xf32> to vector<1x16xf32>
        tpu.vector_store %arg7[%swap3A_985, %swap3A_986], %swap3A_989 {strides = array<i32>} : memref<128x128xf32, #tpu.memory_space<vmem>>, vector<1x16xf32>,
        %get3A_990 = arith.index_cast %squeeze3A_949 : i32 to index
        %get3A_991 = arith.constant 64 : index
        %get3A_992 = tpu.vector_load %arg6[%get3A_990, %get3A_991] {strides = array<i32>} : memref<512x128xf32, #tpu.memory_space<vmem>>, vector<1x16xf32>,
        %get3A_993 = vector.shape_cast %get3A_992 : vector<1x16xf32> to vector<16xf32>
        %swap3A_994 = arith.constant 123 : i32
        %swap3A_995 = arith.index_cast %swap3A_994 : i32 to index
        %swap3A_996 = arith.constant 64 : index
        %swap3A_997 = tpu.vector_load %arg7[%swap3A_995, %swap3A_996] {strides = array<i32>} : memref<128x128xf32, #tpu.memory_space<vmem>>, vector<1x16xf32>,
        %swap3A_998 = vector.shape_cast %swap3A_997 : vector<1x16xf32> to vector<16xf32>
        %swap3A_999 = vector.shape_cast %get3A_993 : vector<16xf32> to vector<1x16xf32>
        tpu.vector_store %arg7[%swap3A_995, %swap3A_996], %swap3A_999 {strides = array<i32>} : memref<128x128xf32, #tpu.memory_space<vmem>>, vector<1x16xf32>,
        %get3A_1000 = arith.index_cast %squeeze3A_949 : i32 to index
        %get3A_1001 = arith.constant 80 : index
        %get3A_1002 = tpu.vector_load %arg6[%get3A_1000, %get3A_1001] {strides = array<i32>} : memref<512x128xf32, #tpu.memory_space<vmem>>, vector<1x16xf32>,
        %get3A_1003 = vector.shape_cast %get3A_1002 : vector<1x16xf32> to vector<16xf32>
        %swap3A_1004 = arith.constant 123 : i32
        %swap3A_1005 = arith.index_cast %swap3A_1004 : i32 to index
        %swap3A_1006 = arith.constant 80 : index
        %swap3A_1007 = tpu.vector_load %arg7[%swap3A_1005, %swap3A_1006] {strides = array<i32>} : memref<128x128xf32, #tpu.memory_space<vmem>>, vector<1x16xf32>,
        %swap3A_1008 = vector.shape_cast %swap3A_1007 : vector<1x16xf32> to vector<16xf32>
        %swap3A_1009 = vector.shape_cast %get3A_1003 : vector<16xf32> to vector<1x16xf32>
        tpu.vector_store %arg7[%swap3A_1005, %swap3A_1006], %swap3A_1009 {strides = array<i32>} : memref<128x128xf32, #tpu.memory_space<vmem>>, vector<1x16xf32>,
        %get3A_1010 = arith.index_cast %squeeze3A_949 : i32 to index
        %get3A_1011 = arith.constant 96 : index
        %get3A_1012 = tpu.vector_load %arg6[%get3A_1010, %get3A_1011] {strides = array<i32>} : memref<512x128xf32, #tpu.memory_space<vmem>>, vector<1x16xf32>,
        %get3A_1013 = vector.shape_cast %get3A_1012 : vector<1x16xf32> to vector<16xf32>
        %swap3A_1014 = arith.constant 123 : i32
        %swap3A_1015 = arith.index_cast %swap3A_1014 : i32 to index
        %swap3A_1016 = arith.constant 96 : index
        %swap3A_1017 = tpu.vector_load %arg7[%swap3A_1015, %swap3A_1016] {strides = array<i32>} : memref<128x128xf32, #tpu.memory_space<vmem>>, vector<1x16xf32>,
        %swap3A_1018 = vector.shape_cast %swap3A_1017 : vector<1x16xf32> to vector<16xf32>
        %swap3A_1019 = vector.shape_cast %get3A_1013 : vector<16xf32> to vector<1x16xf32>
        tpu.vector_store %arg7[%swap3A_1015, %swap3A_1016], %swap3A_1019 {strides = array<i32>} : memref<128x128xf32, #tpu.memory_space<vmem>>, vector<1x16xf32>,
        %get3A_1020 = arith.index_cast %squeeze3A_949 : i32 to index
        %get3A_1021 = arith.constant 112 : index
        %get3A_1022 = tpu.vector_load %arg6[%get3A_1020, %get3A_1021] {strides = array<i32>} : memref<512x128xf32, #tpu.memory_space<vmem>>, vector<1x16xf32>,
        %get3A_1023 = vector.shape_cast %get3A_1022 : vector<1x16xf32> to vector<16xf32>
        %swap3A_1024 = arith.constant 123 : i32
        %swap3A_1025 = arith.index_cast %swap3A_1024 : i32 to index
        %swap3A_1026 = arith.constant 112 : index
        %swap3A_1027 = tpu.vector_load %arg7[%swap3A_1025, %swap3A_1026] {strides = array<i32>} : memref<128x128xf32, #tpu.memory_space<vmem>>, vector<1x16xf32>,
        %swap3A_1028 = vector.shape_cast %swap3A_1027 : vector<1x16xf32> to vector<16xf32>
        %swap3A_1029 = vector.shape_cast %get3A_1023 : vector<16xf32> to vector<1x16xf32>
        tpu.vector_store %arg7[%swap3A_1025, %swap3A_1026], %swap3A_1029 {strides = array<i32>} : memref<128x128xf32, #tpu.memory_space<vmem>>, vector<1x16xf32>,
        %slice3A_1030 = vector.extract_strided_slice %get3A_128 {offsets = [12], sizes = [1], strides = [1]} : vector<16xi32> to vector<1xi32>
        %squeeze3A_1031 = vector.extract %slice3A_1030[0] : i32 from vector<1xi32>
        %get3A_1032 = arith.index_cast %squeeze3A_1031 : i32 to index
        %get3A_1033 = arith.constant 0 : index
        %get3A_1034 = tpu.vector_load %arg6[%get3A_1032, %get3A_1033] {strides = array<i32>} : memref<512x128xf32, #tpu.memory_space<vmem>>, vector<1x16xf32>,
        %get3A_1035 = vector.shape_cast %get3A_1034 : vector<1x16xf32> to vector<16xf32>
        %swap3A_1036 = arith.constant 124 : i32
        %swap3A_1037 = arith.index_cast %swap3A_1036 : i32 to index
        %swap3A_1038 = arith.constant 0 : index
        %swap3A_1039 = tpu.vector_load %arg7[%swap3A_1037, %swap3A_1038] {strides = array<i32>} : memref<128x128xf32, #tpu.memory_space<vmem>>, vector<1x16xf32>,
        %swap3A_1040 = vector.shape_cast %swap3A_1039 : vector<1x16xf32> to vector<16xf32>
        %swap3A_1041 = vector.shape_cast %get3A_1035 : vector<16xf32> to vector<1x16xf32>
        tpu.vector_store %arg7[%swap3A_1037, %swap3A_1038], %swap3A_1041 {strides = array<i32>} : memref<128x128xf32, #tpu.memory_space<vmem>>, vector<1x16xf32>,
        %get3A_1042 = arith.index_cast %squeeze3A_1031 : i32 to index
        %get3A_1043 = arith.constant 16 : index
        %get3A_1044 = tpu.vector_load %arg6[%get3A_1042, %get3A_1043] {strides = array<i32>} : memref<512x128xf32, #tpu.memory_space<vmem>>, vector<1x16xf32>,
        %get3A_1045 = vector.shape_cast %get3A_1044 : vector<1x16xf32> to vector<16xf32>
        %swap3A_1046 = arith.constant 124 : i32
        %swap3A_1047 = arith.index_cast %swap3A_1046 : i32 to index
        %swap3A_1048 = arith.constant 16 : index
        %swap3A_1049 = tpu.vector_load %arg7[%swap3A_1047, %swap3A_1048] {strides = array<i32>} : memref<128x128xf32, #tpu.memory_space<vmem>>, vector<1x16xf32>,
        %swap3A_1050 = vector.shape_cast %swap3A_1049 : vector<1x16xf32> to vector<16xf32>
        %swap3A_1051 = vector.shape_cast %get3A_1045 : vector<16xf32> to vector<1x16xf32>
        tpu.vector_store %arg7[%swap3A_1047, %swap3A_1048], %swap3A_1051 {strides = array<i32>} : memref<128x128xf32, #tpu.memory_space<vmem>>, vector<1x16xf32>,
        %get3A_1052 = arith.index_cast %squeeze3A_1031 : i32 to index
        %get3A_1053 = arith.constant 32 : index
        %get3A_1054 = tpu.vector_load %arg6[%get3A_1052, %get3A_1053] {strides = array<i32>} : memref<512x128xf32, #tpu.memory_space<vmem>>, vector<1x16xf32>,
        %get3A_1055 = vector.shape_cast %get3A_1054 : vector<1x16xf32> to vector<16xf32>
        %swap3A_1056 = arith.constant 124 : i32
        %swap3A_1057 = arith.index_cast %swap3A_1056 : i32 to index
        %swap3A_1058 = arith.constant 32 : index
        %swap3A_1059 = tpu.vector_load %arg7[%swap3A_1057, %swap3A_1058] {strides = array<i32>} : memref<128x128xf32, #tpu.memory_space<vmem>>, vector<1x16xf32>,
        %swap3A_1060 = vector.shape_cast %swap3A_1059 : vector<1x16xf32> to vector<16xf32>
        %swap3A_1061 = vector.shape_cast %get3A_1055 : vector<16xf32> to vector<1x16xf32>
        tpu.vector_store %arg7[%swap3A_1057, %swap3A_1058], %swap3A_1061 {strides = array<i32>} : memref<128x128xf32, #tpu.memory_space<vmem>>, vector<1x16xf32>,
        %get3A_1062 = arith.index_cast %squeeze3A_1031 : i32 to index
        %get3A_1063 = arith.constant 48 : index
        %get3A_1064 = tpu.vector_load %arg6[%get3A_1062, %get3A_1063] {strides = array<i32>} : memref<512x128xf32, #tpu.memory_space<vmem>>, vector<1x16xf32>,
        %get3A_1065 = vector.shape_cast %get3A_1064 : vector<1x16xf32> to vector<16xf32>
        %swap3A_1066 = arith.constant 124 : i32
        %swap3A_1067 = arith.index_cast %swap3A_1066 : i32 to index
        %swap3A_1068 = arith.constant 48 : index
        %swap3A_1069 = tpu.vector_load %arg7[%swap3A_1067, %swap3A_1068] {strides = array<i32>} : memref<128x128xf32, #tpu.memory_space<vmem>>, vector<1x16xf32>,
        %swap3A_1070 = vector.shape_cast %swap3A_1069 : vector<1x16xf32> to vector<16xf32>
        %swap3A_1071 = vector.shape_cast %get3A_1065 : vector<16xf32> to vector<1x16xf32>
        tpu.vector_store %arg7[%swap3A_1067, %swap3A_1068], %swap3A_1071 {strides = array<i32>} : memref<128x128xf32, #tpu.memory_space<vmem>>, vector<1x16xf32>,
        %get3A_1072 = arith.index_cast %squeeze3A_1031 : i32 to index
        %get3A_1073 = arith.constant 64 : index
        %get3A_1074 = tpu.vector_load %arg6[%get3A_1072, %get3A_1073] {strides = array<i32>} : memref<512x128xf32, #tpu.memory_space<vmem>>, vector<1x16xf32>,
        %get3A_1075 = vector.shape_cast %get3A_1074 : vector<1x16xf32> to vector<16xf32>
        %swap3A_1076 = arith.constant 124 : i32
        %swap3A_1077 = arith.index_cast %swap3A_1076 : i32 to index
        %swap3A_1078 = arith.constant 64 : index
        %swap3A_1079 = tpu.vector_load %arg7[%swap3A_1077, %swap3A_1078] {strides = array<i32>} : memref<128x128xf32, #tpu.memory_space<vmem>>, vector<1x16xf32>,
        %swap3A_1080 = vector.shape_cast %swap3A_1079 : vector<1x16xf32> to vector<16xf32>
        %swap3A_1081 = vector.shape_cast %get3A_1075 : vector<16xf32> to vector<1x16xf32>
        tpu.vector_store %arg7[%swap3A_1077, %swap3A_1078], %swap3A_1081 {strides = array<i32>} : memref<128x128xf32, #tpu.memory_space<vmem>>, vector<1x16xf32>,
        %get3A_1082 = arith.index_cast %squeeze3A_1031 : i32 to index
        %get3A_1083 = arith.constant 80 : index
        %get3A_1084 = tpu.vector_load %arg6[%get3A_1082, %get3A_1083] {strides = array<i32>} : memref<512x128xf32, #tpu.memory_space<vmem>>, vector<1x16xf32>,
        %get3A_1085 = vector.shape_cast %get3A_1084 : vector<1x16xf32> to vector<16xf32>
        %swap3A_1086 = arith.constant 124 : i32
        %swap3A_1087 = arith.index_cast %swap3A_1086 : i32 to index
        %swap3A_1088 = arith.constant 80 : index
        %swap3A_1089 = tpu.vector_load %arg7[%swap3A_1087, %swap3A_1088] {strides = array<i32>} : memref<128x128xf32, #tpu.memory_space<vmem>>, vector<1x16xf32>,
        %swap3A_1090 = vector.shape_cast %swap3A_1089 : vector<1x16xf32> to vector<16xf32>
        %swap3A_1091 = vector.shape_cast %get3A_1085 : vector<16xf32> to vector<1x16xf32>
        tpu.vector_store %arg7[%swap3A_1087, %swap3A_1088], %swap3A_1091 {strides = array<i32>} : memref<128x128xf32, #tpu.memory_space<vmem>>, vector<1x16xf32>,
        %get3A_1092 = arith.index_cast %squeeze3A_1031 : i32 to index
        %get3A_1093 = arith.constant 96 : index
        %get3A_1094 = tpu.vector_load %arg6[%get3A_1092, %get3A_1093] {strides = array<i32>} : memref<512x128xf32, #tpu.memory_space<vmem>>, vector<1x16xf32>,
        %get3A_1095 = vector.shape_cast %get3A_1094 : vector<1x16xf32> to vector<16xf32>
        %swap3A_1096 = arith.constant 124 : i32
        %swap3A_1097 = arith.index_cast %swap3A_1096 : i32 to index
        %swap3A_1098 = arith.constant 96 : index
        %swap3A_1099 = tpu.vector_load %arg7[%swap3A_1097, %swap3A_1098] {strides = array<i32>} : memref<128x128xf32, #tpu.memory_space<vmem>>, vector<1x16xf32>,
        %swap3A_1100 = vector.shape_cast %swap3A_1099 : vector<1x16xf32> to vector<16xf32>
        %swap3A_1101 = vector.shape_cast %get3A_1095 : vector<16xf32> to vector<1x16xf32>
        tpu.vector_store %arg7[%swap3A_1097, %swap3A_1098], %swap3A_1101 {strides = array<i32>} : memref<128x128xf32, #tpu.memory_space<vmem>>, vector<1x16xf32>,
        %get3A_1102 = arith.index_cast %squeeze3A_1031 : i32 to index
        %get3A_1103 = arith.constant 112 : index
        %get3A_1104 = tpu.vector_load %arg6[%get3A_1102, %get3A_1103] {strides = array<i32>} : memref<512x128xf32, #tpu.memory_space<vmem>>, vector<1x16xf32>,
        %get3A_1105 = vector.shape_cast %get3A_1104 : vector<1x16xf32> to vector<16xf32>
        %swap3A_1106 = arith.constant 124 : i32
        %swap3A_1107 = arith.index_cast %swap3A_1106 : i32 to index
        %swap3A_1108 = arith.constant 112 : index
        %swap3A_1109 = tpu.vector_load %arg7[%swap3A_1107, %swap3A_1108] {strides = array<i32>} : memref<128x128xf32, #tpu.memory_space<vmem>>, vector<1x16xf32>,
        %swap3A_1110 = vector.shape_cast %swap3A_1109 : vector<1x16xf32> to vector<16xf32>
        %swap3A_1111 = vector.shape_cast %get3A_1105 : vector<16xf32> to vector<1x16xf32>
        tpu.vector_store %arg7[%swap3A_1107, %swap3A_1108], %swap3A_1111 {strides = array<i32>} : memref<128x128xf32, #tpu.memory_space<vmem>>, vector<1x16xf32>,
        %slice3A_1112 = vector.extract_strided_slice %get3A_128 {offsets = [13], sizes = [1], strides = [1]} : vector<16xi32> to vector<1xi32>
        %squeeze3A_1113 = vector.extract %slice3A_1112[0] : i32 from vector<1xi32>
        %get3A_1114 = arith.index_cast %squeeze3A_1113 : i32 to index
        %get3A_1115 = arith.constant 0 : index
        %get3A_1116 = tpu.vector_load %arg6[%get3A_1114, %get3A_1115] {strides = array<i32>} : memref<512x128xf32, #tpu.memory_space<vmem>>, vector<1x16xf32>,
        %get3A_1117 = vector.shape_cast %get3A_1116 : vector<1x16xf32> to vector<16xf32>
        %swap3A_1118 = arith.constant 125 : i32
        %swap3A_1119 = arith.index_cast %swap3A_1118 : i32 to index
        %swap3A_1120 = arith.constant 0 : index
        %swap3A_1121 = tpu.vector_load %arg7[%swap3A_1119, %swap3A_1120] {strides = array<i32>} : memref<128x128xf32, #tpu.memory_space<vmem>>, vector<1x16xf32>,
        %swap3A_1122 = vector.shape_cast %swap3A_1121 : vector<1x16xf32> to vector<16xf32>
        %swap3A_1123 = vector.shape_cast %get3A_1117 : vector<16xf32> to vector<1x16xf32>
        tpu.vector_store %arg7[%swap3A_1119, %swap3A_1120], %swap3A_1123 {strides = array<i32>} : memref<128x128xf32, #tpu.memory_space<vmem>>, vector<1x16xf32>,
        %get3A_1124 = arith.index_cast %squeeze3A_1113 : i32 to index
        %get3A_1125 = arith.constant 16 : index
        %get3A_1126 = tpu.vector_load %arg6[%get3A_1124, %get3A_1125] {strides = array<i32>} : memref<512x128xf32, #tpu.memory_space<vmem>>, vector<1x16xf32>,
        %get3A_1127 = vector.shape_cast %get3A_1126 : vector<1x16xf32> to vector<16xf32>
        %swap3A_1128 = arith.constant 125 : i32
        %swap3A_1129 = arith.index_cast %swap3A_1128 : i32 to index
        %swap3A_1130 = arith.constant 16 : index
        %swap3A_1131 = tpu.vector_load %arg7[%swap3A_1129, %swap3A_1130] {strides = array<i32>} : memref<128x128xf32, #tpu.memory_space<vmem>>, vector<1x16xf32>,
        %swap3A_1132 = vector.shape_cast %swap3A_1131 : vector<1x16xf32> to vector<16xf32>
        %swap3A_1133 = vector.shape_cast %get3A_1127 : vector<16xf32> to vector<1x16xf32>
        tpu.vector_store %arg7[%swap3A_1129, %swap3A_1130], %swap3A_1133 {strides = array<i32>} : memref<128x128xf32, #tpu.memory_space<vmem>>, vector<1x16xf32>,
        %get3A_1134 = arith.index_cast %squeeze3A_1113 : i32 to index
        %get3A_1135 = arith.constant 32 : index
        %get3A_1136 = tpu.vector_load %arg6[%get3A_1134, %get3A_1135] {strides = array<i32>} : memref<512x128xf32, #tpu.memory_space<vmem>>, vector<1x16xf32>,
        %get3A_1137 = vector.shape_cast %get3A_1136 : vector<1x16xf32> to vector<16xf32>
        %swap3A_1138 = arith.constant 125 : i32
        %swap3A_1139 = arith.index_cast %swap3A_1138 : i32 to index
        %swap3A_1140 = arith.constant 32 : index
        %swap3A_1141 = tpu.vector_load %arg7[%swap3A_1139, %swap3A_1140] {strides = array<i32>} : memref<128x128xf32, #tpu.memory_space<vmem>>, vector<1x16xf32>,
        %swap3A_1142 = vector.shape_cast %swap3A_1141 : vector<1x16xf32> to vector<16xf32>
        %swap3A_1143 = vector.shape_cast %get3A_1137 : vector<16xf32> to vector<1x16xf32>
        tpu.vector_store %arg7[%swap3A_1139, %swap3A_1140], %swap3A_1143 {strides = array<i32>} : memref<128x128xf32, #tpu.memory_space<vmem>>, vector<1x16xf32>,
        %get3A_1144 = arith.index_cast %squeeze3A_1113 : i32 to index
        %get3A_1145 = arith.constant 48 : index
        %get3A_1146 = tpu.vector_load %arg6[%get3A_1144, %get3A_1145] {strides = array<i32>} : memref<512x128xf32, #tpu.memory_space<vmem>>, vector<1x16xf32>,
        %get3A_1147 = vector.shape_cast %get3A_1146 : vector<1x16xf32> to vector<16xf32>
        %swap3A_1148 = arith.constant 125 : i32
        %swap3A_1149 = arith.index_cast %swap3A_1148 : i32 to index
        %swap3A_1150 = arith.constant 48 : index
        %swap3A_1151 = tpu.vector_load %arg7[%swap3A_1149, %swap3A_1150] {strides = array<i32>} : memref<128x128xf32, #tpu.memory_space<vmem>>, vector<1x16xf32>,
        %swap3A_1152 = vector.shape_cast %swap3A_1151 : vector<1x16xf32> to vector<16xf32>
        %swap3A_1153 = vector.shape_cast %get3A_1147 : vector<16xf32> to vector<1x16xf32>
        tpu.vector_store %arg7[%swap3A_1149, %swap3A_1150], %swap3A_1153 {strides = array<i32>} : memref<128x128xf32, #tpu.memory_space<vmem>>, vector<1x16xf32>,
        %get3A_1154 = arith.index_cast %squeeze3A_1113 : i32 to index
        %get3A_1155 = arith.constant 64 : index
        %get3A_1156 = tpu.vector_load %arg6[%get3A_1154, %get3A_1155] {strides = array<i32>} : memref<512x128xf32, #tpu.memory_space<vmem>>, vector<1x16xf32>,
        %get3A_1157 = vector.shape_cast %get3A_1156 : vector<1x16xf32> to vector<16xf32>
        %swap3A_1158 = arith.constant 125 : i32
        %swap3A_1159 = arith.index_cast %swap3A_1158 : i32 to index
        %swap3A_1160 = arith.constant 64 : index
        %swap3A_1161 = tpu.vector_load %arg7[%swap3A_1159, %swap3A_1160] {strides = array<i32>} : memref<128x128xf32, #tpu.memory_space<vmem>>, vector<1x16xf32>,
        %swap3A_1162 = vector.shape_cast %swap3A_1161 : vector<1x16xf32> to vector<16xf32>
        %swap3A_1163 = vector.shape_cast %get3A_1157 : vector<16xf32> to vector<1x16xf32>
        tpu.vector_store %arg7[%swap3A_1159, %swap3A_1160], %swap3A_1163 {strides = array<i32>} : memref<128x128xf32, #tpu.memory_space<vmem>>, vector<1x16xf32>,
        %get3A_1164 = arith.index_cast %squeeze3A_1113 : i32 to index
        %get3A_1165 = arith.constant 80 : index
        %get3A_1166 = tpu.vector_load %arg6[%get3A_1164, %get3A_1165] {strides = array<i32>} : memref<512x128xf32, #tpu.memory_space<vmem>>, vector<1x16xf32>,
        %get3A_1167 = vector.shape_cast %get3A_1166 : vector<1x16xf32> to vector<16xf32>
        %swap3A_1168 = arith.constant 125 : i32
        %swap3A_1169 = arith.index_cast %swap3A_1168 : i32 to index
        %swap3A_1170 = arith.constant 80 : index
        %swap3A_1171 = tpu.vector_load %arg7[%swap3A_1169, %swap3A_1170] {strides = array<i32>} : memref<128x128xf32, #tpu.memory_space<vmem>>, vector<1x16xf32>,
        %swap3A_1172 = vector.shape_cast %swap3A_1171 : vector<1x16xf32> to vector<16xf32>
        %swap3A_1173 = vector.shape_cast %get3A_1167 : vector<16xf32> to vector<1x16xf32>
        tpu.vector_store %arg7[%swap3A_1169, %swap3A_1170], %swap3A_1173 {strides = array<i32>} : memref<128x128xf32, #tpu.memory_space<vmem>>, vector<1x16xf32>,
        %get3A_1174 = arith.index_cast %squeeze3A_1113 : i32 to index
        %get3A_1175 = arith.constant 96 : index
        %get3A_1176 = tpu.vector_load %arg6[%get3A_1174, %get3A_1175] {strides = array<i32>} : memref<512x128xf32, #tpu.memory_space<vmem>>, vector<1x16xf32>,
        %get3A_1177 = vector.shape_cast %get3A_1176 : vector<1x16xf32> to vector<16xf32>
        %swap3A_1178 = arith.constant 125 : i32
        %swap3A_1179 = arith.index_cast %swap3A_1178 : i32 to index
        %swap3A_1180 = arith.constant 96 : index
        %swap3A_1181 = tpu.vector_load %arg7[%swap3A_1179, %swap3A_1180] {strides = array<i32>} : memref<128x128xf32, #tpu.memory_space<vmem>>, vector<1x16xf32>,
        %swap3A_1182 = vector.shape_cast %swap3A_1181 : vector<1x16xf32> to vector<16xf32>
        %swap3A_1183 = vector.shape_cast %get3A_1177 : vector<16xf32> to vector<1x16xf32>
        tpu.vector_store %arg7[%swap3A_1179, %swap3A_1180], %swap3A_1183 {strides = array<i32>} : memref<128x128xf32, #tpu.memory_space<vmem>>, vector<1x16xf32>,
        %get3A_1184 = arith.index_cast %squeeze3A_1113 : i32 to index
        %get3A_1185 = arith.constant 112 : index
        %get3A_1186 = tpu.vector_load %arg6[%get3A_1184, %get3A_1185] {strides = array<i32>} : memref<512x128xf32, #tpu.memory_space<vmem>>, vector<1x16xf32>,
        %get3A_1187 = vector.shape_cast %get3A_1186 : vector<1x16xf32> to vector<16xf32>
        %swap3A_1188 = arith.constant 125 : i32
        %swap3A_1189 = arith.index_cast %swap3A_1188 : i32 to index
        %swap3A_1190 = arith.constant 112 : index
        %swap3A_1191 = tpu.vector_load %arg7[%swap3A_1189, %swap3A_1190] {strides = array<i32>} : memref<128x128xf32, #tpu.memory_space<vmem>>, vector<1x16xf32>,
        %swap3A_1192 = vector.shape_cast %swap3A_1191 : vector<1x16xf32> to vector<16xf32>
        %swap3A_1193 = vector.shape_cast %get3A_1187 : vector<16xf32> to vector<1x16xf32>
        tpu.vector_store %arg7[%swap3A_1189, %swap3A_1190], %swap3A_1193 {strides = array<i32>} : memref<128x128xf32, #tpu.memory_space<vmem>>, vector<1x16xf32>,
        %slice3A_1194 = vector.extract_strided_slice %get3A_128 {offsets = [14], sizes = [1], strides = [1]} : vector<16xi32> to vector<1xi32>
        %squeeze3A_1195 = vector.extract %slice3A_1194[0] : i32 from vector<1xi32>
        %get3A_1196 = arith.index_cast %squeeze3A_1195 : i32 to index
        %get3A_1197 = arith.constant 0 : index
        %get3A_1198 = tpu.vector_load %arg6[%get3A_1196, %get3A_1197] {strides = array<i32>} : memref<512x128xf32, #tpu.memory_space<vmem>>, vector<1x16xf32>,
        %get3A_1199 = vector.shape_cast %get3A_1198 : vector<1x16xf32> to vector<16xf32>
        %swap3A_1200 = arith.constant 126 : i32
        %swap3A_1201 = arith.index_cast %swap3A_1200 : i32 to index
        %swap3A_1202 = arith.constant 0 : index
        %swap3A_1203 = tpu.vector_load %arg7[%swap3A_1201, %swap3A_1202] {strides = array<i32>} : memref<128x128xf32, #tpu.memory_space<vmem>>, vector<1x16xf32>,
        %swap3A_1204 = vector.shape_cast %swap3A_1203 : vector<1x16xf32> to vector<16xf32>
        %swap3A_1205 = vector.shape_cast %get3A_1199 : vector<16xf32> to vector<1x16xf32>
        tpu.vector_store %arg7[%swap3A_1201, %swap3A_1202], %swap3A_1205 {strides = array<i32>} : memref<128x128xf32, #tpu.memory_space<vmem>>, vector<1x16xf32>,
        %get3A_1206 = arith.index_cast %squeeze3A_1195 : i32 to index
        %get3A_1207 = arith.constant 16 : index
        %get3A_1208 = tpu.vector_load %arg6[%get3A_1206, %get3A_1207] {strides = array<i32>} : memref<512x128xf32, #tpu.memory_space<vmem>>, vector<1x16xf32>,
        %get3A_1209 = vector.shape_cast %get3A_1208 : vector<1x16xf32> to vector<16xf32>
        %swap3A_1210 = arith.constant 126 : i32
        %swap3A_1211 = arith.index_cast %swap3A_1210 : i32 to index
        %swap3A_1212 = arith.constant 16 : index
        %swap3A_1213 = tpu.vector_load %arg7[%swap3A_1211, %swap3A_1212] {strides = array<i32>} : memref<128x128xf32, #tpu.memory_space<vmem>>, vector<1x16xf32>,
        %swap3A_1214 = vector.shape_cast %swap3A_1213 : vector<1x16xf32> to vector<16xf32>
        %swap3A_1215 = vector.shape_cast %get3A_1209 : vector<16xf32> to vector<1x16xf32>
        tpu.vector_store %arg7[%swap3A_1211, %swap3A_1212], %swap3A_1215 {strides = array<i32>} : memref<128x128xf32, #tpu.memory_space<vmem>>, vector<1x16xf32>,
        %get3A_1216 = arith.index_cast %squeeze3A_1195 : i32 to index
        %get3A_1217 = arith.constant 32 : index
        %get3A_1218 = tpu.vector_load %arg6[%get3A_1216, %get3A_1217] {strides = array<i32>} : memref<512x128xf32, #tpu.memory_space<vmem>>, vector<1x16xf32>,
        %get3A_1219 = vector.shape_cast %get3A_1218 : vector<1x16xf32> to vector<16xf32>
        %swap3A_1220 = arith.constant 126 : i32
        %swap3A_1221 = arith.index_cast %swap3A_1220 : i32 to index
        %swap3A_1222 = arith.constant 32 : index
        %swap3A_1223 = tpu.vector_load %arg7[%swap3A_1221, %swap3A_1222] {strides = array<i32>} : memref<128x128xf32, #tpu.memory_space<vmem>>, vector<1x16xf32>,
        %swap3A_1224 = vector.shape_cast %swap3A_1223 : vector<1x16xf32> to vector<16xf32>
        %swap3A_1225 = vector.shape_cast %get3A_1219 : vector<16xf32> to vector<1x16xf32>
        tpu.vector_store %arg7[%swap3A_1221, %swap3A_1222], %swap3A_1225 {strides = array<i32>} : memref<128x128xf32, #tpu.memory_space<vmem>>, vector<1x16xf32>,
        %get3A_1226 = arith.index_cast %squeeze3A_1195 : i32 to index
        %get3A_1227 = arith.constant 48 : index
        %get3A_1228 = tpu.vector_load %arg6[%get3A_1226, %get3A_1227] {strides = array<i32>} : memref<512x128xf32, #tpu.memory_space<vmem>>, vector<1x16xf32>,
        %get3A_1229 = vector.shape_cast %get3A_1228 : vector<1x16xf32> to vector<16xf32>
        %swap3A_1230 = arith.constant 126 : i32
        %swap3A_1231 = arith.index_cast %swap3A_1230 : i32 to index
        %swap3A_1232 = arith.constant 48 : index
        %swap3A_1233 = tpu.vector_load %arg7[%swap3A_1231, %swap3A_1232] {strides = array<i32>} : memref<128x128xf32, #tpu.memory_space<vmem>>, vector<1x16xf32>,
        %swap3A_1234 = vector.shape_cast %swap3A_1233 : vector<1x16xf32> to vector<16xf32>
        %swap3A_1235 = vector.shape_cast %get3A_1229 : vector<16xf32> to vector<1x16xf32>
        tpu.vector_store %arg7[%swap3A_1231, %swap3A_1232], %swap3A_1235 {strides = array<i32>} : memref<128x128xf32, #tpu.memory_space<vmem>>, vector<1x16xf32>,
        %get3A_1236 = arith.index_cast %squeeze3A_1195 : i32 to index
        %get3A_1237 = arith.constant 64 : index
        %get3A_1238 = tpu.vector_load %arg6[%get3A_1236, %get3A_1237] {strides = array<i32>} : memref<512x128xf32, #tpu.memory_space<vmem>>, vector<1x16xf32>,
        %get3A_1239 = vector.shape_cast %get3A_1238 : vector<1x16xf32> to vector<16xf32>
        %swap3A_1240 = arith.constant 126 : i32
        %swap3A_1241 = arith.index_cast %swap3A_1240 : i32 to index
        %swap3A_1242 = arith.constant 64 : index
        %swap3A_1243 = tpu.vector_load %arg7[%swap3A_1241, %swap3A_1242] {strides = array<i32>} : memref<128x128xf32, #tpu.memory_space<vmem>>, vector<1x16xf32>,
        %swap3A_1244 = vector.shape_cast %swap3A_1243 : vector<1x16xf32> to vector<16xf32>
        %swap3A_1245 = vector.shape_cast %get3A_1239 : vector<16xf32> to vector<1x16xf32>
        tpu.vector_store %arg7[%swap3A_1241, %swap3A_1242], %swap3A_1245 {strides = array<i32>} : memref<128x128xf32, #tpu.memory_space<vmem>>, vector<1x16xf32>,
        %get3A_1246 = arith.index_cast %squeeze3A_1195 : i32 to index
        %get3A_1247 = arith.constant 80 : index
        %get3A_1248 = tpu.vector_load %arg6[%get3A_1246, %get3A_1247] {strides = array<i32>} : memref<512x128xf32, #tpu.memory_space<vmem>>, vector<1x16xf32>,
        %get3A_1249 = vector.shape_cast %get3A_1248 : vector<1x16xf32> to vector<16xf32>
        %swap3A_1250 = arith.constant 126 : i32
        %swap3A_1251 = arith.index_cast %swap3A_1250 : i32 to index
        %swap3A_1252 = arith.constant 80 : index
        %swap3A_1253 = tpu.vector_load %arg7[%swap3A_1251, %swap3A_1252] {strides = array<i32>} : memref<128x128xf32, #tpu.memory_space<vmem>>, vector<1x16xf32>,
        %swap3A_1254 = vector.shape_cast %swap3A_1253 : vector<1x16xf32> to vector<16xf32>
        %swap3A_1255 = vector.shape_cast %get3A_1249 : vector<16xf32> to vector<1x16xf32>
        tpu.vector_store %arg7[%swap3A_1251, %swap3A_1252], %swap3A_1255 {strides = array<i32>} : memref<128x128xf32, #tpu.memory_space<vmem>>, vector<1x16xf32>,
        %get3A_1256 = arith.index_cast %squeeze3A_1195 : i32 to index
        %get3A_1257 = arith.constant 96 : index
        %get3A_1258 = tpu.vector_load %arg6[%get3A_1256, %get3A_1257] {strides = array<i32>} : memref<512x128xf32, #tpu.memory_space<vmem>>, vector<1x16xf32>,
        %get3A_1259 = vector.shape_cast %get3A_1258 : vector<1x16xf32> to vector<16xf32>
        %swap3A_1260 = arith.constant 126 : i32
        %swap3A_1261 = arith.index_cast %swap3A_1260 : i32 to index
        %swap3A_1262 = arith.constant 96 : index
        %swap3A_1263 = tpu.vector_load %arg7[%swap3A_1261, %swap3A_1262] {strides = array<i32>} : memref<128x128xf32, #tpu.memory_space<vmem>>, vector<1x16xf32>,
        %swap3A_1264 = vector.shape_cast %swap3A_1263 : vector<1x16xf32> to vector<16xf32>
        %swap3A_1265 = vector.shape_cast %get3A_1259 : vector<16xf32> to vector<1x16xf32>
        tpu.vector_store %arg7[%swap3A_1261, %swap3A_1262], %swap3A_1265 {strides = array<i32>} : memref<128x128xf32, #tpu.memory_space<vmem>>, vector<1x16xf32>,
        %get3A_1266 = arith.index_cast %squeeze3A_1195 : i32 to index
        %get3A_1267 = arith.constant 112 : index
        %get3A_1268 = tpu.vector_load %arg6[%get3A_1266, %get3A_1267] {strides = array<i32>} : memref<512x128xf32, #tpu.memory_space<vmem>>, vector<1x16xf32>,
        %get3A_1269 = vector.shape_cast %get3A_1268 : vector<1x16xf32> to vector<16xf32>
        %swap3A_1270 = arith.constant 126 : i32
        %swap3A_1271 = arith.index_cast %swap3A_1270 : i32 to index
        %swap3A_1272 = arith.constant 112 : index
        %swap3A_1273 = tpu.vector_load %arg7[%swap3A_1271, %swap3A_1272] {strides = array<i32>} : memref<128x128xf32, #tpu.memory_space<vmem>>, vector<1x16xf32>,
        %swap3A_1274 = vector.shape_cast %swap3A_1273 : vector<1x16xf32> to vector<16xf32>
        %swap3A_1275 = vector.shape_cast %get3A_1269 : vector<16xf32> to vector<1x16xf32>
        tpu.vector_store %arg7[%swap3A_1271, %swap3A_1272], %swap3A_1275 {strides = array<i32>} : memref<128x128xf32, #tpu.memory_space<vmem>>, vector<1x16xf32>,
        %slice3A_1276 = vector.extract_strided_slice %get3A_128 {offsets = [15], sizes = [1], strides = [1]} : vector<16xi32> to vector<1xi32>
        %squeeze3A_1277 = vector.extract %slice3A_1276[0] : i32 from vector<1xi32>
        %get3A_1278 = arith.index_cast %squeeze3A_1277 : i32 to index
        %get3A_1279 = arith.constant 0 : index
        %get3A_1280 = tpu.vector_load %arg6[%get3A_1278, %get3A_1279] {strides = array<i32>} : memref<512x128xf32, #tpu.memory_space<vmem>>, vector<1x16xf32>,
        %get3A_1281 = vector.shape_cast %get3A_1280 : vector<1x16xf32> to vector<16xf32>
        %swap3A_1282 = arith.constant 127 : i32
        %swap3A_1283 = arith.index_cast %swap3A_1282 : i32 to index
        %swap3A_1284 = arith.constant 0 : index
        %swap3A_1285 = tpu.vector_load %arg7[%swap3A_1283, %swap3A_1284] {strides = array<i32>} : memref<128x128xf32, #tpu.memory_space<vmem>>, vector<1x16xf32>,
        %swap3A_1286 = vector.shape_cast %swap3A_1285 : vector<1x16xf32> to vector<16xf32>
        %swap3A_1287 = vector.shape_cast %get3A_1281 : vector<16xf32> to vector<1x16xf32>
        tpu.vector_store %arg7[%swap3A_1283, %swap3A_1284], %swap3A_1287 {strides = array<i32>} : memref<128x128xf32, #tpu.memory_space<vmem>>, vector<1x16xf32>,
        %get3A_1288 = arith.index_cast %squeeze3A_1277 : i32 to index
        %get3A_1289 = arith.constant 16 : index
        %get3A_1290 = tpu.vector_load %arg6[%get3A_1288, %get3A_1289] {strides = array<i32>} : memref<512x128xf32, #tpu.memory_space<vmem>>, vector<1x16xf32>,
        %get3A_1291 = vector.shape_cast %get3A_1290 : vector<1x16xf32> to vector<16xf32>
        %swap3A_1292 = arith.constant 127 : i32
        %swap3A_1293 = arith.index_cast %swap3A_1292 : i32 to index
        %swap3A_1294 = arith.constant 16 : index
        %swap3A_1295 = tpu.vector_load %arg7[%swap3A_1293, %swap3A_1294] {strides = array<i32>} : memref<128x128xf32, #tpu.memory_space<vmem>>, vector<1x16xf32>,
        %swap3A_1296 = vector.shape_cast %swap3A_1295 : vector<1x16xf32> to vector<16xf32>
        %swap3A_1297 = vector.shape_cast %get3A_1291 : vector<16xf32> to vector<1x16xf32>
        tpu.vector_store %arg7[%swap3A_1293, %swap3A_1294], %swap3A_1297 {strides = array<i32>} : memref<128x128xf32, #tpu.memory_space<vmem>>, vector<1x16xf32>,
        %get3A_1298 = arith.index_cast %squeeze3A_1277 : i32 to index
        %get3A_1299 = arith.constant 32 : index
        %get3A_1300 = tpu.vector_load %arg6[%get3A_1298, %get3A_1299] {strides = array<i32>} : memref<512x128xf32, #tpu.memory_space<vmem>>, vector<1x16xf32>,
        %get3A_1301 = vector.shape_cast %get3A_1300 : vector<1x16xf32> to vector<16xf32>
        %swap3A_1302 = arith.constant 127 : i32
        %swap3A_1303 = arith.index_cast %swap3A_1302 : i32 to index
        %swap3A_1304 = arith.constant 32 : index
        %swap3A_1305 = tpu.vector_load %arg7[%swap3A_1303, %swap3A_1304] {strides = array<i32>} : memref<128x128xf32, #tpu.memory_space<vmem>>, vector<1x16xf32>,
        %swap3A_1306 = vector.shape_cast %swap3A_1305 : vector<1x16xf32> to vector<16xf32>
        %swap3A_1307 = vector.shape_cast %get3A_1301 : vector<16xf32> to vector<1x16xf32>
        tpu.vector_store %arg7[%swap3A_1303, %swap3A_1304], %swap3A_1307 {strides = array<i32>} : memref<128x128xf32, #tpu.memory_space<vmem>>, vector<1x16xf32>,
        %get3A_1308 = arith.index_cast %squeeze3A_1277 : i32 to index
        %get3A_1309 = arith.constant 48 : index
        %get3A_1310 = tpu.vector_load %arg6[%get3A_1308, %get3A_1309] {strides = array<i32>} : memref<512x128xf32, #tpu.memory_space<vmem>>, vector<1x16xf32>,
        %get3A_1311 = vector.shape_cast %get3A_1310 : vector<1x16xf32> to vector<16xf32>
        %swap3A_1312 = arith.constant 127 : i32
        %swap3A_1313 = arith.index_cast %swap3A_1312 : i32 to index
        %swap3A_1314 = arith.constant 48 : index
        %swap3A_1315 = tpu.vector_load %arg7[%swap3A_1313, %swap3A_1314] {strides = array<i32>} : memref<128x128xf32, #tpu.memory_space<vmem>>, vector<1x16xf32>,
        %swap3A_1316 = vector.shape_cast %swap3A_1315 : vector<1x16xf32> to vector<16xf32>
        %swap3A_1317 = vector.shape_cast %get3A_1311 : vector<16xf32> to vector<1x16xf32>
        tpu.vector_store %arg7[%swap3A_1313, %swap3A_1314], %swap3A_1317 {strides = array<i32>} : memref<128x128xf32, #tpu.memory_space<vmem>>, vector<1x16xf32>,
        %get3A_1318 = arith.index_cast %squeeze3A_1277 : i32 to index
        %get3A_1319 = arith.constant 64 : index
        %get3A_1320 = tpu.vector_load %arg6[%get3A_1318, %get3A_1319] {strides = array<i32>} : memref<512x128xf32, #tpu.memory_space<vmem>>, vector<1x16xf32>,
        %get3A_1321 = vector.shape_cast %get3A_1320 : vector<1x16xf32> to vector<16xf32>
        %swap3A_1322 = arith.constant 127 : i32
        %swap3A_1323 = arith.index_cast %swap3A_1322 : i32 to index
        %swap3A_1324 = arith.constant 64 : index
        %swap3A_1325 = tpu.vector_load %arg7[%swap3A_1323, %swap3A_1324] {strides = array<i32>} : memref<128x128xf32, #tpu.memory_space<vmem>>, vector<1x16xf32>,
        %swap3A_1326 = vector.shape_cast %swap3A_1325 : vector<1x16xf32> to vector<16xf32>
        %swap3A_1327 = vector.shape_cast %get3A_1321 : vector<16xf32> to vector<1x16xf32>
        tpu.vector_store %arg7[%swap3A_1323, %swap3A_1324], %swap3A_1327 {strides = array<i32>} : memref<128x128xf32, #tpu.memory_space<vmem>>, vector<1x16xf32>,
        %get3A_1328 = arith.index_cast %squeeze3A_1277 : i32 to index
        %get3A_1329 = arith.constant 80 : index
        %get3A_1330 = tpu.vector_load %arg6[%get3A_1328, %get3A_1329] {strides = array<i32>} : memref<512x128xf32, #tpu.memory_space<vmem>>, vector<1x16xf32>,
        %get3A_1331 = vector.shape_cast %get3A_1330 : vector<1x16xf32> to vector<16xf32>
        %swap3A_1332 = arith.constant 127 : i32
        %swap3A_1333 = arith.index_cast %swap3A_1332 : i32 to index
        %swap3A_1334 = arith.constant 80 : index
        %swap3A_1335 = tpu.vector_load %arg7[%swap3A_1333, %swap3A_1334] {strides = array<i32>} : memref<128x128xf32, #tpu.memory_space<vmem>>, vector<1x16xf32>,
        %swap3A_1336 = vector.shape_cast %swap3A_1335 : vector<1x16xf32> to vector<16xf32>
        %swap3A_1337 = vector.shape_cast %get3A_1331 : vector<16xf32> to vector<1x16xf32>
        tpu.vector_store %arg7[%swap3A_1333, %swap3A_1334], %swap3A_1337 {strides = array<i32>} : memref<128x128xf32, #tpu.memory_space<vmem>>, vector<1x16xf32>,
        %get3A_1338 = arith.index_cast %squeeze3A_1277 : i32 to index
        %get3A_1339 = arith.constant 96 : index
        %get3A_1340 = tpu.vector_load %arg6[%get3A_1338, %get3A_1339] {strides = array<i32>} : memref<512x128xf32, #tpu.memory_space<vmem>>, vector<1x16xf32>,
        %get3A_1341 = vector.shape_cast %get3A_1340 : vector<1x16xf32> to vector<16xf32>
        %swap3A_1342 = arith.constant 127 : i32
        %swap3A_1343 = arith.index_cast %swap3A_1342 : i32 to index
        %swap3A_1344 = arith.constant 96 : index
        %swap3A_1345 = tpu.vector_load %arg7[%swap3A_1343, %swap3A_1344] {strides = array<i32>} : memref<128x128xf32, #tpu.memory_space<vmem>>, vector<1x16xf32>,
        %swap3A_1346 = vector.shape_cast %swap3A_1345 : vector<1x16xf32> to vector<16xf32>
        %swap3A_1347 = vector.shape_cast %get3A_1341 : vector<16xf32> to vector<1x16xf32>
        tpu.vector_store %arg7[%swap3A_1343, %swap3A_1344], %swap3A_1347 {strides = array<i32>} : memref<128x128xf32, #tpu.memory_space<vmem>>, vector<1x16xf32>,
        %get3A_1348 = arith.index_cast %squeeze3A_1277 : i32 to index
        %get3A_1349 = arith.constant 112 : index
        %get3A_1350 = tpu.vector_load %arg6[%get3A_1348, %get3A_1349] {strides = array<i32>} : memref<512x128xf32, #tpu.memory_space<vmem>>, vector<1x16xf32>,
        %get3A_1351 = vector.shape_cast %get3A_1350 : vector<1x16xf32> to vector<16xf32>
        %swap3A_1352 = arith.constant 127 : i32
        %swap3A_1353 = arith.index_cast %swap3A_1352 : i32 to index
        %swap3A_1354 = arith.constant 112 : index
        %swap3A_1355 = tpu.vector_load %arg7[%swap3A_1353, %swap3A_1354] {strides = array<i32>} : memref<128x128xf32, #tpu.memory_space<vmem>>, vector<1x16xf32>,
        %swap3A_1356 = vector.shape_cast %swap3A_1355 : vector<1x16xf32> to vector<16xf32>
        %swap3A_1357 = vector.shape_cast %get3A_1351 : vector<16xf32> to vector<1x16xf32>
        tpu.vector_store %arg7[%swap3A_1353, %swap3A_1354], %swap3A_1357 {strides = array<i32>} : memref<128x128xf32, #tpu.memory_space<vmem>>, vector<1x16xf32>,
      } else {
      }
      %convert_element_type3A_89 = arith.extui %eq3A : i1 to i32
      %cond3A_90 = arith.constant 0 : i32
      %cond3A_91 = arith.cmpi ne, %convert_element_type3A_89, %cond3A_90 : i32
      scf.if %cond3A_91 {
        %add3A_106 = arith.addi %add3A_4, %while3A_67 : i32
        %mul3A_107 = arith.constant 128 : i32
        %mul3A_108 = arith.muli %add3A_106, %mul3A_107 : i32
        %dma_start3A = arith.constant 0 : i32
        %dma_start3A_109 = tpu.memref_slice %arg4[%mul3A_108, %dma_start3A] : memref<320000x128xf32, #tpu.memory_space<hbm>> -> memref<128x128xf32, #tpu.memory_space<hbm>>
        %dma_start3A_110 = arith.constant 0 : i32
        %dma_start3A_111 = tpu.memref_slice %arg4[%mul3A_108, %dma_start3A_110] : memref<320000x128xf32, #tpu.memory_space<hbm>> -> memref<128x128xf32, #tpu.memory_space<hbm>>
        tpu.enqueue_dma source(%arg8 : memref<128x128xf32, #tpu.memory_space<vmem>>) target(%dma_start3A_111 : memref<128x128xf32, #tpu.memory_space<hbm>>) target_semaphore(%arg10 : memref<!tpu.dma_semaphore, #tpu.memory_space<semaphore_mem>>)
      } else {
      }
      %not3A_92 = arith.constant true
      %not3A_93 = arith.xori %eq3A, %not3A_92 : i1
      %convert_element_type3A_94 = arith.extui %not3A_93 : i1 to i32
      %cond3A_95 = arith.constant 0 : i32
      %cond3A_96 = arith.cmpi ne, %convert_element_type3A_94, %cond3A_95 : i32
      scf.if %cond3A_96 {
        %add3A_106 = arith.addi %add3A_4, %while3A_67 : i32
        %mul3A_107 = arith.constant 128 : i32
        %mul3A_108 = arith.muli %add3A_106, %mul3A_107 : i32
        %dma_start3A = arith.constant 0 : i32
        %dma_start3A_109 = tpu.memref_slice %arg4[%mul3A_108, %dma_start3A] : memref<320000x128xf32, #tpu.memory_space<hbm>> -> memref<128x128xf32, #tpu.memory_space<hbm>>
        %dma_start3A_110 = arith.constant 0 : i32
        %dma_start3A_111 = tpu.memref_slice %arg4[%mul3A_108, %dma_start3A_110] : memref<320000x128xf32, #tpu.memory_space<hbm>> -> memref<128x128xf32, #tpu.memory_space<hbm>>
        tpu.enqueue_dma source(%arg7 : memref<128x128xf32, #tpu.memory_space<vmem>>) target(%dma_start3A_111 : memref<128x128xf32, #tpu.memory_space<hbm>>) target_semaphore(%arg9 : memref<!tpu.dma_semaphore, #tpu.memory_space<semaphore_mem>>)
      } else {
      }
      %jit3A_97 = arith.constant 1 : i32
      %select_n3A_98 = arith.select %eq3A, %while3A_69, %jit3A_97 : i32
      %ne3A_99 = arith.cmpi ne, %squeeze3A, %while3A_68 : i32
      %add3A_100 = arith.constant 1 : i32
      %add3A_101 = arith.addi %while3A_70, %add3A_100 : i32
      %jit3A_102 = arith.constant 1 : i32
      %select_n3A_103 = arith.select %ne3A_99, %jit3A_102, %add3A_101 : i32
      %select_n3A_104 = arith.select %eq3A, %select_n3A_103, %while3A_70 : i32
      %select_n3A_105 = arith.select %eq3A, %squeeze3A, %while3A_68 : i32
      scf.yield %select_n3A_105, %select_n3A_98, %select_n3A_104 : i32, i32, i32
    }
    %while3A_41 = arith.constant 1 : i32
    %while3A_42:3 = scf.for %while3A_67 = %while3A_38 to %while3A_34 step %while3A_41 iter_args(%while3A_68 = %while3A_40#0, %while3A_69 = %while3A_40#1, %while3A_70 = %while3A_40#2) -> (i32, i32, i32)  : i32 {
      %add3A_71 = arith.addi %sub3A_29, %while3A_67 : i32
      %get3A = arith.index_cast %add3A_71 : i32 to index
      %get3A_72 = arith.constant 0 : index
      %get3A_73 = tpu.vector_load %arg5[%get3A, %get3A_72] {strides = array<i32>} : memref<96x128xi32, #tpu.memory_space<vmem>>, vector<1x16xi32>,
      %get3A_74 = vector.shape_cast %get3A_73 : vector<1x16xi32> to vector<16xi32>
      %slice3A = vector.extract_strided_slice %get3A_74 {offsets = [0], sizes = [1], strides = [1]} : vector<16xi32> to vector<1xi32>
      %squeeze3A = vector.extract %slice3A[0] : i32 from vector<1xi32>
      %add3A_75 = arith.addi %sub3A_29, %while3A_67 : i32
      %get3A_76 = arith.index_cast %add3A_75 : i32 to index
      %get3A_77 = arith.constant 112 : index
      %get3A_78 = tpu.vector_load %arg5[%get3A_76, %get3A_77] {strides = array<i32>} : memref<96x128xi32, #tpu.memory_space<vmem>>, vector<1x16xi32>,
      %get3A_79 = vector.shape_cast %get3A_78 : vector<1x16xi32> to vector<16xi32>
      %slice3A_80 = vector.extract_strided_slice %get3A_79 {offsets = [15], sizes = [1], strides = [1]} : vector<16xi32> to vector<1xi32>
      %squeeze3A_81 = vector.extract %slice3A_80[0] : i32 from vector<1xi32>
      %eq3A = arith.cmpi eq, %squeeze3A, %squeeze3A_81 : i32
      %ne3A_82 = arith.cmpi ne, %squeeze3A, %while3A_68 : i32
      %and3A_83 = arith.andi %eq3A, %ne3A_82 : i1
      %convert_element_type3A = arith.extui %and3A_83 : i1 to i32
      %cond3A = arith.constant 0 : i32
      %cond3A_84 = arith.cmpi ne, %convert_element_type3A, %cond3A : i32
      scf.if %cond3A_84 {
        %while3A_106 = arith.constant 0 : i32
        %while3A_107 = arith.constant 0 : i32
        %while3A_108 = arith.subi %while3A_70, %while3A_106 : i32
        %while3A_109 = arith.addi %while3A_106, %while3A_108 : i32
        %while3A_110 = arith.constant 1 : i32
        %while3A_111 = arith.divsi %while3A_108, %while3A_110 : i32
        %while3A_112 = arith.muli %while3A_111, %while3A_110 : i32
        %while3A_113 = arith.addi %while3A_106, %while3A_112 : i32
        %while3A_114 = arith.constant 1 : i32
        %while3A_115 = scf.for %while3A_156 = %while3A_106 to %while3A_113 step %while3A_114 iter_args(%while3A_157 = %while3A_107) -> (i32)  : i32 {
          %add3A_158 = arith.addi %add3A_4, %while3A_67 : i32
          %mul3A_159 = arith.constant 128 : i32
          %mul3A_160 = arith.muli %add3A_158, %mul3A_159 : i32
          %dma_wait3A = arith.constant 0 : i32
          %dma_wait3A_161 = tpu.memref_slice %arg4[%mul3A_160, %dma_wait3A] : memref<320000x128xf32, #tpu.memory_space<hbm>> -> memref<128x128xf32, #tpu.memory_space<hbm>>
          %dma_wait3A_162 = arith.constant 0 : i32
          %dma_wait3A_163 = tpu.memref_slice %arg4[%mul3A_160, %dma_wait3A_162] : memref<320000x128xf32, #tpu.memory_space<hbm>> -> memref<128x128xf32, #tpu.memory_space<hbm>>
          tpu.wait_dma2 semaphore(%arg10 : memref<!tpu.dma_semaphore, #tpu.memory_space<semaphore_mem>>) src(%arg8 : memref<128x128xf32, #tpu.memory_space<vmem>>) dst(%dma_wait3A_163 : memref<128x128xf32, #tpu.memory_space<hbm>>)
          %while3A_164 = arith.constant 0 : i32
          scf.yield %while3A_164 : i32
        }
        %while3A_116 = arith.constant 1 : i32
        %while3A_117 = scf.for %while3A_156 = %while3A_113 to %while3A_109 step %while3A_116 iter_args(%while3A_157 = %while3A_115) -> (i32)  : i32 {
          %add3A_158 = arith.addi %add3A_4, %while3A_67 : i32
          %mul3A_159 = arith.constant 128 : i32
          %mul3A_160 = arith.muli %add3A_158, %mul3A_159 : i32
          %dma_wait3A = arith.constant 0 : i32
          %dma_wait3A_161 = tpu.memref_slice %arg4[%mul3A_160, %dma_wait3A] : memref<320000x128xf32, #tpu.memory_space<hbm>> -> memref<128x128xf32, #tpu.memory_space<hbm>>
          %dma_wait3A_162 = arith.constant 0 : i32
          %dma_wait3A_163 = tpu.memref_slice %arg4[%mul3A_160, %dma_wait3A_162] : memref<320000x128xf32, #tpu.memory_space<hbm>> -> memref<128x128xf32, #tpu.memory_space<hbm>>
          tpu.wait_dma2 semaphore(%arg10 : memref<!tpu.dma_semaphore, #tpu.memory_space<semaphore_mem>>) src(%arg8 : memref<128x128xf32, #tpu.memory_space<vmem>>) dst(%dma_wait3A_163 : memref<128x128xf32, #tpu.memory_space<hbm>>)
          %while3A_164 = arith.constant 0 : i32
          scf.yield %while3A_164 : i32
        }
        %get3A_118 = arith.index_cast %squeeze3A : i32 to index
        %get3A_119 = arith.constant 0 : index
        %get3A_120 = tpu.vector_load %arg6[%get3A_118, %get3A_119] {strides = array<i32>} : memref<512x128xf32, #tpu.memory_space<vmem>>, vector<1x16xf32>,
        %get3A_121 = vector.shape_cast %get3A_120 : vector<1x16xf32> to vector<16xf32>
        %get3A_122 = arith.index_cast %squeeze3A : i32 to index
        %get3A_123 = arith.constant 16 : index
        %get3A_124 = tpu.vector_load %arg6[%get3A_122, %get3A_123] {strides = array<i32>} : memref<512x128xf32, #tpu.memory_space<vmem>>, vector<1x16xf32>,
        %get3A_125 = vector.shape_cast %get3A_124 : vector<1x16xf32> to vector<16xf32>
        %get3A_126 = arith.index_cast %squeeze3A : i32 to index
        %get3A_127 = arith.constant 32 : index
        %get3A_128 = tpu.vector_load %arg6[%get3A_126, %get3A_127] {strides = array<i32>} : memref<512x128xf32, #tpu.memory_space<vmem>>, vector<1x16xf32>,
        %get3A_129 = vector.shape_cast %get3A_128 : vector<1x16xf32> to vector<16xf32>
        %get3A_130 = arith.index_cast %squeeze3A : i32 to index
        %get3A_131 = arith.constant 48 : index
        %get3A_132 = tpu.vector_load %arg6[%get3A_130, %get3A_131] {strides = array<i32>} : memref<512x128xf32, #tpu.memory_space<vmem>>, vector<1x16xf32>,
        %get3A_133 = vector.shape_cast %get3A_132 : vector<1x16xf32> to vector<16xf32>
        %get3A_134 = arith.index_cast %squeeze3A : i32 to index
        %get3A_135 = arith.constant 64 : index
        %get3A_136 = tpu.vector_load %arg6[%get3A_134, %get3A_135] {strides = array<i32>} : memref<512x128xf32, #tpu.memory_space<vmem>>, vector<1x16xf32>,
        %get3A_137 = vector.shape_cast %get3A_136 : vector<1x16xf32> to vector<16xf32>
        %get3A_138 = arith.index_cast %squeeze3A : i32 to index
        %get3A_139 = arith.constant 80 : index
        %get3A_140 = tpu.vector_load %arg6[%get3A_138, %get3A_139] {strides = array<i32>} : memref<512x128xf32, #tpu.memory_space<vmem>>, vector<1x16xf32>,
        %get3A_141 = vector.shape_cast %get3A_140 : vector<1x16xf32> to vector<16xf32>
        %get3A_142 = arith.index_cast %squeeze3A : i32 to index
        %get3A_143 = arith.constant 96 : index
        %get3A_144 = tpu.vector_load %arg6[%get3A_142, %get3A_143] {strides = array<i32>} : memref<512x128xf32, #tpu.memory_space<vmem>>, vector<1x16xf32>,
        %get3A_145 = vector.shape_cast %get3A_144 : vector<1x16xf32> to vector<16xf32>
        %get3A_146 = arith.index_cast %squeeze3A : i32 to index
        %get3A_147 = arith.constant 112 : index
        %get3A_148 = tpu.vector_load %arg6[%get3A_146, %get3A_147] {strides = array<i32>} : memref<512x128xf32, #tpu.memory_space<vmem>>, vector<1x16xf32>,
        %get3A_149 = vector.shape_cast %get3A_148 : vector<1x16xf32> to vector<16xf32>
        %scan3A = arith.constant 0 : i32
        %scan3A_150 = arith.constant 0 : i32
        %scan3A_151 = arith.constant 128 : i32
        %scan3A_152 = arith.addi %scan3A_150, %scan3A_151 : i32
        %scan3A_153 = arith.constant 1 : i32
        %scan3A_154 = scf.for %scan3A_156 = %scan3A_150 to %scan3A_152 step %scan3A_153 iter_args(%scan3A_157 = %scan3A) -> (i32)  : i32 {
          %swap3A = arith.index_cast %scan3A_156 : i32 to index
          %swap3A_158 = arith.constant 0 : index
          %swap3A_159 = tpu.vector_load %arg8[%swap3A, %swap3A_158] {strides = array<i32>} : memref<128x128xf32, #tpu.memory_space<vmem>>, vector<1x16xf32>,
          %swap3A_160 = vector.shape_cast %swap3A_159 : vector<1x16xf32> to vector<16xf32>
          %swap3A_161 = vector.shape_cast %get3A_121 : vector<16xf32> to vector<1x16xf32>
          tpu.vector_store %arg8[%swap3A, %swap3A_158], %swap3A_161 {strides = array<i32>} : memref<128x128xf32, #tpu.memory_space<vmem>>, vector<1x16xf32>,
          %swap3A_162 = arith.index_cast %scan3A_156 : i32 to index
          %swap3A_163 = arith.constant 16 : index
          %swap3A_164 = tpu.vector_load %arg8[%swap3A_162, %swap3A_163] {strides = array<i32>} : memref<128x128xf32, #tpu.memory_space<vmem>>, vector<1x16xf32>,
          %swap3A_165 = vector.shape_cast %swap3A_164 : vector<1x16xf32> to vector<16xf32>
          %swap3A_166 = vector.shape_cast %get3A_125 : vector<16xf32> to vector<1x16xf32>
          tpu.vector_store %arg8[%swap3A_162, %swap3A_163], %swap3A_166 {strides = array<i32>} : memref<128x128xf32, #tpu.memory_space<vmem>>, vector<1x16xf32>,
          %swap3A_167 = arith.index_cast %scan3A_156 : i32 to index
          %swap3A_168 = arith.constant 32 : index
          %swap3A_169 = tpu.vector_load %arg8[%swap3A_167, %swap3A_168] {strides = array<i32>} : memref<128x128xf32, #tpu.memory_space<vmem>>, vector<1x16xf32>,
          %swap3A_170 = vector.shape_cast %swap3A_169 : vector<1x16xf32> to vector<16xf32>
          %swap3A_171 = vector.shape_cast %get3A_129 : vector<16xf32> to vector<1x16xf32>
          tpu.vector_store %arg8[%swap3A_167, %swap3A_168], %swap3A_171 {strides = array<i32>} : memref<128x128xf32, #tpu.memory_space<vmem>>, vector<1x16xf32>,
          %swap3A_172 = arith.index_cast %scan3A_156 : i32 to index
          %swap3A_173 = arith.constant 48 : index
          %swap3A_174 = tpu.vector_load %arg8[%swap3A_172, %swap3A_173] {strides = array<i32>} : memref<128x128xf32, #tpu.memory_space<vmem>>, vector<1x16xf32>,
          %swap3A_175 = vector.shape_cast %swap3A_174 : vector<1x16xf32> to vector<16xf32>
          %swap3A_176 = vector.shape_cast %get3A_133 : vector<16xf32> to vector<1x16xf32>
          tpu.vector_store %arg8[%swap3A_172, %swap3A_173], %swap3A_176 {strides = array<i32>} : memref<128x128xf32, #tpu.memory_space<vmem>>, vector<1x16xf32>,
          %swap3A_177 = arith.index_cast %scan3A_156 : i32 to index
          %swap3A_178 = arith.constant 64 : index
          %swap3A_179 = tpu.vector_load %arg8[%swap3A_177, %swap3A_178] {strides = array<i32>} : memref<128x128xf32, #tpu.memory_space<vmem>>, vector<1x16xf32>,
          %swap3A_180 = vector.shape_cast %swap3A_179 : vector<1x16xf32> to vector<16xf32>
          %swap3A_181 = vector.shape_cast %get3A_137 : vector<16xf32> to vector<1x16xf32>
          tpu.vector_store %arg8[%swap3A_177, %swap3A_178], %swap3A_181 {strides = array<i32>} : memref<128x128xf32, #tpu.memory_space<vmem>>, vector<1x16xf32>,
          %swap3A_182 = arith.index_cast %scan3A_156 : i32 to index
          %swap3A_183 = arith.constant 80 : index
          %swap3A_184 = tpu.vector_load %arg8[%swap3A_182, %swap3A_183] {strides = array<i32>} : memref<128x128xf32, #tpu.memory_space<vmem>>, vector<1x16xf32>,
          %swap3A_185 = vector.shape_cast %swap3A_184 : vector<1x16xf32> to vector<16xf32>
          %swap3A_186 = vector.shape_cast %get3A_141 : vector<16xf32> to vector<1x16xf32>
          tpu.vector_store %arg8[%swap3A_182, %swap3A_183], %swap3A_186 {strides = array<i32>} : memref<128x128xf32, #tpu.memory_space<vmem>>, vector<1x16xf32>,
          %swap3A_187 = arith.index_cast %scan3A_156 : i32 to index
          %swap3A_188 = arith.constant 96 : index
          %swap3A_189 = tpu.vector_load %arg8[%swap3A_187, %swap3A_188] {strides = array<i32>} : memref<128x128xf32, #tpu.memory_space<vmem>>, vector<1x16xf32>,
          %swap3A_190 = vector.shape_cast %swap3A_189 : vector<1x16xf32> to vector<16xf32>
          %swap3A_191 = vector.shape_cast %get3A_145 : vector<16xf32> to vector<1x16xf32>
          tpu.vector_store %arg8[%swap3A_187, %swap3A_188], %swap3A_191 {strides = array<i32>} : memref<128x128xf32, #tpu.memory_space<vmem>>, vector<1x16xf32>,
          %swap3A_192 = arith.index_cast %scan3A_156 : i32 to index
          %swap3A_193 = arith.constant 112 : index
          %swap3A_194 = tpu.vector_load %arg8[%swap3A_192, %swap3A_193] {strides = array<i32>} : memref<128x128xf32, #tpu.memory_space<vmem>>, vector<1x16xf32>,
          %swap3A_195 = vector.shape_cast %swap3A_194 : vector<1x16xf32> to vector<16xf32>
          %swap3A_196 = vector.shape_cast %get3A_149 : vector<16xf32> to vector<1x16xf32>
          tpu.vector_store %arg8[%swap3A_192, %swap3A_193], %swap3A_196 {strides = array<i32>} : memref<128x128xf32, #tpu.memory_space<vmem>>, vector<1x16xf32>,
          %scan3A_197 = arith.constant 0 : i32
          scf.yield %scan3A_197 : i32
        }
        %scan3A_155 = arith.constant 128 : i32
      } else {
      }
      %not3A = arith.constant true
      %not3A_85 = arith.xori %eq3A, %not3A : i1
      %convert_element_type3A_86 = arith.extui %not3A_85 : i1 to i32
      %cond3A_87 = arith.constant 0 : i32
      %cond3A_88 = arith.cmpi ne, %convert_element_type3A_86, %cond3A_87 : i32
      scf.if %cond3A_88 {
        %while3A_106 = arith.constant 0 : i32
        %while3A_107 = arith.constant 0 : i32
        %while3A_108 = arith.subi %while3A_69, %while3A_106 : i32
        %while3A_109 = arith.addi %while3A_106, %while3A_108 : i32
        %while3A_110 = arith.constant 1 : i32
        %while3A_111 = arith.divsi %while3A_108, %while3A_110 : i32
        %while3A_112 = arith.muli %while3A_111, %while3A_110 : i32
        %while3A_113 = arith.addi %while3A_106, %while3A_112 : i32
        %while3A_114 = arith.constant 1 : i32
        %while3A_115 = scf.for %while3A_1358 = %while3A_106 to %while3A_113 step %while3A_114 iter_args(%while3A_1359 = %while3A_107) -> (i32)  : i32 {
          %add3A_1360 = arith.addi %add3A_4, %while3A_67 : i32
          %mul3A_1361 = arith.constant 128 : i32
          %mul3A_1362 = arith.muli %add3A_1360, %mul3A_1361 : i32
          %dma_wait3A = arith.constant 0 : i32
          %dma_wait3A_1363 = tpu.memref_slice %arg4[%mul3A_1362, %dma_wait3A] : memref<320000x128xf32, #tpu.memory_space<hbm>> -> memref<128x128xf32, #tpu.memory_space<hbm>>
          %dma_wait3A_1364 = arith.constant 0 : i32
          %dma_wait3A_1365 = tpu.memref_slice %arg4[%mul3A_1362, %dma_wait3A_1364] : memref<320000x128xf32, #tpu.memory_space<hbm>> -> memref<128x128xf32, #tpu.memory_space<hbm>>
          tpu.wait_dma2 semaphore(%arg9 : memref<!tpu.dma_semaphore, #tpu.memory_space<semaphore_mem>>) src(%arg7 : memref<128x128xf32, #tpu.memory_space<vmem>>) dst(%dma_wait3A_1365 : memref<128x128xf32, #tpu.memory_space<hbm>>)
          %while3A_1366 = arith.constant 0 : i32
          scf.yield %while3A_1366 : i32
        }
        %while3A_116 = arith.constant 1 : i32
        %while3A_117 = scf.for %while3A_1358 = %while3A_113 to %while3A_109 step %while3A_116 iter_args(%while3A_1359 = %while3A_115) -> (i32)  : i32 {
          %add3A_1360 = arith.addi %add3A_4, %while3A_67 : i32
          %mul3A_1361 = arith.constant 128 : i32
          %mul3A_1362 = arith.muli %add3A_1360, %mul3A_1361 : i32
          %dma_wait3A = arith.constant 0 : i32
          %dma_wait3A_1363 = tpu.memref_slice %arg4[%mul3A_1362, %dma_wait3A] : memref<320000x128xf32, #tpu.memory_space<hbm>> -> memref<128x128xf32, #tpu.memory_space<hbm>>
          %dma_wait3A_1364 = arith.constant 0 : i32
          %dma_wait3A_1365 = tpu.memref_slice %arg4[%mul3A_1362, %dma_wait3A_1364] : memref<320000x128xf32, #tpu.memory_space<hbm>> -> memref<128x128xf32, #tpu.memory_space<hbm>>
          tpu.wait_dma2 semaphore(%arg9 : memref<!tpu.dma_semaphore, #tpu.memory_space<semaphore_mem>>) src(%arg7 : memref<128x128xf32, #tpu.memory_space<vmem>>) dst(%dma_wait3A_1365 : memref<128x128xf32, #tpu.memory_space<hbm>>)
          %while3A_1366 = arith.constant 0 : i32
          scf.yield %while3A_1366 : i32
        }
        %scan3A = arith.constant 0 : i32
        %scan3A_118 = arith.constant 0 : i32
        %scan3A_119 = arith.constant 113 : i32
        %scan3A_120 = arith.addi %scan3A_118, %scan3A_119 : i32
        %scan3A_121 = arith.constant 1 : i32
        %scan3A_122 = scf.for %scan3A_1358 = %scan3A_118 to %scan3A_120 step %scan3A_121 iter_args(%scan3A_1359 = %scan3A) -> (i32)  : i32 {
          %add3A_1360 = arith.addi %sub3A_29, %while3A_67 : i32
          %get3A_1361 = arith.index_cast %add3A_1360 : i32 to index
          %get3A_1362 = arith.index_cast %scan3A_1358 : i32 to index
          %get3A_1363 = tpu.vector_load %arg5[%get3A_1361, %get3A_1362] {strides = array<i32>} : memref<96x128xi32, #tpu.memory_space<vmem>>, vector<1x16xi32>,
          %get3A_1364 = vector.shape_cast %get3A_1363 : vector<1x16xi32> to vector<16xi32>
          %slice3A_1365 = vector.extract_strided_slice %get3A_1364 {offsets = [0], sizes = [1], strides = [1]} : vector<16xi32> to vector<1xi32>
          %squeeze3A_1366 = vector.extract %slice3A_1365[0] : i32 from vector<1xi32>
          %get3A_1367 = arith.index_cast %squeeze3A_1366 : i32 to index
          %get3A_1368 = arith.constant 0 : index
          %get3A_1369 = tpu.vector_load %arg6[%get3A_1367, %get3A_1368] {strides = array<i32>} : memref<512x128xf32, #tpu.memory_space<vmem>>, vector<1x16xf32>,
          %get3A_1370 = vector.shape_cast %get3A_1369 : vector<1x16xf32> to vector<16xf32>
          %swap3A_1371 = arith.index_cast %scan3A_1358 : i32 to index
          %swap3A_1372 = arith.constant 0 : index
          %swap3A_1373 = tpu.vector_load %arg7[%swap3A_1371, %swap3A_1372] {strides = array<i32>} : memref<128x128xf32, #tpu.memory_space<vmem>>, vector<1x16xf32>,
          %swap3A_1374 = vector.shape_cast %swap3A_1373 : vector<1x16xf32> to vector<16xf32>
          %swap3A_1375 = vector.shape_cast %get3A_1370 : vector<16xf32> to vector<1x16xf32>
          tpu.vector_store %arg7[%swap3A_1371, %swap3A_1372], %swap3A_1375 {strides = array<i32>} : memref<128x128xf32, #tpu.memory_space<vmem>>, vector<1x16xf32>,
          %get3A_1376 = arith.index_cast %squeeze3A_1366 : i32 to index
          %get3A_1377 = arith.constant 16 : index
          %get3A_1378 = tpu.vector_load %arg6[%get3A_1376, %get3A_1377] {strides = array<i32>} : memref<512x128xf32, #tpu.memory_space<vmem>>, vector<1x16xf32>,
          %get3A_1379 = vector.shape_cast %get3A_1378 : vector<1x16xf32> to vector<16xf32>
          %swap3A_1380 = arith.index_cast %scan3A_1358 : i32 to index
          %swap3A_1381 = arith.constant 16 : index
          %swap3A_1382 = tpu.vector_load %arg7[%swap3A_1380, %swap3A_1381] {strides = array<i32>} : memref<128x128xf32, #tpu.memory_space<vmem>>, vector<1x16xf32>,
          %swap3A_1383 = vector.shape_cast %swap3A_1382 : vector<1x16xf32> to vector<16xf32>
          %swap3A_1384 = vector.shape_cast %get3A_1379 : vector<16xf32> to vector<1x16xf32>
          tpu.vector_store %arg7[%swap3A_1380, %swap3A_1381], %swap3A_1384 {strides = array<i32>} : memref<128x128xf32, #tpu.memory_space<vmem>>, vector<1x16xf32>,
          %get3A_1385 = arith.index_cast %squeeze3A_1366 : i32 to index
          %get3A_1386 = arith.constant 32 : index
          %get3A_1387 = tpu.vector_load %arg6[%get3A_1385, %get3A_1386] {strides = array<i32>} : memref<512x128xf32, #tpu.memory_space<vmem>>, vector<1x16xf32>,
          %get3A_1388 = vector.shape_cast %get3A_1387 : vector<1x16xf32> to vector<16xf32>
          %swap3A_1389 = arith.index_cast %scan3A_1358 : i32 to index
          %swap3A_1390 = arith.constant 32 : index
          %swap3A_1391 = tpu.vector_load %arg7[%swap3A_1389, %swap3A_1390] {strides = array<i32>} : memref<128x128xf32, #tpu.memory_space<vmem>>, vector<1x16xf32>,
          %swap3A_1392 = vector.shape_cast %swap3A_1391 : vector<1x16xf32> to vector<16xf32>
          %swap3A_1393 = vector.shape_cast %get3A_1388 : vector<16xf32> to vector<1x16xf32>
          tpu.vector_store %arg7[%swap3A_1389, %swap3A_1390], %swap3A_1393 {strides = array<i32>} : memref<128x128xf32, #tpu.memory_space<vmem>>, vector<1x16xf32>,
          %get3A_1394 = arith.index_cast %squeeze3A_1366 : i32 to index
          %get3A_1395 = arith.constant 48 : index
          %get3A_1396 = tpu.vector_load %arg6[%get3A_1394, %get3A_1395] {strides = array<i32>} : memref<512x128xf32, #tpu.memory_space<vmem>>, vector<1x16xf32>,
          %get3A_1397 = vector.shape_cast %get3A_1396 : vector<1x16xf32> to vector<16xf32>
          %swap3A_1398 = arith.index_cast %scan3A_1358 : i32 to index
          %swap3A_1399 = arith.constant 48 : index
          %swap3A_1400 = tpu.vector_load %arg7[%swap3A_1398, %swap3A_1399] {strides = array<i32>} : memref<128x128xf32, #tpu.memory_space<vmem>>, vector<1x16xf32>,
          %swap3A_1401 = vector.shape_cast %swap3A_1400 : vector<1x16xf32> to vector<16xf32>
          %swap3A_1402 = vector.shape_cast %get3A_1397 : vector<16xf32> to vector<1x16xf32>
          tpu.vector_store %arg7[%swap3A_1398, %swap3A_1399], %swap3A_1402 {strides = array<i32>} : memref<128x128xf32, #tpu.memory_space<vmem>>, vector<1x16xf32>,
          %get3A_1403 = arith.index_cast %squeeze3A_1366 : i32 to index
          %get3A_1404 = arith.constant 64 : index
          %get3A_1405 = tpu.vector_load %arg6[%get3A_1403, %get3A_1404] {strides = array<i32>} : memref<512x128xf32, #tpu.memory_space<vmem>>, vector<1x16xf32>,
          %get3A_1406 = vector.shape_cast %get3A_1405 : vector<1x16xf32> to vector<16xf32>
          %swap3A_1407 = arith.index_cast %scan3A_1358 : i32 to index
          %swap3A_1408 = arith.constant 64 : index
          %swap3A_1409 = tpu.vector_load %arg7[%swap3A_1407, %swap3A_1408] {strides = array<i32>} : memref<128x128xf32, #tpu.memory_space<vmem>>, vector<1x16xf32>,
          %swap3A_1410 = vector.shape_cast %swap3A_1409 : vector<1x16xf32> to vector<16xf32>
          %swap3A_1411 = vector.shape_cast %get3A_1406 : vector<16xf32> to vector<1x16xf32>
          tpu.vector_store %arg7[%swap3A_1407, %swap3A_1408], %swap3A_1411 {strides = array<i32>} : memref<128x128xf32, #tpu.memory_space<vmem>>, vector<1x16xf32>,
          %get3A_1412 = arith.index_cast %squeeze3A_1366 : i32 to index
          %get3A_1413 = arith.constant 80 : index
          %get3A_1414 = tpu.vector_load %arg6[%get3A_1412, %get3A_1413] {strides = array<i32>} : memref<512x128xf32, #tpu.memory_space<vmem>>, vector<1x16xf32>,
          %get3A_1415 = vector.shape_cast %get3A_1414 : vector<1x16xf32> to vector<16xf32>
          %swap3A_1416 = arith.index_cast %scan3A_1358 : i32 to index
          %swap3A_1417 = arith.constant 80 : index
          %swap3A_1418 = tpu.vector_load %arg7[%swap3A_1416, %swap3A_1417] {strides = array<i32>} : memref<128x128xf32, #tpu.memory_space<vmem>>, vector<1x16xf32>,
          %swap3A_1419 = vector.shape_cast %swap3A_1418 : vector<1x16xf32> to vector<16xf32>
          %swap3A_1420 = vector.shape_cast %get3A_1415 : vector<16xf32> to vector<1x16xf32>
          tpu.vector_store %arg7[%swap3A_1416, %swap3A_1417], %swap3A_1420 {strides = array<i32>} : memref<128x128xf32, #tpu.memory_space<vmem>>, vector<1x16xf32>,
          %get3A_1421 = arith.index_cast %squeeze3A_1366 : i32 to index
          %get3A_1422 = arith.constant 96 : index
          %get3A_1423 = tpu.vector_load %arg6[%get3A_1421, %get3A_1422] {strides = array<i32>} : memref<512x128xf32, #tpu.memory_space<vmem>>, vector<1x16xf32>,
          %get3A_1424 = vector.shape_cast %get3A_1423 : vector<1x16xf32> to vector<16xf32>
          %swap3A_1425 = arith.index_cast %scan3A_1358 : i32 to index
          %swap3A_1426 = arith.constant 96 : index
          %swap3A_1427 = tpu.vector_load %arg7[%swap3A_1425, %swap3A_1426] {strides = array<i32>} : memref<128x128xf32, #tpu.memory_space<vmem>>, vector<1x16xf32>,
          %swap3A_1428 = vector.shape_cast %swap3A_1427 : vector<1x16xf32> to vector<16xf32>
          %swap3A_1429 = vector.shape_cast %get3A_1424 : vector<16xf32> to vector<1x16xf32>
          tpu.vector_store %arg7[%swap3A_1425, %swap3A_1426], %swap3A_1429 {strides = array<i32>} : memref<128x128xf32, #tpu.memory_space<vmem>>, vector<1x16xf32>,
          %get3A_1430 = arith.index_cast %squeeze3A_1366 : i32 to index
          %get3A_1431 = arith.constant 112 : index
          %get3A_1432 = tpu.vector_load %arg6[%get3A_1430, %get3A_1431] {strides = array<i32>} : memref<512x128xf32, #tpu.memory_space<vmem>>, vector<1x16xf32>,
          %get3A_1433 = vector.shape_cast %get3A_1432 : vector<1x16xf32> to vector<16xf32>
          %swap3A_1434 = arith.index_cast %scan3A_1358 : i32 to index
          %swap3A_1435 = arith.constant 112 : index
          %swap3A_1436 = tpu.vector_load %arg7[%swap3A_1434, %swap3A_1435] {strides = array<i32>} : memref<128x128xf32, #tpu.memory_space<vmem>>, vector<1x16xf32>,
          %swap3A_1437 = vector.shape_cast %swap3A_1436 : vector<1x16xf32> to vector<16xf32>
          %swap3A_1438 = vector.shape_cast %get3A_1433 : vector<16xf32> to vector<1x16xf32>
          tpu.vector_store %arg7[%swap3A_1434, %swap3A_1435], %swap3A_1438 {strides = array<i32>} : memref<128x128xf32, #tpu.memory_space<vmem>>, vector<1x16xf32>,
          %scan3A_1439 = arith.constant 0 : i32
          scf.yield %scan3A_1439 : i32
        }
        %scan3A_123 = arith.constant 113 : i32
        %add3A_124 = arith.addi %sub3A_29, %while3A_67 : i32
        %get3A_125 = arith.index_cast %add3A_124 : i32 to index
        %get3A_126 = arith.constant 112 : index
        %get3A_127 = tpu.vector_load %arg5[%get3A_125, %get3A_126] {strides = array<i32>} : memref<96x128xi32, #tpu.memory_space<vmem>>, vector<1x16xi32>,
        %get3A_128 = vector.shape_cast %get3A_127 : vector<1x16xi32> to vector<16xi32>
        %slice3A_129 = vector.extract_strided_slice %get3A_128 {offsets = [1], sizes = [1], strides = [1]} : vector<16xi32> to vector<1xi32>
        %squeeze3A_130 = vector.extract %slice3A_129[0] : i32 from vector<1xi32>
        %get3A_131 = arith.index_cast %squeeze3A_130 : i32 to index
        %get3A_132 = arith.constant 0 : index
        %get3A_133 = tpu.vector_load %arg6[%get3A_131, %get3A_132] {strides = array<i32>} : memref<512x128xf32, #tpu.memory_space<vmem>>, vector<1x16xf32>,
        %get3A_134 = vector.shape_cast %get3A_133 : vector<1x16xf32> to vector<16xf32>
        %swap3A = arith.constant 113 : i32
        %swap3A_135 = arith.index_cast %swap3A : i32 to index
        %swap3A_136 = arith.constant 0 : index
        %swap3A_137 = tpu.vector_load %arg7[%swap3A_135, %swap3A_136] {strides = array<i32>} : memref<128x128xf32, #tpu.memory_space<vmem>>, vector<1x16xf32>,
        %swap3A_138 = vector.shape_cast %swap3A_137 : vector<1x16xf32> to vector<16xf32>
        %swap3A_139 = vector.shape_cast %get3A_134 : vector<16xf32> to vector<1x16xf32>
        tpu.vector_store %arg7[%swap3A_135, %swap3A_136], %swap3A_139 {strides = array<i32>} : memref<128x128xf32, #tpu.memory_space<vmem>>, vector<1x16xf32>,
        %get3A_140 = arith.index_cast %squeeze3A_130 : i32 to index
        %get3A_141 = arith.constant 16 : index
        %get3A_142 = tpu.vector_load %arg6[%get3A_140, %get3A_141] {strides = array<i32>} : memref<512x128xf32, #tpu.memory_space<vmem>>, vector<1x16xf32>,
        %get3A_143 = vector.shape_cast %get3A_142 : vector<1x16xf32> to vector<16xf32>
        %swap3A_144 = arith.constant 113 : i32
        %swap3A_145 = arith.index_cast %swap3A_144 : i32 to index
        %swap3A_146 = arith.constant 16 : index
        %swap3A_147 = tpu.vector_load %arg7[%swap3A_145, %swap3A_146] {strides = array<i32>} : memref<128x128xf32, #tpu.memory_space<vmem>>, vector<1x16xf32>,
        %swap3A_148 = vector.shape_cast %swap3A_147 : vector<1x16xf32> to vector<16xf32>
        %swap3A_149 = vector.shape_cast %get3A_143 : vector<16xf32> to vector<1x16xf32>
        tpu.vector_store %arg7[%swap3A_145, %swap3A_146], %swap3A_149 {strides = array<i32>} : memref<128x128xf32, #tpu.memory_space<vmem>>, vector<1x16xf32>,
        %get3A_150 = arith.index_cast %squeeze3A_130 : i32 to index
        %get3A_151 = arith.constant 32 : index
        %get3A_152 = tpu.vector_load %arg6[%get3A_150, %get3A_151] {strides = array<i32>} : memref<512x128xf32, #tpu.memory_space<vmem>>, vector<1x16xf32>,
        %get3A_153 = vector.shape_cast %get3A_152 : vector<1x16xf32> to vector<16xf32>
        %swap3A_154 = arith.constant 113 : i32
        %swap3A_155 = arith.index_cast %swap3A_154 : i32 to index
        %swap3A_156 = arith.constant 32 : index
        %swap3A_157 = tpu.vector_load %arg7[%swap3A_155, %swap3A_156] {strides = array<i32>} : memref<128x128xf32, #tpu.memory_space<vmem>>, vector<1x16xf32>,
        %swap3A_158 = vector.shape_cast %swap3A_157 : vector<1x16xf32> to vector<16xf32>
        %swap3A_159 = vector.shape_cast %get3A_153 : vector<16xf32> to vector<1x16xf32>
        tpu.vector_store %arg7[%swap3A_155, %swap3A_156], %swap3A_159 {strides = array<i32>} : memref<128x128xf32, #tpu.memory_space<vmem>>, vector<1x16xf32>,
        %get3A_160 = arith.index_cast %squeeze3A_130 : i32 to index
        %get3A_161 = arith.constant 48 : index
        %get3A_162 = tpu.vector_load %arg6[%get3A_160, %get3A_161] {strides = array<i32>} : memref<512x128xf32, #tpu.memory_space<vmem>>, vector<1x16xf32>,
        %get3A_163 = vector.shape_cast %get3A_162 : vector<1x16xf32> to vector<16xf32>
        %swap3A_164 = arith.constant 113 : i32
        %swap3A_165 = arith.index_cast %swap3A_164 : i32 to index
        %swap3A_166 = arith.constant 48 : index
        %swap3A_167 = tpu.vector_load %arg7[%swap3A_165, %swap3A_166] {strides = array<i32>} : memref<128x128xf32, #tpu.memory_space<vmem>>, vector<1x16xf32>,
        %swap3A_168 = vector.shape_cast %swap3A_167 : vector<1x16xf32> to vector<16xf32>
        %swap3A_169 = vector.shape_cast %get3A_163 : vector<16xf32> to vector<1x16xf32>
        tpu.vector_store %arg7[%swap3A_165, %swap3A_166], %swap3A_169 {strides = array<i32>} : memref<128x128xf32, #tpu.memory_space<vmem>>, vector<1x16xf32>,
        %get3A_170 = arith.index_cast %squeeze3A_130 : i32 to index
        %get3A_171 = arith.constant 64 : index
        %get3A_172 = tpu.vector_load %arg6[%get3A_170, %get3A_171] {strides = array<i32>} : memref<512x128xf32, #tpu.memory_space<vmem>>, vector<1x16xf32>,
        %get3A_173 = vector.shape_cast %get3A_172 : vector<1x16xf32> to vector<16xf32>
        %swap3A_174 = arith.constant 113 : i32
        %swap3A_175 = arith.index_cast %swap3A_174 : i32 to index
        %swap3A_176 = arith.constant 64 : index
        %swap3A_177 = tpu.vector_load %arg7[%swap3A_175, %swap3A_176] {strides = array<i32>} : memref<128x128xf32, #tpu.memory_space<vmem>>, vector<1x16xf32>,
        %swap3A_178 = vector.shape_cast %swap3A_177 : vector<1x16xf32> to vector<16xf32>
        %swap3A_179 = vector.shape_cast %get3A_173 : vector<16xf32> to vector<1x16xf32>
        tpu.vector_store %arg7[%swap3A_175, %swap3A_176], %swap3A_179 {strides = array<i32>} : memref<128x128xf32, #tpu.memory_space<vmem>>, vector<1x16xf32>,
        %get3A_180 = arith.index_cast %squeeze3A_130 : i32 to index
        %get3A_181 = arith.constant 80 : index
        %get3A_182 = tpu.vector_load %arg6[%get3A_180, %get3A_181] {strides = array<i32>} : memref<512x128xf32, #tpu.memory_space<vmem>>, vector<1x16xf32>,
        %get3A_183 = vector.shape_cast %get3A_182 : vector<1x16xf32> to vector<16xf32>
        %swap3A_184 = arith.constant 113 : i32
        %swap3A_185 = arith.index_cast %swap3A_184 : i32 to index
        %swap3A_186 = arith.constant 80 : index
        %swap3A_187 = tpu.vector_load %arg7[%swap3A_185, %swap3A_186] {strides = array<i32>} : memref<128x128xf32, #tpu.memory_space<vmem>>, vector<1x16xf32>,
        %swap3A_188 = vector.shape_cast %swap3A_187 : vector<1x16xf32> to vector<16xf32>
        %swap3A_189 = vector.shape_cast %get3A_183 : vector<16xf32> to vector<1x16xf32>
        tpu.vector_store %arg7[%swap3A_185, %swap3A_186], %swap3A_189 {strides = array<i32>} : memref<128x128xf32, #tpu.memory_space<vmem>>, vector<1x16xf32>,
        %get3A_190 = arith.index_cast %squeeze3A_130 : i32 to index
        %get3A_191 = arith.constant 96 : index
        %get3A_192 = tpu.vector_load %arg6[%get3A_190, %get3A_191] {strides = array<i32>} : memref<512x128xf32, #tpu.memory_space<vmem>>, vector<1x16xf32>,
        %get3A_193 = vector.shape_cast %get3A_192 : vector<1x16xf32> to vector<16xf32>
        %swap3A_194 = arith.constant 113 : i32
        %swap3A_195 = arith.index_cast %swap3A_194 : i32 to index
        %swap3A_196 = arith.constant 96 : index
        %swap3A_197 = tpu.vector_load %arg7[%swap3A_195, %swap3A_196] {strides = array<i32>} : memref<128x128xf32, #tpu.memory_space<vmem>>, vector<1x16xf32>,
        %swap3A_198 = vector.shape_cast %swap3A_197 : vector<1x16xf32> to vector<16xf32>
        %swap3A_199 = vector.shape_cast %get3A_193 : vector<16xf32> to vector<1x16xf32>
        tpu.vector_store %arg7[%swap3A_195, %swap3A_196], %swap3A_199 {strides = array<i32>} : memref<128x128xf32, #tpu.memory_space<vmem>>, vector<1x16xf32>,
        %get3A_200 = arith.index_cast %squeeze3A_130 : i32 to index
        %get3A_201 = arith.constant 112 : index
        %get3A_202 = tpu.vector_load %arg6[%get3A_200, %get3A_201] {strides = array<i32>} : memref<512x128xf32, #tpu.memory_space<vmem>>, vector<1x16xf32>,
        %get3A_203 = vector.shape_cast %get3A_202 : vector<1x16xf32> to vector<16xf32>
        %swap3A_204 = arith.constant 113 : i32
        %swap3A_205 = arith.index_cast %swap3A_204 : i32 to index
        %swap3A_206 = arith.constant 112 : index
        %swap3A_207 = tpu.vector_load %arg7[%swap3A_205, %swap3A_206] {strides = array<i32>} : memref<128x128xf32, #tpu.memory_space<vmem>>, vector<1x16xf32>,
        %swap3A_208 = vector.shape_cast %swap3A_207 : vector<1x16xf32> to vector<16xf32>
        %swap3A_209 = vector.shape_cast %get3A_203 : vector<16xf32> to vector<1x16xf32>
        tpu.vector_store %arg7[%swap3A_205, %swap3A_206], %swap3A_209 {strides = array<i32>} : memref<128x128xf32, #tpu.memory_space<vmem>>, vector<1x16xf32>,
        %slice3A_210 = vector.extract_strided_slice %get3A_128 {offsets = [2], sizes = [1], strides = [1]} : vector<16xi32> to vector<1xi32>
        %squeeze3A_211 = vector.extract %slice3A_210[0] : i32 from vector<1xi32>
        %get3A_212 = arith.index_cast %squeeze3A_211 : i32 to index
        %get3A_213 = arith.constant 0 : index
        %get3A_214 = tpu.vector_load %arg6[%get3A_212, %get3A_213] {strides = array<i32>} : memref<512x128xf32, #tpu.memory_space<vmem>>, vector<1x16xf32>,
        %get3A_215 = vector.shape_cast %get3A_214 : vector<1x16xf32> to vector<16xf32>
        %swap3A_216 = arith.constant 114 : i32
        %swap3A_217 = arith.index_cast %swap3A_216 : i32 to index
        %swap3A_218 = arith.constant 0 : index
        %swap3A_219 = tpu.vector_load %arg7[%swap3A_217, %swap3A_218] {strides = array<i32>} : memref<128x128xf32, #tpu.memory_space<vmem>>, vector<1x16xf32>,
        %swap3A_220 = vector.shape_cast %swap3A_219 : vector<1x16xf32> to vector<16xf32>
        %swap3A_221 = vector.shape_cast %get3A_215 : vector<16xf32> to vector<1x16xf32>
        tpu.vector_store %arg7[%swap3A_217, %swap3A_218], %swap3A_221 {strides = array<i32>} : memref<128x128xf32, #tpu.memory_space<vmem>>, vector<1x16xf32>,
        %get3A_222 = arith.index_cast %squeeze3A_211 : i32 to index
        %get3A_223 = arith.constant 16 : index
        %get3A_224 = tpu.vector_load %arg6[%get3A_222, %get3A_223] {strides = array<i32>} : memref<512x128xf32, #tpu.memory_space<vmem>>, vector<1x16xf32>,
        %get3A_225 = vector.shape_cast %get3A_224 : vector<1x16xf32> to vector<16xf32>
        %swap3A_226 = arith.constant 114 : i32
        %swap3A_227 = arith.index_cast %swap3A_226 : i32 to index
        %swap3A_228 = arith.constant 16 : index
        %swap3A_229 = tpu.vector_load %arg7[%swap3A_227, %swap3A_228] {strides = array<i32>} : memref<128x128xf32, #tpu.memory_space<vmem>>, vector<1x16xf32>,
        %swap3A_230 = vector.shape_cast %swap3A_229 : vector<1x16xf32> to vector<16xf32>
        %swap3A_231 = vector.shape_cast %get3A_225 : vector<16xf32> to vector<1x16xf32>
        tpu.vector_store %arg7[%swap3A_227, %swap3A_228], %swap3A_231 {strides = array<i32>} : memref<128x128xf32, #tpu.memory_space<vmem>>, vector<1x16xf32>,
        %get3A_232 = arith.index_cast %squeeze3A_211 : i32 to index
        %get3A_233 = arith.constant 32 : index
        %get3A_234 = tpu.vector_load %arg6[%get3A_232, %get3A_233] {strides = array<i32>} : memref<512x128xf32, #tpu.memory_space<vmem>>, vector<1x16xf32>,
        %get3A_235 = vector.shape_cast %get3A_234 : vector<1x16xf32> to vector<16xf32>
        %swap3A_236 = arith.constant 114 : i32
        %swap3A_237 = arith.index_cast %swap3A_236 : i32 to index
        %swap3A_238 = arith.constant 32 : index
        %swap3A_239 = tpu.vector_load %arg7[%swap3A_237, %swap3A_238] {strides = array<i32>} : memref<128x128xf32, #tpu.memory_space<vmem>>, vector<1x16xf32>,
        %swap3A_240 = vector.shape_cast %swap3A_239 : vector<1x16xf32> to vector<16xf32>
        %swap3A_241 = vector.shape_cast %get3A_235 : vector<16xf32> to vector<1x16xf32>
        tpu.vector_store %arg7[%swap3A_237, %swap3A_238], %swap3A_241 {strides = array<i32>} : memref<128x128xf32, #tpu.memory_space<vmem>>, vector<1x16xf32>,
        %get3A_242 = arith.index_cast %squeeze3A_211 : i32 to index
        %get3A_243 = arith.constant 48 : index
        %get3A_244 = tpu.vector_load %arg6[%get3A_242, %get3A_243] {strides = array<i32>} : memref<512x128xf32, #tpu.memory_space<vmem>>, vector<1x16xf32>,
        %get3A_245 = vector.shape_cast %get3A_244 : vector<1x16xf32> to vector<16xf32>
        %swap3A_246 = arith.constant 114 : i32
        %swap3A_247 = arith.index_cast %swap3A_246 : i32 to index
        %swap3A_248 = arith.constant 48 : index
        %swap3A_249 = tpu.vector_load %arg7[%swap3A_247, %swap3A_248] {strides = array<i32>} : memref<128x128xf32, #tpu.memory_space<vmem>>, vector<1x16xf32>,
        %swap3A_250 = vector.shape_cast %swap3A_249 : vector<1x16xf32> to vector<16xf32>
        %swap3A_251 = vector.shape_cast %get3A_245 : vector<16xf32> to vector<1x16xf32>
        tpu.vector_store %arg7[%swap3A_247, %swap3A_248], %swap3A_251 {strides = array<i32>} : memref<128x128xf32, #tpu.memory_space<vmem>>, vector<1x16xf32>,
        %get3A_252 = arith.index_cast %squeeze3A_211 : i32 to index
        %get3A_253 = arith.constant 64 : index
        %get3A_254 = tpu.vector_load %arg6[%get3A_252, %get3A_253] {strides = array<i32>} : memref<512x128xf32, #tpu.memory_space<vmem>>, vector<1x16xf32>,
        %get3A_255 = vector.shape_cast %get3A_254 : vector<1x16xf32> to vector<16xf32>
        %swap3A_256 = arith.constant 114 : i32
        %swap3A_257 = arith.index_cast %swap3A_256 : i32 to index
        %swap3A_258 = arith.constant 64 : index
        %swap3A_259 = tpu.vector_load %arg7[%swap3A_257, %swap3A_258] {strides = array<i32>} : memref<128x128xf32, #tpu.memory_space<vmem>>, vector<1x16xf32>,
        %swap3A_260 = vector.shape_cast %swap3A_259 : vector<1x16xf32> to vector<16xf32>
        %swap3A_261 = vector.shape_cast %get3A_255 : vector<16xf32> to vector<1x16xf32>
        tpu.vector_store %arg7[%swap3A_257, %swap3A_258], %swap3A_261 {strides = array<i32>} : memref<128x128xf32, #tpu.memory_space<vmem>>, vector<1x16xf32>,
        %get3A_262 = arith.index_cast %squeeze3A_211 : i32 to index
        %get3A_263 = arith.constant 80 : index
        %get3A_264 = tpu.vector_load %arg6[%get3A_262, %get3A_263] {strides = array<i32>} : memref<512x128xf32, #tpu.memory_space<vmem>>, vector<1x16xf32>,
        %get3A_265 = vector.shape_cast %get3A_264 : vector<1x16xf32> to vector<16xf32>
        %swap3A_266 = arith.constant 114 : i32
        %swap3A_267 = arith.index_cast %swap3A_266 : i32 to index
        %swap3A_268 = arith.constant 80 : index
        %swap3A_269 = tpu.vector_load %arg7[%swap3A_267, %swap3A_268] {strides = array<i32>} : memref<128x128xf32, #tpu.memory_space<vmem>>, vector<1x16xf32>,
        %swap3A_270 = vector.shape_cast %swap3A_269 : vector<1x16xf32> to vector<16xf32>
        %swap3A_271 = vector.shape_cast %get3A_265 : vector<16xf32> to vector<1x16xf32>
        tpu.vector_store %arg7[%swap3A_267, %swap3A_268], %swap3A_271 {strides = array<i32>} : memref<128x128xf32, #tpu.memory_space<vmem>>, vector<1x16xf32>,
        %get3A_272 = arith.index_cast %squeeze3A_211 : i32 to index
        %get3A_273 = arith.constant 96 : index
        %get3A_274 = tpu.vector_load %arg6[%get3A_272, %get3A_273] {strides = array<i32>} : memref<512x128xf32, #tpu.memory_space<vmem>>, vector<1x16xf32>,
        %get3A_275 = vector.shape_cast %get3A_274 : vector<1x16xf32> to vector<16xf32>
        %swap3A_276 = arith.constant 114 : i32
        %swap3A_277 = arith.index_cast %swap3A_276 : i32 to index
        %swap3A_278 = arith.constant 96 : index
        %swap3A_279 = tpu.vector_load %arg7[%swap3A_277, %swap3A_278] {strides = array<i32>} : memref<128x128xf32, #tpu.memory_space<vmem>>, vector<1x16xf32>,
        %swap3A_280 = vector.shape_cast %swap3A_279 : vector<1x16xf32> to vector<16xf32>
        %swap3A_281 = vector.shape_cast %get3A_275 : vector<16xf32> to vector<1x16xf32>
        tpu.vector_store %arg7[%swap3A_277, %swap3A_278], %swap3A_281 {strides = array<i32>} : memref<128x128xf32, #tpu.memory_space<vmem>>, vector<1x16xf32>,
        %get3A_282 = arith.index_cast %squeeze3A_211 : i32 to index
        %get3A_283 = arith.constant 112 : index
        %get3A_284 = tpu.vector_load %arg6[%get3A_282, %get3A_283] {strides = array<i32>} : memref<512x128xf32, #tpu.memory_space<vmem>>, vector<1x16xf32>,
        %get3A_285 = vector.shape_cast %get3A_284 : vector<1x16xf32> to vector<16xf32>
        %swap3A_286 = arith.constant 114 : i32
        %swap3A_287 = arith.index_cast %swap3A_286 : i32 to index
        %swap3A_288 = arith.constant 112 : index
        %swap3A_289 = tpu.vector_load %arg7[%swap3A_287, %swap3A_288] {strides = array<i32>} : memref<128x128xf32, #tpu.memory_space<vmem>>, vector<1x16xf32>,
        %swap3A_290 = vector.shape_cast %swap3A_289 : vector<1x16xf32> to vector<16xf32>
        %swap3A_291 = vector.shape_cast %get3A_285 : vector<16xf32> to vector<1x16xf32>
        tpu.vector_store %arg7[%swap3A_287, %swap3A_288], %swap3A_291 {strides = array<i32>} : memref<128x128xf32, #tpu.memory_space<vmem>>, vector<1x16xf32>,
        %slice3A_292 = vector.extract_strided_slice %get3A_128 {offsets = [3], sizes = [1], strides = [1]} : vector<16xi32> to vector<1xi32>
        %squeeze3A_293 = vector.extract %slice3A_292[0] : i32 from vector<1xi32>
        %get3A_294 = arith.index_cast %squeeze3A_293 : i32 to index
        %get3A_295 = arith.constant 0 : index
        %get3A_296 = tpu.vector_load %arg6[%get3A_294, %get3A_295] {strides = array<i32>} : memref<512x128xf32, #tpu.memory_space<vmem>>, vector<1x16xf32>,
        %get3A_297 = vector.shape_cast %get3A_296 : vector<1x16xf32> to vector<16xf32>
        %swap3A_298 = arith.constant 115 : i32
        %swap3A_299 = arith.index_cast %swap3A_298 : i32 to index
        %swap3A_300 = arith.constant 0 : index
        %swap3A_301 = tpu.vector_load %arg7[%swap3A_299, %swap3A_300] {strides = array<i32>} : memref<128x128xf32, #tpu.memory_space<vmem>>, vector<1x16xf32>,
        %swap3A_302 = vector.shape_cast %swap3A_301 : vector<1x16xf32> to vector<16xf32>
        %swap3A_303 = vector.shape_cast %get3A_297 : vector<16xf32> to vector<1x16xf32>
        tpu.vector_store %arg7[%swap3A_299, %swap3A_300], %swap3A_303 {strides = array<i32>} : memref<128x128xf32, #tpu.memory_space<vmem>>, vector<1x16xf32>,
        %get3A_304 = arith.index_cast %squeeze3A_293 : i32 to index
        %get3A_305 = arith.constant 16 : index
        %get3A_306 = tpu.vector_load %arg6[%get3A_304, %get3A_305] {strides = array<i32>} : memref<512x128xf32, #tpu.memory_space<vmem>>, vector<1x16xf32>,
        %get3A_307 = vector.shape_cast %get3A_306 : vector<1x16xf32> to vector<16xf32>
        %swap3A_308 = arith.constant 115 : i32
        %swap3A_309 = arith.index_cast %swap3A_308 : i32 to index
        %swap3A_310 = arith.constant 16 : index
        %swap3A_311 = tpu.vector_load %arg7[%swap3A_309, %swap3A_310] {strides = array<i32>} : memref<128x128xf32, #tpu.memory_space<vmem>>, vector<1x16xf32>,
        %swap3A_312 = vector.shape_cast %swap3A_311 : vector<1x16xf32> to vector<16xf32>
        %swap3A_313 = vector.shape_cast %get3A_307 : vector<16xf32> to vector<1x16xf32>
        tpu.vector_store %arg7[%swap3A_309, %swap3A_310], %swap3A_313 {strides = array<i32>} : memref<128x128xf32, #tpu.memory_space<vmem>>, vector<1x16xf32>,
        %get3A_314 = arith.index_cast %squeeze3A_293 : i32 to index
        %get3A_315 = arith.constant 32 : index
        %get3A_316 = tpu.vector_load %arg6[%get3A_314, %get3A_315] {strides = array<i32>} : memref<512x128xf32, #tpu.memory_space<vmem>>, vector<1x16xf32>,
        %get3A_317 = vector.shape_cast %get3A_316 : vector<1x16xf32> to vector<16xf32>
        %swap3A_318 = arith.constant 115 : i32
        %swap3A_319 = arith.index_cast %swap3A_318 : i32 to index
        %swap3A_320 = arith.constant 32 : index
        %swap3A_321 = tpu.vector_load %arg7[%swap3A_319, %swap3A_320] {strides = array<i32>} : memref<128x128xf32, #tpu.memory_space<vmem>>, vector<1x16xf32>,
        %swap3A_322 = vector.shape_cast %swap3A_321 : vector<1x16xf32> to vector<16xf32>
        %swap3A_323 = vector.shape_cast %get3A_317 : vector<16xf32> to vector<1x16xf32>
        tpu.vector_store %arg7[%swap3A_319, %swap3A_320], %swap3A_323 {strides = array<i32>} : memref<128x128xf32, #tpu.memory_space<vmem>>, vector<1x16xf32>,
        %get3A_324 = arith.index_cast %squeeze3A_293 : i32 to index
        %get3A_325 = arith.constant 48 : index
        %get3A_326 = tpu.vector_load %arg6[%get3A_324, %get3A_325] {strides = array<i32>} : memref<512x128xf32, #tpu.memory_space<vmem>>, vector<1x16xf32>,
        %get3A_327 = vector.shape_cast %get3A_326 : vector<1x16xf32> to vector<16xf32>
        %swap3A_328 = arith.constant 115 : i32
        %swap3A_329 = arith.index_cast %swap3A_328 : i32 to index
        %swap3A_330 = arith.constant 48 : index
        %swap3A_331 = tpu.vector_load %arg7[%swap3A_329, %swap3A_330] {strides = array<i32>} : memref<128x128xf32, #tpu.memory_space<vmem>>, vector<1x16xf32>,
        %swap3A_332 = vector.shape_cast %swap3A_331 : vector<1x16xf32> to vector<16xf32>
        %swap3A_333 = vector.shape_cast %get3A_327 : vector<16xf32> to vector<1x16xf32>
        tpu.vector_store %arg7[%swap3A_329, %swap3A_330], %swap3A_333 {strides = array<i32>} : memref<128x128xf32, #tpu.memory_space<vmem>>, vector<1x16xf32>,
        %get3A_334 = arith.index_cast %squeeze3A_293 : i32 to index
        %get3A_335 = arith.constant 64 : index
        %get3A_336 = tpu.vector_load %arg6[%get3A_334, %get3A_335] {strides = array<i32>} : memref<512x128xf32, #tpu.memory_space<vmem>>, vector<1x16xf32>,
        %get3A_337 = vector.shape_cast %get3A_336 : vector<1x16xf32> to vector<16xf32>
        %swap3A_338 = arith.constant 115 : i32
        %swap3A_339 = arith.index_cast %swap3A_338 : i32 to index
        %swap3A_340 = arith.constant 64 : index
        %swap3A_341 = tpu.vector_load %arg7[%swap3A_339, %swap3A_340] {strides = array<i32>} : memref<128x128xf32, #tpu.memory_space<vmem>>, vector<1x16xf32>,
        %swap3A_342 = vector.shape_cast %swap3A_341 : vector<1x16xf32> to vector<16xf32>
        %swap3A_343 = vector.shape_cast %get3A_337 : vector<16xf32> to vector<1x16xf32>
        tpu.vector_store %arg7[%swap3A_339, %swap3A_340], %swap3A_343 {strides = array<i32>} : memref<128x128xf32, #tpu.memory_space<vmem>>, vector<1x16xf32>,
        %get3A_344 = arith.index_cast %squeeze3A_293 : i32 to index
        %get3A_345 = arith.constant 80 : index
        %get3A_346 = tpu.vector_load %arg6[%get3A_344, %get3A_345] {strides = array<i32>} : memref<512x128xf32, #tpu.memory_space<vmem>>, vector<1x16xf32>,
        %get3A_347 = vector.shape_cast %get3A_346 : vector<1x16xf32> to vector<16xf32>
        %swap3A_348 = arith.constant 115 : i32
        %swap3A_349 = arith.index_cast %swap3A_348 : i32 to index
        %swap3A_350 = arith.constant 80 : index
        %swap3A_351 = tpu.vector_load %arg7[%swap3A_349, %swap3A_350] {strides = array<i32>} : memref<128x128xf32, #tpu.memory_space<vmem>>, vector<1x16xf32>,
        %swap3A_352 = vector.shape_cast %swap3A_351 : vector<1x16xf32> to vector<16xf32>
        %swap3A_353 = vector.shape_cast %get3A_347 : vector<16xf32> to vector<1x16xf32>
        tpu.vector_store %arg7[%swap3A_349, %swap3A_350], %swap3A_353 {strides = array<i32>} : memref<128x128xf32, #tpu.memory_space<vmem>>, vector<1x16xf32>,
        %get3A_354 = arith.index_cast %squeeze3A_293 : i32 to index
        %get3A_355 = arith.constant 96 : index
        %get3A_356 = tpu.vector_load %arg6[%get3A_354, %get3A_355] {strides = array<i32>} : memref<512x128xf32, #tpu.memory_space<vmem>>, vector<1x16xf32>,
        %get3A_357 = vector.shape_cast %get3A_356 : vector<1x16xf32> to vector<16xf32>
        %swap3A_358 = arith.constant 115 : i32
        %swap3A_359 = arith.index_cast %swap3A_358 : i32 to index
        %swap3A_360 = arith.constant 96 : index
        %swap3A_361 = tpu.vector_load %arg7[%swap3A_359, %swap3A_360] {strides = array<i32>} : memref<128x128xf32, #tpu.memory_space<vmem>>, vector<1x16xf32>,
        %swap3A_362 = vector.shape_cast %swap3A_361 : vector<1x16xf32> to vector<16xf32>
        %swap3A_363 = vector.shape_cast %get3A_357 : vector<16xf32> to vector<1x16xf32>
        tpu.vector_store %arg7[%swap3A_359, %swap3A_360], %swap3A_363 {strides = array<i32>} : memref<128x128xf32, #tpu.memory_space<vmem>>, vector<1x16xf32>,
        %get3A_364 = arith.index_cast %squeeze3A_293 : i32 to index
        %get3A_365 = arith.constant 112 : index
        %get3A_366 = tpu.vector_load %arg6[%get3A_364, %get3A_365] {strides = array<i32>} : memref<512x128xf32, #tpu.memory_space<vmem>>, vector<1x16xf32>,
        %get3A_367 = vector.shape_cast %get3A_366 : vector<1x16xf32> to vector<16xf32>
        %swap3A_368 = arith.constant 115 : i32
        %swap3A_369 = arith.index_cast %swap3A_368 : i32 to index
        %swap3A_370 = arith.constant 112 : index
        %swap3A_371 = tpu.vector_load %arg7[%swap3A_369, %swap3A_370] {strides = array<i32>} : memref<128x128xf32, #tpu.memory_space<vmem>>, vector<1x16xf32>,
        %swap3A_372 = vector.shape_cast %swap3A_371 : vector<1x16xf32> to vector<16xf32>
        %swap3A_373 = vector.shape_cast %get3A_367 : vector<16xf32> to vector<1x16xf32>
        tpu.vector_store %arg7[%swap3A_369, %swap3A_370], %swap3A_373 {strides = array<i32>} : memref<128x128xf32, #tpu.memory_space<vmem>>, vector<1x16xf32>,
        %slice3A_374 = vector.extract_strided_slice %get3A_128 {offsets = [4], sizes = [1], strides = [1]} : vector<16xi32> to vector<1xi32>
        %squeeze3A_375 = vector.extract %slice3A_374[0] : i32 from vector<1xi32>
        %get3A_376 = arith.index_cast %squeeze3A_375 : i32 to index
        %get3A_377 = arith.constant 0 : index
        %get3A_378 = tpu.vector_load %arg6[%get3A_376, %get3A_377] {strides = array<i32>} : memref<512x128xf32, #tpu.memory_space<vmem>>, vector<1x16xf32>,
        %get3A_379 = vector.shape_cast %get3A_378 : vector<1x16xf32> to vector<16xf32>
        %swap3A_380 = arith.constant 116 : i32
        %swap3A_381 = arith.index_cast %swap3A_380 : i32 to index
        %swap3A_382 = arith.constant 0 : index
        %swap3A_383 = tpu.vector_load %arg7[%swap3A_381, %swap3A_382] {strides = array<i32>} : memref<128x128xf32, #tpu.memory_space<vmem>>, vector<1x16xf32>,
        %swap3A_384 = vector.shape_cast %swap3A_383 : vector<1x16xf32> to vector<16xf32>
        %swap3A_385 = vector.shape_cast %get3A_379 : vector<16xf32> to vector<1x16xf32>
        tpu.vector_store %arg7[%swap3A_381, %swap3A_382], %swap3A_385 {strides = array<i32>} : memref<128x128xf32, #tpu.memory_space<vmem>>, vector<1x16xf32>,
        %get3A_386 = arith.index_cast %squeeze3A_375 : i32 to index
        %get3A_387 = arith.constant 16 : index
        %get3A_388 = tpu.vector_load %arg6[%get3A_386, %get3A_387] {strides = array<i32>} : memref<512x128xf32, #tpu.memory_space<vmem>>, vector<1x16xf32>,
        %get3A_389 = vector.shape_cast %get3A_388 : vector<1x16xf32> to vector<16xf32>
        %swap3A_390 = arith.constant 116 : i32
        %swap3A_391 = arith.index_cast %swap3A_390 : i32 to index
        %swap3A_392 = arith.constant 16 : index
        %swap3A_393 = tpu.vector_load %arg7[%swap3A_391, %swap3A_392] {strides = array<i32>} : memref<128x128xf32, #tpu.memory_space<vmem>>, vector<1x16xf32>,
        %swap3A_394 = vector.shape_cast %swap3A_393 : vector<1x16xf32> to vector<16xf32>
        %swap3A_395 = vector.shape_cast %get3A_389 : vector<16xf32> to vector<1x16xf32>
        tpu.vector_store %arg7[%swap3A_391, %swap3A_392], %swap3A_395 {strides = array<i32>} : memref<128x128xf32, #tpu.memory_space<vmem>>, vector<1x16xf32>,
        %get3A_396 = arith.index_cast %squeeze3A_375 : i32 to index
        %get3A_397 = arith.constant 32 : index
        %get3A_398 = tpu.vector_load %arg6[%get3A_396, %get3A_397] {strides = array<i32>} : memref<512x128xf32, #tpu.memory_space<vmem>>, vector<1x16xf32>,
        %get3A_399 = vector.shape_cast %get3A_398 : vector<1x16xf32> to vector<16xf32>
        %swap3A_400 = arith.constant 116 : i32
        %swap3A_401 = arith.index_cast %swap3A_400 : i32 to index
        %swap3A_402 = arith.constant 32 : index
        %swap3A_403 = tpu.vector_load %arg7[%swap3A_401, %swap3A_402] {strides = array<i32>} : memref<128x128xf32, #tpu.memory_space<vmem>>, vector<1x16xf32>,
        %swap3A_404 = vector.shape_cast %swap3A_403 : vector<1x16xf32> to vector<16xf32>
        %swap3A_405 = vector.shape_cast %get3A_399 : vector<16xf32> to vector<1x16xf32>
        tpu.vector_store %arg7[%swap3A_401, %swap3A_402], %swap3A_405 {strides = array<i32>} : memref<128x128xf32, #tpu.memory_space<vmem>>, vector<1x16xf32>,
        %get3A_406 = arith.index_cast %squeeze3A_375 : i32 to index
        %get3A_407 = arith.constant 48 : index
        %get3A_408 = tpu.vector_load %arg6[%get3A_406, %get3A_407] {strides = array<i32>} : memref<512x128xf32, #tpu.memory_space<vmem>>, vector<1x16xf32>,
        %get3A_409 = vector.shape_cast %get3A_408 : vector<1x16xf32> to vector<16xf32>
        %swap3A_410 = arith.constant 116 : i32
        %swap3A_411 = arith.index_cast %swap3A_410 : i32 to index
        %swap3A_412 = arith.constant 48 : index
        %swap3A_413 = tpu.vector_load %arg7[%swap3A_411, %swap3A_412] {strides = array<i32>} : memref<128x128xf32, #tpu.memory_space<vmem>>, vector<1x16xf32>,
        %swap3A_414 = vector.shape_cast %swap3A_413 : vector<1x16xf32> to vector<16xf32>
        %swap3A_415 = vector.shape_cast %get3A_409 : vector<16xf32> to vector<1x16xf32>
        tpu.vector_store %arg7[%swap3A_411, %swap3A_412], %swap3A_415 {strides = array<i32>} : memref<128x128xf32, #tpu.memory_space<vmem>>, vector<1x16xf32>,
        %get3A_416 = arith.index_cast %squeeze3A_375 : i32 to index
        %get3A_417 = arith.constant 64 : index
        %get3A_418 = tpu.vector_load %arg6[%get3A_416, %get3A_417] {strides = array<i32>} : memref<512x128xf32, #tpu.memory_space<vmem>>, vector<1x16xf32>,
        %get3A_419 = vector.shape_cast %get3A_418 : vector<1x16xf32> to vector<16xf32>
        %swap3A_420 = arith.constant 116 : i32
        %swap3A_421 = arith.index_cast %swap3A_420 : i32 to index
        %swap3A_422 = arith.constant 64 : index
        %swap3A_423 = tpu.vector_load %arg7[%swap3A_421, %swap3A_422] {strides = array<i32>} : memref<128x128xf32, #tpu.memory_space<vmem>>, vector<1x16xf32>,
        %swap3A_424 = vector.shape_cast %swap3A_423 : vector<1x16xf32> to vector<16xf32>
        %swap3A_425 = vector.shape_cast %get3A_419 : vector<16xf32> to vector<1x16xf32>
        tpu.vector_store %arg7[%swap3A_421, %swap3A_422], %swap3A_425 {strides = array<i32>} : memref<128x128xf32, #tpu.memory_space<vmem>>, vector<1x16xf32>,
        %get3A_426 = arith.index_cast %squeeze3A_375 : i32 to index
        %get3A_427 = arith.constant 80 : index
        %get3A_428 = tpu.vector_load %arg6[%get3A_426, %get3A_427] {strides = array<i32>} : memref<512x128xf32, #tpu.memory_space<vmem>>, vector<1x16xf32>,
        %get3A_429 = vector.shape_cast %get3A_428 : vector<1x16xf32> to vector<16xf32>
        %swap3A_430 = arith.constant 116 : i32
        %swap3A_431 = arith.index_cast %swap3A_430 : i32 to index
        %swap3A_432 = arith.constant 80 : index
        %swap3A_433 = tpu.vector_load %arg7[%swap3A_431, %swap3A_432] {strides = array<i32>} : memref<128x128xf32, #tpu.memory_space<vmem>>, vector<1x16xf32>,
        %swap3A_434 = vector.shape_cast %swap3A_433 : vector<1x16xf32> to vector<16xf32>
        %swap3A_435 = vector.shape_cast %get3A_429 : vector<16xf32> to vector<1x16xf32>
        tpu.vector_store %arg7[%swap3A_431, %swap3A_432], %swap3A_435 {strides = array<i32>} : memref<128x128xf32, #tpu.memory_space<vmem>>, vector<1x16xf32>,
        %get3A_436 = arith.index_cast %squeeze3A_375 : i32 to index
        %get3A_437 = arith.constant 96 : index
        %get3A_438 = tpu.vector_load %arg6[%get3A_436, %get3A_437] {strides = array<i32>} : memref<512x128xf32, #tpu.memory_space<vmem>>, vector<1x16xf32>,
        %get3A_439 = vector.shape_cast %get3A_438 : vector<1x16xf32> to vector<16xf32>
        %swap3A_440 = arith.constant 116 : i32
        %swap3A_441 = arith.index_cast %swap3A_440 : i32 to index
        %swap3A_442 = arith.constant 96 : index
        %swap3A_443 = tpu.vector_load %arg7[%swap3A_441, %swap3A_442] {strides = array<i32>} : memref<128x128xf32, #tpu.memory_space<vmem>>, vector<1x16xf32>,
        %swap3A_444 = vector.shape_cast %swap3A_443 : vector<1x16xf32> to vector<16xf32>
        %swap3A_445 = vector.shape_cast %get3A_439 : vector<16xf32> to vector<1x16xf32>
        tpu.vector_store %arg7[%swap3A_441, %swap3A_442], %swap3A_445 {strides = array<i32>} : memref<128x128xf32, #tpu.memory_space<vmem>>, vector<1x16xf32>,
        %get3A_446 = arith.index_cast %squeeze3A_375 : i32 to index
        %get3A_447 = arith.constant 112 : index
        %get3A_448 = tpu.vector_load %arg6[%get3A_446, %get3A_447] {strides = array<i32>} : memref<512x128xf32, #tpu.memory_space<vmem>>, vector<1x16xf32>,
        %get3A_449 = vector.shape_cast %get3A_448 : vector<1x16xf32> to vector<16xf32>
        %swap3A_450 = arith.constant 116 : i32
        %swap3A_451 = arith.index_cast %swap3A_450 : i32 to index
        %swap3A_452 = arith.constant 112 : index
        %swap3A_453 = tpu.vector_load %arg7[%swap3A_451, %swap3A_452] {strides = array<i32>} : memref<128x128xf32, #tpu.memory_space<vmem>>, vector<1x16xf32>,
        %swap3A_454 = vector.shape_cast %swap3A_453 : vector<1x16xf32> to vector<16xf32>
        %swap3A_455 = vector.shape_cast %get3A_449 : vector<16xf32> to vector<1x16xf32>
        tpu.vector_store %arg7[%swap3A_451, %swap3A_452], %swap3A_455 {strides = array<i32>} : memref<128x128xf32, #tpu.memory_space<vmem>>, vector<1x16xf32>,
        %slice3A_456 = vector.extract_strided_slice %get3A_128 {offsets = [5], sizes = [1], strides = [1]} : vector<16xi32> to vector<1xi32>
        %squeeze3A_457 = vector.extract %slice3A_456[0] : i32 from vector<1xi32>
        %get3A_458 = arith.index_cast %squeeze3A_457 : i32 to index
        %get3A_459 = arith.constant 0 : index
        %get3A_460 = tpu.vector_load %arg6[%get3A_458, %get3A_459] {strides = array<i32>} : memref<512x128xf32, #tpu.memory_space<vmem>>, vector<1x16xf32>,
        %get3A_461 = vector.shape_cast %get3A_460 : vector<1x16xf32> to vector<16xf32>
        %swap3A_462 = arith.constant 117 : i32
        %swap3A_463 = arith.index_cast %swap3A_462 : i32 to index
        %swap3A_464 = arith.constant 0 : index
        %swap3A_465 = tpu.vector_load %arg7[%swap3A_463, %swap3A_464] {strides = array<i32>} : memref<128x128xf32, #tpu.memory_space<vmem>>, vector<1x16xf32>,
        %swap3A_466 = vector.shape_cast %swap3A_465 : vector<1x16xf32> to vector<16xf32>
        %swap3A_467 = vector.shape_cast %get3A_461 : vector<16xf32> to vector<1x16xf32>
        tpu.vector_store %arg7[%swap3A_463, %swap3A_464], %swap3A_467 {strides = array<i32>} : memref<128x128xf32, #tpu.memory_space<vmem>>, vector<1x16xf32>,
        %get3A_468 = arith.index_cast %squeeze3A_457 : i32 to index
        %get3A_469 = arith.constant 16 : index
        %get3A_470 = tpu.vector_load %arg6[%get3A_468, %get3A_469] {strides = array<i32>} : memref<512x128xf32, #tpu.memory_space<vmem>>, vector<1x16xf32>,
        %get3A_471 = vector.shape_cast %get3A_470 : vector<1x16xf32> to vector<16xf32>
        %swap3A_472 = arith.constant 117 : i32
        %swap3A_473 = arith.index_cast %swap3A_472 : i32 to index
        %swap3A_474 = arith.constant 16 : index
        %swap3A_475 = tpu.vector_load %arg7[%swap3A_473, %swap3A_474] {strides = array<i32>} : memref<128x128xf32, #tpu.memory_space<vmem>>, vector<1x16xf32>,
        %swap3A_476 = vector.shape_cast %swap3A_475 : vector<1x16xf32> to vector<16xf32>
        %swap3A_477 = vector.shape_cast %get3A_471 : vector<16xf32> to vector<1x16xf32>
        tpu.vector_store %arg7[%swap3A_473, %swap3A_474], %swap3A_477 {strides = array<i32>} : memref<128x128xf32, #tpu.memory_space<vmem>>, vector<1x16xf32>,
        %get3A_478 = arith.index_cast %squeeze3A_457 : i32 to index
        %get3A_479 = arith.constant 32 : index
        %get3A_480 = tpu.vector_load %arg6[%get3A_478, %get3A_479] {strides = array<i32>} : memref<512x128xf32, #tpu.memory_space<vmem>>, vector<1x16xf32>,
        %get3A_481 = vector.shape_cast %get3A_480 : vector<1x16xf32> to vector<16xf32>
        %swap3A_482 = arith.constant 117 : i32
        %swap3A_483 = arith.index_cast %swap3A_482 : i32 to index
        %swap3A_484 = arith.constant 32 : index
        %swap3A_485 = tpu.vector_load %arg7[%swap3A_483, %swap3A_484] {strides = array<i32>} : memref<128x128xf32, #tpu.memory_space<vmem>>, vector<1x16xf32>,
        %swap3A_486 = vector.shape_cast %swap3A_485 : vector<1x16xf32> to vector<16xf32>
        %swap3A_487 = vector.shape_cast %get3A_481 : vector<16xf32> to vector<1x16xf32>
        tpu.vector_store %arg7[%swap3A_483, %swap3A_484], %swap3A_487 {strides = array<i32>} : memref<128x128xf32, #tpu.memory_space<vmem>>, vector<1x16xf32>,
        %get3A_488 = arith.index_cast %squeeze3A_457 : i32 to index
        %get3A_489 = arith.constant 48 : index
        %get3A_490 = tpu.vector_load %arg6[%get3A_488, %get3A_489] {strides = array<i32>} : memref<512x128xf32, #tpu.memory_space<vmem>>, vector<1x16xf32>,
        %get3A_491 = vector.shape_cast %get3A_490 : vector<1x16xf32> to vector<16xf32>
        %swap3A_492 = arith.constant 117 : i32
        %swap3A_493 = arith.index_cast %swap3A_492 : i32 to index
        %swap3A_494 = arith.constant 48 : index
        %swap3A_495 = tpu.vector_load %arg7[%swap3A_493, %swap3A_494] {strides = array<i32>} : memref<128x128xf32, #tpu.memory_space<vmem>>, vector<1x16xf32>,
        %swap3A_496 = vector.shape_cast %swap3A_495 : vector<1x16xf32> to vector<16xf32>
        %swap3A_497 = vector.shape_cast %get3A_491 : vector<16xf32> to vector<1x16xf32>
        tpu.vector_store %arg7[%swap3A_493, %swap3A_494], %swap3A_497 {strides = array<i32>} : memref<128x128xf32, #tpu.memory_space<vmem>>, vector<1x16xf32>,
        %get3A_498 = arith.index_cast %squeeze3A_457 : i32 to index
        %get3A_499 = arith.constant 64 : index
        %get3A_500 = tpu.vector_load %arg6[%get3A_498, %get3A_499] {strides = array<i32>} : memref<512x128xf32, #tpu.memory_space<vmem>>, vector<1x16xf32>,
        %get3A_501 = vector.shape_cast %get3A_500 : vector<1x16xf32> to vector<16xf32>
        %swap3A_502 = arith.constant 117 : i32
        %swap3A_503 = arith.index_cast %swap3A_502 : i32 to index
        %swap3A_504 = arith.constant 64 : index
        %swap3A_505 = tpu.vector_load %arg7[%swap3A_503, %swap3A_504] {strides = array<i32>} : memref<128x128xf32, #tpu.memory_space<vmem>>, vector<1x16xf32>,
        %swap3A_506 = vector.shape_cast %swap3A_505 : vector<1x16xf32> to vector<16xf32>
        %swap3A_507 = vector.shape_cast %get3A_501 : vector<16xf32> to vector<1x16xf32>
        tpu.vector_store %arg7[%swap3A_503, %swap3A_504], %swap3A_507 {strides = array<i32>} : memref<128x128xf32, #tpu.memory_space<vmem>>, vector<1x16xf32>,
        %get3A_508 = arith.index_cast %squeeze3A_457 : i32 to index
        %get3A_509 = arith.constant 80 : index
        %get3A_510 = tpu.vector_load %arg6[%get3A_508, %get3A_509] {strides = array<i32>} : memref<512x128xf32, #tpu.memory_space<vmem>>, vector<1x16xf32>,
        %get3A_511 = vector.shape_cast %get3A_510 : vector<1x16xf32> to vector<16xf32>
        %swap3A_512 = arith.constant 117 : i32
        %swap3A_513 = arith.index_cast %swap3A_512 : i32 to index
        %swap3A_514 = arith.constant 80 : index
        %swap3A_515 = tpu.vector_load %arg7[%swap3A_513, %swap3A_514] {strides = array<i32>} : memref<128x128xf32, #tpu.memory_space<vmem>>, vector<1x16xf32>,
        %swap3A_516 = vector.shape_cast %swap3A_515 : vector<1x16xf32> to vector<16xf32>
        %swap3A_517 = vector.shape_cast %get3A_511 : vector<16xf32> to vector<1x16xf32>
        tpu.vector_store %arg7[%swap3A_513, %swap3A_514], %swap3A_517 {strides = array<i32>} : memref<128x128xf32, #tpu.memory_space<vmem>>, vector<1x16xf32>,
        %get3A_518 = arith.index_cast %squeeze3A_457 : i32 to index
        %get3A_519 = arith.constant 96 : index
        %get3A_520 = tpu.vector_load %arg6[%get3A_518, %get3A_519] {strides = array<i32>} : memref<512x128xf32, #tpu.memory_space<vmem>>, vector<1x16xf32>,
        %get3A_521 = vector.shape_cast %get3A_520 : vector<1x16xf32> to vector<16xf32>
        %swap3A_522 = arith.constant 117 : i32
        %swap3A_523 = arith.index_cast %swap3A_522 : i32 to index
        %swap3A_524 = arith.constant 96 : index
        %swap3A_525 = tpu.vector_load %arg7[%swap3A_523, %swap3A_524] {strides = array<i32>} : memref<128x128xf32, #tpu.memory_space<vmem>>, vector<1x16xf32>,
        %swap3A_526 = vector.shape_cast %swap3A_525 : vector<1x16xf32> to vector<16xf32>
        %swap3A_527 = vector.shape_cast %get3A_521 : vector<16xf32> to vector<1x16xf32>
        tpu.vector_store %arg7[%swap3A_523, %swap3A_524], %swap3A_527 {strides = array<i32>} : memref<128x128xf32, #tpu.memory_space<vmem>>, vector<1x16xf32>,
        %get3A_528 = arith.index_cast %squeeze3A_457 : i32 to index
        %get3A_529 = arith.constant 112 : index
        %get3A_530 = tpu.vector_load %arg6[%get3A_528, %get3A_529] {strides = array<i32>} : memref<512x128xf32, #tpu.memory_space<vmem>>, vector<1x16xf32>,
        %get3A_531 = vector.shape_cast %get3A_530 : vector<1x16xf32> to vector<16xf32>
        %swap3A_532 = arith.constant 117 : i32
        %swap3A_533 = arith.index_cast %swap3A_532 : i32 to index
        %swap3A_534 = arith.constant 112 : index
        %swap3A_535 = tpu.vector_load %arg7[%swap3A_533, %swap3A_534] {strides = array<i32>} : memref<128x128xf32, #tpu.memory_space<vmem>>, vector<1x16xf32>,
        %swap3A_536 = vector.shape_cast %swap3A_535 : vector<1x16xf32> to vector<16xf32>
        %swap3A_537 = vector.shape_cast %get3A_531 : vector<16xf32> to vector<1x16xf32>
        tpu.vector_store %arg7[%swap3A_533, %swap3A_534], %swap3A_537 {strides = array<i32>} : memref<128x128xf32, #tpu.memory_space<vmem>>, vector<1x16xf32>,
        %slice3A_538 = vector.extract_strided_slice %get3A_128 {offsets = [6], sizes = [1], strides = [1]} : vector<16xi32> to vector<1xi32>
        %squeeze3A_539 = vector.extract %slice3A_538[0] : i32 from vector<1xi32>
        %get3A_540 = arith.index_cast %squeeze3A_539 : i32 to index
        %get3A_541 = arith.constant 0 : index
        %get3A_542 = tpu.vector_load %arg6[%get3A_540, %get3A_541] {strides = array<i32>} : memref<512x128xf32, #tpu.memory_space<vmem>>, vector<1x16xf32>,
        %get3A_543 = vector.shape_cast %get3A_542 : vector<1x16xf32> to vector<16xf32>
        %swap3A_544 = arith.constant 118 : i32
        %swap3A_545 = arith.index_cast %swap3A_544 : i32 to index
        %swap3A_546 = arith.constant 0 : index
        %swap3A_547 = tpu.vector_load %arg7[%swap3A_545, %swap3A_546] {strides = array<i32>} : memref<128x128xf32, #tpu.memory_space<vmem>>, vector<1x16xf32>,
        %swap3A_548 = vector.shape_cast %swap3A_547 : vector<1x16xf32> to vector<16xf32>
        %swap3A_549 = vector.shape_cast %get3A_543 : vector<16xf32> to vector<1x16xf32>
        tpu.vector_store %arg7[%swap3A_545, %swap3A_546], %swap3A_549 {strides = array<i32>} : memref<128x128xf32, #tpu.memory_space<vmem>>, vector<1x16xf32>,
        %get3A_550 = arith.index_cast %squeeze3A_539 : i32 to index
        %get3A_551 = arith.constant 16 : index
        %get3A_552 = tpu.vector_load %arg6[%get3A_550, %get3A_551] {strides = array<i32>} : memref<512x128xf32, #tpu.memory_space<vmem>>, vector<1x16xf32>,
        %get3A_553 = vector.shape_cast %get3A_552 : vector<1x16xf32> to vector<16xf32>
        %swap3A_554 = arith.constant 118 : i32
        %swap3A_555 = arith.index_cast %swap3A_554 : i32 to index
        %swap3A_556 = arith.constant 16 : index
        %swap3A_557 = tpu.vector_load %arg7[%swap3A_555, %swap3A_556] {strides = array<i32>} : memref<128x128xf32, #tpu.memory_space<vmem>>, vector<1x16xf32>,
        %swap3A_558 = vector.shape_cast %swap3A_557 : vector<1x16xf32> to vector<16xf32>
        %swap3A_559 = vector.shape_cast %get3A_553 : vector<16xf32> to vector<1x16xf32>
        tpu.vector_store %arg7[%swap3A_555, %swap3A_556], %swap3A_559 {strides = array<i32>} : memref<128x128xf32, #tpu.memory_space<vmem>>, vector<1x16xf32>,
        %get3A_560 = arith.index_cast %squeeze3A_539 : i32 to index
        %get3A_561 = arith.constant 32 : index
        %get3A_562 = tpu.vector_load %arg6[%get3A_560, %get3A_561] {strides = array<i32>} : memref<512x128xf32, #tpu.memory_space<vmem>>, vector<1x16xf32>,
        %get3A_563 = vector.shape_cast %get3A_562 : vector<1x16xf32> to vector<16xf32>
        %swap3A_564 = arith.constant 118 : i32
        %swap3A_565 = arith.index_cast %swap3A_564 : i32 to index
        %swap3A_566 = arith.constant 32 : index
        %swap3A_567 = tpu.vector_load %arg7[%swap3A_565, %swap3A_566] {strides = array<i32>} : memref<128x128xf32, #tpu.memory_space<vmem>>, vector<1x16xf32>,
        %swap3A_568 = vector.shape_cast %swap3A_567 : vector<1x16xf32> to vector<16xf32>
        %swap3A_569 = vector.shape_cast %get3A_563 : vector<16xf32> to vector<1x16xf32>
        tpu.vector_store %arg7[%swap3A_565, %swap3A_566], %swap3A_569 {strides = array<i32>} : memref<128x128xf32, #tpu.memory_space<vmem>>, vector<1x16xf32>,
        %get3A_570 = arith.index_cast %squeeze3A_539 : i32 to index
        %get3A_571 = arith.constant 48 : index
        %get3A_572 = tpu.vector_load %arg6[%get3A_570, %get3A_571] {strides = array<i32>} : memref<512x128xf32, #tpu.memory_space<vmem>>, vector<1x16xf32>,
        %get3A_573 = vector.shape_cast %get3A_572 : vector<1x16xf32> to vector<16xf32>
        %swap3A_574 = arith.constant 118 : i32
        %swap3A_575 = arith.index_cast %swap3A_574 : i32 to index
        %swap3A_576 = arith.constant 48 : index
        %swap3A_577 = tpu.vector_load %arg7[%swap3A_575, %swap3A_576] {strides = array<i32>} : memref<128x128xf32, #tpu.memory_space<vmem>>, vector<1x16xf32>,
        %swap3A_578 = vector.shape_cast %swap3A_577 : vector<1x16xf32> to vector<16xf32>
        %swap3A_579 = vector.shape_cast %get3A_573 : vector<16xf32> to vector<1x16xf32>
        tpu.vector_store %arg7[%swap3A_575, %swap3A_576], %swap3A_579 {strides = array<i32>} : memref<128x128xf32, #tpu.memory_space<vmem>>, vector<1x16xf32>,
        %get3A_580 = arith.index_cast %squeeze3A_539 : i32 to index
        %get3A_581 = arith.constant 64 : index
        %get3A_582 = tpu.vector_load %arg6[%get3A_580, %get3A_581] {strides = array<i32>} : memref<512x128xf32, #tpu.memory_space<vmem>>, vector<1x16xf32>,
        %get3A_583 = vector.shape_cast %get3A_582 : vector<1x16xf32> to vector<16xf32>
        %swap3A_584 = arith.constant 118 : i32
        %swap3A_585 = arith.index_cast %swap3A_584 : i32 to index
        %swap3A_586 = arith.constant 64 : index
        %swap3A_587 = tpu.vector_load %arg7[%swap3A_585, %swap3A_586] {strides = array<i32>} : memref<128x128xf32, #tpu.memory_space<vmem>>, vector<1x16xf32>,
        %swap3A_588 = vector.shape_cast %swap3A_587 : vector<1x16xf32> to vector<16xf32>
        %swap3A_589 = vector.shape_cast %get3A_583 : vector<16xf32> to vector<1x16xf32>
        tpu.vector_store %arg7[%swap3A_585, %swap3A_586], %swap3A_589 {strides = array<i32>} : memref<128x128xf32, #tpu.memory_space<vmem>>, vector<1x16xf32>,
        %get3A_590 = arith.index_cast %squeeze3A_539 : i32 to index
        %get3A_591 = arith.constant 80 : index
        %get3A_592 = tpu.vector_load %arg6[%get3A_590, %get3A_591] {strides = array<i32>} : memref<512x128xf32, #tpu.memory_space<vmem>>, vector<1x16xf32>,
        %get3A_593 = vector.shape_cast %get3A_592 : vector<1x16xf32> to vector<16xf32>
        %swap3A_594 = arith.constant 118 : i32
        %swap3A_595 = arith.index_cast %swap3A_594 : i32 to index
        %swap3A_596 = arith.constant 80 : index
        %swap3A_597 = tpu.vector_load %arg7[%swap3A_595, %swap3A_596] {strides = array<i32>} : memref<128x128xf32, #tpu.memory_space<vmem>>, vector<1x16xf32>,
        %swap3A_598 = vector.shape_cast %swap3A_597 : vector<1x16xf32> to vector<16xf32>
        %swap3A_599 = vector.shape_cast %get3A_593 : vector<16xf32> to vector<1x16xf32>
        tpu.vector_store %arg7[%swap3A_595, %swap3A_596], %swap3A_599 {strides = array<i32>} : memref<128x128xf32, #tpu.memory_space<vmem>>, vector<1x16xf32>,
        %get3A_600 = arith.index_cast %squeeze3A_539 : i32 to index
        %get3A_601 = arith.constant 96 : index
        %get3A_602 = tpu.vector_load %arg6[%get3A_600, %get3A_601] {strides = array<i32>} : memref<512x128xf32, #tpu.memory_space<vmem>>, vector<1x16xf32>,
        %get3A_603 = vector.shape_cast %get3A_602 : vector<1x16xf32> to vector<16xf32>
        %swap3A_604 = arith.constant 118 : i32
        %swap3A_605 = arith.index_cast %swap3A_604 : i32 to index
        %swap3A_606 = arith.constant 96 : index
        %swap3A_607 = tpu.vector_load %arg7[%swap3A_605, %swap3A_606] {strides = array<i32>} : memref<128x128xf32, #tpu.memory_space<vmem>>, vector<1x16xf32>,
        %swap3A_608 = vector.shape_cast %swap3A_607 : vector<1x16xf32> to vector<16xf32>
        %swap3A_609 = vector.shape_cast %get3A_603 : vector<16xf32> to vector<1x16xf32>
        tpu.vector_store %arg7[%swap3A_605, %swap3A_606], %swap3A_609 {strides = array<i32>} : memref<128x128xf32, #tpu.memory_space<vmem>>, vector<1x16xf32>,
        %get3A_610 = arith.index_cast %squeeze3A_539 : i32 to index
        %get3A_611 = arith.constant 112 : index
        %get3A_612 = tpu.vector_load %arg6[%get3A_610, %get3A_611] {strides = array<i32>} : memref<512x128xf32, #tpu.memory_space<vmem>>, vector<1x16xf32>,
        %get3A_613 = vector.shape_cast %get3A_612 : vector<1x16xf32> to vector<16xf32>
        %swap3A_614 = arith.constant 118 : i32
        %swap3A_615 = arith.index_cast %swap3A_614 : i32 to index
        %swap3A_616 = arith.constant 112 : index
        %swap3A_617 = tpu.vector_load %arg7[%swap3A_615, %swap3A_616] {strides = array<i32>} : memref<128x128xf32, #tpu.memory_space<vmem>>, vector<1x16xf32>,
        %swap3A_618 = vector.shape_cast %swap3A_617 : vector<1x16xf32> to vector<16xf32>
        %swap3A_619 = vector.shape_cast %get3A_613 : vector<16xf32> to vector<1x16xf32>
        tpu.vector_store %arg7[%swap3A_615, %swap3A_616], %swap3A_619 {strides = array<i32>} : memref<128x128xf32, #tpu.memory_space<vmem>>, vector<1x16xf32>,
        %slice3A_620 = vector.extract_strided_slice %get3A_128 {offsets = [7], sizes = [1], strides = [1]} : vector<16xi32> to vector<1xi32>
        %squeeze3A_621 = vector.extract %slice3A_620[0] : i32 from vector<1xi32>
        %get3A_622 = arith.index_cast %squeeze3A_621 : i32 to index
        %get3A_623 = arith.constant 0 : index
        %get3A_624 = tpu.vector_load %arg6[%get3A_622, %get3A_623] {strides = array<i32>} : memref<512x128xf32, #tpu.memory_space<vmem>>, vector<1x16xf32>,
        %get3A_625 = vector.shape_cast %get3A_624 : vector<1x16xf32> to vector<16xf32>
        %swap3A_626 = arith.constant 119 : i32
        %swap3A_627 = arith.index_cast %swap3A_626 : i32 to index
        %swap3A_628 = arith.constant 0 : index
        %swap3A_629 = tpu.vector_load %arg7[%swap3A_627, %swap3A_628] {strides = array<i32>} : memref<128x128xf32, #tpu.memory_space<vmem>>, vector<1x16xf32>,
        %swap3A_630 = vector.shape_cast %swap3A_629 : vector<1x16xf32> to vector<16xf32>
        %swap3A_631 = vector.shape_cast %get3A_625 : vector<16xf32> to vector<1x16xf32>
        tpu.vector_store %arg7[%swap3A_627, %swap3A_628], %swap3A_631 {strides = array<i32>} : memref<128x128xf32, #tpu.memory_space<vmem>>, vector<1x16xf32>,
        %get3A_632 = arith.index_cast %squeeze3A_621 : i32 to index
        %get3A_633 = arith.constant 16 : index
        %get3A_634 = tpu.vector_load %arg6[%get3A_632, %get3A_633] {strides = array<i32>} : memref<512x128xf32, #tpu.memory_space<vmem>>, vector<1x16xf32>,
        %get3A_635 = vector.shape_cast %get3A_634 : vector<1x16xf32> to vector<16xf32>
        %swap3A_636 = arith.constant 119 : i32
        %swap3A_637 = arith.index_cast %swap3A_636 : i32 to index
        %swap3A_638 = arith.constant 16 : index
        %swap3A_639 = tpu.vector_load %arg7[%swap3A_637, %swap3A_638] {strides = array<i32>} : memref<128x128xf32, #tpu.memory_space<vmem>>, vector<1x16xf32>,
        %swap3A_640 = vector.shape_cast %swap3A_639 : vector<1x16xf32> to vector<16xf32>
        %swap3A_641 = vector.shape_cast %get3A_635 : vector<16xf32> to vector<1x16xf32>
        tpu.vector_store %arg7[%swap3A_637, %swap3A_638], %swap3A_641 {strides = array<i32>} : memref<128x128xf32, #tpu.memory_space<vmem>>, vector<1x16xf32>,
        %get3A_642 = arith.index_cast %squeeze3A_621 : i32 to index
        %get3A_643 = arith.constant 32 : index
        %get3A_644 = tpu.vector_load %arg6[%get3A_642, %get3A_643] {strides = array<i32>} : memref<512x128xf32, #tpu.memory_space<vmem>>, vector<1x16xf32>,
        %get3A_645 = vector.shape_cast %get3A_644 : vector<1x16xf32> to vector<16xf32>
        %swap3A_646 = arith.constant 119 : i32
        %swap3A_647 = arith.index_cast %swap3A_646 : i32 to index
        %swap3A_648 = arith.constant 32 : index
        %swap3A_649 = tpu.vector_load %arg7[%swap3A_647, %swap3A_648] {strides = array<i32>} : memref<128x128xf32, #tpu.memory_space<vmem>>, vector<1x16xf32>,
        %swap3A_650 = vector.shape_cast %swap3A_649 : vector<1x16xf32> to vector<16xf32>
        %swap3A_651 = vector.shape_cast %get3A_645 : vector<16xf32> to vector<1x16xf32>
        tpu.vector_store %arg7[%swap3A_647, %swap3A_648], %swap3A_651 {strides = array<i32>} : memref<128x128xf32, #tpu.memory_space<vmem>>, vector<1x16xf32>,
        %get3A_652 = arith.index_cast %squeeze3A_621 : i32 to index
        %get3A_653 = arith.constant 48 : index
        %get3A_654 = tpu.vector_load %arg6[%get3A_652, %get3A_653] {strides = array<i32>} : memref<512x128xf32, #tpu.memory_space<vmem>>, vector<1x16xf32>,
        %get3A_655 = vector.shape_cast %get3A_654 : vector<1x16xf32> to vector<16xf32>
        %swap3A_656 = arith.constant 119 : i32
        %swap3A_657 = arith.index_cast %swap3A_656 : i32 to index
        %swap3A_658 = arith.constant 48 : index
        %swap3A_659 = tpu.vector_load %arg7[%swap3A_657, %swap3A_658] {strides = array<i32>} : memref<128x128xf32, #tpu.memory_space<vmem>>, vector<1x16xf32>,
        %swap3A_660 = vector.shape_cast %swap3A_659 : vector<1x16xf32> to vector<16xf32>
        %swap3A_661 = vector.shape_cast %get3A_655 : vector<16xf32> to vector<1x16xf32>
        tpu.vector_store %arg7[%swap3A_657, %swap3A_658], %swap3A_661 {strides = array<i32>} : memref<128x128xf32, #tpu.memory_space<vmem>>, vector<1x16xf32>,
        %get3A_662 = arith.index_cast %squeeze3A_621 : i32 to index
        %get3A_663 = arith.constant 64 : index
        %get3A_664 = tpu.vector_load %arg6[%get3A_662, %get3A_663] {strides = array<i32>} : memref<512x128xf32, #tpu.memory_space<vmem>>, vector<1x16xf32>,
        %get3A_665 = vector.shape_cast %get3A_664 : vector<1x16xf32> to vector<16xf32>
        %swap3A_666 = arith.constant 119 : i32
        %swap3A_667 = arith.index_cast %swap3A_666 : i32 to index
        %swap3A_668 = arith.constant 64 : index
        %swap3A_669 = tpu.vector_load %arg7[%swap3A_667, %swap3A_668] {strides = array<i32>} : memref<128x128xf32, #tpu.memory_space<vmem>>, vector<1x16xf32>,
        %swap3A_670 = vector.shape_cast %swap3A_669 : vector<1x16xf32> to vector<16xf32>
        %swap3A_671 = vector.shape_cast %get3A_665 : vector<16xf32> to vector<1x16xf32>
        tpu.vector_store %arg7[%swap3A_667, %swap3A_668], %swap3A_671 {strides = array<i32>} : memref<128x128xf32, #tpu.memory_space<vmem>>, vector<1x16xf32>,
        %get3A_672 = arith.index_cast %squeeze3A_621 : i32 to index
        %get3A_673 = arith.constant 80 : index
        %get3A_674 = tpu.vector_load %arg6[%get3A_672, %get3A_673] {strides = array<i32>} : memref<512x128xf32, #tpu.memory_space<vmem>>, vector<1x16xf32>,
        %get3A_675 = vector.shape_cast %get3A_674 : vector<1x16xf32> to vector<16xf32>
        %swap3A_676 = arith.constant 119 : i32
        %swap3A_677 = arith.index_cast %swap3A_676 : i32 to index
        %swap3A_678 = arith.constant 80 : index
        %swap3A_679 = tpu.vector_load %arg7[%swap3A_677, %swap3A_678] {strides = array<i32>} : memref<128x128xf32, #tpu.memory_space<vmem>>, vector<1x16xf32>,
        %swap3A_680 = vector.shape_cast %swap3A_679 : vector<1x16xf32> to vector<16xf32>
        %swap3A_681 = vector.shape_cast %get3A_675 : vector<16xf32> to vector<1x16xf32>
        tpu.vector_store %arg7[%swap3A_677, %swap3A_678], %swap3A_681 {strides = array<i32>} : memref<128x128xf32, #tpu.memory_space<vmem>>, vector<1x16xf32>,
        %get3A_682 = arith.index_cast %squeeze3A_621 : i32 to index
        %get3A_683 = arith.constant 96 : index
        %get3A_684 = tpu.vector_load %arg6[%get3A_682, %get3A_683] {strides = array<i32>} : memref<512x128xf32, #tpu.memory_space<vmem>>, vector<1x16xf32>,
        %get3A_685 = vector.shape_cast %get3A_684 : vector<1x16xf32> to vector<16xf32>
        %swap3A_686 = arith.constant 119 : i32
        %swap3A_687 = arith.index_cast %swap3A_686 : i32 to index
        %swap3A_688 = arith.constant 96 : index
        %swap3A_689 = tpu.vector_load %arg7[%swap3A_687, %swap3A_688] {strides = array<i32>} : memref<128x128xf32, #tpu.memory_space<vmem>>, vector<1x16xf32>,
        %swap3A_690 = vector.shape_cast %swap3A_689 : vector<1x16xf32> to vector<16xf32>
        %swap3A_691 = vector.shape_cast %get3A_685 : vector<16xf32> to vector<1x16xf32>
        tpu.vector_store %arg7[%swap3A_687, %swap3A_688], %swap3A_691 {strides = array<i32>} : memref<128x128xf32, #tpu.memory_space<vmem>>, vector<1x16xf32>,
        %get3A_692 = arith.index_cast %squeeze3A_621 : i32 to index
        %get3A_693 = arith.constant 112 : index
        %get3A_694 = tpu.vector_load %arg6[%get3A_692, %get3A_693] {strides = array<i32>} : memref<512x128xf32, #tpu.memory_space<vmem>>, vector<1x16xf32>,
        %get3A_695 = vector.shape_cast %get3A_694 : vector<1x16xf32> to vector<16xf32>
        %swap3A_696 = arith.constant 119 : i32
        %swap3A_697 = arith.index_cast %swap3A_696 : i32 to index
        %swap3A_698 = arith.constant 112 : index
        %swap3A_699 = tpu.vector_load %arg7[%swap3A_697, %swap3A_698] {strides = array<i32>} : memref<128x128xf32, #tpu.memory_space<vmem>>, vector<1x16xf32>,
        %swap3A_700 = vector.shape_cast %swap3A_699 : vector<1x16xf32> to vector<16xf32>
        %swap3A_701 = vector.shape_cast %get3A_695 : vector<16xf32> to vector<1x16xf32>
        tpu.vector_store %arg7[%swap3A_697, %swap3A_698], %swap3A_701 {strides = array<i32>} : memref<128x128xf32, #tpu.memory_space<vmem>>, vector<1x16xf32>,
        %slice3A_702 = vector.extract_strided_slice %get3A_128 {offsets = [8], sizes = [1], strides = [1]} : vector<16xi32> to vector<1xi32>
        %squeeze3A_703 = vector.extract %slice3A_702[0] : i32 from vector<1xi32>
        %get3A_704 = arith.index_cast %squeeze3A_703 : i32 to index
        %get3A_705 = arith.constant 0 : index
        %get3A_706 = tpu.vector_load %arg6[%get3A_704, %get3A_705] {strides = array<i32>} : memref<512x128xf32, #tpu.memory_space<vmem>>, vector<1x16xf32>,
        %get3A_707 = vector.shape_cast %get3A_706 : vector<1x16xf32> to vector<16xf32>
        %swap3A_708 = arith.constant 120 : i32
        %swap3A_709 = arith.index_cast %swap3A_708 : i32 to index
        %swap3A_710 = arith.constant 0 : index
        %swap3A_711 = tpu.vector_load %arg7[%swap3A_709, %swap3A_710] {strides = array<i32>} : memref<128x128xf32, #tpu.memory_space<vmem>>, vector<1x16xf32>,
        %swap3A_712 = vector.shape_cast %swap3A_711 : vector<1x16xf32> to vector<16xf32>
        %swap3A_713 = vector.shape_cast %get3A_707 : vector<16xf32> to vector<1x16xf32>
        tpu.vector_store %arg7[%swap3A_709, %swap3A_710], %swap3A_713 {strides = array<i32>} : memref<128x128xf32, #tpu.memory_space<vmem>>, vector<1x16xf32>,
        %get3A_714 = arith.index_cast %squeeze3A_703 : i32 to index
        %get3A_715 = arith.constant 16 : index
        %get3A_716 = tpu.vector_load %arg6[%get3A_714, %get3A_715] {strides = array<i32>} : memref<512x128xf32, #tpu.memory_space<vmem>>, vector<1x16xf32>,
        %get3A_717 = vector.shape_cast %get3A_716 : vector<1x16xf32> to vector<16xf32>
        %swap3A_718 = arith.constant 120 : i32
        %swap3A_719 = arith.index_cast %swap3A_718 : i32 to index
        %swap3A_720 = arith.constant 16 : index
        %swap3A_721 = tpu.vector_load %arg7[%swap3A_719, %swap3A_720] {strides = array<i32>} : memref<128x128xf32, #tpu.memory_space<vmem>>, vector<1x16xf32>,
        %swap3A_722 = vector.shape_cast %swap3A_721 : vector<1x16xf32> to vector<16xf32>
        %swap3A_723 = vector.shape_cast %get3A_717 : vector<16xf32> to vector<1x16xf32>
        tpu.vector_store %arg7[%swap3A_719, %swap3A_720], %swap3A_723 {strides = array<i32>} : memref<128x128xf32, #tpu.memory_space<vmem>>, vector<1x16xf32>,
        %get3A_724 = arith.index_cast %squeeze3A_703 : i32 to index
        %get3A_725 = arith.constant 32 : index
        %get3A_726 = tpu.vector_load %arg6[%get3A_724, %get3A_725] {strides = array<i32>} : memref<512x128xf32, #tpu.memory_space<vmem>>, vector<1x16xf32>,
        %get3A_727 = vector.shape_cast %get3A_726 : vector<1x16xf32> to vector<16xf32>
        %swap3A_728 = arith.constant 120 : i32
        %swap3A_729 = arith.index_cast %swap3A_728 : i32 to index
        %swap3A_730 = arith.constant 32 : index
        %swap3A_731 = tpu.vector_load %arg7[%swap3A_729, %swap3A_730] {strides = array<i32>} : memref<128x128xf32, #tpu.memory_space<vmem>>, vector<1x16xf32>,
        %swap3A_732 = vector.shape_cast %swap3A_731 : vector<1x16xf32> to vector<16xf32>
        %swap3A_733 = vector.shape_cast %get3A_727 : vector<16xf32> to vector<1x16xf32>
        tpu.vector_store %arg7[%swap3A_729, %swap3A_730], %swap3A_733 {strides = array<i32>} : memref<128x128xf32, #tpu.memory_space<vmem>>, vector<1x16xf32>,
        %get3A_734 = arith.index_cast %squeeze3A_703 : i32 to index
        %get3A_735 = arith.constant 48 : index
        %get3A_736 = tpu.vector_load %arg6[%get3A_734, %get3A_735] {strides = array<i32>} : memref<512x128xf32, #tpu.memory_space<vmem>>, vector<1x16xf32>,
        %get3A_737 = vector.shape_cast %get3A_736 : vector<1x16xf32> to vector<16xf32>
        %swap3A_738 = arith.constant 120 : i32
        %swap3A_739 = arith.index_cast %swap3A_738 : i32 to index
        %swap3A_740 = arith.constant 48 : index
        %swap3A_741 = tpu.vector_load %arg7[%swap3A_739, %swap3A_740] {strides = array<i32>} : memref<128x128xf32, #tpu.memory_space<vmem>>, vector<1x16xf32>,
        %swap3A_742 = vector.shape_cast %swap3A_741 : vector<1x16xf32> to vector<16xf32>
        %swap3A_743 = vector.shape_cast %get3A_737 : vector<16xf32> to vector<1x16xf32>
        tpu.vector_store %arg7[%swap3A_739, %swap3A_740], %swap3A_743 {strides = array<i32>} : memref<128x128xf32, #tpu.memory_space<vmem>>, vector<1x16xf32>,
        %get3A_744 = arith.index_cast %squeeze3A_703 : i32 to index
        %get3A_745 = arith.constant 64 : index
        %get3A_746 = tpu.vector_load %arg6[%get3A_744, %get3A_745] {strides = array<i32>} : memref<512x128xf32, #tpu.memory_space<vmem>>, vector<1x16xf32>,
        %get3A_747 = vector.shape_cast %get3A_746 : vector<1x16xf32> to vector<16xf32>
        %swap3A_748 = arith.constant 120 : i32
        %swap3A_749 = arith.index_cast %swap3A_748 : i32 to index
        %swap3A_750 = arith.constant 64 : index
        %swap3A_751 = tpu.vector_load %arg7[%swap3A_749, %swap3A_750] {strides = array<i32>} : memref<128x128xf32, #tpu.memory_space<vmem>>, vector<1x16xf32>,
        %swap3A_752 = vector.shape_cast %swap3A_751 : vector<1x16xf32> to vector<16xf32>
        %swap3A_753 = vector.shape_cast %get3A_747 : vector<16xf32> to vector<1x16xf32>
        tpu.vector_store %arg7[%swap3A_749, %swap3A_750], %swap3A_753 {strides = array<i32>} : memref<128x128xf32, #tpu.memory_space<vmem>>, vector<1x16xf32>,
        %get3A_754 = arith.index_cast %squeeze3A_703 : i32 to index
        %get3A_755 = arith.constant 80 : index
        %get3A_756 = tpu.vector_load %arg6[%get3A_754, %get3A_755] {strides = array<i32>} : memref<512x128xf32, #tpu.memory_space<vmem>>, vector<1x16xf32>,
        %get3A_757 = vector.shape_cast %get3A_756 : vector<1x16xf32> to vector<16xf32>
        %swap3A_758 = arith.constant 120 : i32
        %swap3A_759 = arith.index_cast %swap3A_758 : i32 to index
        %swap3A_760 = arith.constant 80 : index
        %swap3A_761 = tpu.vector_load %arg7[%swap3A_759, %swap3A_760] {strides = array<i32>} : memref<128x128xf32, #tpu.memory_space<vmem>>, vector<1x16xf32>,
        %swap3A_762 = vector.shape_cast %swap3A_761 : vector<1x16xf32> to vector<16xf32>
        %swap3A_763 = vector.shape_cast %get3A_757 : vector<16xf32> to vector<1x16xf32>
        tpu.vector_store %arg7[%swap3A_759, %swap3A_760], %swap3A_763 {strides = array<i32>} : memref<128x128xf32, #tpu.memory_space<vmem>>, vector<1x16xf32>,
        %get3A_764 = arith.index_cast %squeeze3A_703 : i32 to index
        %get3A_765 = arith.constant 96 : index
        %get3A_766 = tpu.vector_load %arg6[%get3A_764, %get3A_765] {strides = array<i32>} : memref<512x128xf32, #tpu.memory_space<vmem>>, vector<1x16xf32>,
        %get3A_767 = vector.shape_cast %get3A_766 : vector<1x16xf32> to vector<16xf32>
        %swap3A_768 = arith.constant 120 : i32
        %swap3A_769 = arith.index_cast %swap3A_768 : i32 to index
        %swap3A_770 = arith.constant 96 : index
        %swap3A_771 = tpu.vector_load %arg7[%swap3A_769, %swap3A_770] {strides = array<i32>} : memref<128x128xf32, #tpu.memory_space<vmem>>, vector<1x16xf32>,
        %swap3A_772 = vector.shape_cast %swap3A_771 : vector<1x16xf32> to vector<16xf32>
        %swap3A_773 = vector.shape_cast %get3A_767 : vector<16xf32> to vector<1x16xf32>
        tpu.vector_store %arg7[%swap3A_769, %swap3A_770], %swap3A_773 {strides = array<i32>} : memref<128x128xf32, #tpu.memory_space<vmem>>, vector<1x16xf32>,
        %get3A_774 = arith.index_cast %squeeze3A_703 : i32 to index
        %get3A_775 = arith.constant 112 : index
        %get3A_776 = tpu.vector_load %arg6[%get3A_774, %get3A_775] {strides = array<i32>} : memref<512x128xf32, #tpu.memory_space<vmem>>, vector<1x16xf32>,
        %get3A_777 = vector.shape_cast %get3A_776 : vector<1x16xf32> to vector<16xf32>
        %swap3A_778 = arith.constant 120 : i32
        %swap3A_779 = arith.index_cast %swap3A_778 : i32 to index
        %swap3A_780 = arith.constant 112 : index
        %swap3A_781 = tpu.vector_load %arg7[%swap3A_779, %swap3A_780] {strides = array<i32>} : memref<128x128xf32, #tpu.memory_space<vmem>>, vector<1x16xf32>,
        %swap3A_782 = vector.shape_cast %swap3A_781 : vector<1x16xf32> to vector<16xf32>
        %swap3A_783 = vector.shape_cast %get3A_777 : vector<16xf32> to vector<1x16xf32>
        tpu.vector_store %arg7[%swap3A_779, %swap3A_780], %swap3A_783 {strides = array<i32>} : memref<128x128xf32, #tpu.memory_space<vmem>>, vector<1x16xf32>,
        %slice3A_784 = vector.extract_strided_slice %get3A_128 {offsets = [9], sizes = [1], strides = [1]} : vector<16xi32> to vector<1xi32>
        %squeeze3A_785 = vector.extract %slice3A_784[0] : i32 from vector<1xi32>
        %get3A_786 = arith.index_cast %squeeze3A_785 : i32 to index
        %get3A_787 = arith.constant 0 : index
        %get3A_788 = tpu.vector_load %arg6[%get3A_786, %get3A_787] {strides = array<i32>} : memref<512x128xf32, #tpu.memory_space<vmem>>, vector<1x16xf32>,
        %get3A_789 = vector.shape_cast %get3A_788 : vector<1x16xf32> to vector<16xf32>
        %swap3A_790 = arith.constant 121 : i32
        %swap3A_791 = arith.index_cast %swap3A_790 : i32 to index
        %swap3A_792 = arith.constant 0 : index
        %swap3A_793 = tpu.vector_load %arg7[%swap3A_791, %swap3A_792] {strides = array<i32>} : memref<128x128xf32, #tpu.memory_space<vmem>>, vector<1x16xf32>,
        %swap3A_794 = vector.shape_cast %swap3A_793 : vector<1x16xf32> to vector<16xf32>
        %swap3A_795 = vector.shape_cast %get3A_789 : vector<16xf32> to vector<1x16xf32>
        tpu.vector_store %arg7[%swap3A_791, %swap3A_792], %swap3A_795 {strides = array<i32>} : memref<128x128xf32, #tpu.memory_space<vmem>>, vector<1x16xf32>,
        %get3A_796 = arith.index_cast %squeeze3A_785 : i32 to index
        %get3A_797 = arith.constant 16 : index
        %get3A_798 = tpu.vector_load %arg6[%get3A_796, %get3A_797] {strides = array<i32>} : memref<512x128xf32, #tpu.memory_space<vmem>>, vector<1x16xf32>,
        %get3A_799 = vector.shape_cast %get3A_798 : vector<1x16xf32> to vector<16xf32>
        %swap3A_800 = arith.constant 121 : i32
        %swap3A_801 = arith.index_cast %swap3A_800 : i32 to index
        %swap3A_802 = arith.constant 16 : index
        %swap3A_803 = tpu.vector_load %arg7[%swap3A_801, %swap3A_802] {strides = array<i32>} : memref<128x128xf32, #tpu.memory_space<vmem>>, vector<1x16xf32>,
        %swap3A_804 = vector.shape_cast %swap3A_803 : vector<1x16xf32> to vector<16xf32>
        %swap3A_805 = vector.shape_cast %get3A_799 : vector<16xf32> to vector<1x16xf32>
        tpu.vector_store %arg7[%swap3A_801, %swap3A_802], %swap3A_805 {strides = array<i32>} : memref<128x128xf32, #tpu.memory_space<vmem>>, vector<1x16xf32>,
        %get3A_806 = arith.index_cast %squeeze3A_785 : i32 to index
        %get3A_807 = arith.constant 32 : index
        %get3A_808 = tpu.vector_load %arg6[%get3A_806, %get3A_807] {strides = array<i32>} : memref<512x128xf32, #tpu.memory_space<vmem>>, vector<1x16xf32>,
        %get3A_809 = vector.shape_cast %get3A_808 : vector<1x16xf32> to vector<16xf32>
        %swap3A_810 = arith.constant 121 : i32
        %swap3A_811 = arith.index_cast %swap3A_810 : i32 to index
        %swap3A_812 = arith.constant 32 : index
        %swap3A_813 = tpu.vector_load %arg7[%swap3A_811, %swap3A_812] {strides = array<i32>} : memref<128x128xf32, #tpu.memory_space<vmem>>, vector<1x16xf32>,
        %swap3A_814 = vector.shape_cast %swap3A_813 : vector<1x16xf32> to vector<16xf32>
        %swap3A_815 = vector.shape_cast %get3A_809 : vector<16xf32> to vector<1x16xf32>
        tpu.vector_store %arg7[%swap3A_811, %swap3A_812], %swap3A_815 {strides = array<i32>} : memref<128x128xf32, #tpu.memory_space<vmem>>, vector<1x16xf32>,
        %get3A_816 = arith.index_cast %squeeze3A_785 : i32 to index
        %get3A_817 = arith.constant 48 : index
        %get3A_818 = tpu.vector_load %arg6[%get3A_816, %get3A_817] {strides = array<i32>} : memref<512x128xf32, #tpu.memory_space<vmem>>, vector<1x16xf32>,
        %get3A_819 = vector.shape_cast %get3A_818 : vector<1x16xf32> to vector<16xf32>
        %swap3A_820 = arith.constant 121 : i32
        %swap3A_821 = arith.index_cast %swap3A_820 : i32 to index
        %swap3A_822 = arith.constant 48 : index
        %swap3A_823 = tpu.vector_load %arg7[%swap3A_821, %swap3A_822] {strides = array<i32>} : memref<128x128xf32, #tpu.memory_space<vmem>>, vector<1x16xf32>,
        %swap3A_824 = vector.shape_cast %swap3A_823 : vector<1x16xf32> to vector<16xf32>
        %swap3A_825 = vector.shape_cast %get3A_819 : vector<16xf32> to vector<1x16xf32>
        tpu.vector_store %arg7[%swap3A_821, %swap3A_822], %swap3A_825 {strides = array<i32>} : memref<128x128xf32, #tpu.memory_space<vmem>>, vector<1x16xf32>,
        %get3A_826 = arith.index_cast %squeeze3A_785 : i32 to index
        %get3A_827 = arith.constant 64 : index
        %get3A_828 = tpu.vector_load %arg6[%get3A_826, %get3A_827] {strides = array<i32>} : memref<512x128xf32, #tpu.memory_space<vmem>>, vector<1x16xf32>,
        %get3A_829 = vector.shape_cast %get3A_828 : vector<1x16xf32> to vector<16xf32>
        %swap3A_830 = arith.constant 121 : i32
        %swap3A_831 = arith.index_cast %swap3A_830 : i32 to index
        %swap3A_832 = arith.constant 64 : index
        %swap3A_833 = tpu.vector_load %arg7[%swap3A_831, %swap3A_832] {strides = array<i32>} : memref<128x128xf32, #tpu.memory_space<vmem>>, vector<1x16xf32>,
        %swap3A_834 = vector.shape_cast %swap3A_833 : vector<1x16xf32> to vector<16xf32>
        %swap3A_835 = vector.shape_cast %get3A_829 : vector<16xf32> to vector<1x16xf32>
        tpu.vector_store %arg7[%swap3A_831, %swap3A_832], %swap3A_835 {strides = array<i32>} : memref<128x128xf32, #tpu.memory_space<vmem>>, vector<1x16xf32>,
        %get3A_836 = arith.index_cast %squeeze3A_785 : i32 to index
        %get3A_837 = arith.constant 80 : index
        %get3A_838 = tpu.vector_load %arg6[%get3A_836, %get3A_837] {strides = array<i32>} : memref<512x128xf32, #tpu.memory_space<vmem>>, vector<1x16xf32>,
        %get3A_839 = vector.shape_cast %get3A_838 : vector<1x16xf32> to vector<16xf32>
        %swap3A_840 = arith.constant 121 : i32
        %swap3A_841 = arith.index_cast %swap3A_840 : i32 to index
        %swap3A_842 = arith.constant 80 : index
        %swap3A_843 = tpu.vector_load %arg7[%swap3A_841, %swap3A_842] {strides = array<i32>} : memref<128x128xf32, #tpu.memory_space<vmem>>, vector<1x16xf32>,
        %swap3A_844 = vector.shape_cast %swap3A_843 : vector<1x16xf32> to vector<16xf32>
        %swap3A_845 = vector.shape_cast %get3A_839 : vector<16xf32> to vector<1x16xf32>
        tpu.vector_store %arg7[%swap3A_841, %swap3A_842], %swap3A_845 {strides = array<i32>} : memref<128x128xf32, #tpu.memory_space<vmem>>, vector<1x16xf32>,
        %get3A_846 = arith.index_cast %squeeze3A_785 : i32 to index
        %get3A_847 = arith.constant 96 : index
        %get3A_848 = tpu.vector_load %arg6[%get3A_846, %get3A_847] {strides = array<i32>} : memref<512x128xf32, #tpu.memory_space<vmem>>, vector<1x16xf32>,
        %get3A_849 = vector.shape_cast %get3A_848 : vector<1x16xf32> to vector<16xf32>
        %swap3A_850 = arith.constant 121 : i32
        %swap3A_851 = arith.index_cast %swap3A_850 : i32 to index
        %swap3A_852 = arith.constant 96 : index
        %swap3A_853 = tpu.vector_load %arg7[%swap3A_851, %swap3A_852] {strides = array<i32>} : memref<128x128xf32, #tpu.memory_space<vmem>>, vector<1x16xf32>,
        %swap3A_854 = vector.shape_cast %swap3A_853 : vector<1x16xf32> to vector<16xf32>
        %swap3A_855 = vector.shape_cast %get3A_849 : vector<16xf32> to vector<1x16xf32>
        tpu.vector_store %arg7[%swap3A_851, %swap3A_852], %swap3A_855 {strides = array<i32>} : memref<128x128xf32, #tpu.memory_space<vmem>>, vector<1x16xf32>,
        %get3A_856 = arith.index_cast %squeeze3A_785 : i32 to index
        %get3A_857 = arith.constant 112 : index
        %get3A_858 = tpu.vector_load %arg6[%get3A_856, %get3A_857] {strides = array<i32>} : memref<512x128xf32, #tpu.memory_space<vmem>>, vector<1x16xf32>,
        %get3A_859 = vector.shape_cast %get3A_858 : vector<1x16xf32> to vector<16xf32>
        %swap3A_860 = arith.constant 121 : i32
        %swap3A_861 = arith.index_cast %swap3A_860 : i32 to index
        %swap3A_862 = arith.constant 112 : index
        %swap3A_863 = tpu.vector_load %arg7[%swap3A_861, %swap3A_862] {strides = array<i32>} : memref<128x128xf32, #tpu.memory_space<vmem>>, vector<1x16xf32>,
        %swap3A_864 = vector.shape_cast %swap3A_863 : vector<1x16xf32> to vector<16xf32>
        %swap3A_865 = vector.shape_cast %get3A_859 : vector<16xf32> to vector<1x16xf32>
        tpu.vector_store %arg7[%swap3A_861, %swap3A_862], %swap3A_865 {strides = array<i32>} : memref<128x128xf32, #tpu.memory_space<vmem>>, vector<1x16xf32>,
        %slice3A_866 = vector.extract_strided_slice %get3A_128 {offsets = [10], sizes = [1], strides = [1]} : vector<16xi32> to vector<1xi32>
        %squeeze3A_867 = vector.extract %slice3A_866[0] : i32 from vector<1xi32>
        %get3A_868 = arith.index_cast %squeeze3A_867 : i32 to index
        %get3A_869 = arith.constant 0 : index
        %get3A_870 = tpu.vector_load %arg6[%get3A_868, %get3A_869] {strides = array<i32>} : memref<512x128xf32, #tpu.memory_space<vmem>>, vector<1x16xf32>,
        %get3A_871 = vector.shape_cast %get3A_870 : vector<1x16xf32> to vector<16xf32>
        %swap3A_872 = arith.constant 122 : i32
        %swap3A_873 = arith.index_cast %swap3A_872 : i32 to index
        %swap3A_874 = arith.constant 0 : index
        %swap3A_875 = tpu.vector_load %arg7[%swap3A_873, %swap3A_874] {strides = array<i32>} : memref<128x128xf32, #tpu.memory_space<vmem>>, vector<1x16xf32>,
        %swap3A_876 = vector.shape_cast %swap3A_875 : vector<1x16xf32> to vector<16xf32>
        %swap3A_877 = vector.shape_cast %get3A_871 : vector<16xf32> to vector<1x16xf32>
        tpu.vector_store %arg7[%swap3A_873, %swap3A_874], %swap3A_877 {strides = array<i32>} : memref<128x128xf32, #tpu.memory_space<vmem>>, vector<1x16xf32>,
        %get3A_878 = arith.index_cast %squeeze3A_867 : i32 to index
        %get3A_879 = arith.constant 16 : index
        %get3A_880 = tpu.vector_load %arg6[%get3A_878, %get3A_879] {strides = array<i32>} : memref<512x128xf32, #tpu.memory_space<vmem>>, vector<1x16xf32>,
        %get3A_881 = vector.shape_cast %get3A_880 : vector<1x16xf32> to vector<16xf32>
        %swap3A_882 = arith.constant 122 : i32
        %swap3A_883 = arith.index_cast %swap3A_882 : i32 to index
        %swap3A_884 = arith.constant 16 : index
        %swap3A_885 = tpu.vector_load %arg7[%swap3A_883, %swap3A_884] {strides = array<i32>} : memref<128x128xf32, #tpu.memory_space<vmem>>, vector<1x16xf32>,
        %swap3A_886 = vector.shape_cast %swap3A_885 : vector<1x16xf32> to vector<16xf32>
        %swap3A_887 = vector.shape_cast %get3A_881 : vector<16xf32> to vector<1x16xf32>
        tpu.vector_store %arg7[%swap3A_883, %swap3A_884], %swap3A_887 {strides = array<i32>} : memref<128x128xf32, #tpu.memory_space<vmem>>, vector<1x16xf32>,
        %get3A_888 = arith.index_cast %squeeze3A_867 : i32 to index
        %get3A_889 = arith.constant 32 : index
        %get3A_890 = tpu.vector_load %arg6[%get3A_888, %get3A_889] {strides = array<i32>} : memref<512x128xf32, #tpu.memory_space<vmem>>, vector<1x16xf32>,
        %get3A_891 = vector.shape_cast %get3A_890 : vector<1x16xf32> to vector<16xf32>
        %swap3A_892 = arith.constant 122 : i32
        %swap3A_893 = arith.index_cast %swap3A_892 : i32 to index
        %swap3A_894 = arith.constant 32 : index
        %swap3A_895 = tpu.vector_load %arg7[%swap3A_893, %swap3A_894] {strides = array<i32>} : memref<128x128xf32, #tpu.memory_space<vmem>>, vector<1x16xf32>,
        %swap3A_896 = vector.shape_cast %swap3A_895 : vector<1x16xf32> to vector<16xf32>
        %swap3A_897 = vector.shape_cast %get3A_891 : vector<16xf32> to vector<1x16xf32>
        tpu.vector_store %arg7[%swap3A_893, %swap3A_894], %swap3A_897 {strides = array<i32>} : memref<128x128xf32, #tpu.memory_space<vmem>>, vector<1x16xf32>,
        %get3A_898 = arith.index_cast %squeeze3A_867 : i32 to index
        %get3A_899 = arith.constant 48 : index
        %get3A_900 = tpu.vector_load %arg6[%get3A_898, %get3A_899] {strides = array<i32>} : memref<512x128xf32, #tpu.memory_space<vmem>>, vector<1x16xf32>,
        %get3A_901 = vector.shape_cast %get3A_900 : vector<1x16xf32> to vector<16xf32>
        %swap3A_902 = arith.constant 122 : i32
        %swap3A_903 = arith.index_cast %swap3A_902 : i32 to index
        %swap3A_904 = arith.constant 48 : index
        %swap3A_905 = tpu.vector_load %arg7[%swap3A_903, %swap3A_904] {strides = array<i32>} : memref<128x128xf32, #tpu.memory_space<vmem>>, vector<1x16xf32>,
        %swap3A_906 = vector.shape_cast %swap3A_905 : vector<1x16xf32> to vector<16xf32>
        %swap3A_907 = vector.shape_cast %get3A_901 : vector<16xf32> to vector<1x16xf32>
        tpu.vector_store %arg7[%swap3A_903, %swap3A_904], %swap3A_907 {strides = array<i32>} : memref<128x128xf32, #tpu.memory_space<vmem>>, vector<1x16xf32>,
        %get3A_908 = arith.index_cast %squeeze3A_867 : i32 to index
        %get3A_909 = arith.constant 64 : index
        %get3A_910 = tpu.vector_load %arg6[%get3A_908, %get3A_909] {strides = array<i32>} : memref<512x128xf32, #tpu.memory_space<vmem>>, vector<1x16xf32>,
        %get3A_911 = vector.shape_cast %get3A_910 : vector<1x16xf32> to vector<16xf32>
        %swap3A_912 = arith.constant 122 : i32
        %swap3A_913 = arith.index_cast %swap3A_912 : i32 to index
        %swap3A_914 = arith.constant 64 : index
        %swap3A_915 = tpu.vector_load %arg7[%swap3A_913, %swap3A_914] {strides = array<i32>} : memref<128x128xf32, #tpu.memory_space<vmem>>, vector<1x16xf32>,
        %swap3A_916 = vector.shape_cast %swap3A_915 : vector<1x16xf32> to vector<16xf32>
        %swap3A_917 = vector.shape_cast %get3A_911 : vector<16xf32> to vector<1x16xf32>
        tpu.vector_store %arg7[%swap3A_913, %swap3A_914], %swap3A_917 {strides = array<i32>} : memref<128x128xf32, #tpu.memory_space<vmem>>, vector<1x16xf32>,
        %get3A_918 = arith.index_cast %squeeze3A_867 : i32 to index
        %get3A_919 = arith.constant 80 : index
        %get3A_920 = tpu.vector_load %arg6[%get3A_918, %get3A_919] {strides = array<i32>} : memref<512x128xf32, #tpu.memory_space<vmem>>, vector<1x16xf32>,
        %get3A_921 = vector.shape_cast %get3A_920 : vector<1x16xf32> to vector<16xf32>
        %swap3A_922 = arith.constant 122 : i32
        %swap3A_923 = arith.index_cast %swap3A_922 : i32 to index
        %swap3A_924 = arith.constant 80 : index
        %swap3A_925 = tpu.vector_load %arg7[%swap3A_923, %swap3A_924] {strides = array<i32>} : memref<128x128xf32, #tpu.memory_space<vmem>>, vector<1x16xf32>,
        %swap3A_926 = vector.shape_cast %swap3A_925 : vector<1x16xf32> to vector<16xf32>
        %swap3A_927 = vector.shape_cast %get3A_921 : vector<16xf32> to vector<1x16xf32>
        tpu.vector_store %arg7[%swap3A_923, %swap3A_924], %swap3A_927 {strides = array<i32>} : memref<128x128xf32, #tpu.memory_space<vmem>>, vector<1x16xf32>,
        %get3A_928 = arith.index_cast %squeeze3A_867 : i32 to index
        %get3A_929 = arith.constant 96 : index
        %get3A_930 = tpu.vector_load %arg6[%get3A_928, %get3A_929] {strides = array<i32>} : memref<512x128xf32, #tpu.memory_space<vmem>>, vector<1x16xf32>,
        %get3A_931 = vector.shape_cast %get3A_930 : vector<1x16xf32> to vector<16xf32>
        %swap3A_932 = arith.constant 122 : i32
        %swap3A_933 = arith.index_cast %swap3A_932 : i32 to index
        %swap3A_934 = arith.constant 96 : index
        %swap3A_935 = tpu.vector_load %arg7[%swap3A_933, %swap3A_934] {strides = array<i32>} : memref<128x128xf32, #tpu.memory_space<vmem>>, vector<1x16xf32>,
        %swap3A_936 = vector.shape_cast %swap3A_935 : vector<1x16xf32> to vector<16xf32>
        %swap3A_937 = vector.shape_cast %get3A_931 : vector<16xf32> to vector<1x16xf32>
        tpu.vector_store %arg7[%swap3A_933, %swap3A_934], %swap3A_937 {strides = array<i32>} : memref<128x128xf32, #tpu.memory_space<vmem>>, vector<1x16xf32>,
        %get3A_938 = arith.index_cast %squeeze3A_867 : i32 to index
        %get3A_939 = arith.constant 112 : index
        %get3A_940 = tpu.vector_load %arg6[%get3A_938, %get3A_939] {strides = array<i32>} : memref<512x128xf32, #tpu.memory_space<vmem>>, vector<1x16xf32>,
        %get3A_941 = vector.shape_cast %get3A_940 : vector<1x16xf32> to vector<16xf32>
        %swap3A_942 = arith.constant 122 : i32
        %swap3A_943 = arith.index_cast %swap3A_942 : i32 to index
        %swap3A_944 = arith.constant 112 : index
        %swap3A_945 = tpu.vector_load %arg7[%swap3A_943, %swap3A_944] {strides = array<i32>} : memref<128x128xf32, #tpu.memory_space<vmem>>, vector<1x16xf32>,
        %swap3A_946 = vector.shape_cast %swap3A_945 : vector<1x16xf32> to vector<16xf32>
        %swap3A_947 = vector.shape_cast %get3A_941 : vector<16xf32> to vector<1x16xf32>
        tpu.vector_store %arg7[%swap3A_943, %swap3A_944], %swap3A_947 {strides = array<i32>} : memref<128x128xf32, #tpu.memory_space<vmem>>, vector<1x16xf32>,
        %slice3A_948 = vector.extract_strided_slice %get3A_128 {offsets = [11], sizes = [1], strides = [1]} : vector<16xi32> to vector<1xi32>
        %squeeze3A_949 = vector.extract %slice3A_948[0] : i32 from vector<1xi32>
        %get3A_950 = arith.index_cast %squeeze3A_949 : i32 to index
        %get3A_951 = arith.constant 0 : index
        %get3A_952 = tpu.vector_load %arg6[%get3A_950, %get3A_951] {strides = array<i32>} : memref<512x128xf32, #tpu.memory_space<vmem>>, vector<1x16xf32>,
        %get3A_953 = vector.shape_cast %get3A_952 : vector<1x16xf32> to vector<16xf32>
        %swap3A_954 = arith.constant 123 : i32
        %swap3A_955 = arith.index_cast %swap3A_954 : i32 to index
        %swap3A_956 = arith.constant 0 : index
        %swap3A_957 = tpu.vector_load %arg7[%swap3A_955, %swap3A_956] {strides = array<i32>} : memref<128x128xf32, #tpu.memory_space<vmem>>, vector<1x16xf32>,
        %swap3A_958 = vector.shape_cast %swap3A_957 : vector<1x16xf32> to vector<16xf32>
        %swap3A_959 = vector.shape_cast %get3A_953 : vector<16xf32> to vector<1x16xf32>
        tpu.vector_store %arg7[%swap3A_955, %swap3A_956], %swap3A_959 {strides = array<i32>} : memref<128x128xf32, #tpu.memory_space<vmem>>, vector<1x16xf32>,
        %get3A_960 = arith.index_cast %squeeze3A_949 : i32 to index
        %get3A_961 = arith.constant 16 : index
        %get3A_962 = tpu.vector_load %arg6[%get3A_960, %get3A_961] {strides = array<i32>} : memref<512x128xf32, #tpu.memory_space<vmem>>, vector<1x16xf32>,
        %get3A_963 = vector.shape_cast %get3A_962 : vector<1x16xf32> to vector<16xf32>
        %swap3A_964 = arith.constant 123 : i32
        %swap3A_965 = arith.index_cast %swap3A_964 : i32 to index
        %swap3A_966 = arith.constant 16 : index
        %swap3A_967 = tpu.vector_load %arg7[%swap3A_965, %swap3A_966] {strides = array<i32>} : memref<128x128xf32, #tpu.memory_space<vmem>>, vector<1x16xf32>,
        %swap3A_968 = vector.shape_cast %swap3A_967 : vector<1x16xf32> to vector<16xf32>
        %swap3A_969 = vector.shape_cast %get3A_963 : vector<16xf32> to vector<1x16xf32>
        tpu.vector_store %arg7[%swap3A_965, %swap3A_966], %swap3A_969 {strides = array<i32>} : memref<128x128xf32, #tpu.memory_space<vmem>>, vector<1x16xf32>,
        %get3A_970 = arith.index_cast %squeeze3A_949 : i32 to index
        %get3A_971 = arith.constant 32 : index
        %get3A_972 = tpu.vector_load %arg6[%get3A_970, %get3A_971] {strides = array<i32>} : memref<512x128xf32, #tpu.memory_space<vmem>>, vector<1x16xf32>,
        %get3A_973 = vector.shape_cast %get3A_972 : vector<1x16xf32> to vector<16xf32>
        %swap3A_974 = arith.constant 123 : i32
        %swap3A_975 = arith.index_cast %swap3A_974 : i32 to index
        %swap3A_976 = arith.constant 32 : index
        %swap3A_977 = tpu.vector_load %arg7[%swap3A_975, %swap3A_976] {strides = array<i32>} : memref<128x128xf32, #tpu.memory_space<vmem>>, vector<1x16xf32>,
        %swap3A_978 = vector.shape_cast %swap3A_977 : vector<1x16xf32> to vector<16xf32>
        %swap3A_979 = vector.shape_cast %get3A_973 : vector<16xf32> to vector<1x16xf32>
        tpu.vector_store %arg7[%swap3A_975, %swap3A_976], %swap3A_979 {strides = array<i32>} : memref<128x128xf32, #tpu.memory_space<vmem>>, vector<1x16xf32>,
        %get3A_980 = arith.index_cast %squeeze3A_949 : i32 to index
        %get3A_981 = arith.constant 48 : index
        %get3A_982 = tpu.vector_load %arg6[%get3A_980, %get3A_981] {strides = array<i32>} : memref<512x128xf32, #tpu.memory_space<vmem>>, vector<1x16xf32>,
        %get3A_983 = vector.shape_cast %get3A_982 : vector<1x16xf32> to vector<16xf32>
        %swap3A_984 = arith.constant 123 : i32
        %swap3A_985 = arith.index_cast %swap3A_984 : i32 to index
        %swap3A_986 = arith.constant 48 : index
        %swap3A_987 = tpu.vector_load %arg7[%swap3A_985, %swap3A_986] {strides = array<i32>} : memref<128x128xf32, #tpu.memory_space<vmem>>, vector<1x16xf32>,
        %swap3A_988 = vector.shape_cast %swap3A_987 : vector<1x16xf32> to vector<16xf32>
        %swap3A_989 = vector.shape_cast %get3A_983 : vector<16xf32> to vector<1x16xf32>
        tpu.vector_store %arg7[%swap3A_985, %swap3A_986], %swap3A_989 {strides = array<i32>} : memref<128x128xf32, #tpu.memory_space<vmem>>, vector<1x16xf32>,
        %get3A_990 = arith.index_cast %squeeze3A_949 : i32 to index
        %get3A_991 = arith.constant 64 : index
        %get3A_992 = tpu.vector_load %arg6[%get3A_990, %get3A_991] {strides = array<i32>} : memref<512x128xf32, #tpu.memory_space<vmem>>, vector<1x16xf32>,
        %get3A_993 = vector.shape_cast %get3A_992 : vector<1x16xf32> to vector<16xf32>
        %swap3A_994 = arith.constant 123 : i32
        %swap3A_995 = arith.index_cast %swap3A_994 : i32 to index
        %swap3A_996 = arith.constant 64 : index
        %swap3A_997 = tpu.vector_load %arg7[%swap3A_995, %swap3A_996] {strides = array<i32>} : memref<128x128xf32, #tpu.memory_space<vmem>>, vector<1x16xf32>,
        %swap3A_998 = vector.shape_cast %swap3A_997 : vector<1x16xf32> to vector<16xf32>
        %swap3A_999 = vector.shape_cast %get3A_993 : vector<16xf32> to vector<1x16xf32>
        tpu.vector_store %arg7[%swap3A_995, %swap3A_996], %swap3A_999 {strides = array<i32>} : memref<128x128xf32, #tpu.memory_space<vmem>>, vector<1x16xf32>,
        %get3A_1000 = arith.index_cast %squeeze3A_949 : i32 to index
        %get3A_1001 = arith.constant 80 : index
        %get3A_1002 = tpu.vector_load %arg6[%get3A_1000, %get3A_1001] {strides = array<i32>} : memref<512x128xf32, #tpu.memory_space<vmem>>, vector<1x16xf32>,
        %get3A_1003 = vector.shape_cast %get3A_1002 : vector<1x16xf32> to vector<16xf32>
        %swap3A_1004 = arith.constant 123 : i32
        %swap3A_1005 = arith.index_cast %swap3A_1004 : i32 to index
        %swap3A_1006 = arith.constant 80 : index
        %swap3A_1007 = tpu.vector_load %arg7[%swap3A_1005, %swap3A_1006] {strides = array<i32>} : memref<128x128xf32, #tpu.memory_space<vmem>>, vector<1x16xf32>,
        %swap3A_1008 = vector.shape_cast %swap3A_1007 : vector<1x16xf32> to vector<16xf32>
        %swap3A_1009 = vector.shape_cast %get3A_1003 : vector<16xf32> to vector<1x16xf32>
        tpu.vector_store %arg7[%swap3A_1005, %swap3A_1006], %swap3A_1009 {strides = array<i32>} : memref<128x128xf32, #tpu.memory_space<vmem>>, vector<1x16xf32>,
        %get3A_1010 = arith.index_cast %squeeze3A_949 : i32 to index
        %get3A_1011 = arith.constant 96 : index
        %get3A_1012 = tpu.vector_load %arg6[%get3A_1010, %get3A_1011] {strides = array<i32>} : memref<512x128xf32, #tpu.memory_space<vmem>>, vector<1x16xf32>,
        %get3A_1013 = vector.shape_cast %get3A_1012 : vector<1x16xf32> to vector<16xf32>
        %swap3A_1014 = arith.constant 123 : i32
        %swap3A_1015 = arith.index_cast %swap3A_1014 : i32 to index
        %swap3A_1016 = arith.constant 96 : index
        %swap3A_1017 = tpu.vector_load %arg7[%swap3A_1015, %swap3A_1016] {strides = array<i32>} : memref<128x128xf32, #tpu.memory_space<vmem>>, vector<1x16xf32>,
        %swap3A_1018 = vector.shape_cast %swap3A_1017 : vector<1x16xf32> to vector<16xf32>
        %swap3A_1019 = vector.shape_cast %get3A_1013 : vector<16xf32> to vector<1x16xf32>
        tpu.vector_store %arg7[%swap3A_1015, %swap3A_1016], %swap3A_1019 {strides = array<i32>} : memref<128x128xf32, #tpu.memory_space<vmem>>, vector<1x16xf32>,
        %get3A_1020 = arith.index_cast %squeeze3A_949 : i32 to index
        %get3A_1021 = arith.constant 112 : index
        %get3A_1022 = tpu.vector_load %arg6[%get3A_1020, %get3A_1021] {strides = array<i32>} : memref<512x128xf32, #tpu.memory_space<vmem>>, vector<1x16xf32>,
        %get3A_1023 = vector.shape_cast %get3A_1022 : vector<1x16xf32> to vector<16xf32>
        %swap3A_1024 = arith.constant 123 : i32
        %swap3A_1025 = arith.index_cast %swap3A_1024 : i32 to index
        %swap3A_1026 = arith.constant 112 : index
        %swap3A_1027 = tpu.vector_load %arg7[%swap3A_1025, %swap3A_1026] {strides = array<i32>} : memref<128x128xf32, #tpu.memory_space<vmem>>, vector<1x16xf32>,
        %swap3A_1028 = vector.shape_cast %swap3A_1027 : vector<1x16xf32> to vector<16xf32>
        %swap3A_1029 = vector.shape_cast %get3A_1023 : vector<16xf32> to vector<1x16xf32>
        tpu.vector_store %arg7[%swap3A_1025, %swap3A_1026], %swap3A_1029 {strides = array<i32>} : memref<128x128xf32, #tpu.memory_space<vmem>>, vector<1x16xf32>,
        %slice3A_1030 = vector.extract_strided_slice %get3A_128 {offsets = [12], sizes = [1], strides = [1]} : vector<16xi32> to vector<1xi32>
        %squeeze3A_1031 = vector.extract %slice3A_1030[0] : i32 from vector<1xi32>
        %get3A_1032 = arith.index_cast %squeeze3A_1031 : i32 to index
        %get3A_1033 = arith.constant 0 : index
        %get3A_1034 = tpu.vector_load %arg6[%get3A_1032, %get3A_1033] {strides = array<i32>} : memref<512x128xf32, #tpu.memory_space<vmem>>, vector<1x16xf32>,
        %get3A_1035 = vector.shape_cast %get3A_1034 : vector<1x16xf32> to vector<16xf32>
        %swap3A_1036 = arith.constant 124 : i32
        %swap3A_1037 = arith.index_cast %swap3A_1036 : i32 to index
        %swap3A_1038 = arith.constant 0 : index
        %swap3A_1039 = tpu.vector_load %arg7[%swap3A_1037, %swap3A_1038] {strides = array<i32>} : memref<128x128xf32, #tpu.memory_space<vmem>>, vector<1x16xf32>,
        %swap3A_1040 = vector.shape_cast %swap3A_1039 : vector<1x16xf32> to vector<16xf32>
        %swap3A_1041 = vector.shape_cast %get3A_1035 : vector<16xf32> to vector<1x16xf32>
        tpu.vector_store %arg7[%swap3A_1037, %swap3A_1038], %swap3A_1041 {strides = array<i32>} : memref<128x128xf32, #tpu.memory_space<vmem>>, vector<1x16xf32>,
        %get3A_1042 = arith.index_cast %squeeze3A_1031 : i32 to index
        %get3A_1043 = arith.constant 16 : index
        %get3A_1044 = tpu.vector_load %arg6[%get3A_1042, %get3A_1043] {strides = array<i32>} : memref<512x128xf32, #tpu.memory_space<vmem>>, vector<1x16xf32>,
        %get3A_1045 = vector.shape_cast %get3A_1044 : vector<1x16xf32> to vector<16xf32>
        %swap3A_1046 = arith.constant 124 : i32
        %swap3A_1047 = arith.index_cast %swap3A_1046 : i32 to index
        %swap3A_1048 = arith.constant 16 : index
        %swap3A_1049 = tpu.vector_load %arg7[%swap3A_1047, %swap3A_1048] {strides = array<i32>} : memref<128x128xf32, #tpu.memory_space<vmem>>, vector<1x16xf32>,
        %swap3A_1050 = vector.shape_cast %swap3A_1049 : vector<1x16xf32> to vector<16xf32>
        %swap3A_1051 = vector.shape_cast %get3A_1045 : vector<16xf32> to vector<1x16xf32>
        tpu.vector_store %arg7[%swap3A_1047, %swap3A_1048], %swap3A_1051 {strides = array<i32>} : memref<128x128xf32, #tpu.memory_space<vmem>>, vector<1x16xf32>,
        %get3A_1052 = arith.index_cast %squeeze3A_1031 : i32 to index
        %get3A_1053 = arith.constant 32 : index
        %get3A_1054 = tpu.vector_load %arg6[%get3A_1052, %get3A_1053] {strides = array<i32>} : memref<512x128xf32, #tpu.memory_space<vmem>>, vector<1x16xf32>,
        %get3A_1055 = vector.shape_cast %get3A_1054 : vector<1x16xf32> to vector<16xf32>
        %swap3A_1056 = arith.constant 124 : i32
        %swap3A_1057 = arith.index_cast %swap3A_1056 : i32 to index
        %swap3A_1058 = arith.constant 32 : index
        %swap3A_1059 = tpu.vector_load %arg7[%swap3A_1057, %swap3A_1058] {strides = array<i32>} : memref<128x128xf32, #tpu.memory_space<vmem>>, vector<1x16xf32>,
        %swap3A_1060 = vector.shape_cast %swap3A_1059 : vector<1x16xf32> to vector<16xf32>
        %swap3A_1061 = vector.shape_cast %get3A_1055 : vector<16xf32> to vector<1x16xf32>
        tpu.vector_store %arg7[%swap3A_1057, %swap3A_1058], %swap3A_1061 {strides = array<i32>} : memref<128x128xf32, #tpu.memory_space<vmem>>, vector<1x16xf32>,
        %get3A_1062 = arith.index_cast %squeeze3A_1031 : i32 to index
        %get3A_1063 = arith.constant 48 : index
        %get3A_1064 = tpu.vector_load %arg6[%get3A_1062, %get3A_1063] {strides = array<i32>} : memref<512x128xf32, #tpu.memory_space<vmem>>, vector<1x16xf32>,
        %get3A_1065 = vector.shape_cast %get3A_1064 : vector<1x16xf32> to vector<16xf32>
        %swap3A_1066 = arith.constant 124 : i32
        %swap3A_1067 = arith.index_cast %swap3A_1066 : i32 to index
        %swap3A_1068 = arith.constant 48 : index
        %swap3A_1069 = tpu.vector_load %arg7[%swap3A_1067, %swap3A_1068] {strides = array<i32>} : memref<128x128xf32, #tpu.memory_space<vmem>>, vector<1x16xf32>,
        %swap3A_1070 = vector.shape_cast %swap3A_1069 : vector<1x16xf32> to vector<16xf32>
        %swap3A_1071 = vector.shape_cast %get3A_1065 : vector<16xf32> to vector<1x16xf32>
        tpu.vector_store %arg7[%swap3A_1067, %swap3A_1068], %swap3A_1071 {strides = array<i32>} : memref<128x128xf32, #tpu.memory_space<vmem>>, vector<1x16xf32>,
        %get3A_1072 = arith.index_cast %squeeze3A_1031 : i32 to index
        %get3A_1073 = arith.constant 64 : index
        %get3A_1074 = tpu.vector_load %arg6[%get3A_1072, %get3A_1073] {strides = array<i32>} : memref<512x128xf32, #tpu.memory_space<vmem>>, vector<1x16xf32>,
        %get3A_1075 = vector.shape_cast %get3A_1074 : vector<1x16xf32> to vector<16xf32>
        %swap3A_1076 = arith.constant 124 : i32
        %swap3A_1077 = arith.index_cast %swap3A_1076 : i32 to index
        %swap3A_1078 = arith.constant 64 : index
        %swap3A_1079 = tpu.vector_load %arg7[%swap3A_1077, %swap3A_1078] {strides = array<i32>} : memref<128x128xf32, #tpu.memory_space<vmem>>, vector<1x16xf32>,
        %swap3A_1080 = vector.shape_cast %swap3A_1079 : vector<1x16xf32> to vector<16xf32>
        %swap3A_1081 = vector.shape_cast %get3A_1075 : vector<16xf32> to vector<1x16xf32>
        tpu.vector_store %arg7[%swap3A_1077, %swap3A_1078], %swap3A_1081 {strides = array<i32>} : memref<128x128xf32, #tpu.memory_space<vmem>>, vector<1x16xf32>,
        %get3A_1082 = arith.index_cast %squeeze3A_1031 : i32 to index
        %get3A_1083 = arith.constant 80 : index
        %get3A_1084 = tpu.vector_load %arg6[%get3A_1082, %get3A_1083] {strides = array<i32>} : memref<512x128xf32, #tpu.memory_space<vmem>>, vector<1x16xf32>,
        %get3A_1085 = vector.shape_cast %get3A_1084 : vector<1x16xf32> to vector<16xf32>
        %swap3A_1086 = arith.constant 124 : i32
        %swap3A_1087 = arith.index_cast %swap3A_1086 : i32 to index
        %swap3A_1088 = arith.constant 80 : index
        %swap3A_1089 = tpu.vector_load %arg7[%swap3A_1087, %swap3A_1088] {strides = array<i32>} : memref<128x128xf32, #tpu.memory_space<vmem>>, vector<1x16xf32>,
        %swap3A_1090 = vector.shape_cast %swap3A_1089 : vector<1x16xf32> to vector<16xf32>
        %swap3A_1091 = vector.shape_cast %get3A_1085 : vector<16xf32> to vector<1x16xf32>
        tpu.vector_store %arg7[%swap3A_1087, %swap3A_1088], %swap3A_1091 {strides = array<i32>} : memref<128x128xf32, #tpu.memory_space<vmem>>, vector<1x16xf32>,
        %get3A_1092 = arith.index_cast %squeeze3A_1031 : i32 to index
        %get3A_1093 = arith.constant 96 : index
        %get3A_1094 = tpu.vector_load %arg6[%get3A_1092, %get3A_1093] {strides = array<i32>} : memref<512x128xf32, #tpu.memory_space<vmem>>, vector<1x16xf32>,
        %get3A_1095 = vector.shape_cast %get3A_1094 : vector<1x16xf32> to vector<16xf32>
        %swap3A_1096 = arith.constant 124 : i32
        %swap3A_1097 = arith.index_cast %swap3A_1096 : i32 to index
        %swap3A_1098 = arith.constant 96 : index
        %swap3A_1099 = tpu.vector_load %arg7[%swap3A_1097, %swap3A_1098] {strides = array<i32>} : memref<128x128xf32, #tpu.memory_space<vmem>>, vector<1x16xf32>,
        %swap3A_1100 = vector.shape_cast %swap3A_1099 : vector<1x16xf32> to vector<16xf32>
        %swap3A_1101 = vector.shape_cast %get3A_1095 : vector<16xf32> to vector<1x16xf32>
        tpu.vector_store %arg7[%swap3A_1097, %swap3A_1098], %swap3A_1101 {strides = array<i32>} : memref<128x128xf32, #tpu.memory_space<vmem>>, vector<1x16xf32>,
        %get3A_1102 = arith.index_cast %squeeze3A_1031 : i32 to index
        %get3A_1103 = arith.constant 112 : index
        %get3A_1104 = tpu.vector_load %arg6[%get3A_1102, %get3A_1103] {strides = array<i32>} : memref<512x128xf32, #tpu.memory_space<vmem>>, vector<1x16xf32>,
        %get3A_1105 = vector.shape_cast %get3A_1104 : vector<1x16xf32> to vector<16xf32>
        %swap3A_1106 = arith.constant 124 : i32
        %swap3A_1107 = arith.index_cast %swap3A_1106 : i32 to index
        %swap3A_1108 = arith.constant 112 : index
        %swap3A_1109 = tpu.vector_load %arg7[%swap3A_1107, %swap3A_1108] {strides = array<i32>} : memref<128x128xf32, #tpu.memory_space<vmem>>, vector<1x16xf32>,
        %swap3A_1110 = vector.shape_cast %swap3A_1109 : vector<1x16xf32> to vector<16xf32>
        %swap3A_1111 = vector.shape_cast %get3A_1105 : vector<16xf32> to vector<1x16xf32>
        tpu.vector_store %arg7[%swap3A_1107, %swap3A_1108], %swap3A_1111 {strides = array<i32>} : memref<128x128xf32, #tpu.memory_space<vmem>>, vector<1x16xf32>,
        %slice3A_1112 = vector.extract_strided_slice %get3A_128 {offsets = [13], sizes = [1], strides = [1]} : vector<16xi32> to vector<1xi32>
        %squeeze3A_1113 = vector.extract %slice3A_1112[0] : i32 from vector<1xi32>
        %get3A_1114 = arith.index_cast %squeeze3A_1113 : i32 to index
        %get3A_1115 = arith.constant 0 : index
        %get3A_1116 = tpu.vector_load %arg6[%get3A_1114, %get3A_1115] {strides = array<i32>} : memref<512x128xf32, #tpu.memory_space<vmem>>, vector<1x16xf32>,
        %get3A_1117 = vector.shape_cast %get3A_1116 : vector<1x16xf32> to vector<16xf32>
        %swap3A_1118 = arith.constant 125 : i32
        %swap3A_1119 = arith.index_cast %swap3A_1118 : i32 to index
        %swap3A_1120 = arith.constant 0 : index
        %swap3A_1121 = tpu.vector_load %arg7[%swap3A_1119, %swap3A_1120] {strides = array<i32>} : memref<128x128xf32, #tpu.memory_space<vmem>>, vector<1x16xf32>,
        %swap3A_1122 = vector.shape_cast %swap3A_1121 : vector<1x16xf32> to vector<16xf32>
        %swap3A_1123 = vector.shape_cast %get3A_1117 : vector<16xf32> to vector<1x16xf32>
        tpu.vector_store %arg7[%swap3A_1119, %swap3A_1120], %swap3A_1123 {strides = array<i32>} : memref<128x128xf32, #tpu.memory_space<vmem>>, vector<1x16xf32>,
        %get3A_1124 = arith.index_cast %squeeze3A_1113 : i32 to index
        %get3A_1125 = arith.constant 16 : index
        %get3A_1126 = tpu.vector_load %arg6[%get3A_1124, %get3A_1125] {strides = array<i32>} : memref<512x128xf32, #tpu.memory_space<vmem>>, vector<1x16xf32>,
        %get3A_1127 = vector.shape_cast %get3A_1126 : vector<1x16xf32> to vector<16xf32>
        %swap3A_1128 = arith.constant 125 : i32
        %swap3A_1129 = arith.index_cast %swap3A_1128 : i32 to index
        %swap3A_1130 = arith.constant 16 : index
        %swap3A_1131 = tpu.vector_load %arg7[%swap3A_1129, %swap3A_1130] {strides = array<i32>} : memref<128x128xf32, #tpu.memory_space<vmem>>, vector<1x16xf32>,
        %swap3A_1132 = vector.shape_cast %swap3A_1131 : vector<1x16xf32> to vector<16xf32>
        %swap3A_1133 = vector.shape_cast %get3A_1127 : vector<16xf32> to vector<1x16xf32>
        tpu.vector_store %arg7[%swap3A_1129, %swap3A_1130], %swap3A_1133 {strides = array<i32>} : memref<128x128xf32, #tpu.memory_space<vmem>>, vector<1x16xf32>,
        %get3A_1134 = arith.index_cast %squeeze3A_1113 : i32 to index
        %get3A_1135 = arith.constant 32 : index
        %get3A_1136 = tpu.vector_load %arg6[%get3A_1134, %get3A_1135] {strides = array<i32>} : memref<512x128xf32, #tpu.memory_space<vmem>>, vector<1x16xf32>,
        %get3A_1137 = vector.shape_cast %get3A_1136 : vector<1x16xf32> to vector<16xf32>
        %swap3A_1138 = arith.constant 125 : i32
        %swap3A_1139 = arith.index_cast %swap3A_1138 : i32 to index
        %swap3A_1140 = arith.constant 32 : index
        %swap3A_1141 = tpu.vector_load %arg7[%swap3A_1139, %swap3A_1140] {strides = array<i32>} : memref<128x128xf32, #tpu.memory_space<vmem>>, vector<1x16xf32>,
        %swap3A_1142 = vector.shape_cast %swap3A_1141 : vector<1x16xf32> to vector<16xf32>
        %swap3A_1143 = vector.shape_cast %get3A_1137 : vector<16xf32> to vector<1x16xf32>
        tpu.vector_store %arg7[%swap3A_1139, %swap3A_1140], %swap3A_1143 {strides = array<i32>} : memref<128x128xf32, #tpu.memory_space<vmem>>, vector<1x16xf32>,
        %get3A_1144 = arith.index_cast %squeeze3A_1113 : i32 to index
        %get3A_1145 = arith.constant 48 : index
        %get3A_1146 = tpu.vector_load %arg6[%get3A_1144, %get3A_1145] {strides = array<i32>} : memref<512x128xf32, #tpu.memory_space<vmem>>, vector<1x16xf32>,
        %get3A_1147 = vector.shape_cast %get3A_1146 : vector<1x16xf32> to vector<16xf32>
        %swap3A_1148 = arith.constant 125 : i32
        %swap3A_1149 = arith.index_cast %swap3A_1148 : i32 to index
        %swap3A_1150 = arith.constant 48 : index
        %swap3A_1151 = tpu.vector_load %arg7[%swap3A_1149, %swap3A_1150] {strides = array<i32>} : memref<128x128xf32, #tpu.memory_space<vmem>>, vector<1x16xf32>,
        %swap3A_1152 = vector.shape_cast %swap3A_1151 : vector<1x16xf32> to vector<16xf32>
        %swap3A_1153 = vector.shape_cast %get3A_1147 : vector<16xf32> to vector<1x16xf32>
        tpu.vector_store %arg7[%swap3A_1149, %swap3A_1150], %swap3A_1153 {strides = array<i32>} : memref<128x128xf32, #tpu.memory_space<vmem>>, vector<1x16xf32>,
        %get3A_1154 = arith.index_cast %squeeze3A_1113 : i32 to index
        %get3A_1155 = arith.constant 64 : index
        %get3A_1156 = tpu.vector_load %arg6[%get3A_1154, %get3A_1155] {strides = array<i32>} : memref<512x128xf32, #tpu.memory_space<vmem>>, vector<1x16xf32>,
        %get3A_1157 = vector.shape_cast %get3A_1156 : vector<1x16xf32> to vector<16xf32>
        %swap3A_1158 = arith.constant 125 : i32
        %swap3A_1159 = arith.index_cast %swap3A_1158 : i32 to index
        %swap3A_1160 = arith.constant 64 : index
        %swap3A_1161 = tpu.vector_load %arg7[%swap3A_1159, %swap3A_1160] {strides = array<i32>} : memref<128x128xf32, #tpu.memory_space<vmem>>, vector<1x16xf32>,
        %swap3A_1162 = vector.shape_cast %swap3A_1161 : vector<1x16xf32> to vector<16xf32>
        %swap3A_1163 = vector.shape_cast %get3A_1157 : vector<16xf32> to vector<1x16xf32>
        tpu.vector_store %arg7[%swap3A_1159, %swap3A_1160], %swap3A_1163 {strides = array<i32>} : memref<128x128xf32, #tpu.memory_space<vmem>>, vector<1x16xf32>,
        %get3A_1164 = arith.index_cast %squeeze3A_1113 : i32 to index
        %get3A_1165 = arith.constant 80 : index
        %get3A_1166 = tpu.vector_load %arg6[%get3A_1164, %get3A_1165] {strides = array<i32>} : memref<512x128xf32, #tpu.memory_space<vmem>>, vector<1x16xf32>,
        %get3A_1167 = vector.shape_cast %get3A_1166 : vector<1x16xf32> to vector<16xf32>
        %swap3A_1168 = arith.constant 125 : i32
        %swap3A_1169 = arith.index_cast %swap3A_1168 : i32 to index
        %swap3A_1170 = arith.constant 80 : index
        %swap3A_1171 = tpu.vector_load %arg7[%swap3A_1169, %swap3A_1170] {strides = array<i32>} : memref<128x128xf32, #tpu.memory_space<vmem>>, vector<1x16xf32>,
        %swap3A_1172 = vector.shape_cast %swap3A_1171 : vector<1x16xf32> to vector<16xf32>
        %swap3A_1173 = vector.shape_cast %get3A_1167 : vector<16xf32> to vector<1x16xf32>
        tpu.vector_store %arg7[%swap3A_1169, %swap3A_1170], %swap3A_1173 {strides = array<i32>} : memref<128x128xf32, #tpu.memory_space<vmem>>, vector<1x16xf32>,
        %get3A_1174 = arith.index_cast %squeeze3A_1113 : i32 to index
        %get3A_1175 = arith.constant 96 : index
        %get3A_1176 = tpu.vector_load %arg6[%get3A_1174, %get3A_1175] {strides = array<i32>} : memref<512x128xf32, #tpu.memory_space<vmem>>, vector<1x16xf32>,
        %get3A_1177 = vector.shape_cast %get3A_1176 : vector<1x16xf32> to vector<16xf32>
        %swap3A_1178 = arith.constant 125 : i32
        %swap3A_1179 = arith.index_cast %swap3A_1178 : i32 to index
        %swap3A_1180 = arith.constant 96 : index
        %swap3A_1181 = tpu.vector_load %arg7[%swap3A_1179, %swap3A_1180] {strides = array<i32>} : memref<128x128xf32, #tpu.memory_space<vmem>>, vector<1x16xf32>,
        %swap3A_1182 = vector.shape_cast %swap3A_1181 : vector<1x16xf32> to vector<16xf32>
        %swap3A_1183 = vector.shape_cast %get3A_1177 : vector<16xf32> to vector<1x16xf32>
        tpu.vector_store %arg7[%swap3A_1179, %swap3A_1180], %swap3A_1183 {strides = array<i32>} : memref<128x128xf32, #tpu.memory_space<vmem>>, vector<1x16xf32>,
        %get3A_1184 = arith.index_cast %squeeze3A_1113 : i32 to index
        %get3A_1185 = arith.constant 112 : index
        %get3A_1186 = tpu.vector_load %arg6[%get3A_1184, %get3A_1185] {strides = array<i32>} : memref<512x128xf32, #tpu.memory_space<vmem>>, vector<1x16xf32>,
        %get3A_1187 = vector.shape_cast %get3A_1186 : vector<1x16xf32> to vector<16xf32>
        %swap3A_1188 = arith.constant 125 : i32
        %swap3A_1189 = arith.index_cast %swap3A_1188 : i32 to index
        %swap3A_1190 = arith.constant 112 : index
        %swap3A_1191 = tpu.vector_load %arg7[%swap3A_1189, %swap3A_1190] {strides = array<i32>} : memref<128x128xf32, #tpu.memory_space<vmem>>, vector<1x16xf32>,
        %swap3A_1192 = vector.shape_cast %swap3A_1191 : vector<1x16xf32> to vector<16xf32>
        %swap3A_1193 = vector.shape_cast %get3A_1187 : vector<16xf32> to vector<1x16xf32>
        tpu.vector_store %arg7[%swap3A_1189, %swap3A_1190], %swap3A_1193 {strides = array<i32>} : memref<128x128xf32, #tpu.memory_space<vmem>>, vector<1x16xf32>,
        %slice3A_1194 = vector.extract_strided_slice %get3A_128 {offsets = [14], sizes = [1], strides = [1]} : vector<16xi32> to vector<1xi32>
        %squeeze3A_1195 = vector.extract %slice3A_1194[0] : i32 from vector<1xi32>
        %get3A_1196 = arith.index_cast %squeeze3A_1195 : i32 to index
        %get3A_1197 = arith.constant 0 : index
        %get3A_1198 = tpu.vector_load %arg6[%get3A_1196, %get3A_1197] {strides = array<i32>} : memref<512x128xf32, #tpu.memory_space<vmem>>, vector<1x16xf32>,
        %get3A_1199 = vector.shape_cast %get3A_1198 : vector<1x16xf32> to vector<16xf32>
        %swap3A_1200 = arith.constant 126 : i32
        %swap3A_1201 = arith.index_cast %swap3A_1200 : i32 to index
        %swap3A_1202 = arith.constant 0 : index
        %swap3A_1203 = tpu.vector_load %arg7[%swap3A_1201, %swap3A_1202] {strides = array<i32>} : memref<128x128xf32, #tpu.memory_space<vmem>>, vector<1x16xf32>,
        %swap3A_1204 = vector.shape_cast %swap3A_1203 : vector<1x16xf32> to vector<16xf32>
        %swap3A_1205 = vector.shape_cast %get3A_1199 : vector<16xf32> to vector<1x16xf32>
        tpu.vector_store %arg7[%swap3A_1201, %swap3A_1202], %swap3A_1205 {strides = array<i32>} : memref<128x128xf32, #tpu.memory_space<vmem>>, vector<1x16xf32>,
        %get3A_1206 = arith.index_cast %squeeze3A_1195 : i32 to index
        %get3A_1207 = arith.constant 16 : index
        %get3A_1208 = tpu.vector_load %arg6[%get3A_1206, %get3A_1207] {strides = array<i32>} : memref<512x128xf32, #tpu.memory_space<vmem>>, vector<1x16xf32>,
        %get3A_1209 = vector.shape_cast %get3A_1208 : vector<1x16xf32> to vector<16xf32>
        %swap3A_1210 = arith.constant 126 : i32
        %swap3A_1211 = arith.index_cast %swap3A_1210 : i32 to index
        %swap3A_1212 = arith.constant 16 : index
        %swap3A_1213 = tpu.vector_load %arg7[%swap3A_1211, %swap3A_1212] {strides = array<i32>} : memref<128x128xf32, #tpu.memory_space<vmem>>, vector<1x16xf32>,
        %swap3A_1214 = vector.shape_cast %swap3A_1213 : vector<1x16xf32> to vector<16xf32>
        %swap3A_1215 = vector.shape_cast %get3A_1209 : vector<16xf32> to vector<1x16xf32>
        tpu.vector_store %arg7[%swap3A_1211, %swap3A_1212], %swap3A_1215 {strides = array<i32>} : memref<128x128xf32, #tpu.memory_space<vmem>>, vector<1x16xf32>,
        %get3A_1216 = arith.index_cast %squeeze3A_1195 : i32 to index
        %get3A_1217 = arith.constant 32 : index
        %get3A_1218 = tpu.vector_load %arg6[%get3A_1216, %get3A_1217] {strides = array<i32>} : memref<512x128xf32, #tpu.memory_space<vmem>>, vector<1x16xf32>,
        %get3A_1219 = vector.shape_cast %get3A_1218 : vector<1x16xf32> to vector<16xf32>
        %swap3A_1220 = arith.constant 126 : i32
        %swap3A_1221 = arith.index_cast %swap3A_1220 : i32 to index
        %swap3A_1222 = arith.constant 32 : index
        %swap3A_1223 = tpu.vector_load %arg7[%swap3A_1221, %swap3A_1222] {strides = array<i32>} : memref<128x128xf32, #tpu.memory_space<vmem>>, vector<1x16xf32>,
        %swap3A_1224 = vector.shape_cast %swap3A_1223 : vector<1x16xf32> to vector<16xf32>
        %swap3A_1225 = vector.shape_cast %get3A_1219 : vector<16xf32> to vector<1x16xf32>
        tpu.vector_store %arg7[%swap3A_1221, %swap3A_1222], %swap3A_1225 {strides = array<i32>} : memref<128x128xf32, #tpu.memory_space<vmem>>, vector<1x16xf32>,
        %get3A_1226 = arith.index_cast %squeeze3A_1195 : i32 to index
        %get3A_1227 = arith.constant 48 : index
        %get3A_1228 = tpu.vector_load %arg6[%get3A_1226, %get3A_1227] {strides = array<i32>} : memref<512x128xf32, #tpu.memory_space<vmem>>, vector<1x16xf32>,
        %get3A_1229 = vector.shape_cast %get3A_1228 : vector<1x16xf32> to vector<16xf32>
        %swap3A_1230 = arith.constant 126 : i32
        %swap3A_1231 = arith.index_cast %swap3A_1230 : i32 to index
        %swap3A_1232 = arith.constant 48 : index
        %swap3A_1233 = tpu.vector_load %arg7[%swap3A_1231, %swap3A_1232] {strides = array<i32>} : memref<128x128xf32, #tpu.memory_space<vmem>>, vector<1x16xf32>,
        %swap3A_1234 = vector.shape_cast %swap3A_1233 : vector<1x16xf32> to vector<16xf32>
        %swap3A_1235 = vector.shape_cast %get3A_1229 : vector<16xf32> to vector<1x16xf32>
        tpu.vector_store %arg7[%swap3A_1231, %swap3A_1232], %swap3A_1235 {strides = array<i32>} : memref<128x128xf32, #tpu.memory_space<vmem>>, vector<1x16xf32>,
        %get3A_1236 = arith.index_cast %squeeze3A_1195 : i32 to index
        %get3A_1237 = arith.constant 64 : index
        %get3A_1238 = tpu.vector_load %arg6[%get3A_1236, %get3A_1237] {strides = array<i32>} : memref<512x128xf32, #tpu.memory_space<vmem>>, vector<1x16xf32>,
        %get3A_1239 = vector.shape_cast %get3A_1238 : vector<1x16xf32> to vector<16xf32>
        %swap3A_1240 = arith.constant 126 : i32
        %swap3A_1241 = arith.index_cast %swap3A_1240 : i32 to index
        %swap3A_1242 = arith.constant 64 : index
        %swap3A_1243 = tpu.vector_load %arg7[%swap3A_1241, %swap3A_1242] {strides = array<i32>} : memref<128x128xf32, #tpu.memory_space<vmem>>, vector<1x16xf32>,
        %swap3A_1244 = vector.shape_cast %swap3A_1243 : vector<1x16xf32> to vector<16xf32>
        %swap3A_1245 = vector.shape_cast %get3A_1239 : vector<16xf32> to vector<1x16xf32>
        tpu.vector_store %arg7[%swap3A_1241, %swap3A_1242], %swap3A_1245 {strides = array<i32>} : memref<128x128xf32, #tpu.memory_space<vmem>>, vector<1x16xf32>,
        %get3A_1246 = arith.index_cast %squeeze3A_1195 : i32 to index
        %get3A_1247 = arith.constant 80 : index
        %get3A_1248 = tpu.vector_load %arg6[%get3A_1246, %get3A_1247] {strides = array<i32>} : memref<512x128xf32, #tpu.memory_space<vmem>>, vector<1x16xf32>,
        %get3A_1249 = vector.shape_cast %get3A_1248 : vector<1x16xf32> to vector<16xf32>
        %swap3A_1250 = arith.constant 126 : i32
        %swap3A_1251 = arith.index_cast %swap3A_1250 : i32 to index
        %swap3A_1252 = arith.constant 80 : index
        %swap3A_1253 = tpu.vector_load %arg7[%swap3A_1251, %swap3A_1252] {strides = array<i32>} : memref<128x128xf32, #tpu.memory_space<vmem>>, vector<1x16xf32>,
        %swap3A_1254 = vector.shape_cast %swap3A_1253 : vector<1x16xf32> to vector<16xf32>
        %swap3A_1255 = vector.shape_cast %get3A_1249 : vector<16xf32> to vector<1x16xf32>
        tpu.vector_store %arg7[%swap3A_1251, %swap3A_1252], %swap3A_1255 {strides = array<i32>} : memref<128x128xf32, #tpu.memory_space<vmem>>, vector<1x16xf32>,
        %get3A_1256 = arith.index_cast %squeeze3A_1195 : i32 to index
        %get3A_1257 = arith.constant 96 : index
        %get3A_1258 = tpu.vector_load %arg6[%get3A_1256, %get3A_1257] {strides = array<i32>} : memref<512x128xf32, #tpu.memory_space<vmem>>, vector<1x16xf32>,
        %get3A_1259 = vector.shape_cast %get3A_1258 : vector<1x16xf32> to vector<16xf32>
        %swap3A_1260 = arith.constant 126 : i32
        %swap3A_1261 = arith.index_cast %swap3A_1260 : i32 to index
        %swap3A_1262 = arith.constant 96 : index
        %swap3A_1263 = tpu.vector_load %arg7[%swap3A_1261, %swap3A_1262] {strides = array<i32>} : memref<128x128xf32, #tpu.memory_space<vmem>>, vector<1x16xf32>,
        %swap3A_1264 = vector.shape_cast %swap3A_1263 : vector<1x16xf32> to vector<16xf32>
        %swap3A_1265 = vector.shape_cast %get3A_1259 : vector<16xf32> to vector<1x16xf32>
        tpu.vector_store %arg7[%swap3A_1261, %swap3A_1262], %swap3A_1265 {strides = array<i32>} : memref<128x128xf32, #tpu.memory_space<vmem>>, vector<1x16xf32>,
        %get3A_1266 = arith.index_cast %squeeze3A_1195 : i32 to index
        %get3A_1267 = arith.constant 112 : index
        %get3A_1268 = tpu.vector_load %arg6[%get3A_1266, %get3A_1267] {strides = array<i32>} : memref<512x128xf32, #tpu.memory_space<vmem>>, vector<1x16xf32>,
        %get3A_1269 = vector.shape_cast %get3A_1268 : vector<1x16xf32> to vector<16xf32>
        %swap3A_1270 = arith.constant 126 : i32
        %swap3A_1271 = arith.index_cast %swap3A_1270 : i32 to index
        %swap3A_1272 = arith.constant 112 : index
        %swap3A_1273 = tpu.vector_load %arg7[%swap3A_1271, %swap3A_1272] {strides = array<i32>} : memref<128x128xf32, #tpu.memory_space<vmem>>, vector<1x16xf32>,
        %swap3A_1274 = vector.shape_cast %swap3A_1273 : vector<1x16xf32> to vector<16xf32>
        %swap3A_1275 = vector.shape_cast %get3A_1269 : vector<16xf32> to vector<1x16xf32>
        tpu.vector_store %arg7[%swap3A_1271, %swap3A_1272], %swap3A_1275 {strides = array<i32>} : memref<128x128xf32, #tpu.memory_space<vmem>>, vector<1x16xf32>,
        %slice3A_1276 = vector.extract_strided_slice %get3A_128 {offsets = [15], sizes = [1], strides = [1]} : vector<16xi32> to vector<1xi32>
        %squeeze3A_1277 = vector.extract %slice3A_1276[0] : i32 from vector<1xi32>
        %get3A_1278 = arith.index_cast %squeeze3A_1277 : i32 to index
        %get3A_1279 = arith.constant 0 : index
        %get3A_1280 = tpu.vector_load %arg6[%get3A_1278, %get3A_1279] {strides = array<i32>} : memref<512x128xf32, #tpu.memory_space<vmem>>, vector<1x16xf32>,
        %get3A_1281 = vector.shape_cast %get3A_1280 : vector<1x16xf32> to vector<16xf32>
        %swap3A_1282 = arith.constant 127 : i32
        %swap3A_1283 = arith.index_cast %swap3A_1282 : i32 to index
        %swap3A_1284 = arith.constant 0 : index
        %swap3A_1285 = tpu.vector_load %arg7[%swap3A_1283, %swap3A_1284] {strides = array<i32>} : memref<128x128xf32, #tpu.memory_space<vmem>>, vector<1x16xf32>,
        %swap3A_1286 = vector.shape_cast %swap3A_1285 : vector<1x16xf32> to vector<16xf32>
        %swap3A_1287 = vector.shape_cast %get3A_1281 : vector<16xf32> to vector<1x16xf32>
        tpu.vector_store %arg7[%swap3A_1283, %swap3A_1284], %swap3A_1287 {strides = array<i32>} : memref<128x128xf32, #tpu.memory_space<vmem>>, vector<1x16xf32>,
        %get3A_1288 = arith.index_cast %squeeze3A_1277 : i32 to index
        %get3A_1289 = arith.constant 16 : index
        %get3A_1290 = tpu.vector_load %arg6[%get3A_1288, %get3A_1289] {strides = array<i32>} : memref<512x128xf32, #tpu.memory_space<vmem>>, vector<1x16xf32>,
        %get3A_1291 = vector.shape_cast %get3A_1290 : vector<1x16xf32> to vector<16xf32>
        %swap3A_1292 = arith.constant 127 : i32
        %swap3A_1293 = arith.index_cast %swap3A_1292 : i32 to index
        %swap3A_1294 = arith.constant 16 : index
        %swap3A_1295 = tpu.vector_load %arg7[%swap3A_1293, %swap3A_1294] {strides = array<i32>} : memref<128x128xf32, #tpu.memory_space<vmem>>, vector<1x16xf32>,
        %swap3A_1296 = vector.shape_cast %swap3A_1295 : vector<1x16xf32> to vector<16xf32>
        %swap3A_1297 = vector.shape_cast %get3A_1291 : vector<16xf32> to vector<1x16xf32>
        tpu.vector_store %arg7[%swap3A_1293, %swap3A_1294], %swap3A_1297 {strides = array<i32>} : memref<128x128xf32, #tpu.memory_space<vmem>>, vector<1x16xf32>,
        %get3A_1298 = arith.index_cast %squeeze3A_1277 : i32 to index
        %get3A_1299 = arith.constant 32 : index
        %get3A_1300 = tpu.vector_load %arg6[%get3A_1298, %get3A_1299] {strides = array<i32>} : memref<512x128xf32, #tpu.memory_space<vmem>>, vector<1x16xf32>,
        %get3A_1301 = vector.shape_cast %get3A_1300 : vector<1x16xf32> to vector<16xf32>
        %swap3A_1302 = arith.constant 127 : i32
        %swap3A_1303 = arith.index_cast %swap3A_1302 : i32 to index
        %swap3A_1304 = arith.constant 32 : index
        %swap3A_1305 = tpu.vector_load %arg7[%swap3A_1303, %swap3A_1304] {strides = array<i32>} : memref<128x128xf32, #tpu.memory_space<vmem>>, vector<1x16xf32>,
        %swap3A_1306 = vector.shape_cast %swap3A_1305 : vector<1x16xf32> to vector<16xf32>
        %swap3A_1307 = vector.shape_cast %get3A_1301 : vector<16xf32> to vector<1x16xf32>
        tpu.vector_store %arg7[%swap3A_1303, %swap3A_1304], %swap3A_1307 {strides = array<i32>} : memref<128x128xf32, #tpu.memory_space<vmem>>, vector<1x16xf32>,
        %get3A_1308 = arith.index_cast %squeeze3A_1277 : i32 to index
        %get3A_1309 = arith.constant 48 : index
        %get3A_1310 = tpu.vector_load %arg6[%get3A_1308, %get3A_1309] {strides = array<i32>} : memref<512x128xf32, #tpu.memory_space<vmem>>, vector<1x16xf32>,
        %get3A_1311 = vector.shape_cast %get3A_1310 : vector<1x16xf32> to vector<16xf32>
        %swap3A_1312 = arith.constant 127 : i32
        %swap3A_1313 = arith.index_cast %swap3A_1312 : i32 to index
        %swap3A_1314 = arith.constant 48 : index
        %swap3A_1315 = tpu.vector_load %arg7[%swap3A_1313, %swap3A_1314] {strides = array<i32>} : memref<128x128xf32, #tpu.memory_space<vmem>>, vector<1x16xf32>,
        %swap3A_1316 = vector.shape_cast %swap3A_1315 : vector<1x16xf32> to vector<16xf32>
        %swap3A_1317 = vector.shape_cast %get3A_1311 : vector<16xf32> to vector<1x16xf32>
        tpu.vector_store %arg7[%swap3A_1313, %swap3A_1314], %swap3A_1317 {strides = array<i32>} : memref<128x128xf32, #tpu.memory_space<vmem>>, vector<1x16xf32>,
        %get3A_1318 = arith.index_cast %squeeze3A_1277 : i32 to index
        %get3A_1319 = arith.constant 64 : index
        %get3A_1320 = tpu.vector_load %arg6[%get3A_1318, %get3A_1319] {strides = array<i32>} : memref<512x128xf32, #tpu.memory_space<vmem>>, vector<1x16xf32>,
        %get3A_1321 = vector.shape_cast %get3A_1320 : vector<1x16xf32> to vector<16xf32>
        %swap3A_1322 = arith.constant 127 : i32
        %swap3A_1323 = arith.index_cast %swap3A_1322 : i32 to index
        %swap3A_1324 = arith.constant 64 : index
        %swap3A_1325 = tpu.vector_load %arg7[%swap3A_1323, %swap3A_1324] {strides = array<i32>} : memref<128x128xf32, #tpu.memory_space<vmem>>, vector<1x16xf32>,
        %swap3A_1326 = vector.shape_cast %swap3A_1325 : vector<1x16xf32> to vector<16xf32>
        %swap3A_1327 = vector.shape_cast %get3A_1321 : vector<16xf32> to vector<1x16xf32>
        tpu.vector_store %arg7[%swap3A_1323, %swap3A_1324], %swap3A_1327 {strides = array<i32>} : memref<128x128xf32, #tpu.memory_space<vmem>>, vector<1x16xf32>,
        %get3A_1328 = arith.index_cast %squeeze3A_1277 : i32 to index
        %get3A_1329 = arith.constant 80 : index
        %get3A_1330 = tpu.vector_load %arg6[%get3A_1328, %get3A_1329] {strides = array<i32>} : memref<512x128xf32, #tpu.memory_space<vmem>>, vector<1x16xf32>,
        %get3A_1331 = vector.shape_cast %get3A_1330 : vector<1x16xf32> to vector<16xf32>
        %swap3A_1332 = arith.constant 127 : i32
        %swap3A_1333 = arith.index_cast %swap3A_1332 : i32 to index
        %swap3A_1334 = arith.constant 80 : index
        %swap3A_1335 = tpu.vector_load %arg7[%swap3A_1333, %swap3A_1334] {strides = array<i32>} : memref<128x128xf32, #tpu.memory_space<vmem>>, vector<1x16xf32>,
        %swap3A_1336 = vector.shape_cast %swap3A_1335 : vector<1x16xf32> to vector<16xf32>
        %swap3A_1337 = vector.shape_cast %get3A_1331 : vector<16xf32> to vector<1x16xf32>
        tpu.vector_store %arg7[%swap3A_1333, %swap3A_1334], %swap3A_1337 {strides = array<i32>} : memref<128x128xf32, #tpu.memory_space<vmem>>, vector<1x16xf32>,
        %get3A_1338 = arith.index_cast %squeeze3A_1277 : i32 to index
        %get3A_1339 = arith.constant 96 : index
        %get3A_1340 = tpu.vector_load %arg6[%get3A_1338, %get3A_1339] {strides = array<i32>} : memref<512x128xf32, #tpu.memory_space<vmem>>, vector<1x16xf32>,
        %get3A_1341 = vector.shape_cast %get3A_1340 : vector<1x16xf32> to vector<16xf32>
        %swap3A_1342 = arith.constant 127 : i32
        %swap3A_1343 = arith.index_cast %swap3A_1342 : i32 to index
        %swap3A_1344 = arith.constant 96 : index
        %swap3A_1345 = tpu.vector_load %arg7[%swap3A_1343, %swap3A_1344] {strides = array<i32>} : memref<128x128xf32, #tpu.memory_space<vmem>>, vector<1x16xf32>,
        %swap3A_1346 = vector.shape_cast %swap3A_1345 : vector<1x16xf32> to vector<16xf32>
        %swap3A_1347 = vector.shape_cast %get3A_1341 : vector<16xf32> to vector<1x16xf32>
        tpu.vector_store %arg7[%swap3A_1343, %swap3A_1344], %swap3A_1347 {strides = array<i32>} : memref<128x128xf32, #tpu.memory_space<vmem>>, vector<1x16xf32>,
        %get3A_1348 = arith.index_cast %squeeze3A_1277 : i32 to index
        %get3A_1349 = arith.constant 112 : index
        %get3A_1350 = tpu.vector_load %arg6[%get3A_1348, %get3A_1349] {strides = array<i32>} : memref<512x128xf32, #tpu.memory_space<vmem>>, vector<1x16xf32>,
        %get3A_1351 = vector.shape_cast %get3A_1350 : vector<1x16xf32> to vector<16xf32>
        %swap3A_1352 = arith.constant 127 : i32
        %swap3A_1353 = arith.index_cast %swap3A_1352 : i32 to index
        %swap3A_1354 = arith.constant 112 : index
        %swap3A_1355 = tpu.vector_load %arg7[%swap3A_1353, %swap3A_1354] {strides = array<i32>} : memref<128x128xf32, #tpu.memory_space<vmem>>, vector<1x16xf32>,
        %swap3A_1356 = vector.shape_cast %swap3A_1355 : vector<1x16xf32> to vector<16xf32>
        %swap3A_1357 = vector.shape_cast %get3A_1351 : vector<16xf32> to vector<1x16xf32>
        tpu.vector_store %arg7[%swap3A_1353, %swap3A_1354], %swap3A_1357 {strides = array<i32>} : memref<128x128xf32, #tpu.memory_space<vmem>>, vector<1x16xf32>,
      } else {
      }
      %convert_element_type3A_89 = arith.extui %eq3A : i1 to i32
      %cond3A_90 = arith.constant 0 : i32
      %cond3A_91 = arith.cmpi ne, %convert_element_type3A_89, %cond3A_90 : i32
      scf.if %cond3A_91 {
        %add3A_106 = arith.addi %add3A_4, %while3A_67 : i32
        %mul3A_107 = arith.constant 128 : i32
        %mul3A_108 = arith.muli %add3A_106, %mul3A_107 : i32
        %dma_start3A = arith.constant 0 : i32
        %dma_start3A_109 = tpu.memref_slice %arg4[%mul3A_108, %dma_start3A] : memref<320000x128xf32, #tpu.memory_space<hbm>> -> memref<128x128xf32, #tpu.memory_space<hbm>>
        %dma_start3A_110 = arith.constant 0 : i32
        %dma_start3A_111 = tpu.memref_slice %arg4[%mul3A_108, %dma_start3A_110] : memref<320000x128xf32, #tpu.memory_space<hbm>> -> memref<128x128xf32, #tpu.memory_space<hbm>>
        tpu.enqueue_dma source(%arg8 : memref<128x128xf32, #tpu.memory_space<vmem>>) target(%dma_start3A_111 : memref<128x128xf32, #tpu.memory_space<hbm>>) target_semaphore(%arg10 : memref<!tpu.dma_semaphore, #tpu.memory_space<semaphore_mem>>)
      } else {
      }
      %not3A_92 = arith.constant true
      %not3A_93 = arith.xori %eq3A, %not3A_92 : i1
      %convert_element_type3A_94 = arith.extui %not3A_93 : i1 to i32
      %cond3A_95 = arith.constant 0 : i32
      %cond3A_96 = arith.cmpi ne, %convert_element_type3A_94, %cond3A_95 : i32
      scf.if %cond3A_96 {
        %add3A_106 = arith.addi %add3A_4, %while3A_67 : i32
        %mul3A_107 = arith.constant 128 : i32
        %mul3A_108 = arith.muli %add3A_106, %mul3A_107 : i32
        %dma_start3A = arith.constant 0 : i32
        %dma_start3A_109 = tpu.memref_slice %arg4[%mul3A_108, %dma_start3A] : memref<320000x128xf32, #tpu.memory_space<hbm>> -> memref<128x128xf32, #tpu.memory_space<hbm>>
        %dma_start3A_110 = arith.constant 0 : i32
        %dma_start3A_111 = tpu.memref_slice %arg4[%mul3A_108, %dma_start3A_110] : memref<320000x128xf32, #tpu.memory_space<hbm>> -> memref<128x128xf32, #tpu.memory_space<hbm>>
        tpu.enqueue_dma source(%arg7 : memref<128x128xf32, #tpu.memory_space<vmem>>) target(%dma_start3A_111 : memref<128x128xf32, #tpu.memory_space<hbm>>) target_semaphore(%arg9 : memref<!tpu.dma_semaphore, #tpu.memory_space<semaphore_mem>>)
      } else {
      }
      %jit3A_97 = arith.constant 1 : i32
      %select_n3A_98 = arith.select %eq3A, %while3A_69, %jit3A_97 : i32
      %ne3A_99 = arith.cmpi ne, %squeeze3A, %while3A_68 : i32
      %add3A_100 = arith.constant 1 : i32
      %add3A_101 = arith.addi %while3A_70, %add3A_100 : i32
      %jit3A_102 = arith.constant 1 : i32
      %select_n3A_103 = arith.select %ne3A_99, %jit3A_102, %add3A_101 : i32
      %select_n3A_104 = arith.select %eq3A, %select_n3A_103, %while3A_70 : i32
      %select_n3A_105 = arith.select %eq3A, %squeeze3A, %while3A_68 : i32
      scf.yield %select_n3A_105, %select_n3A_98, %select_n3A_104 : i32, i32, i32
    }
    %while3A_43 = arith.constant 0 : i32
    %while3A_44 = arith.constant 0 : i32
    %while3A_45 = arith.subi %while3A_42#1, %while3A_43 : i32
    %while3A_46 = arith.addi %while3A_43, %while3A_45 : i32
    %while3A_47 = arith.constant 1 : i32
    %while3A_48 = arith.divsi %while3A_45, %while3A_47 : i32
    %while3A_49 = arith.muli %while3A_48, %while3A_47 : i32
    %while3A_50 = arith.addi %while3A_43, %while3A_49 : i32
    %while3A_51 = arith.constant 1 : i32
    %while3A_52 = scf.for %while3A_67 = %while3A_43 to %while3A_50 step %while3A_51 iter_args(%while3A_68 = %while3A_44) -> (i32)  : i32 {
      %add3A_69 = arith.constant 0 : i32
      %add3A_70 = arith.addi %add3A_4, %add3A_69 : i32
      %mul3A_71 = arith.constant 128 : i32
      %mul3A_72 = arith.muli %add3A_70, %mul3A_71 : i32
      %dma_wait3A = arith.constant 0 : i32
      %dma_wait3A_73 = tpu.memref_slice %arg4[%mul3A_72, %dma_wait3A] : memref<320000x128xf32, #tpu.memory_space<hbm>> -> memref<128x128xf32, #tpu.memory_space<hbm>>
      %dma_wait3A_74 = arith.constant 0 : i32
      %dma_wait3A_75 = tpu.memref_slice %arg4[%mul3A_72, %dma_wait3A_74] : memref<320000x128xf32, #tpu.memory_space<hbm>> -> memref<128x128xf32, #tpu.memory_space<hbm>>
      tpu.wait_dma2 semaphore(%arg9 : memref<!tpu.dma_semaphore, #tpu.memory_space<semaphore_mem>>) src(%arg7 : memref<128x128xf32, #tpu.memory_space<vmem>>) dst(%dma_wait3A_75 : memref<128x128xf32, #tpu.memory_space<hbm>>)
      %while3A_76 = arith.constant 0 : i32
      scf.yield %while3A_76 : i32
    }
    %while3A_53 = arith.constant 1 : i32
    %while3A_54 = scf.for %while3A_67 = %while3A_50 to %while3A_46 step %while3A_53 iter_args(%while3A_68 = %while3A_52) -> (i32)  : i32 {
      %add3A_69 = arith.constant 0 : i32
      %add3A_70 = arith.addi %add3A_4, %add3A_69 : i32
      %mul3A_71 = arith.constant 128 : i32
      %mul3A_72 = arith.muli %add3A_70, %mul3A_71 : i32
      %dma_wait3A = arith.constant 0 : i32
      %dma_wait3A_73 = tpu.memref_slice %arg4[%mul3A_72, %dma_wait3A] : memref<320000x128xf32, #tpu.memory_space<hbm>> -> memref<128x128xf32, #tpu.memory_space<hbm>>
      %dma_wait3A_74 = arith.constant 0 : i32
      %dma_wait3A_75 = tpu.memref_slice %arg4[%mul3A_72, %dma_wait3A_74] : memref<320000x128xf32, #tpu.memory_space<hbm>> -> memref<128x128xf32, #tpu.memory_space<hbm>>
      tpu.wait_dma2 semaphore(%arg9 : memref<!tpu.dma_semaphore, #tpu.memory_space<semaphore_mem>>) src(%arg7 : memref<128x128xf32, #tpu.memory_space<vmem>>) dst(%dma_wait3A_75 : memref<128x128xf32, #tpu.memory_space<hbm>>)
      %while3A_76 = arith.constant 0 : i32
      scf.yield %while3A_76 : i32
    }
    %while3A_55 = arith.constant 0 : i32
    %while3A_56 = arith.constant 0 : i32
    %while3A_57 = arith.subi %while3A_42#2, %while3A_55 : i32
    %while3A_58 = arith.addi %while3A_55, %while3A_57 : i32
    %while3A_59 = arith.constant 1 : i32
    %while3A_60 = arith.divsi %while3A_57, %while3A_59 : i32
    %while3A_61 = arith.muli %while3A_60, %while3A_59 : i32
    %while3A_62 = arith.addi %while3A_55, %while3A_61 : i32
    %while3A_63 = arith.constant 1 : i32
    %while3A_64 = scf.for %while3A_67 = %while3A_55 to %while3A_62 step %while3A_63 iter_args(%while3A_68 = %while3A_56) -> (i32)  : i32 {
      %add3A_69 = arith.constant 0 : i32
      %add3A_70 = arith.addi %add3A_4, %add3A_69 : i32
      %mul3A_71 = arith.constant 128 : i32
      %mul3A_72 = arith.muli %add3A_70, %mul3A_71 : i32
      %dma_wait3A = arith.constant 0 : i32
      %dma_wait3A_73 = tpu.memref_slice %arg4[%mul3A_72, %dma_wait3A] : memref<320000x128xf32, #tpu.memory_space<hbm>> -> memref<128x128xf32, #tpu.memory_space<hbm>>
      %dma_wait3A_74 = arith.constant 0 : i32
      %dma_wait3A_75 = tpu.memref_slice %arg4[%mul3A_72, %dma_wait3A_74] : memref<320000x128xf32, #tpu.memory_space<hbm>> -> memref<128x128xf32, #tpu.memory_space<hbm>>
      tpu.wait_dma2 semaphore(%arg10 : memref<!tpu.dma_semaphore, #tpu.memory_space<semaphore_mem>>) src(%arg8 : memref<128x128xf32, #tpu.memory_space<vmem>>) dst(%dma_wait3A_75 : memref<128x128xf32, #tpu.memory_space<hbm>>)
      %while3A_76 = arith.constant 0 : i32
      scf.yield %while3A_76 : i32
    }
    %while3A_65 = arith.constant 1 : i32
    %while3A_66 = scf.for %while3A_67 = %while3A_62 to %while3A_58 step %while3A_65 iter_args(%while3A_68 = %while3A_64) -> (i32)  : i32 {
      %add3A_69 = arith.constant 0 : i32
      %add3A_70 = arith.addi %add3A_4, %add3A_69 : i32
      %mul3A_71 = arith.constant 128 : i32
      %mul3A_72 = arith.muli %add3A_70, %mul3A_71 : i32
      %dma_wait3A = arith.constant 0 : i32
      %dma_wait3A_73 = tpu.memref_slice %arg4[%mul3A_72, %dma_wait3A] : memref<320000x128xf32, #tpu.memory_space<hbm>> -> memref<128x128xf32, #tpu.memory_space<hbm>>
      %dma_wait3A_74 = arith.constant 0 : i32
      %dma_wait3A_75 = tpu.memref_slice %arg4[%mul3A_72, %dma_wait3A_74] : memref<320000x128xf32, #tpu.memory_space<hbm>> -> memref<128x128xf32, #tpu.memory_space<hbm>>
      tpu.wait_dma2 semaphore(%arg10 : memref<!tpu.dma_semaphore, #tpu.memory_space<semaphore_mem>>) src(%arg8 : memref<128x128xf32, #tpu.memory_space<vmem>>) dst(%dma_wait3A_75 : memref<128x128xf32, #tpu.memory_space<hbm>>)
      %while3A_76 = arith.constant 0 : i32
      scf.yield %while3A_76 : i32
    }
    return
  }
}

module attributes {stable_mosaic.version = 14 : i64} {
  func.func @_pool_body(%arg0: i32, %arg1: memref<2560x128xf32, #tpu.memory_space<vmem>>, %arg2: memref<2560x1xf32, #tpu.memory_space<vmem>>, %arg3: memref<64x128xf32, #tpu.memory_space<vmem>>, %arg4: memref<1x64xf32, #tpu.memory_space<vmem>>, %arg5: memref<64x32xf32, #tpu.memory_space<vmem>>, %arg6: memref<1x1xf32, #tpu.memory_space<vmem>>, %arg7: memref<128x128xf32, #tpu.memory_space<vmem>>, %arg8: memref<1x128xf32, #tpu.memory_space<vmem>>, %arg9: memref<512x128xf32, #tpu.memory_space<vmem>>, %arg10: memref<544x128xf32, #tpu.memory_space<vmem>>, %arg11: memref<544x32xf32, #tpu.memory_space<vmem>>) attributes {dimension_semantics = [#tpu.dimension_semantics<arbitrary>], iteration_bounds = array<i64: 125>, scalar_prefetch = 0 : i64, scratch_operands = 2 : i64, tpu.core_type = #tpu.core_type<tc>, window_params = [{transform_indices = @transform_0, window_bounds = array<i64: 2560, 128>}, {transform_indices = @transform_1, window_bounds = array<i64: 2560, 1>}, {pipeline_mode = #tpu.pipeline_mode<synchronous>, transform_indices = @transform_2, window_bounds = array<i64: 64, 128>}, {pipeline_mode = #tpu.pipeline_mode<synchronous>, transform_indices = @transform_3, window_bounds = array<i64: 1, 64>}, {pipeline_mode = #tpu.pipeline_mode<synchronous>, transform_indices = @transform_4, window_bounds = array<i64: 64, 32>}, {pipeline_mode = #tpu.pipeline_mode<synchronous>, transform_indices = @transform_5, window_bounds = array<i64: 1, 1>}, {pipeline_mode = #tpu.pipeline_mode<synchronous>, transform_indices = @transform_6, window_bounds = array<i64: 128, 128>}, {pipeline_mode = #tpu.pipeline_mode<synchronous>, transform_indices = @transform_7, window_bounds = array<i64: 1, 128>}, {pipeline_mode = #tpu.pipeline_mode<synchronous>, transform_indices = @transform_8, window_bounds = array<i64: 512, 128>}]} {
    %eq3A = arith.constant 0 : i32
    %eq3A_0 = arith.cmpi eq, %arg0, %eq3A : i32
    %convert_element_type3A = arith.extui %eq3A_0 : i1 to i32
    %cond3A = arith.constant 0 : i32
    %cond3A_1 = arith.cmpi ne, %convert_element_type3A, %cond3A : i32
    scf.if %cond3A_1 {
      %broadcast_in_dim3A_77 = arith.constant 0.000000e+00 : f32
      %broadcast_in_dim3A_78 = vector.broadcast %broadcast_in_dim3A_77 : f32 to vector<544x128xf32>
      %swap3A = arith.constant 0 : index
      %swap3A_79 = arith.constant 0 : index
      %swap3A_80 = vector.load %arg10[%swap3A, %swap3A_79] : memref<544x128xf32, #tpu.memory_space<vmem>>, vector<544x128xf32>
      tpu.vector_store %arg10[%swap3A, %swap3A_79], %broadcast_in_dim3A_78 {strides = array<i32>} : memref<544x128xf32, #tpu.memory_space<vmem>>, vector<544x128xf32>,
      %broadcast_in_dim3A_81 = arith.constant 0.000000e+00 : f32
      %broadcast_in_dim3A_82 = vector.broadcast %broadcast_in_dim3A_81 : f32 to vector<544x32xf32>
      %swap3A_83 = arith.constant 0 : index
      %swap3A_84 = arith.constant 0 : index
      %swap3A_85 = vector.load %arg11[%swap3A_83, %swap3A_84] : memref<544x32xf32, #tpu.memory_space<vmem>>, vector<544x32xf32>
      tpu.vector_store %arg11[%swap3A_83, %swap3A_84], %broadcast_in_dim3A_82 {strides = array<i32>} : memref<544x32xf32, #tpu.memory_space<vmem>>, vector<544x32xf32>,
    } else {
    }
    %get3A = arith.constant 0 : index
    %get3A_2 = arith.constant 0 : index
    %get3A_3 = vector.load %arg1[%get3A, %get3A_2] : memref<2560x128xf32, #tpu.memory_space<vmem>>, vector<2560x128xf32>
    %get3A_4 = arith.constant 0 : index
    %get3A_5 = arith.constant 0 : index
    %get3A_6 = vector.load %arg2[%get3A_4, %get3A_5] : memref<2560x1xf32, #tpu.memory_space<vmem>>, vector<2560x1xf32>
    %get3A_7 = arith.constant 0 : index
    %get3A_8 = arith.constant 0 : index
    %get3A_9 = vector.load %arg5[%get3A_7, %get3A_8] : memref<64x32xf32, #tpu.memory_space<vmem>>, vector<64x32xf32>
    %get3A_10 = arith.constant 0 : index
    %get3A_11 = arith.constant 0 : index
    %get3A_12 = vector.load %arg3[%get3A_10, %get3A_11] : memref<64x128xf32, #tpu.memory_space<vmem>>, vector<64x128xf32>
    %dot_general3A = arith.constant dense<0.000000e+00> : vector<2560x64xf32>
    %dot_general3A_13 = tpu.matmul %get3A_3, %get3A_12, %dot_general3A {dimension_numbers = #tpu.dot_dimension_numbers<[1], [1], [0], [0], [0, 0, 1, 0], [], []>, transpose_lhs_hint = false} : vector<2560x128xf32>, vector<64x128xf32>, vector<2560x64xf32> -> vector<2560x64xf32>
    %get3A_14 = arith.constant 0 : index
    %get3A_15 = arith.constant 0 : index
    %get3A_16 = vector.load %arg4[%get3A_14, %get3A_15] : memref<1x64xf32, #tpu.memory_space<vmem>>, vector<1x64xf32>
    %add3A = vector.broadcast %get3A_16 : vector<1x64xf32> to vector<2560x64xf32>
    %add3A_17 = arith.addf %dot_general3A_13, %add3A : vector<2560x64xf32>
    %tanh3A = math.tanh %add3A_17 : vector<2560x64xf32>
    %dot_general3A_18 = arith.constant dense<0.000000e+00> : vector<2560x32xf32>
    %dot_general3A_19 = tpu.matmul %tanh3A, %get3A_9, %dot_general3A_18 {dimension_numbers = #tpu.dot_dimension_numbers<[1], [0], [0], [1], [0, 0, 1, 1], [], []>, transpose_lhs_hint = false} : vector<2560x64xf32>, vector<64x32xf32>, vector<2560x32xf32> -> vector<2560x32xf32>
    %get3A_20 = arith.constant 0 : index
    %get3A_21 = arith.constant 0 : index
    %get3A_22 = vector.load %arg6[%get3A_20, %get3A_21] : memref<1x1xf32, #tpu.memory_space<vmem>>, vector<1x1xf32>
    %get3A_23 = vector.extract %get3A_22[0, 0] : f32 from vector<1x1xf32>
    %slice3A = vector.extract_strided_slice %get3A_9 {offsets = [0, 0], sizes = [64, 1], strides = [1, 1]} : vector<64x32xf32> to vector<64x1xf32>
    %abs3A = math.absf %slice3A : vector<64x1xf32>
    %reduce_sum3A = vector.shape_cast %abs3A : vector<64x1xf32> to vector<1x64x1xf32>
    %reduce_sum3A_24 = arith.constant dense<0.000000e+00> : vector<1xf32>
    %reduce_sum3A_25 = vector.multi_reduction <add>, %reduce_sum3A, %reduce_sum3A_24 [1, 2] : vector<1x64x1xf32> to vector<1xf32>
    %reduce_sum3A_26 = vector.shape_cast %reduce_sum3A_25 : vector<1xf32> to vector<1x1x1xf32>
    %reduce_sum3A_27 = vector.extract %reduce_sum3A_26[0, 0, 0] : f32 from vector<1x1x1xf32>
    %abs3A_28 = math.absf %get3A_23 : f32
    %add3A_29 = arith.addf %reduce_sum3A_27, %abs3A_28 : f32
    %sub3A = arith.subf %get3A_23, %add3A_29 : f32
    %add3A_30 = vector.broadcast %sub3A : f32 to vector<2560x32xf32>
    %add3A_31 = arith.addf %dot_general3A_19, %add3A_30 : vector<2560x32xf32>
    %exp3A = math.exp %add3A_31 : vector<2560x32xf32>
    %broadcast_in_dim3A = vector.shape_cast %get3A_6 : vector<2560x1xf32> to vector<2560x1xf32>
    %broadcast_in_dim3A_32 = vector.broadcast %broadcast_in_dim3A : vector<2560x1xf32> to vector<2560x32xf32>
    %slice3A_33 = vector.extract_strided_slice %get3A_6 {offsets = [0, 0], sizes = [1, 1], strides = [1, 1]} : vector<2560x1xf32> to vector<1x1xf32>
    %squeeze3A = vector.extract %slice3A_33[0, 0] : f32 from vector<1x1xf32>
    %convert_element_type3A_34 = arith.fptosi %squeeze3A : f32 to i32
    %slice3A_35 = vector.extract_strided_slice %get3A_6 {offsets = [2559, 0], sizes = [1, 1], strides = [1, 1]} : vector<2560x1xf32> to vector<1x1xf32>
    %squeeze3A_36 = vector.extract %slice3A_35[0, 0] : f32 from vector<1x1xf32>
    %convert_element_type3A_37 = arith.fptosi %squeeze3A_36 : f32 to i32
    %sub3A_38 = arith.subi %convert_element_type3A_37, %convert_element_type3A_34 : i32
    %jit3A = arith.constant 32 : i32
    %div3A = arith.divsi %sub3A_38, %jit3A : i32
    %sign3A = arith.constant 0 : i32
    %sign3A_39 = arith.cmpi sgt, %sub3A_38, %sign3A : i32
    %sign3A_40 = arith.extui %sign3A_39 : i1 to i32
    %sign3A_41 = arith.constant 0 : i32
    %sign3A_42 = arith.cmpi slt, %sub3A_38, %sign3A_41 : i32
    %sign3A_43 = arith.extui %sign3A_42 : i1 to i32
    %sign3A_44 = arith.subi %sign3A_40, %sign3A_43 : i32
    %sign3A_45 = arith.constant 0 : i32
    %sign3A_46 = arith.cmpi sgt, %jit3A, %sign3A_45 : i32
    %sign3A_47 = arith.extui %sign3A_46 : i1 to i32
    %sign3A_48 = arith.constant 0 : i32
    %sign3A_49 = arith.cmpi slt, %jit3A, %sign3A_48 : i32
    %sign3A_50 = arith.extui %sign3A_49 : i1 to i32
    %sign3A_51 = arith.subi %sign3A_47, %sign3A_50 : i32
    %ne3A = arith.cmpi ne, %sign3A_44, %sign3A_51 : i32
    %rem3A = arith.remsi %sub3A_38, %jit3A : i32
    %ne3A_52 = arith.constant 0 : i32
    %ne3A_53 = arith.cmpi ne, %rem3A, %ne3A_52 : i32
    %and3A = arith.andi %ne3A, %ne3A_53 : i1
    %sub3A_54 = arith.constant 1 : i32
    %sub3A_55 = arith.subi %div3A, %sub3A_54 : i32
    %select_n3A = arith.select %and3A, %sub3A_55, %div3A : i32
    %add3A_56 = arith.constant 1 : i32
    %add3A_57 = arith.addi %select_n3A, %add3A_56 : i32
    %iota3A = tpu.iota {dimensions = array<i32: 1>} : vector<1x32xi32>
    %convert_element_type3A_58 = arith.sitofp %iota3A : vector<1x32xi32> to vector<1x32xf32>
    %broadcast_in_dim3A_59 = arith.constant 1.000000e+00 : f32
    %broadcast_in_dim3A_60 = vector.broadcast %broadcast_in_dim3A_59 : f32 to vector<2560x32xf32>
    %while3A = arith.constant 0 : i32
    %while3A_61 = arith.constant 0 : i32
    %while3A_62 = arith.subi %add3A_57, %while3A : i32
    %while3A_63 = arith.addi %while3A, %while3A_62 : i32
    %while3A_64 = arith.constant 1 : i32
    %while3A_65 = arith.divsi %while3A_62, %while3A_64 : i32
    %while3A_66 = arith.muli %while3A_65, %while3A_64 : i32
    %while3A_67 = arith.addi %while3A, %while3A_66 : i32
    %while3A_68 = arith.constant 1 : i32
    %while3A_69 = scf.for %while3A_77 = %while3A to %while3A_67 step %while3A_68 iter_args(%while3A_78 = %while3A_61) -> (i32)  : i32 {
      %mul3A = arith.constant 32 : i32
      %mul3A_79 = arith.muli %while3A_77, %mul3A : i32
      %add3A_80 = arith.addi %convert_element_type3A_34, %mul3A_79 : i32
      %convert_element_type3A_81 = arith.sitofp %add3A_80 : i32 to f32
      %add3A_82 = vector.broadcast %convert_element_type3A_81 : f32 to vector<1x32xf32>
      %add3A_83 = arith.addf %add3A_82, %convert_element_type3A_58 : vector<1x32xf32>
      %eq3A_84 = vector.broadcast %add3A_83 : vector<1x32xf32> to vector<2560x32xf32>
      %eq3A_85 = arith.cmpf oeq, %broadcast_in_dim3A_32, %eq3A_84 : vector<2560x32xf32>
      %jit3A_86 = arith.constant 0.000000e+00 : f32
      %broadcast_in_dim3A_87 = vector.broadcast %jit3A_86 : f32 to vector<2560x32xf32>
      %select_n3A_88 = arith.select %eq3A_85, %exp3A, %broadcast_in_dim3A_87 : vector<2560x32xi1>, vector<2560x32xf32>
      %dot_general3A_89 = arith.constant dense<0.000000e+00> : vector<32x128xf32>
      %dot_general3A_90 = tpu.matmul %select_n3A_88, %get3A_3, %dot_general3A_89 {dimension_numbers = #tpu.dot_dimension_numbers<[0], [0], [1], [1], [0, 1, 1, 1], [], []>, transpose_lhs_hint = false} : vector<2560x32xf32>, vector<2560x128xf32>, vector<32x128xf32> -> vector<32x128xf32>
      %dot_general3A_91 = arith.constant dense<0.000000e+00> : vector<32x32xf32>
      %dot_general3A_92 = tpu.matmul %select_n3A_88, %broadcast_in_dim3A_60, %dot_general3A_91 {dimension_numbers = #tpu.dot_dimension_numbers<[0], [0], [1], [1], [0, 1, 1, 1], [], []>, transpose_lhs_hint = false} : vector<2560x32xf32>, vector<2560x32xf32>, vector<32x32xf32> -> vector<32x32xf32>
      %get3A_93 = arith.index_cast %add3A_80 : i32 to index
      %get3A_94 = arith.constant 0 : index
      %get3A_95 = vector.load %arg10[%get3A_93, %get3A_94] : memref<544x128xf32, #tpu.memory_space<vmem>>, vector<32x128xf32>
      %add3A_96 = arith.addf %get3A_95, %dot_general3A_90 : vector<32x128xf32>
      %swap3A = arith.index_cast %add3A_80 : i32 to index
      %swap3A_97 = arith.constant 0 : index
      %swap3A_98 = vector.load %arg10[%swap3A, %swap3A_97] : memref<544x128xf32, #tpu.memory_space<vmem>>, vector<32x128xf32>
      tpu.vector_store %arg10[%swap3A, %swap3A_97], %add3A_96 {strides = array<i32>} : memref<544x128xf32, #tpu.memory_space<vmem>>, vector<32x128xf32>,
      %get3A_99 = arith.index_cast %add3A_80 : i32 to index
      %get3A_100 = arith.constant 0 : index
      %get3A_101 = vector.load %arg11[%get3A_99, %get3A_100] : memref<544x32xf32, #tpu.memory_space<vmem>>, vector<32x32xf32>
      %add3A_102 = arith.addf %get3A_101, %dot_general3A_92 : vector<32x32xf32>
      %swap3A_103 = arith.index_cast %add3A_80 : i32 to index
      %swap3A_104 = arith.constant 0 : index
      %swap3A_105 = vector.load %arg11[%swap3A_103, %swap3A_104] : memref<544x32xf32, #tpu.memory_space<vmem>>, vector<32x32xf32>
      tpu.vector_store %arg11[%swap3A_103, %swap3A_104], %add3A_102 {strides = array<i32>} : memref<544x32xf32, #tpu.memory_space<vmem>>, vector<32x32xf32>,
      %while3A_106 = arith.constant 0 : i32
      scf.yield %while3A_106 : i32
    }
    %while3A_70 = arith.constant 1 : i32
    %while3A_71 = scf.for %while3A_77 = %while3A_67 to %while3A_63 step %while3A_70 iter_args(%while3A_78 = %while3A_69) -> (i32)  : i32 {
      %mul3A = arith.constant 32 : i32
      %mul3A_79 = arith.muli %while3A_77, %mul3A : i32
      %add3A_80 = arith.addi %convert_element_type3A_34, %mul3A_79 : i32
      %convert_element_type3A_81 = arith.sitofp %add3A_80 : i32 to f32
      %add3A_82 = vector.broadcast %convert_element_type3A_81 : f32 to vector<1x32xf32>
      %add3A_83 = arith.addf %add3A_82, %convert_element_type3A_58 : vector<1x32xf32>
      %eq3A_84 = vector.broadcast %add3A_83 : vector<1x32xf32> to vector<2560x32xf32>
      %eq3A_85 = arith.cmpf oeq, %broadcast_in_dim3A_32, %eq3A_84 : vector<2560x32xf32>
      %jit3A_86 = arith.constant 0.000000e+00 : f32
      %broadcast_in_dim3A_87 = vector.broadcast %jit3A_86 : f32 to vector<2560x32xf32>
      %select_n3A_88 = arith.select %eq3A_85, %exp3A, %broadcast_in_dim3A_87 : vector<2560x32xi1>, vector<2560x32xf32>
      %dot_general3A_89 = arith.constant dense<0.000000e+00> : vector<32x128xf32>
      %dot_general3A_90 = tpu.matmul %select_n3A_88, %get3A_3, %dot_general3A_89 {dimension_numbers = #tpu.dot_dimension_numbers<[0], [0], [1], [1], [0, 1, 1, 1], [], []>, transpose_lhs_hint = false} : vector<2560x32xf32>, vector<2560x128xf32>, vector<32x128xf32> -> vector<32x128xf32>
      %dot_general3A_91 = arith.constant dense<0.000000e+00> : vector<32x32xf32>
      %dot_general3A_92 = tpu.matmul %select_n3A_88, %broadcast_in_dim3A_60, %dot_general3A_91 {dimension_numbers = #tpu.dot_dimension_numbers<[0], [0], [1], [1], [0, 1, 1, 1], [], []>, transpose_lhs_hint = false} : vector<2560x32xf32>, vector<2560x32xf32>, vector<32x32xf32> -> vector<32x32xf32>
      %get3A_93 = arith.index_cast %add3A_80 : i32 to index
      %get3A_94 = arith.constant 0 : index
      %get3A_95 = vector.load %arg10[%get3A_93, %get3A_94] : memref<544x128xf32, #tpu.memory_space<vmem>>, vector<32x128xf32>
      %add3A_96 = arith.addf %get3A_95, %dot_general3A_90 : vector<32x128xf32>
      %swap3A = arith.index_cast %add3A_80 : i32 to index
      %swap3A_97 = arith.constant 0 : index
      %swap3A_98 = vector.load %arg10[%swap3A, %swap3A_97] : memref<544x128xf32, #tpu.memory_space<vmem>>, vector<32x128xf32>
      tpu.vector_store %arg10[%swap3A, %swap3A_97], %add3A_96 {strides = array<i32>} : memref<544x128xf32, #tpu.memory_space<vmem>>, vector<32x128xf32>,
      %get3A_99 = arith.index_cast %add3A_80 : i32 to index
      %get3A_100 = arith.constant 0 : index
      %get3A_101 = vector.load %arg11[%get3A_99, %get3A_100] : memref<544x32xf32, #tpu.memory_space<vmem>>, vector<32x32xf32>
      %add3A_102 = arith.addf %get3A_101, %dot_general3A_92 : vector<32x32xf32>
      %swap3A_103 = arith.index_cast %add3A_80 : i32 to index
      %swap3A_104 = arith.constant 0 : index
      %swap3A_105 = vector.load %arg11[%swap3A_103, %swap3A_104] : memref<544x32xf32, #tpu.memory_space<vmem>>, vector<32x32xf32>
      tpu.vector_store %arg11[%swap3A_103, %swap3A_104], %add3A_102 {strides = array<i32>} : memref<544x32xf32, #tpu.memory_space<vmem>>, vector<32x32xf32>,
      %while3A_106 = arith.constant 0 : i32
      scf.yield %while3A_106 : i32
    }
    %eq3A_72 = arith.constant 124 : i32
    %eq3A_73 = arith.cmpi eq, %arg0, %eq3A_72 : i32
    %convert_element_type3A_74 = arith.extui %eq3A_73 : i1 to i32
    %cond3A_75 = arith.constant 0 : i32
    %cond3A_76 = arith.cmpi ne, %convert_element_type3A_74, %cond3A_75 : i32
    scf.if %cond3A_76 {
      %get3A_77 = arith.constant 0 : index
      %get3A_78 = arith.constant 0 : index
      %get3A_79 = vector.load %arg11[%get3A_77, %get3A_78] : memref<544x32xf32, #tpu.memory_space<vmem>>, vector<512x1xf32>
      %get3A_80 = arith.constant 0 : index
      %get3A_81 = arith.constant 0 : index
      %get3A_82 = vector.load %arg10[%get3A_80, %get3A_81] : memref<544x128xf32, #tpu.memory_space<vmem>>, vector<512x128xf32>
      %gt3A = arith.constant 0.000000e+00 : f32
      %gt3A_83 = vector.broadcast %gt3A : f32 to vector<512x1xf32>
      %gt3A_84 = arith.cmpf ogt, %get3A_79, %gt3A_83 : vector<512x1xf32>
      %jit3A_85 = arith.constant 1.000000e+00 : f32
      %broadcast_in_dim3A_86 = vector.broadcast %jit3A_85 : f32 to vector<512x1xf32>
      %select_n3A_87 = arith.select %gt3A_84, %get3A_79, %broadcast_in_dim3A_86 : vector<512x1xi1>, vector<512x1xf32>
      %div3A_88 = vector.broadcast %select_n3A_87 : vector<512x1xf32> to vector<512x128xf32>
      %div3A_89 = arith.divf %get3A_82, %div3A_88 : vector<512x128xf32>
      %get3A_90 = arith.constant 0 : index
      %get3A_91 = arith.constant 0 : index
      %get3A_92 = vector.load %arg7[%get3A_90, %get3A_91] : memref<128x128xf32, #tpu.memory_space<vmem>>, vector<128x128xf32>
      %dot_general3A_93 = arith.constant dense<0.000000e+00> : vector<512x128xf32>
      %dot_general3A_94 = tpu.matmul %div3A_89, %get3A_92, %dot_general3A_93 {dimension_numbers = #tpu.dot_dimension_numbers<[1], [1], [0], [0], [0, 0, 1, 0], [], []>, transpose_lhs_hint = false} : vector<512x128xf32>, vector<128x128xf32>, vector<512x128xf32> -> vector<512x128xf32>
      %get3A_95 = arith.constant 0 : index
      %get3A_96 = arith.constant 0 : index
      %get3A_97 = vector.load %arg8[%get3A_95, %get3A_96] : memref<1x128xf32, #tpu.memory_space<vmem>>, vector<1x128xf32>
      %add3A_98 = vector.broadcast %get3A_97 : vector<1x128xf32> to vector<512x128xf32>
      %add3A_99 = arith.addf %dot_general3A_94, %add3A_98 : vector<512x128xf32>
      %swap3A = arith.constant 0 : index
      %swap3A_100 = arith.constant 0 : index
      %swap3A_101 = vector.load %arg9[%swap3A, %swap3A_100] : memref<512x128xf32, #tpu.memory_space<vmem>>, vector<512x128xf32>
      tpu.vector_store %arg9[%swap3A, %swap3A_100], %add3A_99 {strides = array<i32>} : memref<512x128xf32, #tpu.memory_space<vmem>>, vector<512x128xf32>,
    } else {
    }
    return
  }
  func.func @transform_0(%arg0: i32) -> (i32, i32) {
    %c0_i32 = arith.constant 0 : i32
    %c0_i32_0 = arith.constant 0 : i32
    return %arg0, %c0_i32 : i32, i32
  }
  func.func @transform_1(%arg0: i32) -> (i32, i32) {
    %c0_i32 = arith.constant 0 : i32
    %c0_i32_0 = arith.constant 0 : i32
    return %arg0, %c0_i32 : i32, i32
  }
  func.func @transform_2(%arg0: i32) -> (i32, i32) {
    %c0_i32 = arith.constant 0 : i32
    %c0_i32_0 = arith.constant 0 : i32
    %c0_i32_1 = arith.constant 0 : i32
    return %c0_i32, %c0_i32_0 : i32, i32
  }
  func.func @transform_3(%arg0: i32) -> (i32, i32) {
    %c0_i32 = arith.constant 0 : i32
    %c0_i32_0 = arith.constant 0 : i32
    %c0_i32_1 = arith.constant 0 : i32
    return %c0_i32, %c0_i32_0 : i32, i32
  }
  func.func @transform_4(%arg0: i32) -> (i32, i32) {
    %c0_i32 = arith.constant 0 : i32
    %c0_i32_0 = arith.constant 0 : i32
    %c0_i32_1 = arith.constant 0 : i32
    return %c0_i32, %c0_i32_0 : i32, i32
  }
  func.func @transform_5(%arg0: i32) -> (i32, i32) {
    %c0_i32 = arith.constant 0 : i32
    %c0_i32_0 = arith.constant 0 : i32
    %c0_i32_1 = arith.constant 0 : i32
    return %c0_i32, %c0_i32_0 : i32, i32
  }
  func.func @transform_6(%arg0: i32) -> (i32, i32) {
    %c0_i32 = arith.constant 0 : i32
    %c0_i32_0 = arith.constant 0 : i32
    %c0_i32_1 = arith.constant 0 : i32
    return %c0_i32, %c0_i32_0 : i32, i32
  }
  func.func @transform_7(%arg0: i32) -> (i32, i32) {
    %c0_i32 = arith.constant 0 : i32
    %c0_i32_0 = arith.constant 0 : i32
    %c0_i32_1 = arith.constant 0 : i32
    return %c0_i32, %c0_i32_0 : i32, i32
  }
  func.func @transform_8(%arg0: i32) -> (i32, i32) {
    %c0_i32 = arith.constant 0 : i32
    %c0_i32_0 = arith.constant 0 : i32
    %c0_i32_1 = arith.constant 0 : i32
    return %c0_i32, %c0_i32_0 : i32, i32
  }
}

</mosaic_0001>

<sc_bundles>
// kernel: kernel.4.cloned.1.call-start
scs
__scs_entry_jumppad:
0x0: {  	(pc) =	sbr.rel $0x88, $3  }
0x1: {  	(tag) =	ssettag $0x0;
	lr =	simm.s32 $0x1  }
0x2: {  	[smem:$0x3F99] =	sst lr;
	_ =	strace $0xD0000000  }
0x3: {  	_ = 	snop  }
0x4: {  	_ = 	snop  }
0x5: {  	_ = 	snop  }
0x6: {  	_ = 	snop  }
0x7: {  	_ = 	snop  }
__scs_overlays_trampoline_lowered:
0x8: {  	[smem:$0x3FA8] =	sst s0  }
0x9: {  	[smem:$0x3FA9] =	sst s1  }
0xa: {  	[smem:$0x3FAA] =	sst s2  }
0xb: {  	[smem:$0x3FAB] =	sst s3  }
0xc: {  	[smem:$0x3FAC] =	sst s4  }
0xd: {  	[smem:$0x3FAD] =	sst s5  }
0xe: {  	[smem:$0x3FAE] =	sst s6  }
0xf: {  	[smem:$0x3FAF] =	sst s7  }
0x10: {  	[smem:$0x3FB0] =	sst s8  }
0x11: {  	[smem:$0x3FB1] =	sst s9;
	s0 =	simm.s32 @!p0 $0x0  }
0x12: {  	s1 =	sld [smem:$0x3F97];
	s0 =	simm.s32 @p0 $0x1  }
0x13: {  	[smem:$0x3FB2] =	sst s0;
	s0 =	simm.s32 @!p1 $0x0  }
0x14: {  	s2 =	sld [smem:$0x3F96];
	s0 =	simm.s32 @p1 $0x1  }
0x15: {  	[smem:$0x3FB3] =	sst s0;
	s0 =	simm.s32 @!p2 $0x0  }
0x16: {  	s3 =	sld [smem:$0x3FDB];
	s0 =	simm.s32 @p2 $0x1  }
0x17: {  	s4 =	simm.s32 $0x1BF5;
	[smem:$0x3FB5] =	sst s0  }
0x18: {  	s0 =	sld [smem:$0x3F98];
	_ =	swait.ge [sflag:s4], $0x0  }
0x19: {  	s7 =	sld [smem:$0x3F99]  }
0x1a: {  	s8 =	sadd.s32 $0xFFFFE003, lr  }
0x1b: {  	s9 =	sadd.s32 $0xFFFFFEF7, lr;
	s5 =	simm.s32 $0xFFFFFFFF;
	p2 =	slt.u32 s8, $0xFFFFF086  }
0x1c: {  	p1 =	slt.u32 s9, $0xF7A;
	s5 =	simm.s32 @!p2 $0x0  }
0x1d: {  	s5 =	simm.s32 @p1 $0x1;
	p0 =	seq.s32 s7, s2  }
0x1e: {  	s7 =	smul.u32 @!p0 $0xF7A, s2;
	p2 =	seq.s32 @!p0 s5, $0x0  }
0x1f: {  	s9 =	smul.u32 $0xF7A, s1;
	s8 =	simm.s32 @!p0 $0x1BF5;
	p2 =	por !p2, p0  }
0x20: {  	[sflag:s8] =	ssyncset.s32 @!p0 $0xFFFFF086;
	s6 =	sadd.s32 @!p0 s3, s7;
	s7 =	simm.s32 @!p0 $0x108  }
0x21: {  	s3 =	sadd.s32 s3, s9;
	s6 =	sadd.s32 @!p0 $0x88, s6;
	s7 =	simm.s32 @p2 $0x1082  }
0x22: {  	[simem:s7], [sflag:s8] =	dma.local @!p0 [hbm:s6], $0xF7A  }
0x23: {  	s9 =	sor.u32 $0xD0000000, s2;
	s6 =	simm.s32 $0x108;
	_ =	swait.ge @!p0 [sflag:s8], $0x0  }
0x24: {  	s3 =	sadd.s32 $0x88, s3;
	s6 =	simm.s32 @!p1 $0x1082;
	[sflag:s4] =	ssyncset.s32 $0xFFFFF086  }
0x25: {  	[simem:s6], [sflag:s4] =	dma.local [hbm:s3], $0xF7A  }
0x26: {  	[smem:$0x3F99] =	sst s1;
	(tag) =	ssettag s2;
	_ =	strace s9  }
0x27: {  	s1 =	sld [smem:$0x3FA9]  }
0x28: {  	s2 =	sld [smem:$0x3FAA]  }
0x29: {  	s4 =	sld [smem:$0x3FAC]  }
0x2a: {  	p0 =	seq.s32 s5, $0x0;
	s5 =	sld [smem:$0x3FAD]  }
0x2b: {  	s6 =	sld [smem:$0x3FAE]  }
0x2c: {  	s7 =	sld [smem:$0x3FAF]  }
0x2d: {  	s3 =	simm.s32 $0x108;
	s8 =	sld [smem:$0x3FB0]  }
0x2e: {  	s3 =	simm.s32 @!p0 $0x1082;
	s9 =	sld [smem:$0x3FB1]  }
0x2f: {  	lr =	sadd.s32 s0, s3;
	s0 =	sld [smem:$0x3FA8]  }
0x30: {  	s3 =	sld [smem:$0x3FAB]  }
0x31: {  	[smem:$0x3FB4] =	sst s10  }
0x32: {  	s10 =	sld [smem:$0x3FB2];
	_ =	sdelay $0x3  }
0x33: {  	p0 =	seq.s32 s10, $0x1;
	s10 =	sld [smem:$0x3FB4];
	_ =	sdelay $0x3  }
0x34: {  	[smem:$0x3FB4] =	sst s10  }
0x35: {  	s10 =	sld [smem:$0x3FB3];
	_ =	sdelay $0x3  }
0x36: {  	p1 =	seq.s32 s10, $0x1;
	s10 =	sld [smem:$0x3FB4];
	_ =	sdelay $0x3  }
0x37: {  	[smem:$0x3FB4] =	sst s10  }
0x38: {  	s10 =	sld [smem:$0x3FB5]  }
0x39: {  	_ = 	snop;
	(pc) =	sbr.ind lr, $3  }
0x3a: {  	_ = 	snop  }
0x3b: {  	_ = 	snop  }
0x3c: {  	p2 =	seq.s32 s10, $0x1;
	s10 =	sld [smem:$0x3FB4]  }
0x3d: {  	_ =	shalt  }
0x3e: {  	_ =	shalt  }
0x3f: {  	_ =	shalt  }
0x40: {  	_ =	shalt  }
0x41: {  	_ =	shalt  }
0x42: {  	_ =	shalt  }
0x43: {  	_ =	shalt  }
0x44: {  	_ =	shalt  }
0x45: {  	_ =	shalt  }
0x46: {  	_ =	shalt  }
0x47: {  	_ =	shalt  }
0x48: {  	_ =	shalt  }
0x49: {  	_ =	shalt  }
0x4a: {  	_ =	shalt  }
0x4b: {  	_ =	shalt  }
0x4c: {  	_ =	shalt  }
0x4d: {  	_ =	shalt  }
0x4e: {  	_ =	shalt  }
0x4f: {  	_ =	shalt  }
0x50: {  	_ =	shalt  }
0x51: {  	_ =	shalt  }
0x52: {  	_ =	shalt  }
0x53: {  	_ =	shalt  }
0x54: {  	_ =	shalt  }
0x55: {  	_ =	shalt  }
0x56: {  	_ =	shalt  }
0x57: {  	_ =	shalt  }
0x58: {  	_ =	shalt  }
0x59: {  	_ =	shalt  }
0x5a: {  	_ =	shalt  }
0x5b: {  	_ =	shalt  }
0x5c: {  	_ =	shalt  }
0x5d: {  	_ =	shalt  }
0x5e: {  	_ =	shalt  }
0x5f: {  	_ =	shalt  }
0x60: {  	_ =	shalt  }
0x61: {  	_ =	shalt  }
0x62: {  	_ =	shalt  }
0x63: {  	_ =	shalt  }
0x64: {  	_ =	shalt  }
0x65: {  	_ =	shalt  }
0x66: {  	_ =	shalt  }
0x67: {  	_ =	shalt  }
0x68: {  	_ =	shalt  }
0x69: {  	_ =	shalt  }
0x6a: {  	_ =	shalt  }
0x6b: {  	_ =	shalt  }
0x6c: {  	_ =	shalt  }
0x6d: {  	_ =	shalt  }
0x6e: {  	_ =	shalt  }
0x6f: {  	_ =	shalt  }
0x70: {  	_ =	shalt  }
0x71: {  	_ =	shalt  }
0x72: {  	_ =	shalt  }
0x73: {  	_ =	shalt  }
0x74: {  	_ =	shalt  }
0x75: {  	_ =	shalt  }
0x76: {  	_ =	shalt  }
0x77: {  	_ =	shalt  }
0x78: {  	_ =	shalt  }
0x79: {  	_ =	shalt  }
0x7a: {  	_ =	shalt  }
0x7b: {  	_ =	shalt  }
0x7c: {  	_ =	shalt  }
0x7d: {  	_ =	shalt  }
0x7e: {  	_ =	shalt  }
0x7f: {  	_ =	shalt  }
0x80: {  	_ =	shalt  }
0x81: {  	_ =	shalt  }
0x82: {  	_ =	shalt  }
0x83: {  	_ =	shalt  }
0x84: {  	_ =	shalt  }
0x85: {  	_ =	shalt  }
0x86: {  	_ =	shalt  }
0x87: {  	_ =	shalt  }
.Lfunc_end0:
.L_simem_size_0:
called_computation_lowered:
.L_overlay_start_0:
0x88: {  	s2 =	sld [smem:$0x3FD9]  }
0x89: {  	s3 =	sld [smem:$0x3FFE];
	_ =	sdelay $0x1  }
0x8a: {  	s1 =	srdreg.scid  }
0x8b: {  	s0 =	sand.u32 $0x1, s1  }
0x8c: {  	s17 =	sshll.u32 s0, $0xA;
	s2 =	sadd.s32 s3, s2  }
0x8d: {  	s2 =	sadd.s32 s2, s17  }
0x8e: {  	[smem:$0x3FC0] =	sst s2  }
0x8f: {  	_ = 	snop  }
0x90: {  	s2 =	sld [smem:$0x3FD0];
	(tm) =	ssettm $0x1  }
0x91: {  	s18 =	sld [smem:$0x3FFB];
	_ =	sdelay $0x3  }
0x92: {  	_ =	strace s18  }
0x93: {  	s3 =	sld [smem:$0x3FFC];
	_ =	sdelay $0x3  }
0x94: {  	_ =	strace s3  }
0x95: {  	s3 =	sld [smem:$0x3FFD];
	_ =	sdelay $0x3  }
0x96: {  	_ =	strace s3  }
0x97: {  	_ =	strace $0x8FFFFFFF  }
0x98: {  	s19 =	sld [smem:$0x3FDB];
	_ =	sdelay $0x1  }
0x99: {  	s4 =	simm.s32 $_scs_section_size  }
0x9a: {  	s5 =	simm.s32 $_size__tile_overlayer_lowered;
	s6 =	simm.s32 $_tile_overlayer_lowered  }
0x9b: {  	s22 =	simm.s32 $0x1BFF;
	s21 =	sshll.u32 s6, $0x1;
	s3 =	sadd.s32 s4, s19  }
0x9c: {  	s7 =	simm.s32 $0x0;
	s20 =	sshll.u32 s5, $0x1;
	s5 =	sadd.s32 s21, s3  }
0x9d: {  	[timem:s7], [sflag:s22] =	dma.local [hbm:s5], s20  }
0x9e: {  	_ =	swait.ge [sflag:s22], s20  }
0x9f: {  	s4 =	ssub.s32 $0x0, s20;
	[sflag:s22] =	ssyncset.done $0x0  }
0xa0: {  	[sflag:s22] =	ssyncadd.s32 s4;
	_ =	sdelay $0x1  }
0xa1: {  	s23 =	simm.s32 $0x1B8B  }
0xa2: {  	_ =	swait.ge [sflag:s23], $0x1  }
0xa3: {  	[sflag:s23] =	ssyncset.done $0x0  }
0xa4: {  	s25 =	simm.s32 $0x1B8E;
	s24 =	sld [smem:$0x3FFE];
	[sflag:s23] =	ssyncadd.s32 $0xFFFFFFFF  }
0xa5: {  	s26 =	simm.s32 $execute0_lowered;
	[smem:$0x3FD2] =	sst s25  }
0xa6: {  	s5 =	sshll.u32 s26, $0x1;
	_ =	strace $0x80000046;
	[dreg:$0x1] =	wrdreg $0xFFFFFFFF  }
0xa7: {  	s28 =	simm.s32 $_size_execute0_lowered;
	s3 =	sadd.s32 s3, s5;
	[dreg:$0x0] =	wrdreg $0x0  }
0xa8: {  	s5 =	sshll.u32 s28, $0x1;
	[dreg:$0x2] =	wrdreg s3  }
0xa9: {  	[dreg:$0x3] =	wrdreg s5  }
0xaa: {  	[dreg:$0x4] =	wrdreg $0xC0  }
0xab: {  	_ =	task [dreg:s7], $0x5FFFF  }
0xac: {  	[dreg:$0x1] =	wrdreg $0xFFFFFFFF  }
0xad: {  	[dreg:$0x0] =	wrdreg $0x60  }
0xae: {  	[dreg:$0x2] =	wrdreg s24  }
0xaf: {  	[dreg:$0x3] =	wrdreg s2  }
0xb0: {  	[dreg:$0x4] =	wrdreg $0x9  }
0xb1: {  	_ =	task.clear_ibuf [dreg:s7], $0x5FFFF;
	_ =	strace $0x90000046  }
0xb2: {  	s29 =	simm.s32 $0x9;
	_ =	strace $0x80000048  }
0xb3: {  	_ =	swait.ge [sflag:s29], $0x1  }
0xb4: {  	[sflag:s29] =	ssyncadd.s32 $0xFFFFFFFF  }
0xb5: {  	_ =	strace $0x90000048  }
0xb6: {  	_ =	sfence  }
0xb7: {  	s30 =	sld [smem:$0x0];
	_ =	sdelay $0x2  }
0xb8: {  	s31 =	sshll.u32 s1, $0xD;
	s1 =	sshrl.u32 s1, $0x2  }
0xb9: {  	s3 =	sand.u32 $0x4000, s31;
	s1 =	sadd.s32 s1, s30  }
0xba: {  	s0 =	sor.u32 s3, s0;
	s1 =	sshll.u32 s1, $0x11  }
0xbb: {  	s0 =	sor.u32 s1, s0  }
0xbc: {  	s0 =	sadd.s32 $0x8F2B, s0  }
0xbd: {  	[sflag:s0] =	ssyncadd.remote.s32 $0x1  }
0xbe: {  	_ =	sfence.sel $0xFFFF  }
0xbf: {  	[dreg:$0x0] =	wrdreg $0xFFFFFFFF;
	(pc) =	sbr.abs _section_cstart, $3  }
0xc0: {  	[dreg:$0x1] =	wrdreg $0xFFFFFFFF  }
0xc1: {  	_ =	task.clear_ibuf [dreg:s7], $0x2FFFF;
	_ =	strace $0x9FFFFFFF  }
0xc2: {  	(tm) =	ssettm $0x7FFFFFFF  }
0xc3: {  	_ =	shalt  }
tec
execute0_lowered:
.L_overlay_start_1:
0x0: {  	(tag) =	ssettag $0x1  }
0x1: {  	s1 =	srdreg.scid;
	s7 =	rddreg [dreg:$0x0]  }
0x2: {  	s0 =	stileid.u32;
	s2 =	rddreg [dreg:$0x1];
	s3 =	simm.s32 $0x0  }
0x3: {  	s12 =	simm.s32 $0x3;
	s13 =	simm.s32 $0x2;
	s14 =	simm.s32 $0x17000  }
0x4: {  	s15 =	simm.s32 $0x1;
	s16 =	simm.s32 $0x13000;
	s17 =	simm.s32 $0x0  }
0x5: {  	s6 =	sand.u32 $0x1, s1;
	s29 =	sshll.u32 s0, $0x1;
	[smem:$0x7FF] =	sst s3  }
0x6: {  	p0 =	slt.u32 s0, $0x2;
	s31 =	sshll.u32 s0, $0x2;
	s1 =	sor.u32 s6, s29  }
0x7: {  	s30 =	ssub.s32 $0x2, s6;
	s11 =	sshll.u32 s6, $0x1;
	s4 =	smul.u32 $0x4E, s1  }
0x8: {  	s6 =	simm.s32 $0x4F;
	s8 =	smin.u32 s1, $0x4;
	s1 =	rddreg [dreg:$0x2]  }
0x9: {  	_ =	strace $0x80000047;
	s10 =	sshrl.u32 s30, $0x1;
	s4 =	sadd.s32 s8, s4  }
.Ltmp0:
0xa: {  	s6 =	simm.s32 @!p0 $0x4E;
	s5 =	sshll.u32 s4, $0x4;
	(pc) =	sbr.rel .LBB2_1-.Ltmp0, $4  }
0xb: {  	s10 =	ssub.s32 s30, s10;
	s8 =	ssub.s32 s8, s11;
	s9 =	sand.u32 $0x1FF80, s5  }
0xc: {  	s11 =	sadd.s32 s8, s31;
	s5 =	sadd.s32 $0xB800, s7;
	s9 =	sadd.s32 s9, s7  }
0xd: {  	s11 =	sand.u32 $0x7, s11;
	s7 =	sand.u32 $0x7, s4;
	s8 =	sadd.s32 $0x1400, s9  }
0xe: {  	s9 =	smax.u32 s10, $0x1;
	s10 =	sshll.u32 s11, $0x7;
	s11 =	simm.s32 $0x3000  }
.LBB2_7:
0xf: {  	[sflag:s13] =	ssyncadd.s32 $0xFFFFC000  }
.LBB2_8:
0x10: {  	s17 =	sadd.s32 $0x1, s17  }
0x11: {  	p0 =	sne.s32 s17, s9  }
.Ltmp1:
0x12: {  	_ = 	snop;
	(pc) =	sbr.rel @!p0 .LBB2_9-.Ltmp1, $1  }
0x13: {  	_ =	sdelay $0x3  }
.LBB2_1:
0x14: {  	[tilespmem:s11], [sflag:$0x3] =	stream.linear.gather [hbm4b:s5+s3], $0x10000, $0x38;
	[tilespmem:$0x1B000] =	vst v63  }
0x15: {  	_ =	swait.ge [sflag:s12], $0x10000  }
0x16: {  	[sflag:s12] =	ssyncset.done $0x0  }
0x17: {  	[sflag:s12] =	ssyncadd.s32 $0xFFFF0000  }
0x18: {  	[tilespmem:s3], [sflag:$0x3] =	stream.linear.gather [hbm4b:s8+s3], $0x3000, $0x38;
	[tilespmem:$0x1B000] =	vst v63  }
0x19: {  	_ =	swait.ge [sflag:s12], $0x3000  }
0x1a: {  	s24 =	simm.s32 $0xFFFFFFFF;
	s18 =	simm.s32 $0x0;
	[sflag:s12] =	ssyncset.done $0x0  }
0x1b: {  	s23 =	simm.s32 $0x0;
	s19 =	simm.s32 $0x0;
	[sflag:s12] =	ssyncadd.s32 $0xFFFFD000  }
.LBB2_23:
0x1c: {  	s20 =	sshll.u32 s19, $0x9  }
0x1d: {  	s21 =	sshra.s32 s20, $0x2  }
0x1e: {  	p0 =	slt.s32 s18, $0x1;
	s20 =	smov.u32 s24;
	s21 =	sadd.s32 s21, s10  }
.LBB2_10:
0x1f: {  	s22 =	sadd.s32 s7, s19  }
0x20: {  	s22 =	sshll.u32 s22, $0x9  }
0x21: {  	s22 =	sshra.s32 s22, $0x2  }
0x22: {  	v0 =	vld [tilespmem:s22+$0x0]  }
0x23: {  	v1 =	vld [tilespmem:s22+$0x70];
	_ =	sdelay $0x3  }
0x24: {  	(v2sf) =	vpush v0, $0x0  }
0x25: {  	(v2sf) =	vpush v1, $0xF;
	_ =	sdelay $0xd  }
0x26: {  	s24 =	spop (v2sf)  }
0x27: {  	s25 =	spop (v2sf);
	p1 =	seq.s32 s24, s20  }
0x28: {  	p2 =	sne.s32 @!p1 s24, s25  }
0x29: {  	p1 =	por p1, p2  }
.Ltmp2:
0x2a: {  	_ = 	snop;
	(pc) =	sbr.rel @p1 .LBB2_18-.Ltmp2, $1  }
0x2b: {  	_ =	sdelay $0x3  }
.Ltmp3:
0x2c: {  	(pc) =	sbr.rel @p0 .LBB2_15-.Ltmp3, $1  }
0x2d: {  	_ =	sdelay $0x3  }
0x2e: {  	p1 =	sne.s32 s18, $0x1  }
.Ltmp4:
0x2f: {  	_ = 	snop;
	(pc) =	sbr.rel @!p1 .LBB2_14-.Ltmp4, $3  }
0x30: {  	_ =	sdelay $0x1  }
0x31: {  	_ =	swait.ge [sflag:s13], $0x4000  }
0x32: {  	s26 =	sadd.s32 $0xFFFFFFFF, s18;
	[sflag:s13] =	ssyncset.done $0x0  }
.LBB2_13:
0x33: {  	p1 =	sne.s32 s26, $0x1;
	s26 =	sadd.s32 $0xFFFFFFFF, s26;
	[sflag:s13] =	ssyncadd.s32 $0xFFFFC000  }
.Ltmp5:
0x34: {  	(pc) =	sbr.rel @p1 .LBB2_13-.Ltmp5, $3  }
0x35: {  	_ =	sdelay $0x1  }
0x36: {  	_ =	swait.ge [sflag:s13], $0x4000  }
0x37: {  	[sflag:s13] =	ssyncset.done $0x0  }
.LBB2_14:
0x38: {  	[sflag:s13] =	ssyncadd.s32 $0xFFFFC000  }
.LBB2_15:
0x39: {  	s26 =	sshll.u32 s24, $0x9  }
0x3a: {  	s26 =	sshra.s32 s26, $0x2  }
0x3b: {  	v0 =	vld [tilespmem:s26+$0x3000]  }
0x3c: {  	v1 =	vld [tilespmem:s26+$0x3010]  }
0x3d: {  	v2 =	vld [tilespmem:s26+$0x3020]  }
0x3e: {  	v7 =	vld [tilespmem:s26+$0x3070]  }
0x3f: {  	v3 =	vld [tilespmem:s26+$0x3030]  }
0x40: {  	v4 =	vld [tilespmem:s26+$0x3040]  }
0x41: {  	v5 =	vld [tilespmem:s26+$0x3050]  }
0x42: {  	s28 =	simm.s32 $0x200;
	v6 =	vld [tilespmem:s26+$0x3060];
	s26 =	simm.s32 $0x0  }
.LBB2_16:
0x43: {  	p1 =	sne.s32 s28, $0xFE00;
	[tilespmem:s26+$0x17070] =	vst v7  }
0x44: {  	[tilespmem:s26+$0x17000] =	vst v0  }
0x45: {  	[tilespmem:s26+$0x17010] =	vst v1  }
.Ltmp6:
0x46: {  	[tilespmem:s26+$0x17020] =	vst v2;
	(pc) =	sbr.rel @p1 .LBB2_16-.Ltmp6, $4  }
0x47: {  	[tilespmem:s26+$0x17030] =	vst v3  }
0x48: {  	[tilespmem:s26+$0x17040] =	vst v4  }
0x49: {  	[tilespmem:s26+$0x17050] =	vst v5  }
0x4a: {  	[tilespmem:s26+$0x17060] =	vst v6;
	s26 =	sshra.s32 s28, $0x2;
	s28 =	sadd.s32 $0x200, s28  }
0x4b: {  	[tilespmem:s26+$0x17070] =	vst v7  }
0x4c: {  	[tilespmem:s26+$0x17000] =	vst v0  }
0x4d: {  	[tilespmem:s26+$0x17010] =	vst v1  }
0x4e: {  	[tilespmem:s26+$0x17020] =	vst v2  }
0x4f: {  	[tilespmem:s26+$0x17030] =	vst v3  }
0x50: {  	[tilespmem:s26+$0x17040] =	vst v4  }
0x51: {  	[tilespmem:s26+$0x17050] =	vst v5  }
0x52: {  	[tilespmem:s26+$0x17060] =	vst v6  }
.LBB2_18:
0x53: {  	p1 =	seq.s32 s24, s25  }
.Ltmp7:
0x54: {  	_ = 	snop;
	(pc) =	sbr.rel @p1 .LBB2_22-.Ltmp7, $1  }
0x55: {  	_ =	sdelay $0x3  }
0x56: {  	p1 =	seq.s32 s23, $0x0;
	v0 =	vmov s21  }
0x57: {  	s23 =	simm.s32 @!p1 $0x1  }
0x58: {  	_ =	swait.ge @!p1 [sflag:s23], $0x4000  }
0x59: {  	[sflag:s23] =	ssyncset.done @!p1 $0x0  }
0x5a: {  	s30 =	simm.s32 $0x0;
	[sflag:s23] =	ssyncadd.s32 @!p1 $0xFFFFC000  }
0x5b: {  	v1 =	vld.idx.msk [tilespmem:v0+s30+$0x0 ss:$0x1], $0xffff;
	_ =	sdelay $0x4  }
0x5c: {  	(v2sf) =	vpush v1, $0x0;
	_ =	sdelay $0xe  }
0x5d: {  	s31 =	spop (v2sf)  }
0x5e: {  	s23 =	sshll.u32 s31, $0x9  }
0x5f: {  	s24 =	sshra.s32 s23, $0x2  }
0x60: {  	v1 =	vld [tilespmem:s24+$0x3000];
	_ =	sdelay $0x3  }
0x61: {  	s23 =	simm.s32 $0x13040  }
0x62: {  	[tilespmem:s23+$0xFFFFFFC0] =	vst v1  }
0x63: {  	v1 =	vld [tilespmem:s24+$0x3010];
	_ =	sdelay $0x4  }
0x64: {  	[tilespmem:s23+$0xFFFFFFD0] =	vst v1  }
0x65: {  	v1 =	vld [tilespmem:s24+$0x3020];
	_ =	sdelay $0x4  }
0x66: {  	[tilespmem:s23+$0xFFFFFFE0] =	vst v1  }
0x67: {  	v1 =	vld [tilespmem:s24+$0x3030];
	_ =	sdelay $0x4  }
0x68: {  	[tilespmem:s23+$0xFFFFFFF0] =	vst v1  }
0x69: {  	v1 =	vld [tilespmem:s24+$0x3040];
	_ =	sdelay $0x4  }
0x6a: {  	[tilespmem:s23+$0x0] =	vst v1  }
0x6b: {  	v1 =	vld [tilespmem:s24+$0x3050];
	_ =	sdelay $0x4  }
0x6c: {  	[tilespmem:s23+$0x10] =	vst v1  }
0x6d: {  	v1 =	vld [tilespmem:s24+$0x3060];
	_ =	sdelay $0x4  }
0x6e: {  	[tilespmem:s23+$0x20] =	vst v1  }
0x6f: {  	v1 =	vld [tilespmem:s24+$0x3070];
	_ =	sdelay $0x4  }
0x70: {  	s25 =	simm.s32 $0x1;
	s24 =	simm.s32 $0x8;
	[tilespmem:s23+$0x30] =	vst v1  }
.LBB2_20:
0x71: {  	p1 =	seq.s32 s24, $0x1C0;
	v1 =	vld.idx.msk [tilespmem:v0+s25+$0x0 ss:$0x1], $0xffff;
	_ =	sdelay $0x5  }
0x72: {  	(v2sf) =	vpush v1, $0x0;
	_ =	sdelay $0xe  }
0x73: {  	s25 =	spop (v2sf)  }
0x74: {  	s25 =	sshll.u32 s25, $0x9  }
0x75: {  	s25 =	sshra.s32 s25, $0x2  }
0x76: {  	v1 =	vld [tilespmem:s25+$0x3000];
	_ =	sdelay $0x3  }
0x77: {  	s23 =	sadd.s32 $0x80, s23  }
0x78: {  	[tilespmem:s23+$0xFFFFFFC0] =	vst v1  }
0x79: {  	v1 =	vld [tilespmem:s25+$0x3010];
	_ =	sdelay $0x4  }
0x7a: {  	[tilespmem:s23+$0xFFFFFFD0] =	vst v1  }
0x7b: {  	v1 =	vld [tilespmem:s25+$0x3020];
	_ =	sdelay $0x4  }
0x7c: {  	[tilespmem:s23+$0xFFFFFFE0] =	vst v1  }
0x7d: {  	v1 =	vld [tilespmem:s25+$0x3030];
	_ =	sdelay $0x4  }
0x7e: {  	[tilespmem:s23+$0xFFFFFFF0] =	vst v1  }
0x7f: {  	v1 =	vld [tilespmem:s25+$0x3040];
	_ =	sdelay $0x4  }
0x80: {  	[tilespmem:s23+$0x0] =	vst v1  }
0x81: {  	v1 =	vld [tilespmem:s25+$0x3050];
	_ =	sdelay $0x4  }
0x82: {  	[tilespmem:s23+$0x10] =	vst v1  }
0x83: {  	v1 =	vld [tilespmem:s25+$0x3060];
	_ =	sdelay $0x4  }
0x84: {  	[tilespmem:s23+$0x20] =	vst v1  }
0x85: {  	v1 =	vld [tilespmem:s25+$0x3070]  }
.Ltmp8:
0x86: {  	(pc) =	sbr.rel @!p1 .LBB2_20-.Ltmp8, $2  }
0x87: {  	_ =	sdelay $0x2  }
0x88: {  	s25 =	sshra.s32 s24, $0x2;
	s24 =	sadd.s32 $0x4, s24;
	[tilespmem:s23+$0x30] =	vst v1  }
0x89: {  	_ =	sdelay $0x3  }
0x8a: {  	v0 =	vld.idx.msk [tilespmem:v0+s25+$0x0 ss:$0x1], $0xffff;
	_ =	sdelay $0x4  }
0x8b: {  	(v2sf) =	vpush v0, $0x0;
	_ =	sdelay $0xe  }
0x8c: {  	s24 =	spop (v2sf)  }
0x8d: {  	s24 =	sshll.u32 s24, $0x9  }
0x8e: {  	s24 =	sshra.s32 s24, $0x2  }
0x8f: {  	v62 =	vld [tilespmem:s24+$0x3000];
	_ =	sdelay $0x3  }
0x90: {  	s23 =	sadd.s32 $0x80, s23  }
0x91: {  	[tilespmem:s23+$0xFFFFFFC0] =	vst v62  }
0x92: {  	v0 =	vld [tilespmem:s24+$0x3010];
	_ =	sdelay $0x4  }
0x93: {  	[tilespmem:s23+$0xFFFFFFD0] =	vst v0  }
0x94: {  	v0 =	vld [tilespmem:s24+$0x3020];
	_ =	sdelay $0x4  }
0x95: {  	[tilespmem:s23+$0xFFFFFFE0] =	vst v0  }
0x96: {  	v0 =	vld [tilespmem:s24+$0x3030];
	_ =	sdelay $0x4  }
0x97: {  	[tilespmem:s23+$0xFFFFFFF0] =	vst v0  }
0x98: {  	v0 =	vld [tilespmem:s24+$0x3040];
	_ =	sdelay $0x4  }
0x99: {  	[tilespmem:s23+$0x0] =	vst v0  }
0x9a: {  	v0 =	vld [tilespmem:s24+$0x3050];
	_ =	sdelay $0x4  }
0x9b: {  	[tilespmem:s23+$0x10] =	vst v0  }
0x9c: {  	v0 =	vld [tilespmem:s24+$0x3060];
	_ =	sdelay $0x4  }
0x9d: {  	[tilespmem:s23+$0x20] =	vst v0  }
0x9e: {  	v0 =	vld [tilespmem:s24+$0x3070];
	_ =	sdelay $0x4  }
0x9f: {  	[tilespmem:s23+$0x30] =	vst v0  }
0xa0: {  	v0 =	vld [tilespmem:s22+$0x70];
	_ =	sdelay $0x4  }
0xa1: {  	v0 =	vshll.u32 v0, $0x9  }
0xa2: {  	v0 =	vshra.s32 v0, $0x2  }
0xa3: {  	(v2sf) =	vpush v0, $0x1;
	_ =	sdelay $0xe  }
0xa4: {  	s23 =	spop (v2sf)  }
0xa5: {  	v1 =	vld [tilespmem:s23+$0x3000];
	_ =	sdelay $0x4  }
0xa6: {  	[tilespmem:$0x16880] =	vst v1  }
0xa7: {  	v1 =	vld [tilespmem:s23+$0x3010];
	_ =	sdelay $0x4  }
0xa8: {  	[tilespmem:$0x16890] =	vst v1  }
0xa9: {  	v1 =	vld [tilespmem:s23+$0x3020];
	_ =	sdelay $0x4  }
0xaa: {  	[tilespmem:$0x168A0] =	vst v1  }
0xab: {  	v1 =	vld [tilespmem:s23+$0x3030];
	_ =	sdelay $0x4  }
0xac: {  	[tilespmem:$0x168B0] =	vst v1  }
0xad: {  	v1 =	vld [tilespmem:s23+$0x3040];
	_ =	sdelay $0x4  }
0xae: {  	[tilespmem:$0x168C0] =	vst v1  }
0xaf: {  	v1 =	vld [tilespmem:s23+$0x3050];
	_ =	sdelay $0x1  }
0xb0: {  	(v2sf) =	vpush v0, $0x2;
	_ =	sdelay $0x2  }
0xb1: {  	[tilespmem:$0x168D0] =	vst v1  }
0xb2: {  	v1 =	vld [tilespmem:s23+$0x3060];
	_ =	sdelay $0x4  }
0xb3: {  	[tilespmem:$0x168E0] =	vst v1  }
0xb4: {  	v1 =	vld [tilespmem:s23+$0x3070];
	_ =	sdelay $0x4  }
0xb5: {  	s24 =	spop (v2sf);
	[tilespmem:$0x168F0] =	vst v1  }
0xb6: {  	v1 =	vld [tilespmem:s24+$0x3000];
	_ =	sdelay $0x4  }
0xb7: {  	[tilespmem:$0x16900] =	vst v1  }
0xb8: {  	v1 =	vld [tilespmem:s24+$0x3010];
	_ =	sdelay $0x4  }
0xb9: {  	[tilespmem:$0x16910] =	vst v1  }
0xba: {  	v1 =	vld [tilespmem:s24+$0x3020];
	_ =	sdelay $0x4  }
0xbb: {  	[tilespmem:$0x16920] =	vst v1  }
0xbc: {  	v1 =	vld [tilespmem:s24+$0x3030];
	_ =	sdelay $0x4  }
0xbd: {  	[tilespmem:$0x16930] =	vst v1  }
0xbe: {  	v1 =	vld [tilespmem:s24+$0x3040];
	_ =	sdelay $0x4  }
0xbf: {  	[tilespmem:$0x16940] =	vst v1  }
0xc0: {  	v1 =	vld [tilespmem:s24+$0x3050];
	_ =	sdelay $0x1  }
0xc1: {  	(v2sf) =	vpush v0, $0x3;
	_ =	sdelay $0x2  }
0xc2: {  	[tilespmem:$0x16950] =	vst v1  }
0xc3: {  	v1 =	vld [tilespmem:s24+$0x3060];
	_ =	sdelay $0x4  }
0xc4: {  	[tilespmem:$0x16960] =	vst v1  }
0xc5: {  	v1 =	vld [tilespmem:s24+$0x3070];
	_ =	sdelay $0x4  }
0xc6: {  	s25 =	spop (v2sf);
	[tilespmem:$0x16970] =	vst v1  }
0xc7: {  	v1 =	vld [tilespmem:s25+$0x3000];
	_ =	sdelay $0x4  }
0xc8: {  	[tilespmem:$0x16980] =	vst v1  }
0xc9: {  	v1 =	vld [tilespmem:s25+$0x3010];
	_ =	sdelay $0x4  }
0xca: {  	[tilespmem:$0x16990] =	vst v1  }
0xcb: {  	v1 =	vld [tilespmem:s25+$0x3020];
	_ =	sdelay $0x4  }
0xcc: {  	[tilespmem:$0x169A0] =	vst v1  }
0xcd: {  	v1 =	vld [tilespmem:s25+$0x3030];
	_ =	sdelay $0x4  }
0xce: {  	[tilespmem:$0x169B0] =	vst v1  }
0xcf: {  	v1 =	vld [tilespmem:s25+$0x3040];
	_ =	sdelay $0x4  }
0xd0: {  	[tilespmem:$0x169C0] =	vst v1  }
0xd1: {  	v1 =	vld [tilespmem:s25+$0x3050];
	_ =	sdelay $0x1  }
0xd2: {  	(v2sf) =	vpush v0, $0x4;
	_ =	sdelay $0x2  }
0xd3: {  	[tilespmem:$0x169D0] =	vst v1  }
0xd4: {  	v1 =	vld [tilespmem:s25+$0x3060];
	_ =	sdelay $0x4  }
0xd5: {  	[tilespmem:$0x169E0] =	vst v1  }
0xd6: {  	v1 =	vld [tilespmem:s25+$0x3070];
	_ =	sdelay $0x4  }
0xd7: {  	s26 =	spop (v2sf);
	[tilespmem:$0x169F0] =	vst v1  }
0xd8: {  	v1 =	vld [tilespmem:s26+$0x3000];
	_ =	sdelay $0x4  }
0xd9: {  	[tilespmem:$0x16A00] =	vst v1  }
0xda: {  	v1 =	vld [tilespmem:s26+$0x3010];
	_ =	sdelay $0x4  }
0xdb: {  	[tilespmem:$0x16A10] =	vst v1  }
0xdc: {  	v1 =	vld [tilespmem:s26+$0x3020];
	_ =	sdelay $0x4  }
0xdd: {  	[tilespmem:$0x16A20] =	vst v1  }
0xde: {  	v1 =	vld [tilespmem:s26+$0x3030];
	_ =	sdelay $0x4  }
0xdf: {  	[tilespmem:$0x16A30] =	vst v1  }
0xe0: {  	v1 =	vld [tilespmem:s26+$0x3040];
	_ =	sdelay $0x4  }
0xe1: {  	[tilespmem:$0x16A40] =	vst v1  }
0xe2: {  	v1 =	vld [tilespmem:s26+$0x3050];
	_ =	sdelay $0x1  }
0xe3: {  	(v2sf) =	vpush v0, $0x5;
	_ =	sdelay $0x2  }
0xe4: {  	[tilespmem:$0x16A50] =	vst v1  }
0xe5: {  	v1 =	vld [tilespmem:s26+$0x3060];
	_ =	sdelay $0x4  }
0xe6: {  	[tilespmem:$0x16A60] =	vst v1  }
0xe7: {  	v1 =	vld [tilespmem:s26+$0x3070];
	_ =	sdelay $0x4  }
0xe8: {  	s28 =	spop (v2sf);
	[tilespmem:$0x16A70] =	vst v1  }
0xe9: {  	v1 =	vld [tilespmem:s28+$0x3000];
	_ =	sdelay $0x4  }
0xea: {  	[tilespmem:$0x16A80] =	vst v1  }
0xeb: {  	v1 =	vld [tilespmem:s28+$0x3010];
	_ =	sdelay $0x4  }
0xec: {  	[tilespmem:$0x16A90] =	vst v1  }
0xed: {  	v1 =	vld [tilespmem:s28+$0x3020];
	_ =	sdelay $0x4  }
0xee: {  	[tilespmem:$0x16AA0] =	vst v1  }
0xef: {  	v1 =	vld [tilespmem:s28+$0x3030];
	_ =	sdelay $0x4  }
0xf0: {  	[tilespmem:$0x16AB0] =	vst v1  }
0xf1: {  	v1 =	vld [tilespmem:s28+$0x3040];
	_ =	sdelay $0x4  }
0xf2: {  	[tilespmem:$0x16AC0] =	vst v1  }
0xf3: {  	v1 =	vld [tilespmem:s28+$0x3050];
	_ =	sdelay $0x1  }
0xf4: {  	(v2sf) =	vpush v0, $0x6;
	_ =	sdelay $0x2  }
0xf5: {  	[tilespmem:$0x16AD0] =	vst v1  }
0xf6: {  	v1 =	vld [tilespmem:s28+$0x3060];
	_ =	sdelay $0x4  }
0xf7: {  	[tilespmem:$0x16AE0] =	vst v1  }
0xf8: {  	v1 =	vld [tilespmem:s28+$0x3070];
	_ =	sdelay $0x4  }
0xf9: {  	s29 =	spop (v2sf);
	[tilespmem:$0x16AF0] =	vst v1  }
0xfa: {  	v1 =	vld [tilespmem:s29+$0x3000];
	_ =	sdelay $0x4  }
0xfb: {  	[tilespmem:$0x16B00] =	vst v1  }
0xfc: {  	v1 =	vld [tilespmem:s29+$0x3010];
	_ =	sdelay $0x4  }
0xfd: {  	[tilespmem:$0x16B10] =	vst v1  }
0xfe: {  	v1 =	vld [tilespmem:s29+$0x3020];
	_ =	sdelay $0x4  }
0xff: {  	[tilespmem:$0x16B20] =	vst v1  }
0x100: {  	v1 =	vld [tilespmem:s29+$0x3030];
	_ =	sdelay $0x4  }
0x101: {  	[tilespmem:$0x16B30] =	vst v1  }
0x102: {  	v1 =	vld [tilespmem:s29+$0x3040];
	_ =	sdelay $0x4  }
0x103: {  	[tilespmem:$0x16B40] =	vst v1  }
0x104: {  	v1 =	vld [tilespmem:s29+$0x3050];
	_ =	sdelay $0x1  }
0x105: {  	(v2sf) =	vpush v0, $0x7;
	_ =	sdelay $0x2  }
0x106: {  	[tilespmem:$0x16B50] =	vst v1  }
0x107: {  	v1 =	vld [tilespmem:s29+$0x3060];
	_ =	sdelay $0x4  }
0x108: {  	[tilespmem:$0x16B60] =	vst v1  }
0x109: {  	v1 =	vld [tilespmem:s29+$0x3070];
	_ =	sdelay $0x4  }
0x10a: {  	s30 =	spop (v2sf);
	[tilespmem:$0x16B70] =	vst v1  }
0x10b: {  	v1 =	vld [tilespmem:s30+$0x3000];
	_ =	sdelay $0x4  }
0x10c: {  	[tilespmem:$0x16B80] =	vst v1  }
0x10d: {  	v1 =	vld [tilespmem:s30+$0x3010];
	_ =	sdelay $0x4  }
0x10e: {  	[tilespmem:$0x16B90] =	vst v1  }
0x10f: {  	v1 =	vld [tilespmem:s30+$0x3020];
	_ =	sdelay $0x4  }
0x110: {  	[tilespmem:$0x16BA0] =	vst v1  }
0x111: {  	v1 =	vld [tilespmem:s30+$0x3030];
	_ =	sdelay $0x4  }
0x112: {  	[tilespmem:$0x16BB0] =	vst v1  }
0x113: {  	v1 =	vld [tilespmem:s30+$0x3040];
	_ =	sdelay $0x4  }
0x114: {  	[tilespmem:$0x16BC0] =	vst v1  }
0x115: {  	v1 =	vld [tilespmem:s30+$0x3050];
	_ =	sdelay $0x1  }
0x116: {  	(v2sf) =	vpush v0, $0x8;
	_ =	sdelay $0x2  }
0x117: {  	[tilespmem:$0x16BD0] =	vst v1  }
0x118: {  	v1 =	vld [tilespmem:s30+$0x3060];
	_ =	sdelay $0x4  }
0x119: {  	[tilespmem:$0x16BE0] =	vst v1  }
0x11a: {  	v1 =	vld [tilespmem:s30+$0x3070];
	_ =	sdelay $0x4  }
0x11b: {  	s31 =	spop (v2sf);
	[tilespmem:$0x16BF0] =	vst v1  }
0x11c: {  	v1 =	vld [tilespmem:s31+$0x3000];
	_ =	sdelay $0x4  }
0x11d: {  	[tilespmem:$0x16C00] =	vst v1  }
0x11e: {  	v1 =	vld [tilespmem:s31+$0x3010];
	_ =	sdelay $0x4  }
0x11f: {  	[tilespmem:$0x16C10] =	vst v1  }
0x120: {  	v1 =	vld [tilespmem:s31+$0x3020];
	_ =	sdelay $0x4  }
0x121: {  	[tilespmem:$0x16C20] =	vst v1  }
0x122: {  	v1 =	vld [tilespmem:s31+$0x3030];
	_ =	sdelay $0x4  }
0x123: {  	[tilespmem:$0x16C30] =	vst v1  }
0x124: {  	v1 =	vld [tilespmem:s31+$0x3040];
	_ =	sdelay $0x4  }
0x125: {  	[tilespmem:$0x16C40] =	vst v1  }
0x126: {  	v1 =	vld [tilespmem:s31+$0x3050];
	_ =	sdelay $0x1  }
0x127: {  	(v2sf) =	vpush v0, $0x9;
	_ =	sdelay $0x2  }
0x128: {  	[tilespmem:$0x16C50] =	vst v1  }
0x129: {  	v1 =	vld [tilespmem:s31+$0x3060];
	_ =	sdelay $0x4  }
0x12a: {  	[tilespmem:$0x16C60] =	vst v1  }
0x12b: {  	v1 =	vld [tilespmem:s31+$0x3070];
	_ =	sdelay $0x4  }
0x12c: {  	s23 =	spop (v2sf);
	[tilespmem:$0x16C70] =	vst v1  }
0x12d: {  	v1 =	vld [tilespmem:s23+$0x3000];
	_ =	sdelay $0x4  }
0x12e: {  	[tilespmem:$0x16C80] =	vst v1  }
0x12f: {  	v1 =	vld [tilespmem:s23+$0x3010];
	_ =	sdelay $0x4  }
0x130: {  	[tilespmem:$0x16C90] =	vst v1  }
0x131: {  	v1 =	vld [tilespmem:s23+$0x3020];
	_ =	sdelay $0x4  }
0x132: {  	[tilespmem:$0x16CA0] =	vst v1  }
0x133: {  	v1 =	vld [tilespmem:s23+$0x3030];
	_ =	sdelay $0x4  }
0x134: {  	[tilespmem:$0x16CB0] =	vst v1  }
0x135: {  	v1 =	vld [tilespmem:s23+$0x3040];
	_ =	sdelay $0x4  }
0x136: {  	[tilespmem:$0x16CC0] =	vst v1  }
0x137: {  	v1 =	vld [tilespmem:s23+$0x3050];
	_ =	sdelay $0x1  }
0x138: {  	(v2sf) =	vpush v0, $0xA;
	_ =	sdelay $0x2  }
0x139: {  	[tilespmem:$0x16CD0] =	vst v1  }
0x13a: {  	v1 =	vld [tilespmem:s23+$0x3060];
	_ =	sdelay $0x4  }
0x13b: {  	[tilespmem:$0x16CE0] =	vst v1  }
0x13c: {  	v1 =	vld [tilespmem:s23+$0x3070];
	_ =	sdelay $0x4  }
0x13d: {  	s24 =	spop (v2sf);
	[tilespmem:$0x16CF0] =	vst v1  }
0x13e: {  	v1 =	vld [tilespmem:s24+$0x3000];
	_ =	sdelay $0x4  }
0x13f: {  	[tilespmem:$0x16D00] =	vst v1  }
0x140: {  	v1 =	vld [tilespmem:s24+$0x3010];
	_ =	sdelay $0x4  }
0x141: {  	[tilespmem:$0x16D10] =	vst v1  }
0x142: {  	v1 =	vld [tilespmem:s24+$0x3020];
	_ =	sdelay $0x4  }
0x143: {  	[tilespmem:$0x16D20] =	vst v1  }
0x144: {  	v1 =	vld [tilespmem:s24+$0x3030];
	_ =	sdelay $0x4  }
0x145: {  	[tilespmem:$0x16D30] =	vst v1  }
0x146: {  	v1 =	vld [tilespmem:s24+$0x3040];
	_ =	sdelay $0x4  }
0x147: {  	[tilespmem:$0x16D40] =	vst v1  }
0x148: {  	v1 =	vld [tilespmem:s24+$0x3050];
	_ =	sdelay $0x1  }
0x149: {  	(v2sf) =	vpush v0, $0xB;
	_ =	sdelay $0x2  }
0x14a: {  	[tilespmem:$0x16D50] =	vst v1  }
0x14b: {  	v1 =	vld [tilespmem:s24+$0x3060];
	_ =	sdelay $0x4  }
0x14c: {  	[tilespmem:$0x16D60] =	vst v1  }
0x14d: {  	v1 =	vld [tilespmem:s24+$0x3070];
	_ =	sdelay $0x4  }
0x14e: {  	s25 =	spop (v2sf);
	[tilespmem:$0x16D70] =	vst v1  }
0x14f: {  	v1 =	vld [tilespmem:s25+$0x3000];
	_ =	sdelay $0x4  }
0x150: {  	[tilespmem:$0x16D80] =	vst v1  }
0x151: {  	v1 =	vld [tilespmem:s25+$0x3010];
	_ =	sdelay $0x4  }
0x152: {  	[tilespmem:$0x16D90] =	vst v1  }
0x153: {  	v1 =	vld [tilespmem:s25+$0x3020];
	_ =	sdelay $0x4  }
0x154: {  	[tilespmem:$0x16DA0] =	vst v1  }
0x155: {  	v1 =	vld [tilespmem:s25+$0x3030];
	_ =	sdelay $0x4  }
0x156: {  	[tilespmem:$0x16DB0] =	vst v1  }
0x157: {  	v1 =	vld [tilespmem:s25+$0x3040];
	_ =	sdelay $0x4  }
0x158: {  	[tilespmem:$0x16DC0] =	vst v1  }
0x159: {  	v1 =	vld [tilespmem:s25+$0x3050];
	_ =	sdelay $0x1  }
0x15a: {  	(v2sf) =	vpush v0, $0xC;
	_ =	sdelay $0x2  }
0x15b: {  	[tilespmem:$0x16DD0] =	vst v1  }
0x15c: {  	v1 =	vld [tilespmem:s25+$0x3060];
	_ =	sdelay $0x4  }
0x15d: {  	[tilespmem:$0x16DE0] =	vst v1  }
0x15e: {  	v1 =	vld [tilespmem:s25+$0x3070];
	_ =	sdelay $0x4  }
0x15f: {  	s26 =	spop (v2sf);
	[tilespmem:$0x16DF0] =	vst v1  }
0x160: {  	v1 =	vld [tilespmem:s26+$0x3000];
	_ =	sdelay $0x4  }
0x161: {  	[tilespmem:$0x16E00] =	vst v1  }
0x162: {  	v1 =	vld [tilespmem:s26+$0x3010];
	_ =	sdelay $0x4  }
0x163: {  	[tilespmem:$0x16E10] =	vst v1  }
0x164: {  	v1 =	vld [tilespmem:s26+$0x3020];
	_ =	sdelay $0x4  }
0x165: {  	[tilespmem:$0x16E20] =	vst v1  }
0x166: {  	v1 =	vld [tilespmem:s26+$0x3030];
	_ =	sdelay $0x4  }
0x167: {  	[tilespmem:$0x16E30] =	vst v1  }
0x168: {  	v1 =	vld [tilespmem:s26+$0x3040];
	_ =	sdelay $0x4  }
0x169: {  	[tilespmem:$0x16E40] =	vst v1  }
0x16a: {  	v1 =	vld [tilespmem:s26+$0x3050];
	_ =	sdelay $0x1  }
0x16b: {  	(v2sf) =	vpush v0, $0xD;
	_ =	sdelay $0x2  }
0x16c: {  	[tilespmem:$0x16E50] =	vst v1  }
0x16d: {  	v1 =	vld [tilespmem:s26+$0x3060];
	_ =	sdelay $0x4  }
0x16e: {  	[tilespmem:$0x16E60] =	vst v1  }
0x16f: {  	v1 =	vld [tilespmem:s26+$0x3070];
	_ =	sdelay $0x4  }
0x170: {  	s28 =	spop (v2sf);
	[tilespmem:$0x16E70] =	vst v1  }
0x171: {  	v1 =	vld [tilespmem:s28+$0x3000];
	_ =	sdelay $0x4  }
0x172: {  	[tilespmem:$0x16E80] =	vst v1  }
0x173: {  	v1 =	vld [tilespmem:s28+$0x3010];
	_ =	sdelay $0x4  }
0x174: {  	[tilespmem:$0x16E90] =	vst v1  }
0x175: {  	v1 =	vld [tilespmem:s28+$0x3020];
	_ =	sdelay $0x4  }
0x176: {  	[tilespmem:$0x16EA0] =	vst v1  }
0x177: {  	v1 =	vld [tilespmem:s28+$0x3030];
	_ =	sdelay $0x4  }
0x178: {  	[tilespmem:$0x16EB0] =	vst v1  }
0x179: {  	v1 =	vld [tilespmem:s28+$0x3040];
	_ =	sdelay $0x4  }
0x17a: {  	[tilespmem:$0x16EC0] =	vst v1  }
0x17b: {  	v1 =	vld [tilespmem:s28+$0x3050];
	_ =	sdelay $0x1  }
0x17c: {  	(v2sf) =	vpush v0, $0xE;
	_ =	sdelay $0x2  }
0x17d: {  	[tilespmem:$0x16ED0] =	vst v1  }
0x17e: {  	v1 =	vld [tilespmem:s28+$0x3060];
	_ =	sdelay $0x4  }
0x17f: {  	[tilespmem:$0x16EE0] =	vst v1  }
0x180: {  	v1 =	vld [tilespmem:s28+$0x3070];
	_ =	sdelay $0x4  }
0x181: {  	s29 =	spop (v2sf);
	[tilespmem:$0x16EF0] =	vst v1  }
0x182: {  	v1 =	vld [tilespmem:s29+$0x3000];
	_ =	sdelay $0x4  }
0x183: {  	[tilespmem:$0x16F00] =	vst v1  }
0x184: {  	v1 =	vld [tilespmem:s29+$0x3010];
	_ =	sdelay $0x4  }
0x185: {  	[tilespmem:$0x16F10] =	vst v1  }
0x186: {  	v1 =	vld [tilespmem:s29+$0x3020];
	_ =	sdelay $0x4  }
0x187: {  	[tilespmem:$0x16F20] =	vst v1  }
0x188: {  	v1 =	vld [tilespmem:s29+$0x3030];
	_ =	sdelay $0x4  }
0x189: {  	[tilespmem:$0x16F30] =	vst v1  }
0x18a: {  	v1 =	vld [tilespmem:s29+$0x3040];
	_ =	sdelay $0x4  }
0x18b: {  	[tilespmem:$0x16F40] =	vst v1  }
0x18c: {  	v1 =	vld [tilespmem:s29+$0x3050];
	_ =	sdelay $0x1  }
0x18d: {  	(v2sf) =	vpush v0, $0xF;
	_ =	sdelay $0x2  }
0x18e: {  	[tilespmem:$0x16F50] =	vst v1  }
0x18f: {  	v63 =	vld [tilespmem:s29+$0x3060];
	_ =	sdelay $0x4  }
0x190: {  	[tilespmem:$0x16F60] =	vst v63  }
0x191: {  	v0 =	vld [tilespmem:s29+$0x3070];
	_ =	sdelay $0x4  }
0x192: {  	s30 =	spop (v2sf);
	[tilespmem:$0x16F70] =	vst v0  }
0x193: {  	v0 =	vld [tilespmem:s30+$0x3000];
	_ =	sdelay $0x4  }
0x194: {  	[tilespmem:$0x16F80] =	vst v0  }
0x195: {  	v0 =	vld [tilespmem:s30+$0x3010];
	_ =	sdelay $0x4  }
0x196: {  	[tilespmem:$0x16F90] =	vst v0  }
0x197: {  	v0 =	vld [tilespmem:s30+$0x3020];
	_ =	sdelay $0x4  }
0x198: {  	[tilespmem:$0x16FA0] =	vst v0  }
0x199: {  	v0 =	vld [tilespmem:s30+$0x3030];
	_ =	sdelay $0x4  }
0x19a: {  	[tilespmem:$0x16FB0] =	vst v0  }
0x19b: {  	v0 =	vld [tilespmem:s30+$0x3040];
	_ =	sdelay $0x4  }
0x19c: {  	[tilespmem:$0x16FC0] =	vst v0  }
0x19d: {  	v0 =	vld [tilespmem:s30+$0x3050];
	_ =	sdelay $0x4  }
0x19e: {  	[tilespmem:$0x16FD0] =	vst v0  }
0x19f: {  	v0 =	vld [tilespmem:s30+$0x3060];
	_ =	sdelay $0x4  }
0x1a0: {  	[tilespmem:$0x16FE0] =	vst v0  }
0x1a1: {  	s31 =	sadd.s32 s4, s19;
	s19 =	sadd.s32 $0x1, s19;
	v0 =	vld [tilespmem:s30+$0x3070]  }
0x1a2: {  	p1 =	seq.s32 s19, s6  }
.Ltmp9:
0x1a3: {  	_ = 	snop;
	(pc) =	sbr.rel @!p1 .LBB2_10-.Ltmp9, $4  }
.Ltmp10:
0x1a4: {  	s22 =	sshll.u32 s31, $0xB;
	(pc) =	sbr.rel @p1 .LBB2_3-.Ltmp10, $4  }
0x1a5: {  	s22 =	sand.u32 $0x1FFFF800, s22  }
0x1a6: {  	s21 =	sadd.s32 $0x80, s21;
	s22 =	sadd.s32 s2, s22;
	s23 =	simm.s32 $0x1;
	[tilespmem:$0x16FF0] =	vst v0  }
0x1a7: {  	[hbm4b:s22+s3] =	stream.linear.scatter [tilespmem:s16], [sflag:$0x1], $0x4000, $0x38;
	[tilespmem:$0x1B000] =	vst v63  }
0x1a8: {  	_ = 	snop  }
.LBB2_22:
0x1a9: {  	s21 =	sadd.s32 s4, s19;
	s19 =	sadd.s32 $0x1, s19  }
0x1aa: {  	p1 =	seq.s32 s19, s6  }
.Ltmp11:
0x1ab: {  	_ = 	snop;
	(pc) =	sbr.rel @!p1 .LBB2_23-.Ltmp11, $4  }
0x1ac: {  	s21 =	sshll.u32 s21, $0xB  }
0x1ad: {  	p0 =	sne.s32 s24, s20;
	s18 =	sadd.s32 $0x1, s18;
	s21 =	sand.u32 $0x1FFFF800, s21  }
0x1ae: {  	s18 =	simm.s32 @p0 $0x1;
	s21 =	sadd.s32 s2, s21  }
0x1af: {  	[hbm4b:s21+s3] =	stream.linear.scatter [tilespmem:s14], [sflag:$0x2], $0x4000, $0x38;
	[tilespmem:$0x1B000] =	vst v63  }
0x1b0: {  	p0 =	seq.s32 s23, $0x0  }
.Ltmp12:
0x1b1: {  	_ = 	snop;
	(pc) =	sbr.rel @p0 .LBB2_4-.Ltmp12, $1  }
0x1b2: {  	_ =	sdelay $0x3  }
.LBB2_3:
0x1b3: {  	_ =	swait.ge [sflag:s15], $0x4000  }
0x1b4: {  	[sflag:s15] =	ssyncset.done $0x0  }
0x1b5: {  	[sflag:s15] =	ssyncadd.s32 $0xFFFFC000  }
.LBB2_4:
0x1b6: {  	p0 =	slt.s32 s18, $0x1  }
.Ltmp13:
0x1b7: {  	_ = 	snop;
	(pc) =	sbr.rel @p0 .LBB2_8-.Ltmp13, $1  }
0x1b8: {  	_ =	sdelay $0x3  }
0x1b9: {  	p0 =	sne.s32 s18, $0x1  }
.Ltmp14:
0x1ba: {  	_ = 	snop;
	(pc) =	sbr.rel @!p0 .LBB2_7-.Ltmp14, $3  }
0x1bb: {  	_ =	sdelay $0x1  }
0x1bc: {  	_ =	swait.ge [sflag:s13], $0x4000  }
0x1bd: {  	s18 =	sadd.s32 $0xFFFFFFFF, s18;
	[sflag:s13] =	ssyncset.done $0x0  }
.LBB2_6:
0x1be: {  	p0 =	sne.s32 s18, $0x1;
	s18 =	sadd.s32 $0xFFFFFFFF, s18;
	[sflag:s13] =	ssyncadd.s32 $0xFFFFC000  }
.Ltmp15:
0x1bf: {  	(pc) =	sbr.rel @p0 .LBB2_6-.Ltmp15, $3  }
0x1c0: {  	_ =	sdelay $0x1  }
0x1c1: {  	_ =	swait.ge [sflag:s13], $0x4000  }
0x1c2: {  	[sflag:s13] =	ssyncset.done $0x0  }
.Ltmp16:
0x1c3: {  	_ = 	snop;
	(pc) =	sbr.rel .LBB2_7-.Ltmp16, $1  }
0x1c4: {  	_ =	sdelay $0x3  }
.LBB2_9:
0x1c5: {  	_ =	sfence.sel $0x180000  }
0x1c6: {  	[bflag:$0x0] =	sbarrier.arrive $0xFFFF  }
0x1c7: {  	p0 =	sne.s32 s0, $0x0;
	_ =	strace $0x90000047  }
0x1c8: {  	s0 =	sadd.s32 @!p0 $0x100000, s1;
	[bflag:$0x2] =	sbarrier.arrive $0xFFFF  }
0x1c9: {  	[sflag:s0] =	ssyncadd.tile.s32 @!p0 $0x1;
	_ =	shalt  }
.Lfunc_end2:
_tile_overlayer_lowered:
.L_overlay_start_2:
0x1ca: {  	(tag) =	ssettag $0x2  }
0x1cb: {  	s0 =	rddreg [dreg:$0x0];
	s2 =	stileid.u32  }
0x1cc: {  	s1 =	rddreg [dreg:$0x1];
	p0 =	sne.s32 s2, $0x0  }
0x1cd: {  	s3 =	rddreg [dreg:$0x2];
	[bflag:$0x3] =	sbarrier.arrive $0xFFFF;
	s2 =	simm.s32 @!p0 $0x1C03  }
0x1ce: {  	[timem:s3], [sflag:s2] =	dma.local @!p0 [hbm:s0], s1  }
0x1cf: {  	s0 =	simm.s32 @!p0 $0x3  }
0x1d0: {  	_ =	swait.ge @!p0 [sflag:s0], s1  }
0x1d1: {  	s1 =	ssub.s32 @!p0 $0x0, s1;
	[sflag:s0] =	ssyncset.done @!p0 $0x0  }
0x1d2: {  	[sflag:s0] =	ssyncadd.s32 @!p0 s1  }
0x1d3: {  	[bflag:$0x3] =	sbarrier.arrive $0xFFFF  }
0x1d4: {  	_ =	shalt  }

</sc_bundles>
